<compile_context>
chip_gen: v7x
topology: tpu7x:2x2x1
jax: 0.10.2.dev20260603
libtpu: 0.0.44.dev20260713+nightly
codegen_flags: <defaults>
</compile_context>

<pallas_src>
import functools

import jax
import jax.numpy as jnp
from jax import lax
from jax.experimental import pallas as pl
from jax.experimental.pallas import tpu as pltpu
from jax.experimental.pallas import tpu_sc as plsc

NN = 10000
NE = 320000
H = 32
TW = 128
NC, NS = 2, 16
NW = NC * NS
CH = 64
NCHUNK = NE // CH
KMAX = -(-NCHUNK // NW)
NNP = 10240
RPT = NNP // NS
EP = NE // 8
CHP = CH // 8

_f32 = jnp.float32



def _norm_body(e_ref, o_ref):
  o_ref[...] = jnp.max(jnp.abs(e_ref[...])).reshape(1, 1)


def _encode_body(n_ref, wne_ref, bne_ref, ws_ref, wr_ref, hn_ref, t_ref):
  hn = jnp.maximum(
      jnp.dot(n_ref[...], wne_ref[...], preferred_element_type=_f32)
      + bne_ref[...], 0.0)
  hn_ref[...] = hn
  a = jnp.dot(hn, ws_ref[...], preferred_element_type=_f32)
  b = jnp.dot(hn, wr_ref[...], preferred_element_type=_f32)
  z = jnp.zeros((a.shape[0], TW - 2 * H), _f32)
  t_ref[...] = jnp.concatenate([a, b, z], axis=1)


def _c0_body(e_ref, nrm_ref, wee_ref, bee_ref, wse_ref, be_ref, c_ref):
  inv = 1.0 / nrm_ref[0, 0]
  cols = []
  for g in range(8):
    he = jnp.maximum(e_ref[:, g:g + 1] * inv * wee_ref[...] + bee_ref[...], 0.0)
    cols.append(jnp.dot(he, wse_ref[...], preferred_element_type=_f32)
                + be_ref[...])
  c_ref[...] = jnp.concatenate(cols, axis=1)


def _node_body(hn_ref, p0_ref, p1_ref, wn1_ref, wn2_ref, bn_ref, ws_ref, wr_ref,
               hn2_ref, t_ref):
  agg = p0_ref[0, :, :H] + p1_ref[0, :, :H]
  hn2 = jnp.maximum(
      jnp.dot(hn_ref[...], wn1_ref[...], preferred_element_type=_f32)
      + jnp.dot(agg, wn2_ref[...], preferred_element_type=_f32)
      + bn_ref[...], 0.0)
  hn2_ref[...] = hn2
  a = jnp.dot(hn2, ws_ref[...], preferred_element_type=_f32)
  b = jnp.dot(hn2, wr_ref[...], preferred_element_type=_f32)
  z = jnp.zeros((a.shape[0], TW - 2 * H), _f32)
  t_ref[...] = jnp.concatenate([a, b, z], axis=1)


def _cmat_body(m_ref, wse_ref, be_ref, c_ref):
  c_ref[...] = (jnp.dot(m_ref[...], wse_ref[...], preferred_element_type=_f32)
                + be_ref[...])


def _dec_body(m_ref, wed_ref, bed_ref, d_ref):
  d_ref[...] = (jnp.dot(m_ref[...], wed_ref[...], preferred_element_type=_f32)
                + bed_ref[...])


def _mask_body(d_ref, e_ref, r_ref, s_ref, nrm_ref, al_ref, o_ref):
  scale = al_ref[0, 0] * nrm_ref[0, 0]
  val = e_ref[...] + scale * d_ref[...]
  o_ref[...] = jnp.where(r_ref[...] >= s_ref[...], val, 0.0)


def _full(shape):
  return pl.BlockSpec(shape, lambda *a: (0,) * len(shape))



def _sc_layer_body(with_agg, c_packed, t_hbm, c_hbm, s_hbm, r_hbm, *rest):
  if with_agg:
    (m_hbm, aggp_hbm, sidx0, sidx1, ridx0, ridx1, ga, gb, rc0, rc1,
     mc0, mc1, mb, agg_sh, semA, semB, semC, semI, semM, semS) = rest
  else:
    (m_hbm, sidx0, sidx1, ridx0, ridx1, ga, gb, rc0, rc1, mc0, mc1,
     semA, semB, semC, semI, semM) = rest
  sidx = (sidx0, sidx1)
  ridx = (ridx0, ridx1)
  rc = (rc0, rc1)
  mc = (mc0, mc1)

  cid = lax.axis_index("c")
  sid = lax.axis_index("s")
  wid = sid * NC + cid

  if with_agg:
    def zloop(j, _):
      for h in range(TW // 16):
        mb[j, pl.ds(16 * h, 16)] = jnp.zeros((16,), _f32)
      return 0
    lax.fori_loop(0, CH, zloop, 0)

    def zcopy(t, _):
      pltpu.sync_copy(mb, agg_sh.at[pl.ds(sid * RPT + t * CH, CH)])
      return 0
    lax.fori_loop(0, RPT // CH, zcopy, 0)
    plsc.subcore_barrier()

  def issue_fetch(g, p):
    base = g * CH
    ci0 = pltpu.async_copy(s_hbm.at[pl.ds(base, CH)], sidx[p], semI)
    ci1 = pltpu.async_copy(r_hbm.at[pl.ds(base, CH)], ridx[p], semI)
    ci0.wait()
    ci1.wait()
    pltpu.async_copy(t_hbm.at[sidx[p]], ga, semA)
    pltpu.async_copy(t_hbm.at[ridx[p]], gb, semB)
    if c_packed:
      pltpu.async_copy(c_hbm.at[pl.ds(g * CHP, CHP)], rc[p], semC)
    else:
      pltpu.async_copy(c_hbm.at[pl.ds(base, CH)], rc[p], semC)

  def wait_gathers(p):
    pltpu.make_async_copy(t_hbm.at[sidx[p]], ga, semA).wait()
    pltpu.make_async_copy(t_hbm.at[ridx[p]], gb, semB).wait()
    pltpu.make_async_copy(c_hbm.at[pl.ds(0, CHP if c_packed else CH)],
                          rc[p], semC).wait()

  issue_fetch(wid, 0)

  def body(k, p):
    g = k * NW + wid

    @pl.when(g < NCHUNK)
    def _():
      base = g * CH
      wait_gathers(p)
      if with_agg:
        @pl.when(k > 0)
        def _():
          pltpu.make_async_copy(mb, agg_sh.at[ridx[p]], semS).wait()

      @plsc.parallel_loop(0, CH, 1, unroll=8)
      def comp(j):
        jq = j // 8
        jo = (j % 8) * H
        for h in (0, 16):
          if c_packed:
            cv = rc[p][jq, pl.ds(pl.multiple_of(jo + h, 16), 16)]
          else:
            cv = rc[p][j, pl.ds(h, 16)]
          v = ga[j, pl.ds(h, 16)] + gb[j, pl.ds(H + h, 16)] + cv
          v = jnp.maximum(v, 0.0)
          mc[p][jq, pl.ds(pl.multiple_of(jo + h, 16), 16)] = v
          if with_agg:
            mb[j, pl.ds(h, 16)] = v

      pltpu.async_copy(mc[p], m_hbm.at[pl.ds(g * CHP, CHP)], semM)
      if with_agg:
        pltpu.async_copy(mb, agg_sh.at[ridx[p]], semS, add=True)

      g1 = g + NW

      @pl.when(g1 < NCHUNK)
      def _():
        @pl.when(k > 0)
        def _():
          pltpu.make_async_copy(mc[1 - p], m_hbm.at[pl.ds(0, CHP)], semM).wait()
        issue_fetch(g1, 1 - p)

  def two(kk, _):
    body(2 * kk, 0)
    body(2 * kk + 1, 1)
    return 0
  lax.fori_loop(0, (KMAX + 1) // 2, two, 0)

  pltpu.make_async_copy(mc0, m_hbm.at[pl.ds(0, CHP)], semM).wait()
  pltpu.make_async_copy(mc0, m_hbm.at[pl.ds(0, CHP)], semM).wait()
  if with_agg:
    pltpu.make_async_copy(mb, agg_sh.at[ridx0], semS).wait()
    plsc.subcore_barrier()
    r0 = sid * RPT
    pltpu.sync_copy(agg_sh.at[pl.ds(r0, RPT)], aggp_hbm.at[cid, pl.ds(r0, RPT)])


def _make_sc_layer(with_agg, c_packed):
  mesh = plsc.VectorSubcoreMesh(
      core_axis_name="c", subcore_axis_name="s", num_cores=NC, num_subcores=NS)
  if with_agg:
    out_type = (jax.ShapeDtypeStruct((EP, 8 * H), _f32),
                jax.ShapeDtypeStruct((NC, NNP, TW), _f32))
  else:
    out_type = jax.ShapeDtypeStruct((EP, 8 * H), _f32)
  cshape = (CHP, 8 * H) if c_packed else (CH, H)
  scratch = [
      pltpu.VMEM((CH,), jnp.int32),
      pltpu.VMEM((CH,), jnp.int32),
      pltpu.VMEM((CH,), jnp.int32),
      pltpu.VMEM((CH,), jnp.int32),
      pltpu.VMEM((CH, TW), _f32),
      pltpu.VMEM((CH, TW), _f32),
      pltpu.VMEM(cshape, _f32),
      pltpu.VMEM(cshape, _f32),
      pltpu.VMEM((CHP, 8 * H), _f32),
      pltpu.VMEM((CHP, 8 * H), _f32),
  ]
  if with_agg:
    scratch.append(pltpu.VMEM((CH, TW), _f32))
    scratch.append(pltpu.VMEM_SHARED((NNP, TW), _f32))
  nsem = 6 if with_agg else 5
  scratch += [pltpu.SemaphoreType.DMA] * nsem
  return pl.kernel(
      functools.partial(_sc_layer_body, with_agg, c_packed),
      out_type=out_type, mesh=mesh, scratch_types=scratch,
      name="sc_layer_agg" if with_agg else "sc_layer")


_sc_layer_agg = _make_sc_layer(True, True)
_sc_layer_noagg = _make_sc_layer(False, True)



def kernel(nodes, edges, receivers, senders, Wne, bne, Wee, bee, We, be, Wn,
           bn, Wed, bed, alpha):
  eflat = edges.reshape(NE)
  norm = pl.pallas_call(
      _norm_body,
      out_shape=jax.ShapeDtypeStruct((1, 1), _f32),
  )(eflat.reshape(2500, 128))

  NB = 1000
  hn, T = pl.pallas_call(
      _encode_body,
      grid=(NN // NB,),
      in_specs=[pl.BlockSpec((NB, 128), lambda i: (i, 0)),
                _full((128, H)), _full((1, H)), _full((H, H)), _full((H, H))],
      out_specs=[pl.BlockSpec((NB, H), lambda i: (i, 0)),
                 pl.BlockSpec((NB, TW), lambda i: (i, 0))],
      out_shape=[jax.ShapeDtypeStruct((NN, H), _f32),
                 jax.ShapeDtypeStruct((NN, TW), _f32)],
  )(nodes, Wne, bne.reshape(1, H), We[0, :H], We[0, H:2 * H])

  EB = 4000
  C = pl.pallas_call(
      _c0_body,
      grid=(EP // 1000,),
      in_specs=[pl.BlockSpec((1000, 8), lambda i: (i, 0)),
                _full((1, 1)), _full((1, H)), _full((1, H)),
                _full((H, H)), _full((1, H))],
      out_specs=pl.BlockSpec((1000, 8 * H), lambda i: (i, 0)),
      out_shape=jax.ShapeDtypeStruct((EP, 8 * H), _f32),
  )(eflat.reshape(EP, 8), norm, Wee, bee.reshape(1, H), We[0, 2 * H:],
    be[0].reshape(1, H))

  m, aggp = _sc_layer_agg(T, C, senders, receivers)

  eye8 = jnp.eye(8, dtype=_f32)
  for i in (1, 2):
    hn, T = pl.pallas_call(
        _node_body,
        grid=(NN // NB,),
        in_specs=[pl.BlockSpec((NB, H), lambda i: (i, 0)),
                  pl.BlockSpec((1, NB, TW), lambda i: (0, i, 0)),
                  pl.BlockSpec((1, NB, TW), lambda i: (1, i, 0)),
                  _full((H, H)), _full((H, H)), _full((1, H)),
                  _full((H, H)), _full((H, H))],
        out_specs=[pl.BlockSpec((NB, H), lambda i: (i, 0)),
                   pl.BlockSpec((NB, TW), lambda i: (i, 0))],
        out_shape=[jax.ShapeDtypeStruct((NN, H), _f32),
                   jax.ShapeDtypeStruct((NN, TW), _f32)],
    )(hn, aggp, aggp, Wn[i - 1, :H], Wn[i - 1, H:],
      bn[i - 1].reshape(1, H), We[i, :H], We[i, H:2 * H])

    C = pl.pallas_call(
        _cmat_body,
        grid=(EP // 1000,),
        in_specs=[pl.BlockSpec((1000, 8 * H), lambda i: (i, 0)),
                  _full((8 * H, 8 * H)), _full((1, 8 * H))],
        out_specs=pl.BlockSpec((1000, 8 * H), lambda i: (i, 0)),
        out_shape=jax.ShapeDtypeStruct((EP, 8 * H), _f32),
    )(m, jnp.kron(eye8, We[i, 2 * H:]), jnp.tile(be[i], 8).reshape(1, 8 * H))

    if i < 2:
      m, aggp = _sc_layer_agg(T, C, senders, receivers)
    else:
      m = _sc_layer_noagg(T, C, senders, receivers)

  dec = pl.pallas_call(
      _dec_body,
      grid=(EP // 1000,),
      in_specs=[pl.BlockSpec((1000, 8 * H), lambda i: (i, 0)),
                _full((8 * H, 8)), _full((1, 8))],
      out_specs=pl.BlockSpec((1000, 8), lambda i: (i, 0)),
      out_shape=jax.ShapeDtypeStruct((EP, 8), _f32),
  )(m, jnp.kron(eye8, Wed), jnp.tile(bed, 8).reshape(1, 8))

  out2 = pl.pallas_call(
      _mask_body,
      in_specs=[_full((625, 512))] * 4 + [_full((1, 1))] * 2,
      out_specs=_full((625, 512)),
      out_shape=jax.ShapeDtypeStruct((625, 512), _f32),
  )(dec.reshape(625, 512), eflat.reshape(625, 512),
    receivers.reshape(625, 512), senders.reshape(625, 512),
    norm, alpha.reshape(1, 1))

  return out2.reshape(NE)

# --- scband reference (transcript-rebuilt; emitter-appended) ---
"""Pipeline reference for scband-correction-net-kap-set-16226386444586 (READ-ONLY COPY).

The authoritative reference and input builder live on the scoring server;
editing this copy changes nothing except your own understanding.
"""

import jax, jax.numpy as jnp
import numpy as np

N = 10000
E = 320000
DIN = 128
H = 32
L = 3


def setup_inputs(seed: int = 0) -> dict:
    key = jax.random.key(seed)
    ks = jax.random.split(key, 16)
    inp = {}
    inp['nodes'] = jax.random.normal(ks[0], (N, DIN), dtype=jnp.float32)
    inp['edges'] = jax.random.normal(ks[1], (E, 1), dtype=jnp.float32)
    inp['receivers'] = jax.random.randint(ks[2], (E,), 0, N, dtype=jnp.int32)
    inp['senders'] = jax.random.randint(ks[3], (E,), 0, N, dtype=jnp.int32)
    # Learned parameters
    inp['Wne'] = jax.random.normal(ks[4], (DIN, H), dtype=jnp.float32) * 0.1
    inp['bne'] = jnp.zeros((H,), dtype=jnp.float32)
    inp['Wee'] = jax.random.normal(ks[5], (1, H), dtype=jnp.float32) * 0.1
    inp['bee'] = jnp.zeros((H,), dtype=jnp.float32)
    inp['We'] = jax.random.normal(ks[6], (L, 3 * H, H), dtype=jnp.float32) * 0.1
    inp['be'] = jnp.zeros((L, H), dtype=jnp.float32)
    inp['Wn'] = jax.random.normal(ks[7], (L, 2 * H, H), dtype=jnp.float32) * 0.1
    inp['bn'] = jnp.zeros((L, H), dtype=jnp.float32)
    inp['Wed'] = jax.random.normal(ks[8], (H, 1), dtype=jnp.float32) * 0.1
    inp['bed'] = jnp.zeros((1,), dtype=jnp.float32)
    inp['alpha'] = jnp.asarray(0.1, dtype=jnp.float32)
    return inp


def reference(nodes, edges, receivers, senders, Wne, bne, Wee, bee, We, be, Wn, bn, Wed, bed, alpha):
    # L = L + alpha * GNN(L); output is the data of the lower-triangular sparse matrix
    edges_init = edges
    norm = jnp.abs(edges_init).max()
    e = edges_init / norm
    # NodeEncoder / EdgeEncoder (applied with leading batch dim of 1 in the original; equivalent here)
    h_n = jax.nn.relu(nodes @ Wne + bne)          # [N, H]
    h_e = jax.nn.relu(e @ Wee + bee)              # [E, H]
    # MessagePass: L rounds of edge update + scatter-add node aggregation
    for i in range(L):
        m = jnp.concatenate([h_n[senders], h_n[receivers], h_e], axis=-1)  # gather
        m = jax.nn.relu(m @ We[i] + be[i])        # [E, H]
        h_e = m
        agg = jax.ops.segment_sum(m, receivers, num_segments=N)            # scatter-add
        h_n = jax.nn.relu(jnp.concatenate([h_n, agg], axis=-1) @ Wn[i] + bn[i])
    # EdgeDecoder
    dec = h_e @ Wed + bed                          # [E, 1]
    dec = dec * norm
    out_e = edges_init + alpha * dec               # [E, 1]
    out_e = jnp.squeeze(out_e, axis=-1)            # [E]
    # graph_tril: keep lower-triangular edges (row=receiver >= col=sender), zero the rest
    mask = receivers >= senders
    out_e = jnp.where(mask, out_e, jnp.zeros_like(out_e))
    # graph_to_low_tri_mat_sparse: the sparse L matrix is (out_e, receivers, senders);
    # we return its data array (indices are the constant receivers/senders).
    return out_e

if __name__ == "__main__":
    import jax
    _d = setup_inputs()
    print(jax.jit(kernel)(*tuple(_d.values())))

</pallas_src>

<mosaic_0001>
#map = affine_map<(d0, d1) -> (0, 0)>
#map1 = affine_map<(d0, d1) -> (0)>
#map2 = affine_map<(d0, d1) -> (0, 0, 0)>
module attributes {stable_mosaic.version = 14 : i64} {
  func.func @sc_layer_agg(%arg0: i32, %arg1: i32, %arg2: memref<10000x128xf32, #tpu.memory_space<hbm>>, %arg3: memref<40000x256xf32, #tpu.memory_space<hbm>>, %arg4: memref<320000xi32, #tpu.memory_space<hbm>>, %arg5: memref<320000xi32, #tpu.memory_space<hbm>>, %arg6: memref<40000x256xf32, #tpu.memory_space<hbm>>, %arg7: memref<2x10240x128xf32, #tpu.memory_space<hbm>>, %arg8: memref<64xi32, #tpu.memory_space<vmem>>, %arg9: memref<64xi32, #tpu.memory_space<vmem>>, %arg10: memref<64xi32, #tpu.memory_space<vmem>>, %arg11: memref<64xi32, #tpu.memory_space<vmem>>, %arg12: memref<64x128xf32, #tpu.memory_space<vmem>>, %arg13: memref<64x128xf32, #tpu.memory_space<vmem>>, %arg14: memref<8x256xf32, #tpu.memory_space<vmem>>, %arg15: memref<8x256xf32, #tpu.memory_space<vmem>>, %arg16: memref<8x256xf32, #tpu.memory_space<vmem>>, %arg17: memref<8x256xf32, #tpu.memory_space<vmem>>, %arg18: memref<64x128xf32, #tpu.memory_space<vmem>>, %arg19: memref<10240x128xf32, #tpu.memory_space<vmem_shared>>, %arg20: memref<!tpu.dma_semaphore, #tpu.memory_space<semaphore_mem>>, %arg21: memref<!tpu.dma_semaphore, #tpu.memory_space<semaphore_mem>>, %arg22: memref<!tpu.dma_semaphore, #tpu.memory_space<semaphore_mem>>, %arg23: memref<!tpu.dma_semaphore, #tpu.memory_space<semaphore_mem>>, %arg24: memref<!tpu.dma_semaphore, #tpu.memory_space<semaphore_mem>>, %arg25: memref<!tpu.dma_semaphore, #tpu.memory_space<semaphore_mem>>) attributes {dimension_semantics = [#tpu.dimension_semantics<core_parallel>, #tpu.dimension_semantics<subcore_parallel>], iteration_bounds = array<i64: 2, 16>, scalar_prefetch = 0 : i64, scratch_operands = 18 : i64, tpu.core_type = #tpu.core_type<sc_vector_subcore>, window_params = [{transform_indices = #map}, {transform_indices = #map}, {transform_indices = #map1}, {transform_indices = #map1}, {transform_indices = #map}, {transform_indices = #map2}]} {
    %mul3A = arith.constant 2 : i32
    %mul3A_0 = arith.muli %arg1, %mul3A : i32
    %add3A = arith.addi %mul3A_0, %arg0 : i32
    %scan3A = arith.constant 0 : i32
    %scan3A_1 = arith.constant 0 : i32
    %scan3A_2 = arith.constant 64 : i32
    %scan3A_3 = arith.addi %scan3A_1, %scan3A_2 : i32
    %scan3A_4 = arith.constant 1 : i32
    %scan3A_5 = scf.for %scan3A_59 = %scan3A_1 to %scan3A_3 step %scan3A_4 iter_args(%scan3A_60 = %scan3A) -> (i32)  : i32 {
      %broadcast_in_dim3A = arith.constant 0.000000e+00 : f32
      %broadcast_in_dim3A_61 = vector.broadcast %broadcast_in_dim3A : f32 to vector<16xf32>
      %swap3A = arith.index_cast %scan3A_59 : i32 to index
      %swap3A_62 = arith.constant 0 : index
      %swap3A_63 = tpu.vector_load %arg18[%swap3A, %swap3A_62] {strides = array<i32>} : memref<64x128xf32, #tpu.memory_space<vmem>>, vector<1x16xf32>,
      %swap3A_64 = vector.shape_cast %swap3A_63 : vector<1x16xf32> to vector<16xf32>
      %swap3A_65 = vector.shape_cast %broadcast_in_dim3A_61 : vector<16xf32> to vector<1x16xf32>
      tpu.vector_store %arg18[%swap3A, %swap3A_62], %swap3A_65 {strides = array<i32>} : memref<64x128xf32, #tpu.memory_space<vmem>>, vector<1x16xf32>,
      %broadcast_in_dim3A_66 = arith.constant 0.000000e+00 : f32
      %broadcast_in_dim3A_67 = vector.broadcast %broadcast_in_dim3A_66 : f32 to vector<16xf32>
      %swap3A_68 = arith.index_cast %scan3A_59 : i32 to index
      %swap3A_69 = arith.constant 16 : index
      %swap3A_70 = tpu.vector_load %arg18[%swap3A_68, %swap3A_69] {strides = array<i32>} : memref<64x128xf32, #tpu.memory_space<vmem>>, vector<1x16xf32>,
      %swap3A_71 = vector.shape_cast %swap3A_70 : vector<1x16xf32> to vector<16xf32>
      %swap3A_72 = vector.shape_cast %broadcast_in_dim3A_67 : vector<16xf32> to vector<1x16xf32>
      tpu.vector_store %arg18[%swap3A_68, %swap3A_69], %swap3A_72 {strides = array<i32>} : memref<64x128xf32, #tpu.memory_space<vmem>>, vector<1x16xf32>,
      %broadcast_in_dim3A_73 = arith.constant 0.000000e+00 : f32
      %broadcast_in_dim3A_74 = vector.broadcast %broadcast_in_dim3A_73 : f32 to vector<16xf32>
      %swap3A_75 = arith.index_cast %scan3A_59 : i32 to index
      %swap3A_76 = arith.constant 32 : index
      %swap3A_77 = tpu.vector_load %arg18[%swap3A_75, %swap3A_76] {strides = array<i32>} : memref<64x128xf32, #tpu.memory_space<vmem>>, vector<1x16xf32>,
      %swap3A_78 = vector.shape_cast %swap3A_77 : vector<1x16xf32> to vector<16xf32>
      %swap3A_79 = vector.shape_cast %broadcast_in_dim3A_74 : vector<16xf32> to vector<1x16xf32>
      tpu.vector_store %arg18[%swap3A_75, %swap3A_76], %swap3A_79 {strides = array<i32>} : memref<64x128xf32, #tpu.memory_space<vmem>>, vector<1x16xf32>,
      %broadcast_in_dim3A_80 = arith.constant 0.000000e+00 : f32
      %broadcast_in_dim3A_81 = vector.broadcast %broadcast_in_dim3A_80 : f32 to vector<16xf32>
      %swap3A_82 = arith.index_cast %scan3A_59 : i32 to index
      %swap3A_83 = arith.constant 48 : index
      %swap3A_84 = tpu.vector_load %arg18[%swap3A_82, %swap3A_83] {strides = array<i32>} : memref<64x128xf32, #tpu.memory_space<vmem>>, vector<1x16xf32>,
      %swap3A_85 = vector.shape_cast %swap3A_84 : vector<1x16xf32> to vector<16xf32>
      %swap3A_86 = vector.shape_cast %broadcast_in_dim3A_81 : vector<16xf32> to vector<1x16xf32>
      tpu.vector_store %arg18[%swap3A_82, %swap3A_83], %swap3A_86 {strides = array<i32>} : memref<64x128xf32, #tpu.memory_space<vmem>>, vector<1x16xf32>,
      %broadcast_in_dim3A_87 = arith.constant 0.000000e+00 : f32
      %broadcast_in_dim3A_88 = vector.broadcast %broadcast_in_dim3A_87 : f32 to vector<16xf32>
      %swap3A_89 = arith.index_cast %scan3A_59 : i32 to index
      %swap3A_90 = arith.constant 64 : index
      %swap3A_91 = tpu.vector_load %arg18[%swap3A_89, %swap3A_90] {strides = array<i32>} : memref<64x128xf32, #tpu.memory_space<vmem>>, vector<1x16xf32>,
      %swap3A_92 = vector.shape_cast %swap3A_91 : vector<1x16xf32> to vector<16xf32>
      %swap3A_93 = vector.shape_cast %broadcast_in_dim3A_88 : vector<16xf32> to vector<1x16xf32>
      tpu.vector_store %arg18[%swap3A_89, %swap3A_90], %swap3A_93 {strides = array<i32>} : memref<64x128xf32, #tpu.memory_space<vmem>>, vector<1x16xf32>,
      %broadcast_in_dim3A_94 = arith.constant 0.000000e+00 : f32
      %broadcast_in_dim3A_95 = vector.broadcast %broadcast_in_dim3A_94 : f32 to vector<16xf32>
      %swap3A_96 = arith.index_cast %scan3A_59 : i32 to index
      %swap3A_97 = arith.constant 80 : index
      %swap3A_98 = tpu.vector_load %arg18[%swap3A_96, %swap3A_97] {strides = array<i32>} : memref<64x128xf32, #tpu.memory_space<vmem>>, vector<1x16xf32>,
      %swap3A_99 = vector.shape_cast %swap3A_98 : vector<1x16xf32> to vector<16xf32>
      %swap3A_100 = vector.shape_cast %broadcast_in_dim3A_95 : vector<16xf32> to vector<1x16xf32>
      tpu.vector_store %arg18[%swap3A_96, %swap3A_97], %swap3A_100 {strides = array<i32>} : memref<64x128xf32, #tpu.memory_space<vmem>>, vector<1x16xf32>,
      %broadcast_in_dim3A_101 = arith.constant 0.000000e+00 : f32
      %broadcast_in_dim3A_102 = vector.broadcast %broadcast_in_dim3A_101 : f32 to vector<16xf32>
      %swap3A_103 = arith.index_cast %scan3A_59 : i32 to index
      %swap3A_104 = arith.constant 96 : index
      %swap3A_105 = tpu.vector_load %arg18[%swap3A_103, %swap3A_104] {strides = array<i32>} : memref<64x128xf32, #tpu.memory_space<vmem>>, vector<1x16xf32>,
      %swap3A_106 = vector.shape_cast %swap3A_105 : vector<1x16xf32> to vector<16xf32>
      %swap3A_107 = vector.shape_cast %broadcast_in_dim3A_102 : vector<16xf32> to vector<1x16xf32>
      tpu.vector_store %arg18[%swap3A_103, %swap3A_104], %swap3A_107 {strides = array<i32>} : memref<64x128xf32, #tpu.memory_space<vmem>>, vector<1x16xf32>,
      %broadcast_in_dim3A_108 = arith.constant 0.000000e+00 : f32
      %broadcast_in_dim3A_109 = vector.broadcast %broadcast_in_dim3A_108 : f32 to vector<16xf32>
      %swap3A_110 = arith.index_cast %scan3A_59 : i32 to index
      %swap3A_111 = arith.constant 112 : index
      %swap3A_112 = tpu.vector_load %arg18[%swap3A_110, %swap3A_111] {strides = array<i32>} : memref<64x128xf32, #tpu.memory_space<vmem>>, vector<1x16xf32>,
      %swap3A_113 = vector.shape_cast %swap3A_112 : vector<1x16xf32> to vector<16xf32>
      %swap3A_114 = vector.shape_cast %broadcast_in_dim3A_109 : vector<16xf32> to vector<1x16xf32>
      tpu.vector_store %arg18[%swap3A_110, %swap3A_111], %swap3A_114 {strides = array<i32>} : memref<64x128xf32, #tpu.memory_space<vmem>>, vector<1x16xf32>,
      %scan3A_115 = arith.constant 0 : i32
      scf.yield %scan3A_115 : i32
    }
    %scan3A_6 = arith.constant 64 : i32
    %scan3A_7 = arith.constant 0 : i32
    %scan3A_8 = arith.constant 0 : i32
    %scan3A_9 = arith.constant 10 : i32
    %scan3A_10 = arith.addi %scan3A_8, %scan3A_9 : i32
    %scan3A_11 = arith.constant 1 : i32
    %scan3A_12 = scf.for %scan3A_59 = %scan3A_8 to %scan3A_10 step %scan3A_11 iter_args(%scan3A_60 = %scan3A_7) -> (i32)  : i32 {
      %mul3A_61 = arith.constant 640 : i32
      %mul3A_62 = arith.muli %arg1, %mul3A_61 : i32
      %mul3A_63 = arith.constant 64 : i32
      %mul3A_64 = arith.muli %scan3A_59, %mul3A_63 : i32
      %add3A_65 = arith.addi %mul3A_62, %mul3A_64 : i32
      "tpu.region"() ({
        %run_scoped3A = tpu.sem_alloc : memref<!tpu.dma_semaphore, #tpu.memory_space<semaphore_mem>>
        %dma_start3A_67 = arith.constant 0 : i32
        %dma_start3A_68 = tpu.memref_slice %arg19[%add3A_65, %dma_start3A_67] : memref<10240x128xf32, #tpu.memory_space<vmem_shared>> -> memref<64x128xf32, #tpu.memory_space<vmem_shared>>
        %dma_start3A_69 = arith.constant 0 : i32
        %dma_start3A_70 = tpu.memref_slice %arg19[%add3A_65, %dma_start3A_69] : memref<10240x128xf32, #tpu.memory_space<vmem_shared>> -> memref<64x128xf32, #tpu.memory_space<vmem_shared>>
        tpu.enqueue_dma source(%arg18 : memref<64x128xf32, #tpu.memory_space<vmem>>) target(%dma_start3A_70 : memref<64x128xf32, #tpu.memory_space<vmem_shared>>) target_semaphore(%run_scoped3A : memref<!tpu.dma_semaphore, #tpu.memory_space<semaphore_mem>>)
        %dma_wait3A_71 = arith.constant 0 : i32
        %dma_wait3A_72 = tpu.memref_slice %arg19[%add3A_65, %dma_wait3A_71] : memref<10240x128xf32, #tpu.memory_space<vmem_shared>> -> memref<64x128xf32, #tpu.memory_space<vmem_shared>>
        %dma_wait3A_73 = arith.constant 0 : i32
        %dma_wait3A_74 = tpu.memref_slice %arg19[%add3A_65, %dma_wait3A_73] : memref<10240x128xf32, #tpu.memory_space<vmem_shared>> -> memref<64x128xf32, #tpu.memory_space<vmem_shared>>
        tpu.wait_dma2 semaphore(%run_scoped3A : memref<!tpu.dma_semaphore, #tpu.memory_space<semaphore_mem>>) src(%arg18 : memref<64x128xf32, #tpu.memory_space<vmem>>) dst(%dma_wait3A_74 : memref<64x128xf32, #tpu.memory_space<vmem_shared>>)
        tpu.yield
      }) : () -> ()
      %scan3A_66 = arith.constant 0 : i32
      scf.yield %scan3A_66 : i32
    }
    %scan3A_13 = arith.constant 10 : i32
    %barrier3A = arith.constant 0 : index
    tpu.barrier barrier_id(%barrier3A)
    %mul3A_14 = arith.constant 64 : i32
    %mul3A_15 = arith.muli %add3A, %mul3A_14 : i32
    %dma_start3A = tpu.memref_slice %arg4[%mul3A_15] : memref<320000xi32, #tpu.memory_space<hbm>> -> memref<64xi32, #tpu.memory_space<hbm>>
    %dma_start3A_16 = tpu.memref_slice %arg4[%mul3A_15] : memref<320000xi32, #tpu.memory_space<hbm>> -> memref<64xi32, #tpu.memory_space<hbm>>
    tpu.enqueue_dma source(%dma_start3A_16 : memref<64xi32, #tpu.memory_space<hbm>>) target(%arg8 : memref<64xi32, #tpu.memory_space<vmem>>) target_semaphore(%arg23 : memref<!tpu.dma_semaphore, #tpu.memory_space<semaphore_mem>>)
    %dma_start3A_17 = tpu.memref_slice %arg5[%mul3A_15] : memref<320000xi32, #tpu.memory_space<hbm>> -> memref<64xi32, #tpu.memory_space<hbm>>
    %dma_start3A_18 = tpu.memref_slice %arg5[%mul3A_15] : memref<320000xi32, #tpu.memory_space<hbm>> -> memref<64xi32, #tpu.memory_space<hbm>>
    tpu.enqueue_dma source(%dma_start3A_18 : memref<64xi32, #tpu.memory_space<hbm>>) target(%arg10 : memref<64xi32, #tpu.memory_space<vmem>>) target_semaphore(%arg23 : memref<!tpu.dma_semaphore, #tpu.memory_space<semaphore_mem>>)
    %dma_wait3A = tpu.memref_slice %arg4[%mul3A_15] : memref<320000xi32, #tpu.memory_space<hbm>> -> memref<64xi32, #tpu.memory_space<hbm>>
    %dma_wait3A_19 = tpu.memref_slice %arg4[%mul3A_15] : memref<320000xi32, #tpu.memory_space<hbm>> -> memref<64xi32, #tpu.memory_space<hbm>>
    tpu.wait_dma2 semaphore(%arg23 : memref<!tpu.dma_semaphore, #tpu.memory_space<semaphore_mem>>) src(%dma_wait3A_19 : memref<64xi32, #tpu.memory_space<hbm>>) dst(%arg8 : memref<64xi32, #tpu.memory_space<vmem>>)
    %dma_wait3A_20 = tpu.memref_slice %arg5[%mul3A_15] : memref<320000xi32, #tpu.memory_space<hbm>> -> memref<64xi32, #tpu.memory_space<hbm>>
    %dma_wait3A_21 = tpu.memref_slice %arg5[%mul3A_15] : memref<320000xi32, #tpu.memory_space<hbm>> -> memref<64xi32, #tpu.memory_space<hbm>>
    tpu.wait_dma2 semaphore(%arg23 : memref<!tpu.dma_semaphore, #tpu.memory_space<semaphore_mem>>) src(%dma_wait3A_21 : memref<64xi32, #tpu.memory_space<hbm>>) dst(%arg10 : memref<64xi32, #tpu.memory_space<vmem>>)
    %dma_start3A_22 = arith.constant 0 : i32
    %dma_start3A_23 = arith.constant 0 : i32
    %dma_start3A_24 = tpu.memref_slice %arg2[%dma_start3A_22, %dma_start3A_23] : memref<10000x128xf32, #tpu.memory_space<hbm>> -> memref<10000x128xf32, #tpu.memory_space<hbm>>
    tpu.enqueue_indirect_dma source(%dma_start3A_24 : memref<10000x128xf32, #tpu.memory_space<hbm>>) target(%arg12 : memref<64x128xf32, #tpu.memory_space<vmem>>) offsets(%arg8 : memref<64xi32, #tpu.memory_space<vmem>>) semaphore(%arg20 : memref<!tpu.dma_semaphore, #tpu.memory_space<semaphore_mem>>)
    %dma_start3A_25 = arith.constant 0 : i32
    %dma_start3A_26 = arith.constant 0 : i32
    %dma_start3A_27 = tpu.memref_slice %arg2[%dma_start3A_25, %dma_start3A_26] : memref<10000x128xf32, #tpu.memory_space<hbm>> -> memref<10000x128xf32, #tpu.memory_space<hbm>>
    tpu.enqueue_indirect_dma source(%dma_start3A_27 : memref<10000x128xf32, #tpu.memory_space<hbm>>) target(%arg13 : memref<64x128xf32, #tpu.memory_space<vmem>>) offsets(%arg10 : memref<64xi32, #tpu.memory_space<vmem>>) semaphore(%arg21 : memref<!tpu.dma_semaphore, #tpu.memory_space<semaphore_mem>>)
    %mul3A_28 = arith.constant 8 : i32
    %mul3A_29 = arith.muli %add3A, %mul3A_28 : i32
    %dma_start3A_30 = arith.constant 0 : i32
    %dma_start3A_31 = tpu.memref_slice %arg3[%mul3A_29, %dma_start3A_30] : memref<40000x256xf32, #tpu.memory_space<hbm>> -> memref<8x256xf32, #tpu.memory_space<hbm>>
    %dma_start3A_32 = arith.constant 0 : i32
    %dma_start3A_33 = tpu.memref_slice %arg3[%mul3A_29, %dma_start3A_32] : memref<40000x256xf32, #tpu.memory_space<hbm>> -> memref<8x256xf32, #tpu.memory_space<hbm>>
    tpu.enqueue_dma source(%dma_start3A_33 : memref<8x256xf32, #tpu.memory_space<hbm>>) target(%arg14 : memref<8x256xf32, #tpu.memory_space<vmem>>) target_semaphore(%arg22 : memref<!tpu.dma_semaphore, #tpu.memory_space<semaphore_mem>>)
    %scan3A_34 = arith.constant 0 : i32
    %scan3A_35 = arith.constant 0 : i32
    %scan3A_36 = arith.constant 79 : i32
    %scan3A_37 = arith.addi %scan3A_35, %scan3A_36 : i32
    %scan3A_38 = arith.constant 1 : i32
    %scan3A_39 = scf.for %scan3A_59 = %scan3A_35 to %scan3A_37 step %scan3A_38 iter_args(%scan3A_60 = %scan3A_34) -> (i32)  : i32 {
      %mul3A_61 = arith.constant 2 : i32
      %mul3A_62 = arith.muli %mul3A_61, %scan3A_59 : i32
      %mul3A_63 = arith.constant 32 : i32
      %mul3A_64 = arith.muli %mul3A_62, %mul3A_63 : i32
      %add3A_65 = arith.addi %mul3A_64, %add3A : i32
      %lt3A = arith.constant 5000 : i32
      %lt3A_66 = arith.cmpi slt, %add3A_65, %lt3A : i32
      %convert_element_type3A = arith.extui %lt3A_66 : i1 to i32
      %cond3A = arith.constant 0 : i32
      %cond3A_67 = arith.cmpi ne, %convert_element_type3A, %cond3A : i32
      scf.if %cond3A_67 {
        %mul3A_81 = arith.constant 64 : i32
        %mul3A_82 = arith.muli %add3A_65, %mul3A_81 : i32
        %dma_wait3A_83 = arith.constant 0 : i32
        %dma_wait3A_84 = arith.constant 0 : i32
        %dma_wait3A_85 = tpu.memref_slice %arg2[%dma_wait3A_83, %dma_wait3A_84] : memref<10000x128xf32, #tpu.memory_space<hbm>> -> memref<10000x128xf32, #tpu.memory_space<hbm>>
        tpu.wait_indirect_dma semaphore(%arg20 : memref<!tpu.dma_semaphore, #tpu.memory_space<semaphore_mem>>) src(%dma_wait3A_85 : memref<10000x128xf32, #tpu.memory_space<hbm>>) dst(%arg12 : memref<64x128xf32, #tpu.memory_space<vmem>>)
        %dma_wait3A_86 = arith.constant 0 : i32
        %dma_wait3A_87 = arith.constant 0 : i32
        %dma_wait3A_88 = tpu.memref_slice %arg2[%dma_wait3A_86, %dma_wait3A_87] : memref<10000x128xf32, #tpu.memory_space<hbm>> -> memref<10000x128xf32, #tpu.memory_space<hbm>>
        tpu.wait_indirect_dma semaphore(%arg21 : memref<!tpu.dma_semaphore, #tpu.memory_space<semaphore_mem>>) src(%dma_wait3A_88 : memref<10000x128xf32, #tpu.memory_space<hbm>>) dst(%arg13 : memref<64x128xf32, #tpu.memory_space<vmem>>)
        %dma_wait3A_89 = arith.constant 0 : i32
        %dma_wait3A_90 = arith.constant 0 : i32
        %dma_wait3A_91 = tpu.memref_slice %arg3[%dma_wait3A_89, %dma_wait3A_90] : memref<40000x256xf32, #tpu.memory_space<hbm>> -> memref<8x256xf32, #tpu.memory_space<hbm>>
        %dma_wait3A_92 = arith.constant 0 : i32
        %dma_wait3A_93 = arith.constant 0 : i32
        %dma_wait3A_94 = tpu.memref_slice %arg3[%dma_wait3A_92, %dma_wait3A_93] : memref<40000x256xf32, #tpu.memory_space<hbm>> -> memref<8x256xf32, #tpu.memory_space<hbm>>
        tpu.wait_dma2 semaphore(%arg22 : memref<!tpu.dma_semaphore, #tpu.memory_space<semaphore_mem>>) src(%dma_wait3A_94 : memref<8x256xf32, #tpu.memory_space<hbm>>) dst(%arg14 : memref<8x256xf32, #tpu.memory_space<vmem>>)
        %gt3A = arith.constant 0 : i32
        %gt3A_95 = arith.cmpi sgt, %mul3A_62, %gt3A : i32
        %convert_element_type3A_96 = arith.extui %gt3A_95 : i1 to i32
        %cond3A_97 = arith.constant 0 : i32
        %cond3A_98 = arith.cmpi ne, %convert_element_type3A_96, %cond3A_97 : i32
        scf.if %cond3A_98 {
          %dma_wait3A_117 = arith.constant 0 : i32
          %dma_wait3A_118 = arith.constant 0 : i32
          %dma_wait3A_119 = tpu.memref_slice %arg19[%dma_wait3A_117, %dma_wait3A_118] : memref<10240x128xf32, #tpu.memory_space<vmem_shared>> -> memref<10240x128xf32, #tpu.memory_space<vmem_shared>>
          tpu.wait_indirect_dma semaphore(%arg25 : memref<!tpu.dma_semaphore, #tpu.memory_space<semaphore_mem>>) src(%arg18 : memref<64x128xf32, #tpu.memory_space<vmem>>) dst(%dma_wait3A_119 : memref<10240x128xf32, #tpu.memory_space<vmem_shared>>)
        } else {
        }
        %parallel_loop3A = arith.constant 0 : i32
        %parallel_loop3A_99 = arith.constant 64 : i32
        %parallel_loop3A_100 = arith.constant 1 : i32
        scf.for %parallel_loop3A_117 = %parallel_loop3A to %parallel_loop3A_99 step %parallel_loop3A_100  : i32 {
          %parallel_loop3A_118 = arith.constant 8 : i32
          %parallel_loop3A_119 = arith.divsi %parallel_loop3A_117, %parallel_loop3A_118 : i32
          %parallel_loop3A_120 = arith.constant 0 : i32
          %parallel_loop3A_121 = arith.cmpi sgt, %parallel_loop3A_117, %parallel_loop3A_120 : i32
          %parallel_loop3A_122 = arith.extui %parallel_loop3A_121 : i1 to i32
          %parallel_loop3A_123 = arith.constant 0 : i32
          %parallel_loop3A_124 = arith.cmpi slt, %parallel_loop3A_117, %parallel_loop3A_123 : i32
          %parallel_loop3A_125 = arith.extui %parallel_loop3A_124 : i1 to i32
          %parallel_loop3A_126 = arith.subi %parallel_loop3A_122, %parallel_loop3A_125 : i32
          %parallel_loop3A_127 = arith.constant 0 : i32
          %parallel_loop3A_128 = arith.cmpi sgt, %parallel_loop3A_118, %parallel_loop3A_127 : i32
          %parallel_loop3A_129 = arith.extui %parallel_loop3A_128 : i1 to i32
          %parallel_loop3A_130 = arith.constant 0 : i32
          %parallel_loop3A_131 = arith.cmpi slt, %parallel_loop3A_118, %parallel_loop3A_130 : i32
          %parallel_loop3A_132 = arith.extui %parallel_loop3A_131 : i1 to i32
          %parallel_loop3A_133 = arith.subi %parallel_loop3A_129, %parallel_loop3A_132 : i32
          %parallel_loop3A_134 = arith.cmpi ne, %parallel_loop3A_126, %parallel_loop3A_133 : i32
          %parallel_loop3A_135 = arith.remsi %parallel_loop3A_117, %parallel_loop3A_118 : i32
          %parallel_loop3A_136 = arith.constant 0 : i32
          %parallel_loop3A_137 = arith.cmpi ne, %parallel_loop3A_135, %parallel_loop3A_136 : i32
          %parallel_loop3A_138 = arith.andi %parallel_loop3A_134, %parallel_loop3A_137 : i1
          %parallel_loop3A_139 = arith.constant 1 : i32
          %parallel_loop3A_140 = arith.subi %parallel_loop3A_119, %parallel_loop3A_139 : i32
          %parallel_loop3A_141 = arith.select %parallel_loop3A_138, %parallel_loop3A_140, %parallel_loop3A_119 : i32
          %parallel_loop3A_142 = arith.constant 8 : i32
          %parallel_loop3A_143 = arith.constant 0 : i32
          %parallel_loop3A_144 = arith.cmpi eq, %parallel_loop3A_142, %parallel_loop3A_143 : i32
          %parallel_loop3A_145 = arith.constant 1 : i32
          %parallel_loop3A_146 = arith.select %parallel_loop3A_144, %parallel_loop3A_145, %parallel_loop3A_142 : i32
          %parallel_loop3A_147 = arith.remsi %parallel_loop3A_117, %parallel_loop3A_146 : i32
          %parallel_loop3A_148 = arith.constant 0 : i32
          %parallel_loop3A_149 = arith.cmpi ne, %parallel_loop3A_147, %parallel_loop3A_148 : i32
          %parallel_loop3A_150 = arith.constant 0 : i32
          %parallel_loop3A_151 = arith.cmpi slt, %parallel_loop3A_147, %parallel_loop3A_150 : i32
          %parallel_loop3A_152 = arith.constant 0 : i32
          %parallel_loop3A_153 = arith.cmpi slt, %parallel_loop3A_146, %parallel_loop3A_152 : i32
          %parallel_loop3A_154 = arith.xori %parallel_loop3A_151, %parallel_loop3A_153 : i1
          %parallel_loop3A_155 = arith.andi %parallel_loop3A_154, %parallel_loop3A_149 : i1
          %parallel_loop3A_156 = arith.addi %parallel_loop3A_147, %parallel_loop3A_146 : i32
          %parallel_loop3A_157 = arith.select %parallel_loop3A_155, %parallel_loop3A_156, %parallel_loop3A_147 : i32
          %parallel_loop3A_158 = arith.constant 32 : i32
          %parallel_loop3A_159 = arith.muli %parallel_loop3A_157, %parallel_loop3A_158 : i32
          %parallel_loop3A_160 = arith.constant 0 : i32
          %parallel_loop3A_161 = arith.addi %parallel_loop3A_159, %parallel_loop3A_160 : i32
          %parallel_loop3A_162 = tpu.assume_multiple %parallel_loop3A_161, 16 : i32
          %parallel_loop3A_163 = arith.index_cast %parallel_loop3A_141 : i32 to index
          %parallel_loop3A_164 = arith.index_cast %parallel_loop3A_162 : i32 to index
          %parallel_loop3A_165 = tpu.vector_load %arg14[%parallel_loop3A_163, %parallel_loop3A_164] {strides = array<i32>} : memref<8x256xf32, #tpu.memory_space<vmem>>, vector<1x16xf32>,
          %parallel_loop3A_166 = vector.shape_cast %parallel_loop3A_165 : vector<1x16xf32> to vector<16xf32>
          %parallel_loop3A_167 = arith.index_cast %parallel_loop3A_117 : i32 to index
          %parallel_loop3A_168 = arith.constant 0 : index
          %parallel_loop3A_169 = tpu.vector_load %arg12[%parallel_loop3A_167, %parallel_loop3A_168] {strides = array<i32>} : memref<64x128xf32, #tpu.memory_space<vmem>>, vector<1x16xf32>,
          %parallel_loop3A_170 = vector.shape_cast %parallel_loop3A_169 : vector<1x16xf32> to vector<16xf32>
          %parallel_loop3A_171 = arith.index_cast %parallel_loop3A_117 : i32 to index
          %parallel_loop3A_172 = arith.constant 32 : index
          %parallel_loop3A_173 = tpu.vector_load %arg13[%parallel_loop3A_171, %parallel_loop3A_172] {strides = array<i32>} : memref<64x128xf32, #tpu.memory_space<vmem>>, vector<1x16xf32>,
          %parallel_loop3A_174 = vector.shape_cast %parallel_loop3A_173 : vector<1x16xf32> to vector<16xf32>
          %parallel_loop3A_175 = arith.addf %parallel_loop3A_170, %parallel_loop3A_174 : vector<16xf32>
          %parallel_loop3A_176 = arith.addf %parallel_loop3A_175, %parallel_loop3A_166 : vector<16xf32>
          %parallel_loop3A_177 = arith.constant 0.000000e+00 : f32
          %parallel_loop3A_178 = vector.broadcast %parallel_loop3A_177 : f32 to vector<16xf32>
          %parallel_loop3A_179 = arith.maximumf %parallel_loop3A_176, %parallel_loop3A_178 : vector<16xf32>
          %parallel_loop3A_180 = arith.constant 0 : i32
          %parallel_loop3A_181 = arith.addi %parallel_loop3A_159, %parallel_loop3A_180 : i32
          %parallel_loop3A_182 = tpu.assume_multiple %parallel_loop3A_181, 16 : i32
          %parallel_loop3A_183 = arith.index_cast %parallel_loop3A_141 : i32 to index
          %parallel_loop3A_184 = arith.index_cast %parallel_loop3A_182 : i32 to index
          %parallel_loop3A_185 = tpu.vector_load %arg16[%parallel_loop3A_183, %parallel_loop3A_184] {strides = array<i32>} : memref<8x256xf32, #tpu.memory_space<vmem>>, vector<1x16xf32>,
          %parallel_loop3A_186 = vector.shape_cast %parallel_loop3A_185 : vector<1x16xf32> to vector<16xf32>
          %parallel_loop3A_187 = vector.shape_cast %parallel_loop3A_179 : vector<16xf32> to vector<1x16xf32>
          tpu.vector_store %arg16[%parallel_loop3A_183, %parallel_loop3A_184], %parallel_loop3A_187 {strides = array<i32>} : memref<8x256xf32, #tpu.memory_space<vmem>>, vector<1x16xf32>,
          %parallel_loop3A_188 = arith.index_cast %parallel_loop3A_117 : i32 to index
          %parallel_loop3A_189 = arith.constant 0 : index
          %parallel_loop3A_190 = tpu.vector_load %arg18[%parallel_loop3A_188, %parallel_loop3A_189] {strides = array<i32>} : memref<64x128xf32, #tpu.memory_space<vmem>>, vector<1x16xf32>,
          %parallel_loop3A_191 = vector.shape_cast %parallel_loop3A_190 : vector<1x16xf32> to vector<16xf32>
          %parallel_loop3A_192 = vector.shape_cast %parallel_loop3A_179 : vector<16xf32> to vector<1x16xf32>
          tpu.vector_store %arg18[%parallel_loop3A_188, %parallel_loop3A_189], %parallel_loop3A_192 {strides = array<i32>} : memref<64x128xf32, #tpu.memory_space<vmem>>, vector<1x16xf32>,
          %parallel_loop3A_193 = arith.constant 16 : i32
          %parallel_loop3A_194 = arith.addi %parallel_loop3A_159, %parallel_loop3A_193 : i32
          %parallel_loop3A_195 = tpu.assume_multiple %parallel_loop3A_194, 16 : i32
          %parallel_loop3A_196 = arith.index_cast %parallel_loop3A_141 : i32 to index
          %parallel_loop3A_197 = arith.index_cast %parallel_loop3A_195 : i32 to index
          %parallel_loop3A_198 = tpu.vector_load %arg14[%parallel_loop3A_196, %parallel_loop3A_197] {strides = array<i32>} : memref<8x256xf32, #tpu.memory_space<vmem>>, vector<1x16xf32>,
          %parallel_loop3A_199 = vector.shape_cast %parallel_loop3A_198 : vector<1x16xf32> to vector<16xf32>
          %parallel_loop3A_200 = arith.index_cast %parallel_loop3A_117 : i32 to index
          %parallel_loop3A_201 = arith.constant 16 : index
          %parallel_loop3A_202 = tpu.vector_load %arg12[%parallel_loop3A_200, %parallel_loop3A_201] {strides = array<i32>} : memref<64x128xf32, #tpu.memory_space<vmem>>, vector<1x16xf32>,
          %parallel_loop3A_203 = vector.shape_cast %parallel_loop3A_202 : vector<1x16xf32> to vector<16xf32>
          %parallel_loop3A_204 = arith.index_cast %parallel_loop3A_117 : i32 to index
          %parallel_loop3A_205 = arith.constant 48 : index
          %parallel_loop3A_206 = tpu.vector_load %arg13[%parallel_loop3A_204, %parallel_loop3A_205] {strides = array<i32>} : memref<64x128xf32, #tpu.memory_space<vmem>>, vector<1x16xf32>,
          %parallel_loop3A_207 = vector.shape_cast %parallel_loop3A_206 : vector<1x16xf32> to vector<16xf32>
          %parallel_loop3A_208 = arith.addf %parallel_loop3A_203, %parallel_loop3A_207 : vector<16xf32>
          %parallel_loop3A_209 = arith.addf %parallel_loop3A_208, %parallel_loop3A_199 : vector<16xf32>
          %parallel_loop3A_210 = arith.constant 0.000000e+00 : f32
          %parallel_loop3A_211 = vector.broadcast %parallel_loop3A_210 : f32 to vector<16xf32>
          %parallel_loop3A_212 = arith.maximumf %parallel_loop3A_209, %parallel_loop3A_211 : vector<16xf32>
          %parallel_loop3A_213 = arith.constant 16 : i32
          %parallel_loop3A_214 = arith.addi %parallel_loop3A_159, %parallel_loop3A_213 : i32
          %parallel_loop3A_215 = tpu.assume_multiple %parallel_loop3A_214, 16 : i32
          %parallel_loop3A_216 = arith.index_cast %parallel_loop3A_141 : i32 to index
          %parallel_loop3A_217 = arith.index_cast %parallel_loop3A_215 : i32 to index
          %parallel_loop3A_218 = tpu.vector_load %arg16[%parallel_loop3A_216, %parallel_loop3A_217] {strides = array<i32>} : memref<8x256xf32, #tpu.memory_space<vmem>>, vector<1x16xf32>,
          %parallel_loop3A_219 = vector.shape_cast %parallel_loop3A_218 : vector<1x16xf32> to vector<16xf32>
          %parallel_loop3A_220 = vector.shape_cast %parallel_loop3A_212 : vector<16xf32> to vector<1x16xf32>
          tpu.vector_store %arg16[%parallel_loop3A_216, %parallel_loop3A_217], %parallel_loop3A_220 {strides = array<i32>} : memref<8x256xf32, #tpu.memory_space<vmem>>, vector<1x16xf32>,
          %parallel_loop3A_221 = arith.index_cast %parallel_loop3A_117 : i32 to index
          %parallel_loop3A_222 = arith.constant 16 : index
          %parallel_loop3A_223 = tpu.vector_load %arg18[%parallel_loop3A_221, %parallel_loop3A_222] {strides = array<i32>} : memref<64x128xf32, #tpu.memory_space<vmem>>, vector<1x16xf32>,
          %parallel_loop3A_224 = vector.shape_cast %parallel_loop3A_223 : vector<1x16xf32> to vector<16xf32>
          %parallel_loop3A_225 = vector.shape_cast %parallel_loop3A_212 : vector<16xf32> to vector<1x16xf32>
          tpu.vector_store %arg18[%parallel_loop3A_221, %parallel_loop3A_222], %parallel_loop3A_225 {strides = array<i32>} : memref<64x128xf32, #tpu.memory_space<vmem>>, vector<1x16xf32>,
        } {sc.loop_unroll_factor = 8 : i64, sc.parallel_access}
        %mul3A_101 = arith.constant 8 : i32
        %mul3A_102 = arith.muli %add3A_65, %mul3A_101 : i32
        %dma_start3A_103 = arith.constant 0 : i32
        %dma_start3A_104 = tpu.memref_slice %arg6[%mul3A_102, %dma_start3A_103] : memref<40000x256xf32, #tpu.memory_space<hbm>> -> memref<8x256xf32, #tpu.memory_space<hbm>>
        %dma_start3A_105 = arith.constant 0 : i32
        %dma_start3A_106 = tpu.memref_slice %arg6[%mul3A_102, %dma_start3A_105] : memref<40000x256xf32, #tpu.memory_space<hbm>> -> memref<8x256xf32, #tpu.memory_space<hbm>>
        tpu.enqueue_dma source(%arg16 : memref<8x256xf32, #tpu.memory_space<vmem>>) target(%dma_start3A_106 : memref<8x256xf32, #tpu.memory_space<hbm>>) target_semaphore(%arg24 : memref<!tpu.dma_semaphore, #tpu.memory_space<semaphore_mem>>)
        %dma_start3A_107 = arith.constant 0 : i32
        %dma_start3A_108 = arith.constant 0 : i32
        %dma_start3A_109 = tpu.memref_slice %arg19[%dma_start3A_107, %dma_start3A_108] : memref<10240x128xf32, #tpu.memory_space<vmem_shared>> -> memref<10240x128xf32, #tpu.memory_space<vmem_shared>>
        tpu.enqueue_indirect_dma source(%arg18 : memref<64x128xf32, #tpu.memory_space<vmem>>) target(%dma_start3A_109 : memref<10240x128xf32, #tpu.memory_space<vmem_shared>>) offsets(%arg10 : memref<64xi32, #tpu.memory_space<vmem>>) semaphore(%arg25 : memref<!tpu.dma_semaphore, #tpu.memory_space<semaphore_mem>>) {add = true}
        %add3A_110 = arith.constant 32 : i32
        %add3A_111 = arith.addi %add3A_65, %add3A_110 : i32
        %lt3A_112 = arith.constant 5000 : i32
        %lt3A_113 = arith.cmpi slt, %add3A_111, %lt3A_112 : i32
        %convert_element_type3A_114 = arith.extui %lt3A_113 : i1 to i32
        %cond3A_115 = arith.constant 0 : i32
        %cond3A_116 = arith.cmpi ne, %convert_element_type3A_114, %cond3A_115 : i32
        scf.if %cond3A_116 {
          %gt3A_117 = arith.constant 0 : i32
          %gt3A_118 = arith.cmpi sgt, %mul3A_62, %gt3A_117 : i32
          %convert_element_type3A_119 = arith.extui %gt3A_118 : i1 to i32
          %cond3A_120 = arith.constant 0 : i32
          %cond3A_121 = arith.cmpi ne, %convert_element_type3A_119, %cond3A_120 : i32
          scf.if %cond3A_121 {
            %dma_wait3A_144 = arith.constant 0 : i32
            %dma_wait3A_145 = arith.constant 0 : i32
            %dma_wait3A_146 = tpu.memref_slice %arg6[%dma_wait3A_144, %dma_wait3A_145] : memref<40000x256xf32, #tpu.memory_space<hbm>> -> memref<8x256xf32, #tpu.memory_space<hbm>>
            %dma_wait3A_147 = arith.constant 0 : i32
            %dma_wait3A_148 = arith.constant 0 : i32
            %dma_wait3A_149 = tpu.memref_slice %arg6[%dma_wait3A_147, %dma_wait3A_148] : memref<40000x256xf32, #tpu.memory_space<hbm>> -> memref<8x256xf32, #tpu.memory_space<hbm>>
            tpu.wait_dma2 semaphore(%arg24 : memref<!tpu.dma_semaphore, #tpu.memory_space<semaphore_mem>>) src(%arg17 : memref<8x256xf32, #tpu.memory_space<vmem>>) dst(%dma_wait3A_149 : memref<8x256xf32, #tpu.memory_space<hbm>>)
          } else {
          }
          %mul3A_122 = arith.constant 64 : i32
          %mul3A_123 = arith.muli %add3A_111, %mul3A_122 : i32
          %dma_start3A_124 = tpu.memref_slice %arg4[%mul3A_123] : memref<320000xi32, #tpu.memory_space<hbm>> -> memref<64xi32, #tpu.memory_space<hbm>>
          %dma_start3A_125 = tpu.memref_slice %arg4[%mul3A_123] : memref<320000xi32, #tpu.memory_space<hbm>> -> memref<64xi32, #tpu.memory_space<hbm>>
          tpu.enqueue_dma source(%dma_start3A_125 : memref<64xi32, #tpu.memory_space<hbm>>) target(%arg9 : memref<64xi32, #tpu.memory_space<vmem>>) target_semaphore(%arg23 : memref<!tpu.dma_semaphore, #tpu.memory_space<semaphore_mem>>)
          %dma_start3A_126 = tpu.memref_slice %arg5[%mul3A_123] : memref<320000xi32, #tpu.memory_space<hbm>> -> memref<64xi32, #tpu.memory_space<hbm>>
          %dma_start3A_127 = tpu.memref_slice %arg5[%mul3A_123] : memref<320000xi32, #tpu.memory_space<hbm>> -> memref<64xi32, #tpu.memory_space<hbm>>
          tpu.enqueue_dma source(%dma_start3A_127 : memref<64xi32, #tpu.memory_space<hbm>>) target(%arg11 : memref<64xi32, #tpu.memory_space<vmem>>) target_semaphore(%arg23 : memref<!tpu.dma_semaphore, #tpu.memory_space<semaphore_mem>>)
          %dma_wait3A_128 = tpu.memref_slice %arg4[%mul3A_123] : memref<320000xi32, #tpu.memory_space<hbm>> -> memref<64xi32, #tpu.memory_space<hbm>>
          %dma_wait3A_129 = tpu.memref_slice %arg4[%mul3A_123] : memref<320000xi32, #tpu.memory_space<hbm>> -> memref<64xi32, #tpu.memory_space<hbm>>
          tpu.wait_dma2 semaphore(%arg23 : memref<!tpu.dma_semaphore, #tpu.memory_space<semaphore_mem>>) src(%dma_wait3A_129 : memref<64xi32, #tpu.memory_space<hbm>>) dst(%arg9 : memref<64xi32, #tpu.memory_space<vmem>>)
          %dma_wait3A_130 = tpu.memref_slice %arg5[%mul3A_123] : memref<320000xi32, #tpu.memory_space<hbm>> -> memref<64xi32, #tpu.memory_space<hbm>>
          %dma_wait3A_131 = tpu.memref_slice %arg5[%mul3A_123] : memref<320000xi32, #tpu.memory_space<hbm>> -> memref<64xi32, #tpu.memory_space<hbm>>
          tpu.wait_dma2 semaphore(%arg23 : memref<!tpu.dma_semaphore, #tpu.memory_space<semaphore_mem>>) src(%dma_wait3A_131 : memref<64xi32, #tpu.memory_space<hbm>>) dst(%arg11 : memref<64xi32, #tpu.memory_space<vmem>>)
          %dma_start3A_132 = arith.constant 0 : i32
          %dma_start3A_133 = arith.constant 0 : i32
          %dma_start3A_134 = tpu.memref_slice %arg2[%dma_start3A_132, %dma_start3A_133] : memref<10000x128xf32, #tpu.memory_space<hbm>> -> memref<10000x128xf32, #tpu.memory_space<hbm>>
          tpu.enqueue_indirect_dma source(%dma_start3A_134 : memref<10000x128xf32, #tpu.memory_space<hbm>>) target(%arg12 : memref<64x128xf32, #tpu.memory_space<vmem>>) offsets(%arg9 : memref<64xi32, #tpu.memory_space<vmem>>) semaphore(%arg20 : memref<!tpu.dma_semaphore, #tpu.memory_space<semaphore_mem>>)
          %dma_start3A_135 = arith.constant 0 : i32
          %dma_start3A_136 = arith.constant 0 : i32
          %dma_start3A_137 = tpu.memref_slice %arg2[%dma_start3A_135, %dma_start3A_136] : memref<10000x128xf32, #tpu.memory_space<hbm>> -> memref<10000x128xf32, #tpu.memory_space<hbm>>
          tpu.enqueue_indirect_dma source(%dma_start3A_137 : memref<10000x128xf32, #tpu.memory_space<hbm>>) target(%arg13 : memref<64x128xf32, #tpu.memory_space<vmem>>) offsets(%arg11 : memref<64xi32, #tpu.memory_space<vmem>>) semaphore(%arg21 : memref<!tpu.dma_semaphore, #tpu.memory_space<semaphore_mem>>)
          %mul3A_138 = arith.constant 8 : i32
          %mul3A_139 = arith.muli %add3A_111, %mul3A_138 : i32
          %dma_start3A_140 = arith.constant 0 : i32
          %dma_start3A_141 = tpu.memref_slice %arg3[%mul3A_139, %dma_start3A_140] : memref<40000x256xf32, #tpu.memory_space<hbm>> -> memref<8x256xf32, #tpu.memory_space<hbm>>
          %dma_start3A_142 = arith.constant 0 : i32
          %dma_start3A_143 = tpu.memref_slice %arg3[%mul3A_139, %dma_start3A_142] : memref<40000x256xf32, #tpu.memory_space<hbm>> -> memref<8x256xf32, #tpu.memory_space<hbm>>
          tpu.enqueue_dma source(%dma_start3A_143 : memref<8x256xf32, #tpu.memory_space<hbm>>) target(%arg15 : memref<8x256xf32, #tpu.memory_space<vmem>>) target_semaphore(%arg22 : memref<!tpu.dma_semaphore, #tpu.memory_space<semaphore_mem>>)
        } else {
        }
      } else {
      }
      %mul3A_68 = arith.constant 2 : i32
      %mul3A_69 = arith.muli %mul3A_68, %scan3A_59 : i32
      %add3A_70 = arith.constant 1 : i32
      %add3A_71 = arith.addi %mul3A_69, %add3A_70 : i32
      %mul3A_72 = arith.constant 32 : i32
      %mul3A_73 = arith.muli %add3A_71, %mul3A_72 : i32
      %add3A_74 = arith.addi %mul3A_73, %add3A : i32
      %lt3A_75 = arith.constant 5000 : i32
      %lt3A_76 = arith.cmpi slt, %add3A_74, %lt3A_75 : i32
      %convert_element_type3A_77 = arith.extui %lt3A_76 : i1 to i32
      %cond3A_78 = arith.constant 0 : i32
      %cond3A_79 = arith.cmpi ne, %convert_element_type3A_77, %cond3A_78 : i32
      scf.if %cond3A_79 {
        %mul3A_81 = arith.constant 64 : i32
        %mul3A_82 = arith.muli %add3A_74, %mul3A_81 : i32
        %dma_wait3A_83 = arith.constant 0 : i32
        %dma_wait3A_84 = arith.constant 0 : i32
        %dma_wait3A_85 = tpu.memref_slice %arg2[%dma_wait3A_83, %dma_wait3A_84] : memref<10000x128xf32, #tpu.memory_space<hbm>> -> memref<10000x128xf32, #tpu.memory_space<hbm>>
        tpu.wait_indirect_dma semaphore(%arg20 : memref<!tpu.dma_semaphore, #tpu.memory_space<semaphore_mem>>) src(%dma_wait3A_85 : memref<10000x128xf32, #tpu.memory_space<hbm>>) dst(%arg12 : memref<64x128xf32, #tpu.memory_space<vmem>>)
        %dma_wait3A_86 = arith.constant 0 : i32
        %dma_wait3A_87 = arith.constant 0 : i32
        %dma_wait3A_88 = tpu.memref_slice %arg2[%dma_wait3A_86, %dma_wait3A_87] : memref<10000x128xf32, #tpu.memory_space<hbm>> -> memref<10000x128xf32, #tpu.memory_space<hbm>>
        tpu.wait_indirect_dma semaphore(%arg21 : memref<!tpu.dma_semaphore, #tpu.memory_space<semaphore_mem>>) src(%dma_wait3A_88 : memref<10000x128xf32, #tpu.memory_space<hbm>>) dst(%arg13 : memref<64x128xf32, #tpu.memory_space<vmem>>)
        %dma_wait3A_89 = arith.constant 0 : i32
        %dma_wait3A_90 = arith.constant 0 : i32
        %dma_wait3A_91 = tpu.memref_slice %arg3[%dma_wait3A_89, %dma_wait3A_90] : memref<40000x256xf32, #tpu.memory_space<hbm>> -> memref<8x256xf32, #tpu.memory_space<hbm>>
        %dma_wait3A_92 = arith.constant 0 : i32
        %dma_wait3A_93 = arith.constant 0 : i32
        %dma_wait3A_94 = tpu.memref_slice %arg3[%dma_wait3A_92, %dma_wait3A_93] : memref<40000x256xf32, #tpu.memory_space<hbm>> -> memref<8x256xf32, #tpu.memory_space<hbm>>
        tpu.wait_dma2 semaphore(%arg22 : memref<!tpu.dma_semaphore, #tpu.memory_space<semaphore_mem>>) src(%dma_wait3A_94 : memref<8x256xf32, #tpu.memory_space<hbm>>) dst(%arg15 : memref<8x256xf32, #tpu.memory_space<vmem>>)
        %gt3A = arith.constant 0 : i32
        %gt3A_95 = arith.cmpi sgt, %add3A_71, %gt3A : i32
        %convert_element_type3A_96 = arith.extui %gt3A_95 : i1 to i32
        %cond3A_97 = arith.constant 0 : i32
        %cond3A_98 = arith.cmpi ne, %convert_element_type3A_96, %cond3A_97 : i32
        scf.if %cond3A_98 {
          %dma_wait3A_117 = arith.constant 0 : i32
          %dma_wait3A_118 = arith.constant 0 : i32
          %dma_wait3A_119 = tpu.memref_slice %arg19[%dma_wait3A_117, %dma_wait3A_118] : memref<10240x128xf32, #tpu.memory_space<vmem_shared>> -> memref<10240x128xf32, #tpu.memory_space<vmem_shared>>
          tpu.wait_indirect_dma semaphore(%arg25 : memref<!tpu.dma_semaphore, #tpu.memory_space<semaphore_mem>>) src(%arg18 : memref<64x128xf32, #tpu.memory_space<vmem>>) dst(%dma_wait3A_119 : memref<10240x128xf32, #tpu.memory_space<vmem_shared>>)
        } else {
        }
        %parallel_loop3A = arith.constant 0 : i32
        %parallel_loop3A_99 = arith.constant 64 : i32
        %parallel_loop3A_100 = arith.constant 1 : i32
        scf.for %parallel_loop3A_117 = %parallel_loop3A to %parallel_loop3A_99 step %parallel_loop3A_100  : i32 {
          %parallel_loop3A_118 = arith.constant 8 : i32
          %parallel_loop3A_119 = arith.divsi %parallel_loop3A_117, %parallel_loop3A_118 : i32
          %parallel_loop3A_120 = arith.constant 0 : i32
          %parallel_loop3A_121 = arith.cmpi sgt, %parallel_loop3A_117, %parallel_loop3A_120 : i32
          %parallel_loop3A_122 = arith.extui %parallel_loop3A_121 : i1 to i32
          %parallel_loop3A_123 = arith.constant 0 : i32
          %parallel_loop3A_124 = arith.cmpi slt, %parallel_loop3A_117, %parallel_loop3A_123 : i32
          %parallel_loop3A_125 = arith.extui %parallel_loop3A_124 : i1 to i32
          %parallel_loop3A_126 = arith.subi %parallel_loop3A_122, %parallel_loop3A_125 : i32
          %parallel_loop3A_127 = arith.constant 0 : i32
          %parallel_loop3A_128 = arith.cmpi sgt, %parallel_loop3A_118, %parallel_loop3A_127 : i32
          %parallel_loop3A_129 = arith.extui %parallel_loop3A_128 : i1 to i32
          %parallel_loop3A_130 = arith.constant 0 : i32
          %parallel_loop3A_131 = arith.cmpi slt, %parallel_loop3A_118, %parallel_loop3A_130 : i32
          %parallel_loop3A_132 = arith.extui %parallel_loop3A_131 : i1 to i32
          %parallel_loop3A_133 = arith.subi %parallel_loop3A_129, %parallel_loop3A_132 : i32
          %parallel_loop3A_134 = arith.cmpi ne, %parallel_loop3A_126, %parallel_loop3A_133 : i32
          %parallel_loop3A_135 = arith.remsi %parallel_loop3A_117, %parallel_loop3A_118 : i32
          %parallel_loop3A_136 = arith.constant 0 : i32
          %parallel_loop3A_137 = arith.cmpi ne, %parallel_loop3A_135, %parallel_loop3A_136 : i32
          %parallel_loop3A_138 = arith.andi %parallel_loop3A_134, %parallel_loop3A_137 : i1
          %parallel_loop3A_139 = arith.constant 1 : i32
          %parallel_loop3A_140 = arith.subi %parallel_loop3A_119, %parallel_loop3A_139 : i32
          %parallel_loop3A_141 = arith.select %parallel_loop3A_138, %parallel_loop3A_140, %parallel_loop3A_119 : i32
          %parallel_loop3A_142 = arith.constant 8 : i32
          %parallel_loop3A_143 = arith.constant 0 : i32
          %parallel_loop3A_144 = arith.cmpi eq, %parallel_loop3A_142, %parallel_loop3A_143 : i32
          %parallel_loop3A_145 = arith.constant 1 : i32
          %parallel_loop3A_146 = arith.select %parallel_loop3A_144, %parallel_loop3A_145, %parallel_loop3A_142 : i32
          %parallel_loop3A_147 = arith.remsi %parallel_loop3A_117, %parallel_loop3A_146 : i32
          %parallel_loop3A_148 = arith.constant 0 : i32
          %parallel_loop3A_149 = arith.cmpi ne, %parallel_loop3A_147, %parallel_loop3A_148 : i32
          %parallel_loop3A_150 = arith.constant 0 : i32
          %parallel_loop3A_151 = arith.cmpi slt, %parallel_loop3A_147, %parallel_loop3A_150 : i32
          %parallel_loop3A_152 = arith.constant 0 : i32
          %parallel_loop3A_153 = arith.cmpi slt, %parallel_loop3A_146, %parallel_loop3A_152 : i32
          %parallel_loop3A_154 = arith.xori %parallel_loop3A_151, %parallel_loop3A_153 : i1
          %parallel_loop3A_155 = arith.andi %parallel_loop3A_154, %parallel_loop3A_149 : i1
          %parallel_loop3A_156 = arith.addi %parallel_loop3A_147, %parallel_loop3A_146 : i32
          %parallel_loop3A_157 = arith.select %parallel_loop3A_155, %parallel_loop3A_156, %parallel_loop3A_147 : i32
          %parallel_loop3A_158 = arith.constant 32 : i32
          %parallel_loop3A_159 = arith.muli %parallel_loop3A_157, %parallel_loop3A_158 : i32
          %parallel_loop3A_160 = arith.constant 0 : i32
          %parallel_loop3A_161 = arith.addi %parallel_loop3A_159, %parallel_loop3A_160 : i32
          %parallel_loop3A_162 = tpu.assume_multiple %parallel_loop3A_161, 16 : i32
          %parallel_loop3A_163 = arith.index_cast %parallel_loop3A_141 : i32 to index
          %parallel_loop3A_164 = arith.index_cast %parallel_loop3A_162 : i32 to index
          %parallel_loop3A_165 = tpu.vector_load %arg15[%parallel_loop3A_163, %parallel_loop3A_164] {strides = array<i32>} : memref<8x256xf32, #tpu.memory_space<vmem>>, vector<1x16xf32>,
          %parallel_loop3A_166 = vector.shape_cast %parallel_loop3A_165 : vector<1x16xf32> to vector<16xf32>
          %parallel_loop3A_167 = arith.index_cast %parallel_loop3A_117 : i32 to index
          %parallel_loop3A_168 = arith.constant 0 : index
          %parallel_loop3A_169 = tpu.vector_load %arg12[%parallel_loop3A_167, %parallel_loop3A_168] {strides = array<i32>} : memref<64x128xf32, #tpu.memory_space<vmem>>, vector<1x16xf32>,
          %parallel_loop3A_170 = vector.shape_cast %parallel_loop3A_169 : vector<1x16xf32> to vector<16xf32>
          %parallel_loop3A_171 = arith.index_cast %parallel_loop3A_117 : i32 to index
          %parallel_loop3A_172 = arith.constant 32 : index
          %parallel_loop3A_173 = tpu.vector_load %arg13[%parallel_loop3A_171, %parallel_loop3A_172] {strides = array<i32>} : memref<64x128xf32, #tpu.memory_space<vmem>>, vector<1x16xf32>,
          %parallel_loop3A_174 = vector.shape_cast %parallel_loop3A_173 : vector<1x16xf32> to vector<16xf32>
          %parallel_loop3A_175 = arith.addf %parallel_loop3A_170, %parallel_loop3A_174 : vector<16xf32>
          %parallel_loop3A_176 = arith.addf %parallel_loop3A_175, %parallel_loop3A_166 : vector<16xf32>
          %parallel_loop3A_177 = arith.constant 0.000000e+00 : f32
          %parallel_loop3A_178 = vector.broadcast %parallel_loop3A_177 : f32 to vector<16xf32>
          %parallel_loop3A_179 = arith.maximumf %parallel_loop3A_176, %parallel_loop3A_178 : vector<16xf32>
          %parallel_loop3A_180 = arith.constant 0 : i32
          %parallel_loop3A_181 = arith.addi %parallel_loop3A_159, %parallel_loop3A_180 : i32
          %parallel_loop3A_182 = tpu.assume_multiple %parallel_loop3A_181, 16 : i32
          %parallel_loop3A_183 = arith.index_cast %parallel_loop3A_141 : i32 to index
          %parallel_loop3A_184 = arith.index_cast %parallel_loop3A_182 : i32 to index
          %parallel_loop3A_185 = tpu.vector_load %arg17[%parallel_loop3A_183, %parallel_loop3A_184] {strides = array<i32>} : memref<8x256xf32, #tpu.memory_space<vmem>>, vector<1x16xf32>,
          %parallel_loop3A_186 = vector.shape_cast %parallel_loop3A_185 : vector<1x16xf32> to vector<16xf32>
          %parallel_loop3A_187 = vector.shape_cast %parallel_loop3A_179 : vector<16xf32> to vector<1x16xf32>
          tpu.vector_store %arg17[%parallel_loop3A_183, %parallel_loop3A_184], %parallel_loop3A_187 {strides = array<i32>} : memref<8x256xf32, #tpu.memory_space<vmem>>, vector<1x16xf32>,
          %parallel_loop3A_188 = arith.index_cast %parallel_loop3A_117 : i32 to index
          %parallel_loop3A_189 = arith.constant 0 : index
          %parallel_loop3A_190 = tpu.vector_load %arg18[%parallel_loop3A_188, %parallel_loop3A_189] {strides = array<i32>} : memref<64x128xf32, #tpu.memory_space<vmem>>, vector<1x16xf32>,
          %parallel_loop3A_191 = vector.shape_cast %parallel_loop3A_190 : vector<1x16xf32> to vector<16xf32>
          %parallel_loop3A_192 = vector.shape_cast %parallel_loop3A_179 : vector<16xf32> to vector<1x16xf32>
          tpu.vector_store %arg18[%parallel_loop3A_188, %parallel_loop3A_189], %parallel_loop3A_192 {strides = array<i32>} : memref<64x128xf32, #tpu.memory_space<vmem>>, vector<1x16xf32>,
          %parallel_loop3A_193 = arith.constant 16 : i32
          %parallel_loop3A_194 = arith.addi %parallel_loop3A_159, %parallel_loop3A_193 : i32
          %parallel_loop3A_195 = tpu.assume_multiple %parallel_loop3A_194, 16 : i32
          %parallel_loop3A_196 = arith.index_cast %parallel_loop3A_141 : i32 to index
          %parallel_loop3A_197 = arith.index_cast %parallel_loop3A_195 : i32 to index
          %parallel_loop3A_198 = tpu.vector_load %arg15[%parallel_loop3A_196, %parallel_loop3A_197] {strides = array<i32>} : memref<8x256xf32, #tpu.memory_space<vmem>>, vector<1x16xf32>,
          %parallel_loop3A_199 = vector.shape_cast %parallel_loop3A_198 : vector<1x16xf32> to vector<16xf32>
          %parallel_loop3A_200 = arith.index_cast %parallel_loop3A_117 : i32 to index
          %parallel_loop3A_201 = arith.constant 16 : index
          %parallel_loop3A_202 = tpu.vector_load %arg12[%parallel_loop3A_200, %parallel_loop3A_201] {strides = array<i32>} : memref<64x128xf32, #tpu.memory_space<vmem>>, vector<1x16xf32>,
          %parallel_loop3A_203 = vector.shape_cast %parallel_loop3A_202 : vector<1x16xf32> to vector<16xf32>
          %parallel_loop3A_204 = arith.index_cast %parallel_loop3A_117 : i32 to index
          %parallel_loop3A_205 = arith.constant 48 : index
          %parallel_loop3A_206 = tpu.vector_load %arg13[%parallel_loop3A_204, %parallel_loop3A_205] {strides = array<i32>} : memref<64x128xf32, #tpu.memory_space<vmem>>, vector<1x16xf32>,
          %parallel_loop3A_207 = vector.shape_cast %parallel_loop3A_206 : vector<1x16xf32> to vector<16xf32>
          %parallel_loop3A_208 = arith.addf %parallel_loop3A_203, %parallel_loop3A_207 : vector<16xf32>
          %parallel_loop3A_209 = arith.addf %parallel_loop3A_208, %parallel_loop3A_199 : vector<16xf32>
          %parallel_loop3A_210 = arith.constant 0.000000e+00 : f32
          %parallel_loop3A_211 = vector.broadcast %parallel_loop3A_210 : f32 to vector<16xf32>
          %parallel_loop3A_212 = arith.maximumf %parallel_loop3A_209, %parallel_loop3A_211 : vector<16xf32>
          %parallel_loop3A_213 = arith.constant 16 : i32
          %parallel_loop3A_214 = arith.addi %parallel_loop3A_159, %parallel_loop3A_213 : i32
          %parallel_loop3A_215 = tpu.assume_multiple %parallel_loop3A_214, 16 : i32
          %parallel_loop3A_216 = arith.index_cast %parallel_loop3A_141 : i32 to index
          %parallel_loop3A_217 = arith.index_cast %parallel_loop3A_215 : i32 to index
          %parallel_loop3A_218 = tpu.vector_load %arg17[%parallel_loop3A_216, %parallel_loop3A_217] {strides = array<i32>} : memref<8x256xf32, #tpu.memory_space<vmem>>, vector<1x16xf32>,
          %parallel_loop3A_219 = vector.shape_cast %parallel_loop3A_218 : vector<1x16xf32> to vector<16xf32>
          %parallel_loop3A_220 = vector.shape_cast %parallel_loop3A_212 : vector<16xf32> to vector<1x16xf32>
          tpu.vector_store %arg17[%parallel_loop3A_216, %parallel_loop3A_217], %parallel_loop3A_220 {strides = array<i32>} : memref<8x256xf32, #tpu.memory_space<vmem>>, vector<1x16xf32>,
          %parallel_loop3A_221 = arith.index_cast %parallel_loop3A_117 : i32 to index
          %parallel_loop3A_222 = arith.constant 16 : index
          %parallel_loop3A_223 = tpu.vector_load %arg18[%parallel_loop3A_221, %parallel_loop3A_222] {strides = array<i32>} : memref<64x128xf32, #tpu.memory_space<vmem>>, vector<1x16xf32>,
          %parallel_loop3A_224 = vector.shape_cast %parallel_loop3A_223 : vector<1x16xf32> to vector<16xf32>
          %parallel_loop3A_225 = vector.shape_cast %parallel_loop3A_212 : vector<16xf32> to vector<1x16xf32>
          tpu.vector_store %arg18[%parallel_loop3A_221, %parallel_loop3A_222], %parallel_loop3A_225 {strides = array<i32>} : memref<64x128xf32, #tpu.memory_space<vmem>>, vector<1x16xf32>,
        } {sc.loop_unroll_factor = 8 : i64, sc.parallel_access}
        %mul3A_101 = arith.constant 8 : i32
        %mul3A_102 = arith.muli %add3A_74, %mul3A_101 : i32
        %dma_start3A_103 = arith.constant 0 : i32
        %dma_start3A_104 = tpu.memref_slice %arg6[%mul3A_102, %dma_start3A_103] : memref<40000x256xf32, #tpu.memory_space<hbm>> -> memref<8x256xf32, #tpu.memory_space<hbm>>
        %dma_start3A_105 = arith.constant 0 : i32
        %dma_start3A_106 = tpu.memref_slice %arg6[%mul3A_102, %dma_start3A_105] : memref<40000x256xf32, #tpu.memory_space<hbm>> -> memref<8x256xf32, #tpu.memory_space<hbm>>
        tpu.enqueue_dma source(%arg17 : memref<8x256xf32, #tpu.memory_space<vmem>>) target(%dma_start3A_106 : memref<8x256xf32, #tpu.memory_space<hbm>>) target_semaphore(%arg24 : memref<!tpu.dma_semaphore, #tpu.memory_space<semaphore_mem>>)
        %dma_start3A_107 = arith.constant 0 : i32
        %dma_start3A_108 = arith.constant 0 : i32
        %dma_start3A_109 = tpu.memref_slice %arg19[%dma_start3A_107, %dma_start3A_108] : memref<10240x128xf32, #tpu.memory_space<vmem_shared>> -> memref<10240x128xf32, #tpu.memory_space<vmem_shared>>
        tpu.enqueue_indirect_dma source(%arg18 : memref<64x128xf32, #tpu.memory_space<vmem>>) target(%dma_start3A_109 : memref<10240x128xf32, #tpu.memory_space<vmem_shared>>) offsets(%arg11 : memref<64xi32, #tpu.memory_space<vmem>>) semaphore(%arg25 : memref<!tpu.dma_semaphore, #tpu.memory_space<semaphore_mem>>) {add = true}
        %add3A_110 = arith.constant 32 : i32
        %add3A_111 = arith.addi %add3A_74, %add3A_110 : i32
        %lt3A_112 = arith.constant 5000 : i32
        %lt3A_113 = arith.cmpi slt, %add3A_111, %lt3A_112 : i32
        %convert_element_type3A_114 = arith.extui %lt3A_113 : i1 to i32
        %cond3A_115 = arith.constant 0 : i32
        %cond3A_116 = arith.cmpi ne, %convert_element_type3A_114, %cond3A_115 : i32
        scf.if %cond3A_116 {
          %gt3A_117 = arith.constant 0 : i32
          %gt3A_118 = arith.cmpi sgt, %add3A_71, %gt3A_117 : i32
          %convert_element_type3A_119 = arith.extui %gt3A_118 : i1 to i32
          %cond3A_120 = arith.constant 0 : i32
          %cond3A_121 = arith.cmpi ne, %convert_element_type3A_119, %cond3A_120 : i32
          scf.if %cond3A_121 {
            %dma_wait3A_144 = arith.constant 0 : i32
            %dma_wait3A_145 = arith.constant 0 : i32
            %dma_wait3A_146 = tpu.memref_slice %arg6[%dma_wait3A_144, %dma_wait3A_145] : memref<40000x256xf32, #tpu.memory_space<hbm>> -> memref<8x256xf32, #tpu.memory_space<hbm>>
            %dma_wait3A_147 = arith.constant 0 : i32
            %dma_wait3A_148 = arith.constant 0 : i32
            %dma_wait3A_149 = tpu.memref_slice %arg6[%dma_wait3A_147, %dma_wait3A_148] : memref<40000x256xf32, #tpu.memory_space<hbm>> -> memref<8x256xf32, #tpu.memory_space<hbm>>
            tpu.wait_dma2 semaphore(%arg24 : memref<!tpu.dma_semaphore, #tpu.memory_space<semaphore_mem>>) src(%arg16 : memref<8x256xf32, #tpu.memory_space<vmem>>) dst(%dma_wait3A_149 : memref<8x256xf32, #tpu.memory_space<hbm>>)
          } else {
          }
          %mul3A_122 = arith.constant 64 : i32
          %mul3A_123 = arith.muli %add3A_111, %mul3A_122 : i32
          %dma_start3A_124 = tpu.memref_slice %arg4[%mul3A_123] : memref<320000xi32, #tpu.memory_space<hbm>> -> memref<64xi32, #tpu.memory_space<hbm>>
          %dma_start3A_125 = tpu.memref_slice %arg4[%mul3A_123] : memref<320000xi32, #tpu.memory_space<hbm>> -> memref<64xi32, #tpu.memory_space<hbm>>
          tpu.enqueue_dma source(%dma_start3A_125 : memref<64xi32, #tpu.memory_space<hbm>>) target(%arg8 : memref<64xi32, #tpu.memory_space<vmem>>) target_semaphore(%arg23 : memref<!tpu.dma_semaphore, #tpu.memory_space<semaphore_mem>>)
          %dma_start3A_126 = tpu.memref_slice %arg5[%mul3A_123] : memref<320000xi32, #tpu.memory_space<hbm>> -> memref<64xi32, #tpu.memory_space<hbm>>
          %dma_start3A_127 = tpu.memref_slice %arg5[%mul3A_123] : memref<320000xi32, #tpu.memory_space<hbm>> -> memref<64xi32, #tpu.memory_space<hbm>>
          tpu.enqueue_dma source(%dma_start3A_127 : memref<64xi32, #tpu.memory_space<hbm>>) target(%arg10 : memref<64xi32, #tpu.memory_space<vmem>>) target_semaphore(%arg23 : memref<!tpu.dma_semaphore, #tpu.memory_space<semaphore_mem>>)
          %dma_wait3A_128 = tpu.memref_slice %arg4[%mul3A_123] : memref<320000xi32, #tpu.memory_space<hbm>> -> memref<64xi32, #tpu.memory_space<hbm>>
          %dma_wait3A_129 = tpu.memref_slice %arg4[%mul3A_123] : memref<320000xi32, #tpu.memory_space<hbm>> -> memref<64xi32, #tpu.memory_space<hbm>>
          tpu.wait_dma2 semaphore(%arg23 : memref<!tpu.dma_semaphore, #tpu.memory_space<semaphore_mem>>) src(%dma_wait3A_129 : memref<64xi32, #tpu.memory_space<hbm>>) dst(%arg8 : memref<64xi32, #tpu.memory_space<vmem>>)
          %dma_wait3A_130 = tpu.memref_slice %arg5[%mul3A_123] : memref<320000xi32, #tpu.memory_space<hbm>> -> memref<64xi32, #tpu.memory_space<hbm>>
          %dma_wait3A_131 = tpu.memref_slice %arg5[%mul3A_123] : memref<320000xi32, #tpu.memory_space<hbm>> -> memref<64xi32, #tpu.memory_space<hbm>>
          tpu.wait_dma2 semaphore(%arg23 : memref<!tpu.dma_semaphore, #tpu.memory_space<semaphore_mem>>) src(%dma_wait3A_131 : memref<64xi32, #tpu.memory_space<hbm>>) dst(%arg10 : memref<64xi32, #tpu.memory_space<vmem>>)
          %dma_start3A_132 = arith.constant 0 : i32
          %dma_start3A_133 = arith.constant 0 : i32
          %dma_start3A_134 = tpu.memref_slice %arg2[%dma_start3A_132, %dma_start3A_133] : memref<10000x128xf32, #tpu.memory_space<hbm>> -> memref<10000x128xf32, #tpu.memory_space<hbm>>
          tpu.enqueue_indirect_dma source(%dma_start3A_134 : memref<10000x128xf32, #tpu.memory_space<hbm>>) target(%arg12 : memref<64x128xf32, #tpu.memory_space<vmem>>) offsets(%arg8 : memref<64xi32, #tpu.memory_space<vmem>>) semaphore(%arg20 : memref<!tpu.dma_semaphore, #tpu.memory_space<semaphore_mem>>)
          %dma_start3A_135 = arith.constant 0 : i32
          %dma_start3A_136 = arith.constant 0 : i32
          %dma_start3A_137 = tpu.memref_slice %arg2[%dma_start3A_135, %dma_start3A_136] : memref<10000x128xf32, #tpu.memory_space<hbm>> -> memref<10000x128xf32, #tpu.memory_space<hbm>>
          tpu.enqueue_indirect_dma source(%dma_start3A_137 : memref<10000x128xf32, #tpu.memory_space<hbm>>) target(%arg13 : memref<64x128xf32, #tpu.memory_space<vmem>>) offsets(%arg10 : memref<64xi32, #tpu.memory_space<vmem>>) semaphore(%arg21 : memref<!tpu.dma_semaphore, #tpu.memory_space<semaphore_mem>>)
          %mul3A_138 = arith.constant 8 : i32
          %mul3A_139 = arith.muli %add3A_111, %mul3A_138 : i32
          %dma_start3A_140 = arith.constant 0 : i32
          %dma_start3A_141 = tpu.memref_slice %arg3[%mul3A_139, %dma_start3A_140] : memref<40000x256xf32, #tpu.memory_space<hbm>> -> memref<8x256xf32, #tpu.memory_space<hbm>>
          %dma_start3A_142 = arith.constant 0 : i32
          %dma_start3A_143 = tpu.memref_slice %arg3[%mul3A_139, %dma_start3A_142] : memref<40000x256xf32, #tpu.memory_space<hbm>> -> memref<8x256xf32, #tpu.memory_space<hbm>>
          tpu.enqueue_dma source(%dma_start3A_143 : memref<8x256xf32, #tpu.memory_space<hbm>>) target(%arg14 : memref<8x256xf32, #tpu.memory_space<vmem>>) target_semaphore(%arg22 : memref<!tpu.dma_semaphore, #tpu.memory_space<semaphore_mem>>)
        } else {
        }
      } else {
      }
      %scan3A_80 = arith.constant 0 : i32
      scf.yield %scan3A_80 : i32
    }
    %scan3A_40 = arith.constant 79 : i32
    %dma_wait3A_41 = arith.constant 0 : i32
    %dma_wait3A_42 = arith.constant 0 : i32
    %dma_wait3A_43 = tpu.memref_slice %arg6[%dma_wait3A_41, %dma_wait3A_42] : memref<40000x256xf32, #tpu.memory_space<hbm>> -> memref<8x256xf32, #tpu.memory_space<hbm>>
    %dma_wait3A_44 = arith.constant 0 : i32
    %dma_wait3A_45 = arith.constant 0 : i32
    %dma_wait3A_46 = tpu.memref_slice %arg6[%dma_wait3A_44, %dma_wait3A_45] : memref<40000x256xf32, #tpu.memory_space<hbm>> -> memref<8x256xf32, #tpu.memory_space<hbm>>
    tpu.wait_dma2 semaphore(%arg24 : memref<!tpu.dma_semaphore, #tpu.memory_space<semaphore_mem>>) src(%arg16 : memref<8x256xf32, #tpu.memory_space<vmem>>) dst(%dma_wait3A_46 : memref<8x256xf32, #tpu.memory_space<hbm>>)
    %dma_wait3A_47 = arith.constant 0 : i32
    %dma_wait3A_48 = arith.constant 0 : i32
    %dma_wait3A_49 = tpu.memref_slice %arg6[%dma_wait3A_47, %dma_wait3A_48] : memref<40000x256xf32, #tpu.memory_space<hbm>> -> memref<8x256xf32, #tpu.memory_space<hbm>>
    %dma_wait3A_50 = arith.constant 0 : i32
    %dma_wait3A_51 = arith.constant 0 : i32
    %dma_wait3A_52 = tpu.memref_slice %arg6[%dma_wait3A_50, %dma_wait3A_51] : memref<40000x256xf32, #tpu.memory_space<hbm>> -> memref<8x256xf32, #tpu.memory_space<hbm>>
    tpu.wait_dma2 semaphore(%arg24 : memref<!tpu.dma_semaphore, #tpu.memory_space<semaphore_mem>>) src(%arg16 : memref<8x256xf32, #tpu.memory_space<vmem>>) dst(%dma_wait3A_52 : memref<8x256xf32, #tpu.memory_space<hbm>>)
    %dma_wait3A_53 = arith.constant 0 : i32
    %dma_wait3A_54 = arith.constant 0 : i32
    %dma_wait3A_55 = tpu.memref_slice %arg19[%dma_wait3A_53, %dma_wait3A_54] : memref<10240x128xf32, #tpu.memory_space<vmem_shared>> -> memref<10240x128xf32, #tpu.memory_space<vmem_shared>>
    tpu.wait_indirect_dma semaphore(%arg25 : memref<!tpu.dma_semaphore, #tpu.memory_space<semaphore_mem>>) src(%arg18 : memref<64x128xf32, #tpu.memory_space<vmem>>) dst(%dma_wait3A_55 : memref<10240x128xf32, #tpu.memory_space<vmem_shared>>)
    %barrier3A_56 = arith.constant 0 : index
    tpu.barrier barrier_id(%barrier3A_56)
    %mul3A_57 = arith.constant 640 : i32
    %mul3A_58 = arith.muli %arg1, %mul3A_57 : i32
    "tpu.region"() ({
      %run_scoped3A = tpu.sem_alloc : memref<!tpu.dma_semaphore, #tpu.memory_space<semaphore_mem>>
      %dma_start3A_59 = arith.constant 0 : i32
      %dma_start3A_60 = tpu.memref_slice %arg7[%arg0, %mul3A_58, %dma_start3A_59] : memref<2x10240x128xf32, #tpu.memory_space<hbm>> -> memref<1x640x128xf32, #tpu.memory_space<hbm>>
      %dma_start3A_61 = tpu.memref_squeeze %dma_start3A_60 : memref<1x640x128xf32, #tpu.memory_space<hbm>> -> memref<640x128xf32, #tpu.memory_space<hbm>>
      %dma_start3A_62 = arith.constant 0 : i32
      %dma_start3A_63 = tpu.memref_slice %arg19[%mul3A_58, %dma_start3A_62] : memref<10240x128xf32, #tpu.memory_space<vmem_shared>> -> memref<640x128xf32, #tpu.memory_space<vmem_shared>>
      tpu.enqueue_dma source(%dma_start3A_63 : memref<640x128xf32, #tpu.memory_space<vmem_shared>>) target(%dma_start3A_61 : memref<640x128xf32, #tpu.memory_space<hbm>>) target_semaphore(%run_scoped3A : memref<!tpu.dma_semaphore, #tpu.memory_space<semaphore_mem>>)
      %dma_wait3A_64 = arith.constant 0 : i32
      %dma_wait3A_65 = tpu.memref_slice %arg7[%arg0, %mul3A_58, %dma_wait3A_64] : memref<2x10240x128xf32, #tpu.memory_space<hbm>> -> memref<1x640x128xf32, #tpu.memory_space<hbm>>
      %dma_wait3A_66 = tpu.memref_squeeze %dma_wait3A_65 : memref<1x640x128xf32, #tpu.memory_space<hbm>> -> memref<640x128xf32, #tpu.memory_space<hbm>>
      %dma_wait3A_67 = arith.constant 0 : i32
      %dma_wait3A_68 = tpu.memref_slice %arg19[%mul3A_58, %dma_wait3A_67] : memref<10240x128xf32, #tpu.memory_space<vmem_shared>> -> memref<640x128xf32, #tpu.memory_space<vmem_shared>>
      tpu.wait_dma2 semaphore(%run_scoped3A : memref<!tpu.dma_semaphore, #tpu.memory_space<semaphore_mem>>) src(%dma_wait3A_68 : memref<640x128xf32, #tpu.memory_space<vmem_shared>>) dst(%dma_wait3A_66 : memref<640x128xf32, #tpu.memory_space<hbm>>)
      tpu.yield
    }) : () -> ()
    return
  }
}

#map = affine_map<(d0, d1) -> (0, 0)>
#map1 = affine_map<(d0, d1) -> (0)>
module attributes {stable_mosaic.version = 14 : i64} {
  func.func @sc_layer(%arg0: i32, %arg1: i32, %arg2: memref<10000x128xf32, #tpu.memory_space<hbm>>, %arg3: memref<40000x256xf32, #tpu.memory_space<hbm>>, %arg4: memref<320000xi32, #tpu.memory_space<hbm>>, %arg5: memref<320000xi32, #tpu.memory_space<hbm>>, %arg6: memref<40000x256xf32, #tpu.memory_space<hbm>>, %arg7: memref<64xi32, #tpu.memory_space<vmem>>, %arg8: memref<64xi32, #tpu.memory_space<vmem>>, %arg9: memref<64xi32, #tpu.memory_space<vmem>>, %arg10: memref<64xi32, #tpu.memory_space<vmem>>, %arg11: memref<64x128xf32, #tpu.memory_space<vmem>>, %arg12: memref<64x128xf32, #tpu.memory_space<vmem>>, %arg13: memref<8x256xf32, #tpu.memory_space<vmem>>, %arg14: memref<8x256xf32, #tpu.memory_space<vmem>>, %arg15: memref<8x256xf32, #tpu.memory_space<vmem>>, %arg16: memref<8x256xf32, #tpu.memory_space<vmem>>, %arg17: memref<!tpu.dma_semaphore, #tpu.memory_space<semaphore_mem>>, %arg18: memref<!tpu.dma_semaphore, #tpu.memory_space<semaphore_mem>>, %arg19: memref<!tpu.dma_semaphore, #tpu.memory_space<semaphore_mem>>, %arg20: memref<!tpu.dma_semaphore, #tpu.memory_space<semaphore_mem>>, %arg21: memref<!tpu.dma_semaphore, #tpu.memory_space<semaphore_mem>>) attributes {dimension_semantics = [#tpu.dimension_semantics<core_parallel>, #tpu.dimension_semantics<subcore_parallel>], iteration_bounds = array<i64: 2, 16>, scalar_prefetch = 0 : i64, scratch_operands = 15 : i64, tpu.core_type = #tpu.core_type<sc_vector_subcore>, window_params = [{transform_indices = #map}, {transform_indices = #map}, {transform_indices = #map1}, {transform_indices = #map1}, {transform_indices = #map}]} {
    %mul3A = arith.constant 2 : i32
    %mul3A_0 = arith.muli %arg1, %mul3A : i32
    %add3A = arith.addi %mul3A_0, %arg0 : i32
    %mul3A_1 = arith.constant 64 : i32
    %mul3A_2 = arith.muli %add3A, %mul3A_1 : i32
    %dma_start3A = tpu.memref_slice %arg4[%mul3A_2] : memref<320000xi32, #tpu.memory_space<hbm>> -> memref<64xi32, #tpu.memory_space<hbm>>
    %dma_start3A_3 = tpu.memref_slice %arg4[%mul3A_2] : memref<320000xi32, #tpu.memory_space<hbm>> -> memref<64xi32, #tpu.memory_space<hbm>>
    tpu.enqueue_dma source(%dma_start3A_3 : memref<64xi32, #tpu.memory_space<hbm>>) target(%arg7 : memref<64xi32, #tpu.memory_space<vmem>>) target_semaphore(%arg20 : memref<!tpu.dma_semaphore, #tpu.memory_space<semaphore_mem>>)
    %dma_start3A_4 = tpu.memref_slice %arg5[%mul3A_2] : memref<320000xi32, #tpu.memory_space<hbm>> -> memref<64xi32, #tpu.memory_space<hbm>>
    %dma_start3A_5 = tpu.memref_slice %arg5[%mul3A_2] : memref<320000xi32, #tpu.memory_space<hbm>> -> memref<64xi32, #tpu.memory_space<hbm>>
    tpu.enqueue_dma source(%dma_start3A_5 : memref<64xi32, #tpu.memory_space<hbm>>) target(%arg9 : memref<64xi32, #tpu.memory_space<vmem>>) target_semaphore(%arg20 : memref<!tpu.dma_semaphore, #tpu.memory_space<semaphore_mem>>)
    %dma_wait3A = tpu.memref_slice %arg4[%mul3A_2] : memref<320000xi32, #tpu.memory_space<hbm>> -> memref<64xi32, #tpu.memory_space<hbm>>
    %dma_wait3A_6 = tpu.memref_slice %arg4[%mul3A_2] : memref<320000xi32, #tpu.memory_space<hbm>> -> memref<64xi32, #tpu.memory_space<hbm>>
    tpu.wait_dma2 semaphore(%arg20 : memref<!tpu.dma_semaphore, #tpu.memory_space<semaphore_mem>>) src(%dma_wait3A_6 : memref<64xi32, #tpu.memory_space<hbm>>) dst(%arg7 : memref<64xi32, #tpu.memory_space<vmem>>)
    %dma_wait3A_7 = tpu.memref_slice %arg5[%mul3A_2] : memref<320000xi32, #tpu.memory_space<hbm>> -> memref<64xi32, #tpu.memory_space<hbm>>
    %dma_wait3A_8 = tpu.memref_slice %arg5[%mul3A_2] : memref<320000xi32, #tpu.memory_space<hbm>> -> memref<64xi32, #tpu.memory_space<hbm>>
    tpu.wait_dma2 semaphore(%arg20 : memref<!tpu.dma_semaphore, #tpu.memory_space<semaphore_mem>>) src(%dma_wait3A_8 : memref<64xi32, #tpu.memory_space<hbm>>) dst(%arg9 : memref<64xi32, #tpu.memory_space<vmem>>)
    %dma_start3A_9 = arith.constant 0 : i32
    %dma_start3A_10 = arith.constant 0 : i32
    %dma_start3A_11 = tpu.memref_slice %arg2[%dma_start3A_9, %dma_start3A_10] : memref<10000x128xf32, #tpu.memory_space<hbm>> -> memref<10000x128xf32, #tpu.memory_space<hbm>>
    tpu.enqueue_indirect_dma source(%dma_start3A_11 : memref<10000x128xf32, #tpu.memory_space<hbm>>) target(%arg11 : memref<64x128xf32, #tpu.memory_space<vmem>>) offsets(%arg7 : memref<64xi32, #tpu.memory_space<vmem>>) semaphore(%arg17 : memref<!tpu.dma_semaphore, #tpu.memory_space<semaphore_mem>>)
    %dma_start3A_12 = arith.constant 0 : i32
    %dma_start3A_13 = arith.constant 0 : i32
    %dma_start3A_14 = tpu.memref_slice %arg2[%dma_start3A_12, %dma_start3A_13] : memref<10000x128xf32, #tpu.memory_space<hbm>> -> memref<10000x128xf32, #tpu.memory_space<hbm>>
    tpu.enqueue_indirect_dma source(%dma_start3A_14 : memref<10000x128xf32, #tpu.memory_space<hbm>>) target(%arg12 : memref<64x128xf32, #tpu.memory_space<vmem>>) offsets(%arg9 : memref<64xi32, #tpu.memory_space<vmem>>) semaphore(%arg18 : memref<!tpu.dma_semaphore, #tpu.memory_space<semaphore_mem>>)
    %mul3A_15 = arith.constant 8 : i32
    %mul3A_16 = arith.muli %add3A, %mul3A_15 : i32
    %dma_start3A_17 = arith.constant 0 : i32
    %dma_start3A_18 = tpu.memref_slice %arg3[%mul3A_16, %dma_start3A_17] : memref<40000x256xf32, #tpu.memory_space<hbm>> -> memref<8x256xf32, #tpu.memory_space<hbm>>
    %dma_start3A_19 = arith.constant 0 : i32
    %dma_start3A_20 = tpu.memref_slice %arg3[%mul3A_16, %dma_start3A_19] : memref<40000x256xf32, #tpu.memory_space<hbm>> -> memref<8x256xf32, #tpu.memory_space<hbm>>
    tpu.enqueue_dma source(%dma_start3A_20 : memref<8x256xf32, #tpu.memory_space<hbm>>) target(%arg13 : memref<8x256xf32, #tpu.memory_space<vmem>>) target_semaphore(%arg19 : memref<!tpu.dma_semaphore, #tpu.memory_space<semaphore_mem>>)
    %scan3A = arith.constant 0 : i32
    %scan3A_21 = arith.constant 0 : i32
    %scan3A_22 = arith.constant 79 : i32
    %scan3A_23 = arith.addi %scan3A_21, %scan3A_22 : i32
    %scan3A_24 = arith.constant 1 : i32
    %scan3A_25 = scf.for %scan3A_39 = %scan3A_21 to %scan3A_23 step %scan3A_24 iter_args(%scan3A_40 = %scan3A) -> (i32)  : i32 {
      %mul3A_41 = arith.constant 2 : i32
      %mul3A_42 = arith.muli %mul3A_41, %scan3A_39 : i32
      %mul3A_43 = arith.constant 32 : i32
      %mul3A_44 = arith.muli %mul3A_42, %mul3A_43 : i32
      %add3A_45 = arith.addi %mul3A_44, %add3A : i32
      %lt3A = arith.constant 5000 : i32
      %lt3A_46 = arith.cmpi slt, %add3A_45, %lt3A : i32
      %convert_element_type3A = arith.extui %lt3A_46 : i1 to i32
      %cond3A = arith.constant 0 : i32
      %cond3A_47 = arith.cmpi ne, %convert_element_type3A, %cond3A : i32
      scf.if %cond3A_47 {
        %mul3A_61 = arith.constant 64 : i32
        %mul3A_62 = arith.muli %add3A_45, %mul3A_61 : i32
        %dma_wait3A_63 = arith.constant 0 : i32
        %dma_wait3A_64 = arith.constant 0 : i32
        %dma_wait3A_65 = tpu.memref_slice %arg2[%dma_wait3A_63, %dma_wait3A_64] : memref<10000x128xf32, #tpu.memory_space<hbm>> -> memref<10000x128xf32, #tpu.memory_space<hbm>>
        tpu.wait_indirect_dma semaphore(%arg17 : memref<!tpu.dma_semaphore, #tpu.memory_space<semaphore_mem>>) src(%dma_wait3A_65 : memref<10000x128xf32, #tpu.memory_space<hbm>>) dst(%arg11 : memref<64x128xf32, #tpu.memory_space<vmem>>)
        %dma_wait3A_66 = arith.constant 0 : i32
        %dma_wait3A_67 = arith.constant 0 : i32
        %dma_wait3A_68 = tpu.memref_slice %arg2[%dma_wait3A_66, %dma_wait3A_67] : memref<10000x128xf32, #tpu.memory_space<hbm>> -> memref<10000x128xf32, #tpu.memory_space<hbm>>
        tpu.wait_indirect_dma semaphore(%arg18 : memref<!tpu.dma_semaphore, #tpu.memory_space<semaphore_mem>>) src(%dma_wait3A_68 : memref<10000x128xf32, #tpu.memory_space<hbm>>) dst(%arg12 : memref<64x128xf32, #tpu.memory_space<vmem>>)
        %dma_wait3A_69 = arith.constant 0 : i32
        %dma_wait3A_70 = arith.constant 0 : i32
        %dma_wait3A_71 = tpu.memref_slice %arg3[%dma_wait3A_69, %dma_wait3A_70] : memref<40000x256xf32, #tpu.memory_space<hbm>> -> memref<8x256xf32, #tpu.memory_space<hbm>>
        %dma_wait3A_72 = arith.constant 0 : i32
        %dma_wait3A_73 = arith.constant 0 : i32
        %dma_wait3A_74 = tpu.memref_slice %arg3[%dma_wait3A_72, %dma_wait3A_73] : memref<40000x256xf32, #tpu.memory_space<hbm>> -> memref<8x256xf32, #tpu.memory_space<hbm>>
        tpu.wait_dma2 semaphore(%arg19 : memref<!tpu.dma_semaphore, #tpu.memory_space<semaphore_mem>>) src(%dma_wait3A_74 : memref<8x256xf32, #tpu.memory_space<hbm>>) dst(%arg13 : memref<8x256xf32, #tpu.memory_space<vmem>>)
        %parallel_loop3A = arith.constant 0 : i32
        %parallel_loop3A_75 = arith.constant 64 : i32
        %parallel_loop3A_76 = arith.constant 1 : i32
        scf.for %parallel_loop3A_90 = %parallel_loop3A to %parallel_loop3A_75 step %parallel_loop3A_76  : i32 {
          %parallel_loop3A_91 = arith.constant 8 : i32
          %parallel_loop3A_92 = arith.divsi %parallel_loop3A_90, %parallel_loop3A_91 : i32
          %parallel_loop3A_93 = arith.constant 0 : i32
          %parallel_loop3A_94 = arith.cmpi sgt, %parallel_loop3A_90, %parallel_loop3A_93 : i32
          %parallel_loop3A_95 = arith.extui %parallel_loop3A_94 : i1 to i32
          %parallel_loop3A_96 = arith.constant 0 : i32
          %parallel_loop3A_97 = arith.cmpi slt, %parallel_loop3A_90, %parallel_loop3A_96 : i32
          %parallel_loop3A_98 = arith.extui %parallel_loop3A_97 : i1 to i32
          %parallel_loop3A_99 = arith.subi %parallel_loop3A_95, %parallel_loop3A_98 : i32
          %parallel_loop3A_100 = arith.constant 0 : i32
          %parallel_loop3A_101 = arith.cmpi sgt, %parallel_loop3A_91, %parallel_loop3A_100 : i32
          %parallel_loop3A_102 = arith.extui %parallel_loop3A_101 : i1 to i32
          %parallel_loop3A_103 = arith.constant 0 : i32
          %parallel_loop3A_104 = arith.cmpi slt, %parallel_loop3A_91, %parallel_loop3A_103 : i32
          %parallel_loop3A_105 = arith.extui %parallel_loop3A_104 : i1 to i32
          %parallel_loop3A_106 = arith.subi %parallel_loop3A_102, %parallel_loop3A_105 : i32
          %parallel_loop3A_107 = arith.cmpi ne, %parallel_loop3A_99, %parallel_loop3A_106 : i32
          %parallel_loop3A_108 = arith.remsi %parallel_loop3A_90, %parallel_loop3A_91 : i32
          %parallel_loop3A_109 = arith.constant 0 : i32
          %parallel_loop3A_110 = arith.cmpi ne, %parallel_loop3A_108, %parallel_loop3A_109 : i32
          %parallel_loop3A_111 = arith.andi %parallel_loop3A_107, %parallel_loop3A_110 : i1
          %parallel_loop3A_112 = arith.constant 1 : i32
          %parallel_loop3A_113 = arith.subi %parallel_loop3A_92, %parallel_loop3A_112 : i32
          %parallel_loop3A_114 = arith.select %parallel_loop3A_111, %parallel_loop3A_113, %parallel_loop3A_92 : i32
          %parallel_loop3A_115 = arith.constant 8 : i32
          %parallel_loop3A_116 = arith.constant 0 : i32
          %parallel_loop3A_117 = arith.cmpi eq, %parallel_loop3A_115, %parallel_loop3A_116 : i32
          %parallel_loop3A_118 = arith.constant 1 : i32
          %parallel_loop3A_119 = arith.select %parallel_loop3A_117, %parallel_loop3A_118, %parallel_loop3A_115 : i32
          %parallel_loop3A_120 = arith.remsi %parallel_loop3A_90, %parallel_loop3A_119 : i32
          %parallel_loop3A_121 = arith.constant 0 : i32
          %parallel_loop3A_122 = arith.cmpi ne, %parallel_loop3A_120, %parallel_loop3A_121 : i32
          %parallel_loop3A_123 = arith.constant 0 : i32
          %parallel_loop3A_124 = arith.cmpi slt, %parallel_loop3A_120, %parallel_loop3A_123 : i32
          %parallel_loop3A_125 = arith.constant 0 : i32
          %parallel_loop3A_126 = arith.cmpi slt, %parallel_loop3A_119, %parallel_loop3A_125 : i32
          %parallel_loop3A_127 = arith.xori %parallel_loop3A_124, %parallel_loop3A_126 : i1
          %parallel_loop3A_128 = arith.andi %parallel_loop3A_127, %parallel_loop3A_122 : i1
          %parallel_loop3A_129 = arith.addi %parallel_loop3A_120, %parallel_loop3A_119 : i32
          %parallel_loop3A_130 = arith.select %parallel_loop3A_128, %parallel_loop3A_129, %parallel_loop3A_120 : i32
          %parallel_loop3A_131 = arith.constant 32 : i32
          %parallel_loop3A_132 = arith.muli %parallel_loop3A_130, %parallel_loop3A_131 : i32
          %parallel_loop3A_133 = arith.constant 0 : i32
          %parallel_loop3A_134 = arith.addi %parallel_loop3A_132, %parallel_loop3A_133 : i32
          %parallel_loop3A_135 = tpu.assume_multiple %parallel_loop3A_134, 16 : i32
          %parallel_loop3A_136 = arith.index_cast %parallel_loop3A_114 : i32 to index
          %parallel_loop3A_137 = arith.index_cast %parallel_loop3A_135 : i32 to index
          %parallel_loop3A_138 = tpu.vector_load %arg13[%parallel_loop3A_136, %parallel_loop3A_137] {strides = array<i32>} : memref<8x256xf32, #tpu.memory_space<vmem>>, vector<1x16xf32>,
          %parallel_loop3A_139 = vector.shape_cast %parallel_loop3A_138 : vector<1x16xf32> to vector<16xf32>
          %parallel_loop3A_140 = arith.index_cast %parallel_loop3A_90 : i32 to index
          %parallel_loop3A_141 = arith.constant 0 : index
          %parallel_loop3A_142 = tpu.vector_load %arg11[%parallel_loop3A_140, %parallel_loop3A_141] {strides = array<i32>} : memref<64x128xf32, #tpu.memory_space<vmem>>, vector<1x16xf32>,
          %parallel_loop3A_143 = vector.shape_cast %parallel_loop3A_142 : vector<1x16xf32> to vector<16xf32>
          %parallel_loop3A_144 = arith.index_cast %parallel_loop3A_90 : i32 to index
          %parallel_loop3A_145 = arith.constant 32 : index
          %parallel_loop3A_146 = tpu.vector_load %arg12[%parallel_loop3A_144, %parallel_loop3A_145] {strides = array<i32>} : memref<64x128xf32, #tpu.memory_space<vmem>>, vector<1x16xf32>,
          %parallel_loop3A_147 = vector.shape_cast %parallel_loop3A_146 : vector<1x16xf32> to vector<16xf32>
          %parallel_loop3A_148 = arith.addf %parallel_loop3A_143, %parallel_loop3A_147 : vector<16xf32>
          %parallel_loop3A_149 = arith.addf %parallel_loop3A_148, %parallel_loop3A_139 : vector<16xf32>
          %parallel_loop3A_150 = arith.constant 0.000000e+00 : f32
          %parallel_loop3A_151 = vector.broadcast %parallel_loop3A_150 : f32 to vector<16xf32>
          %parallel_loop3A_152 = arith.maximumf %parallel_loop3A_149, %parallel_loop3A_151 : vector<16xf32>
          %parallel_loop3A_153 = arith.constant 0 : i32
          %parallel_loop3A_154 = arith.addi %parallel_loop3A_132, %parallel_loop3A_153 : i32
          %parallel_loop3A_155 = tpu.assume_multiple %parallel_loop3A_154, 16 : i32
          %parallel_loop3A_156 = arith.index_cast %parallel_loop3A_114 : i32 to index
          %parallel_loop3A_157 = arith.index_cast %parallel_loop3A_155 : i32 to index
          %parallel_loop3A_158 = tpu.vector_load %arg15[%parallel_loop3A_156, %parallel_loop3A_157] {strides = array<i32>} : memref<8x256xf32, #tpu.memory_space<vmem>>, vector<1x16xf32>,
          %parallel_loop3A_159 = vector.shape_cast %parallel_loop3A_158 : vector<1x16xf32> to vector<16xf32>
          %parallel_loop3A_160 = vector.shape_cast %parallel_loop3A_152 : vector<16xf32> to vector<1x16xf32>
          tpu.vector_store %arg15[%parallel_loop3A_156, %parallel_loop3A_157], %parallel_loop3A_160 {strides = array<i32>} : memref<8x256xf32, #tpu.memory_space<vmem>>, vector<1x16xf32>,
          %parallel_loop3A_161 = arith.constant 16 : i32
          %parallel_loop3A_162 = arith.addi %parallel_loop3A_132, %parallel_loop3A_161 : i32
          %parallel_loop3A_163 = tpu.assume_multiple %parallel_loop3A_162, 16 : i32
          %parallel_loop3A_164 = arith.index_cast %parallel_loop3A_114 : i32 to index
          %parallel_loop3A_165 = arith.index_cast %parallel_loop3A_163 : i32 to index
          %parallel_loop3A_166 = tpu.vector_load %arg13[%parallel_loop3A_164, %parallel_loop3A_165] {strides = array<i32>} : memref<8x256xf32, #tpu.memory_space<vmem>>, vector<1x16xf32>,
          %parallel_loop3A_167 = vector.shape_cast %parallel_loop3A_166 : vector<1x16xf32> to vector<16xf32>
          %parallel_loop3A_168 = arith.index_cast %parallel_loop3A_90 : i32 to index
          %parallel_loop3A_169 = arith.constant 16 : index
          %parallel_loop3A_170 = tpu.vector_load %arg11[%parallel_loop3A_168, %parallel_loop3A_169] {strides = array<i32>} : memref<64x128xf32, #tpu.memory_space<vmem>>, vector<1x16xf32>,
          %parallel_loop3A_171 = vector.shape_cast %parallel_loop3A_170 : vector<1x16xf32> to vector<16xf32>
          %parallel_loop3A_172 = arith.index_cast %parallel_loop3A_90 : i32 to index
          %parallel_loop3A_173 = arith.constant 48 : index
          %parallel_loop3A_174 = tpu.vector_load %arg12[%parallel_loop3A_172, %parallel_loop3A_173] {strides = array<i32>} : memref<64x128xf32, #tpu.memory_space<vmem>>, vector<1x16xf32>,
          %parallel_loop3A_175 = vector.shape_cast %parallel_loop3A_174 : vector<1x16xf32> to vector<16xf32>
          %parallel_loop3A_176 = arith.addf %parallel_loop3A_171, %parallel_loop3A_175 : vector<16xf32>
          %parallel_loop3A_177 = arith.addf %parallel_loop3A_176, %parallel_loop3A_167 : vector<16xf32>
          %parallel_loop3A_178 = arith.constant 0.000000e+00 : f32
          %parallel_loop3A_179 = vector.broadcast %parallel_loop3A_178 : f32 to vector<16xf32>
          %parallel_loop3A_180 = arith.maximumf %parallel_loop3A_177, %parallel_loop3A_179 : vector<16xf32>
          %parallel_loop3A_181 = arith.constant 16 : i32
          %parallel_loop3A_182 = arith.addi %parallel_loop3A_132, %parallel_loop3A_181 : i32
          %parallel_loop3A_183 = tpu.assume_multiple %parallel_loop3A_182, 16 : i32
          %parallel_loop3A_184 = arith.index_cast %parallel_loop3A_114 : i32 to index
          %parallel_loop3A_185 = arith.index_cast %parallel_loop3A_183 : i32 to index
          %parallel_loop3A_186 = tpu.vector_load %arg15[%parallel_loop3A_184, %parallel_loop3A_185] {strides = array<i32>} : memref<8x256xf32, #tpu.memory_space<vmem>>, vector<1x16xf32>,
          %parallel_loop3A_187 = vector.shape_cast %parallel_loop3A_186 : vector<1x16xf32> to vector<16xf32>
          %parallel_loop3A_188 = vector.shape_cast %parallel_loop3A_180 : vector<16xf32> to vector<1x16xf32>
          tpu.vector_store %arg15[%parallel_loop3A_184, %parallel_loop3A_185], %parallel_loop3A_188 {strides = array<i32>} : memref<8x256xf32, #tpu.memory_space<vmem>>, vector<1x16xf32>,
        } {sc.loop_unroll_factor = 8 : i64, sc.parallel_access}
        %mul3A_77 = arith.constant 8 : i32
        %mul3A_78 = arith.muli %add3A_45, %mul3A_77 : i32
        %dma_start3A_79 = arith.constant 0 : i32
        %dma_start3A_80 = tpu.memref_slice %arg6[%mul3A_78, %dma_start3A_79] : memref<40000x256xf32, #tpu.memory_space<hbm>> -> memref<8x256xf32, #tpu.memory_space<hbm>>
        %dma_start3A_81 = arith.constant 0 : i32
        %dma_start3A_82 = tpu.memref_slice %arg6[%mul3A_78, %dma_start3A_81] : memref<40000x256xf32, #tpu.memory_space<hbm>> -> memref<8x256xf32, #tpu.memory_space<hbm>>
        tpu.enqueue_dma source(%arg15 : memref<8x256xf32, #tpu.memory_space<vmem>>) target(%dma_start3A_82 : memref<8x256xf32, #tpu.memory_space<hbm>>) target_semaphore(%arg21 : memref<!tpu.dma_semaphore, #tpu.memory_space<semaphore_mem>>)
        %add3A_83 = arith.constant 32 : i32
        %add3A_84 = arith.addi %add3A_45, %add3A_83 : i32
        %lt3A_85 = arith.constant 5000 : i32
        %lt3A_86 = arith.cmpi slt, %add3A_84, %lt3A_85 : i32
        %convert_element_type3A_87 = arith.extui %lt3A_86 : i1 to i32
        %cond3A_88 = arith.constant 0 : i32
        %cond3A_89 = arith.cmpi ne, %convert_element_type3A_87, %cond3A_88 : i32
        scf.if %cond3A_89 {
          %gt3A = arith.constant 0 : i32
          %gt3A_90 = arith.cmpi sgt, %mul3A_42, %gt3A : i32
          %convert_element_type3A_91 = arith.extui %gt3A_90 : i1 to i32
          %cond3A_92 = arith.constant 0 : i32
          %cond3A_93 = arith.cmpi ne, %convert_element_type3A_91, %cond3A_92 : i32
          scf.if %cond3A_93 {
            %dma_wait3A_116 = arith.constant 0 : i32
            %dma_wait3A_117 = arith.constant 0 : i32
            %dma_wait3A_118 = tpu.memref_slice %arg6[%dma_wait3A_116, %dma_wait3A_117] : memref<40000x256xf32, #tpu.memory_space<hbm>> -> memref<8x256xf32, #tpu.memory_space<hbm>>
            %dma_wait3A_119 = arith.constant 0 : i32
            %dma_wait3A_120 = arith.constant 0 : i32
            %dma_wait3A_121 = tpu.memref_slice %arg6[%dma_wait3A_119, %dma_wait3A_120] : memref<40000x256xf32, #tpu.memory_space<hbm>> -> memref<8x256xf32, #tpu.memory_space<hbm>>
            tpu.wait_dma2 semaphore(%arg21 : memref<!tpu.dma_semaphore, #tpu.memory_space<semaphore_mem>>) src(%arg16 : memref<8x256xf32, #tpu.memory_space<vmem>>) dst(%dma_wait3A_121 : memref<8x256xf32, #tpu.memory_space<hbm>>)
          } else {
          }
          %mul3A_94 = arith.constant 64 : i32
          %mul3A_95 = arith.muli %add3A_84, %mul3A_94 : i32
          %dma_start3A_96 = tpu.memref_slice %arg4[%mul3A_95] : memref<320000xi32, #tpu.memory_space<hbm>> -> memref<64xi32, #tpu.memory_space<hbm>>
          %dma_start3A_97 = tpu.memref_slice %arg4[%mul3A_95] : memref<320000xi32, #tpu.memory_space<hbm>> -> memref<64xi32, #tpu.memory_space<hbm>>
          tpu.enqueue_dma source(%dma_start3A_97 : memref<64xi32, #tpu.memory_space<hbm>>) target(%arg8 : memref<64xi32, #tpu.memory_space<vmem>>) target_semaphore(%arg20 : memref<!tpu.dma_semaphore, #tpu.memory_space<semaphore_mem>>)
          %dma_start3A_98 = tpu.memref_slice %arg5[%mul3A_95] : memref<320000xi32, #tpu.memory_space<hbm>> -> memref<64xi32, #tpu.memory_space<hbm>>
          %dma_start3A_99 = tpu.memref_slice %arg5[%mul3A_95] : memref<320000xi32, #tpu.memory_space<hbm>> -> memref<64xi32, #tpu.memory_space<hbm>>
          tpu.enqueue_dma source(%dma_start3A_99 : memref<64xi32, #tpu.memory_space<hbm>>) target(%arg10 : memref<64xi32, #tpu.memory_space<vmem>>) target_semaphore(%arg20 : memref<!tpu.dma_semaphore, #tpu.memory_space<semaphore_mem>>)
          %dma_wait3A_100 = tpu.memref_slice %arg4[%mul3A_95] : memref<320000xi32, #tpu.memory_space<hbm>> -> memref<64xi32, #tpu.memory_space<hbm>>
          %dma_wait3A_101 = tpu.memref_slice %arg4[%mul3A_95] : memref<320000xi32, #tpu.memory_space<hbm>> -> memref<64xi32, #tpu.memory_space<hbm>>
          tpu.wait_dma2 semaphore(%arg20 : memref<!tpu.dma_semaphore, #tpu.memory_space<semaphore_mem>>) src(%dma_wait3A_101 : memref<64xi32, #tpu.memory_space<hbm>>) dst(%arg8 : memref<64xi32, #tpu.memory_space<vmem>>)
          %dma_wait3A_102 = tpu.memref_slice %arg5[%mul3A_95] : memref<320000xi32, #tpu.memory_space<hbm>> -> memref<64xi32, #tpu.memory_space<hbm>>
          %dma_wait3A_103 = tpu.memref_slice %arg5[%mul3A_95] : memref<320000xi32, #tpu.memory_space<hbm>> -> memref<64xi32, #tpu.memory_space<hbm>>
          tpu.wait_dma2 semaphore(%arg20 : memref<!tpu.dma_semaphore, #tpu.memory_space<semaphore_mem>>) src(%dma_wait3A_103 : memref<64xi32, #tpu.memory_space<hbm>>) dst(%arg10 : memref<64xi32, #tpu.memory_space<vmem>>)
          %dma_start3A_104 = arith.constant 0 : i32
          %dma_start3A_105 = arith.constant 0 : i32
          %dma_start3A_106 = tpu.memref_slice %arg2[%dma_start3A_104, %dma_start3A_105] : memref<10000x128xf32, #tpu.memory_space<hbm>> -> memref<10000x128xf32, #tpu.memory_space<hbm>>
          tpu.enqueue_indirect_dma source(%dma_start3A_106 : memref<10000x128xf32, #tpu.memory_space<hbm>>) target(%arg11 : memref<64x128xf32, #tpu.memory_space<vmem>>) offsets(%arg8 : memref<64xi32, #tpu.memory_space<vmem>>) semaphore(%arg17 : memref<!tpu.dma_semaphore, #tpu.memory_space<semaphore_mem>>)
          %dma_start3A_107 = arith.constant 0 : i32
          %dma_start3A_108 = arith.constant 0 : i32
          %dma_start3A_109 = tpu.memref_slice %arg2[%dma_start3A_107, %dma_start3A_108] : memref<10000x128xf32, #tpu.memory_space<hbm>> -> memref<10000x128xf32, #tpu.memory_space<hbm>>
          tpu.enqueue_indirect_dma source(%dma_start3A_109 : memref<10000x128xf32, #tpu.memory_space<hbm>>) target(%arg12 : memref<64x128xf32, #tpu.memory_space<vmem>>) offsets(%arg10 : memref<64xi32, #tpu.memory_space<vmem>>) semaphore(%arg18 : memref<!tpu.dma_semaphore, #tpu.memory_space<semaphore_mem>>)
          %mul3A_110 = arith.constant 8 : i32
          %mul3A_111 = arith.muli %add3A_84, %mul3A_110 : i32
          %dma_start3A_112 = arith.constant 0 : i32
          %dma_start3A_113 = tpu.memref_slice %arg3[%mul3A_111, %dma_start3A_112] : memref<40000x256xf32, #tpu.memory_space<hbm>> -> memref<8x256xf32, #tpu.memory_space<hbm>>
          %dma_start3A_114 = arith.constant 0 : i32
          %dma_start3A_115 = tpu.memref_slice %arg3[%mul3A_111, %dma_start3A_114] : memref<40000x256xf32, #tpu.memory_space<hbm>> -> memref<8x256xf32, #tpu.memory_space<hbm>>
          tpu.enqueue_dma source(%dma_start3A_115 : memref<8x256xf32, #tpu.memory_space<hbm>>) target(%arg14 : memref<8x256xf32, #tpu.memory_space<vmem>>) target_semaphore(%arg19 : memref<!tpu.dma_semaphore, #tpu.memory_space<semaphore_mem>>)
        } else {
        }
      } else {
      }
      %mul3A_48 = arith.constant 2 : i32
      %mul3A_49 = arith.muli %mul3A_48, %scan3A_39 : i32
      %add3A_50 = arith.constant 1 : i32
      %add3A_51 = arith.addi %mul3A_49, %add3A_50 : i32
      %mul3A_52 = arith.constant 32 : i32
      %mul3A_53 = arith.muli %add3A_51, %mul3A_52 : i32
      %add3A_54 = arith.addi %mul3A_53, %add3A : i32
      %lt3A_55 = arith.constant 5000 : i32
      %lt3A_56 = arith.cmpi slt, %add3A_54, %lt3A_55 : i32
      %convert_element_type3A_57 = arith.extui %lt3A_56 : i1 to i32
      %cond3A_58 = arith.constant 0 : i32
      %cond3A_59 = arith.cmpi ne, %convert_element_type3A_57, %cond3A_58 : i32
      scf.if %cond3A_59 {
        %mul3A_61 = arith.constant 64 : i32
        %mul3A_62 = arith.muli %add3A_54, %mul3A_61 : i32
        %dma_wait3A_63 = arith.constant 0 : i32
        %dma_wait3A_64 = arith.constant 0 : i32
        %dma_wait3A_65 = tpu.memref_slice %arg2[%dma_wait3A_63, %dma_wait3A_64] : memref<10000x128xf32, #tpu.memory_space<hbm>> -> memref<10000x128xf32, #tpu.memory_space<hbm>>
        tpu.wait_indirect_dma semaphore(%arg17 : memref<!tpu.dma_semaphore, #tpu.memory_space<semaphore_mem>>) src(%dma_wait3A_65 : memref<10000x128xf32, #tpu.memory_space<hbm>>) dst(%arg11 : memref<64x128xf32, #tpu.memory_space<vmem>>)
        %dma_wait3A_66 = arith.constant 0 : i32
        %dma_wait3A_67 = arith.constant 0 : i32
        %dma_wait3A_68 = tpu.memref_slice %arg2[%dma_wait3A_66, %dma_wait3A_67] : memref<10000x128xf32, #tpu.memory_space<hbm>> -> memref<10000x128xf32, #tpu.memory_space<hbm>>
        tpu.wait_indirect_dma semaphore(%arg18 : memref<!tpu.dma_semaphore, #tpu.memory_space<semaphore_mem>>) src(%dma_wait3A_68 : memref<10000x128xf32, #tpu.memory_space<hbm>>) dst(%arg12 : memref<64x128xf32, #tpu.memory_space<vmem>>)
        %dma_wait3A_69 = arith.constant 0 : i32
        %dma_wait3A_70 = arith.constant 0 : i32
        %dma_wait3A_71 = tpu.memref_slice %arg3[%dma_wait3A_69, %dma_wait3A_70] : memref<40000x256xf32, #tpu.memory_space<hbm>> -> memref<8x256xf32, #tpu.memory_space<hbm>>
        %dma_wait3A_72 = arith.constant 0 : i32
        %dma_wait3A_73 = arith.constant 0 : i32
        %dma_wait3A_74 = tpu.memref_slice %arg3[%dma_wait3A_72, %dma_wait3A_73] : memref<40000x256xf32, #tpu.memory_space<hbm>> -> memref<8x256xf32, #tpu.memory_space<hbm>>
        tpu.wait_dma2 semaphore(%arg19 : memref<!tpu.dma_semaphore, #tpu.memory_space<semaphore_mem>>) src(%dma_wait3A_74 : memref<8x256xf32, #tpu.memory_space<hbm>>) dst(%arg14 : memref<8x256xf32, #tpu.memory_space<vmem>>)
        %parallel_loop3A = arith.constant 0 : i32
        %parallel_loop3A_75 = arith.constant 64 : i32
        %parallel_loop3A_76 = arith.constant 1 : i32
        scf.for %parallel_loop3A_90 = %parallel_loop3A to %parallel_loop3A_75 step %parallel_loop3A_76  : i32 {
          %parallel_loop3A_91 = arith.constant 8 : i32
          %parallel_loop3A_92 = arith.divsi %parallel_loop3A_90, %parallel_loop3A_91 : i32
          %parallel_loop3A_93 = arith.constant 0 : i32
          %parallel_loop3A_94 = arith.cmpi sgt, %parallel_loop3A_90, %parallel_loop3A_93 : i32
          %parallel_loop3A_95 = arith.extui %parallel_loop3A_94 : i1 to i32
          %parallel_loop3A_96 = arith.constant 0 : i32
          %parallel_loop3A_97 = arith.cmpi slt, %parallel_loop3A_90, %parallel_loop3A_96 : i32
          %parallel_loop3A_98 = arith.extui %parallel_loop3A_97 : i1 to i32
          %parallel_loop3A_99 = arith.subi %parallel_loop3A_95, %parallel_loop3A_98 : i32
          %parallel_loop3A_100 = arith.constant 0 : i32
          %parallel_loop3A_101 = arith.cmpi sgt, %parallel_loop3A_91, %parallel_loop3A_100 : i32
          %parallel_loop3A_102 = arith.extui %parallel_loop3A_101 : i1 to i32
          %parallel_loop3A_103 = arith.constant 0 : i32
          %parallel_loop3A_104 = arith.cmpi slt, %parallel_loop3A_91, %parallel_loop3A_103 : i32
          %parallel_loop3A_105 = arith.extui %parallel_loop3A_104 : i1 to i32
          %parallel_loop3A_106 = arith.subi %parallel_loop3A_102, %parallel_loop3A_105 : i32
          %parallel_loop3A_107 = arith.cmpi ne, %parallel_loop3A_99, %parallel_loop3A_106 : i32
          %parallel_loop3A_108 = arith.remsi %parallel_loop3A_90, %parallel_loop3A_91 : i32
          %parallel_loop3A_109 = arith.constant 0 : i32
          %parallel_loop3A_110 = arith.cmpi ne, %parallel_loop3A_108, %parallel_loop3A_109 : i32
          %parallel_loop3A_111 = arith.andi %parallel_loop3A_107, %parallel_loop3A_110 : i1
          %parallel_loop3A_112 = arith.constant 1 : i32
          %parallel_loop3A_113 = arith.subi %parallel_loop3A_92, %parallel_loop3A_112 : i32
          %parallel_loop3A_114 = arith.select %parallel_loop3A_111, %parallel_loop3A_113, %parallel_loop3A_92 : i32
          %parallel_loop3A_115 = arith.constant 8 : i32
          %parallel_loop3A_116 = arith.constant 0 : i32
          %parallel_loop3A_117 = arith.cmpi eq, %parallel_loop3A_115, %parallel_loop3A_116 : i32
          %parallel_loop3A_118 = arith.constant 1 : i32
          %parallel_loop3A_119 = arith.select %parallel_loop3A_117, %parallel_loop3A_118, %parallel_loop3A_115 : i32
          %parallel_loop3A_120 = arith.remsi %parallel_loop3A_90, %parallel_loop3A_119 : i32
          %parallel_loop3A_121 = arith.constant 0 : i32
          %parallel_loop3A_122 = arith.cmpi ne, %parallel_loop3A_120, %parallel_loop3A_121 : i32
          %parallel_loop3A_123 = arith.constant 0 : i32
          %parallel_loop3A_124 = arith.cmpi slt, %parallel_loop3A_120, %parallel_loop3A_123 : i32
          %parallel_loop3A_125 = arith.constant 0 : i32
          %parallel_loop3A_126 = arith.cmpi slt, %parallel_loop3A_119, %parallel_loop3A_125 : i32
          %parallel_loop3A_127 = arith.xori %parallel_loop3A_124, %parallel_loop3A_126 : i1
          %parallel_loop3A_128 = arith.andi %parallel_loop3A_127, %parallel_loop3A_122 : i1
          %parallel_loop3A_129 = arith.addi %parallel_loop3A_120, %parallel_loop3A_119 : i32
          %parallel_loop3A_130 = arith.select %parallel_loop3A_128, %parallel_loop3A_129, %parallel_loop3A_120 : i32
          %parallel_loop3A_131 = arith.constant 32 : i32
          %parallel_loop3A_132 = arith.muli %parallel_loop3A_130, %parallel_loop3A_131 : i32
          %parallel_loop3A_133 = arith.constant 0 : i32
          %parallel_loop3A_134 = arith.addi %parallel_loop3A_132, %parallel_loop3A_133 : i32
          %parallel_loop3A_135 = tpu.assume_multiple %parallel_loop3A_134, 16 : i32
          %parallel_loop3A_136 = arith.index_cast %parallel_loop3A_114 : i32 to index
          %parallel_loop3A_137 = arith.index_cast %parallel_loop3A_135 : i32 to index
          %parallel_loop3A_138 = tpu.vector_load %arg14[%parallel_loop3A_136, %parallel_loop3A_137] {strides = array<i32>} : memref<8x256xf32, #tpu.memory_space<vmem>>, vector<1x16xf32>,
          %parallel_loop3A_139 = vector.shape_cast %parallel_loop3A_138 : vector<1x16xf32> to vector<16xf32>
          %parallel_loop3A_140 = arith.index_cast %parallel_loop3A_90 : i32 to index
          %parallel_loop3A_141 = arith.constant 0 : index
          %parallel_loop3A_142 = tpu.vector_load %arg11[%parallel_loop3A_140, %parallel_loop3A_141] {strides = array<i32>} : memref<64x128xf32, #tpu.memory_space<vmem>>, vector<1x16xf32>,
          %parallel_loop3A_143 = vector.shape_cast %parallel_loop3A_142 : vector<1x16xf32> to vector<16xf32>
          %parallel_loop3A_144 = arith.index_cast %parallel_loop3A_90 : i32 to index
          %parallel_loop3A_145 = arith.constant 32 : index
          %parallel_loop3A_146 = tpu.vector_load %arg12[%parallel_loop3A_144, %parallel_loop3A_145] {strides = array<i32>} : memref<64x128xf32, #tpu.memory_space<vmem>>, vector<1x16xf32>,
          %parallel_loop3A_147 = vector.shape_cast %parallel_loop3A_146 : vector<1x16xf32> to vector<16xf32>
          %parallel_loop3A_148 = arith.addf %parallel_loop3A_143, %parallel_loop3A_147 : vector<16xf32>
          %parallel_loop3A_149 = arith.addf %parallel_loop3A_148, %parallel_loop3A_139 : vector<16xf32>
          %parallel_loop3A_150 = arith.constant 0.000000e+00 : f32
          %parallel_loop3A_151 = vector.broadcast %parallel_loop3A_150 : f32 to vector<16xf32>
          %parallel_loop3A_152 = arith.maximumf %parallel_loop3A_149, %parallel_loop3A_151 : vector<16xf32>
          %parallel_loop3A_153 = arith.constant 0 : i32
          %parallel_loop3A_154 = arith.addi %parallel_loop3A_132, %parallel_loop3A_153 : i32
          %parallel_loop3A_155 = tpu.assume_multiple %parallel_loop3A_154, 16 : i32
          %parallel_loop3A_156 = arith.index_cast %parallel_loop3A_114 : i32 to index
          %parallel_loop3A_157 = arith.index_cast %parallel_loop3A_155 : i32 to index
          %parallel_loop3A_158 = tpu.vector_load %arg16[%parallel_loop3A_156, %parallel_loop3A_157] {strides = array<i32>} : memref<8x256xf32, #tpu.memory_space<vmem>>, vector<1x16xf32>,
          %parallel_loop3A_159 = vector.shape_cast %parallel_loop3A_158 : vector<1x16xf32> to vector<16xf32>
          %parallel_loop3A_160 = vector.shape_cast %parallel_loop3A_152 : vector<16xf32> to vector<1x16xf32>
          tpu.vector_store %arg16[%parallel_loop3A_156, %parallel_loop3A_157], %parallel_loop3A_160 {strides = array<i32>} : memref<8x256xf32, #tpu.memory_space<vmem>>, vector<1x16xf32>,
          %parallel_loop3A_161 = arith.constant 16 : i32
          %parallel_loop3A_162 = arith.addi %parallel_loop3A_132, %parallel_loop3A_161 : i32
          %parallel_loop3A_163 = tpu.assume_multiple %parallel_loop3A_162, 16 : i32
          %parallel_loop3A_164 = arith.index_cast %parallel_loop3A_114 : i32 to index
          %parallel_loop3A_165 = arith.index_cast %parallel_loop3A_163 : i32 to index
          %parallel_loop3A_166 = tpu.vector_load %arg14[%parallel_loop3A_164, %parallel_loop3A_165] {strides = array<i32>} : memref<8x256xf32, #tpu.memory_space<vmem>>, vector<1x16xf32>,
          %parallel_loop3A_167 = vector.shape_cast %parallel_loop3A_166 : vector<1x16xf32> to vector<16xf32>
          %parallel_loop3A_168 = arith.index_cast %parallel_loop3A_90 : i32 to index
          %parallel_loop3A_169 = arith.constant 16 : index
          %parallel_loop3A_170 = tpu.vector_load %arg11[%parallel_loop3A_168, %parallel_loop3A_169] {strides = array<i32>} : memref<64x128xf32, #tpu.memory_space<vmem>>, vector<1x16xf32>,
          %parallel_loop3A_171 = vector.shape_cast %parallel_loop3A_170 : vector<1x16xf32> to vector<16xf32>
          %parallel_loop3A_172 = arith.index_cast %parallel_loop3A_90 : i32 to index
          %parallel_loop3A_173 = arith.constant 48 : index
          %parallel_loop3A_174 = tpu.vector_load %arg12[%parallel_loop3A_172, %parallel_loop3A_173] {strides = array<i32>} : memref<64x128xf32, #tpu.memory_space<vmem>>, vector<1x16xf32>,
          %parallel_loop3A_175 = vector.shape_cast %parallel_loop3A_174 : vector<1x16xf32> to vector<16xf32>
          %parallel_loop3A_176 = arith.addf %parallel_loop3A_171, %parallel_loop3A_175 : vector<16xf32>
          %parallel_loop3A_177 = arith.addf %parallel_loop3A_176, %parallel_loop3A_167 : vector<16xf32>
          %parallel_loop3A_178 = arith.constant 0.000000e+00 : f32
          %parallel_loop3A_179 = vector.broadcast %parallel_loop3A_178 : f32 to vector<16xf32>
          %parallel_loop3A_180 = arith.maximumf %parallel_loop3A_177, %parallel_loop3A_179 : vector<16xf32>
          %parallel_loop3A_181 = arith.constant 16 : i32
          %parallel_loop3A_182 = arith.addi %parallel_loop3A_132, %parallel_loop3A_181 : i32
          %parallel_loop3A_183 = tpu.assume_multiple %parallel_loop3A_182, 16 : i32
          %parallel_loop3A_184 = arith.index_cast %parallel_loop3A_114 : i32 to index
          %parallel_loop3A_185 = arith.index_cast %parallel_loop3A_183 : i32 to index
          %parallel_loop3A_186 = tpu.vector_load %arg16[%parallel_loop3A_184, %parallel_loop3A_185] {strides = array<i32>} : memref<8x256xf32, #tpu.memory_space<vmem>>, vector<1x16xf32>,
          %parallel_loop3A_187 = vector.shape_cast %parallel_loop3A_186 : vector<1x16xf32> to vector<16xf32>
          %parallel_loop3A_188 = vector.shape_cast %parallel_loop3A_180 : vector<16xf32> to vector<1x16xf32>
          tpu.vector_store %arg16[%parallel_loop3A_184, %parallel_loop3A_185], %parallel_loop3A_188 {strides = array<i32>} : memref<8x256xf32, #tpu.memory_space<vmem>>, vector<1x16xf32>,
        } {sc.loop_unroll_factor = 8 : i64, sc.parallel_access}
        %mul3A_77 = arith.constant 8 : i32
        %mul3A_78 = arith.muli %add3A_54, %mul3A_77 : i32
        %dma_start3A_79 = arith.constant 0 : i32
        %dma_start3A_80 = tpu.memref_slice %arg6[%mul3A_78, %dma_start3A_79] : memref<40000x256xf32, #tpu.memory_space<hbm>> -> memref<8x256xf32, #tpu.memory_space<hbm>>
        %dma_start3A_81 = arith.constant 0 : i32
        %dma_start3A_82 = tpu.memref_slice %arg6[%mul3A_78, %dma_start3A_81] : memref<40000x256xf32, #tpu.memory_space<hbm>> -> memref<8x256xf32, #tpu.memory_space<hbm>>
        tpu.enqueue_dma source(%arg16 : memref<8x256xf32, #tpu.memory_space<vmem>>) target(%dma_start3A_82 : memref<8x256xf32, #tpu.memory_space<hbm>>) target_semaphore(%arg21 : memref<!tpu.dma_semaphore, #tpu.memory_space<semaphore_mem>>)
        %add3A_83 = arith.constant 32 : i32
        %add3A_84 = arith.addi %add3A_54, %add3A_83 : i32
        %lt3A_85 = arith.constant 5000 : i32
        %lt3A_86 = arith.cmpi slt, %add3A_84, %lt3A_85 : i32
        %convert_element_type3A_87 = arith.extui %lt3A_86 : i1 to i32
        %cond3A_88 = arith.constant 0 : i32
        %cond3A_89 = arith.cmpi ne, %convert_element_type3A_87, %cond3A_88 : i32
        scf.if %cond3A_89 {
          %gt3A = arith.constant 0 : i32
          %gt3A_90 = arith.cmpi sgt, %add3A_51, %gt3A : i32
          %convert_element_type3A_91 = arith.extui %gt3A_90 : i1 to i32
          %cond3A_92 = arith.constant 0 : i32
          %cond3A_93 = arith.cmpi ne, %convert_element_type3A_91, %cond3A_92 : i32
          scf.if %cond3A_93 {
            %dma_wait3A_116 = arith.constant 0 : i32
            %dma_wait3A_117 = arith.constant 0 : i32
            %dma_wait3A_118 = tpu.memref_slice %arg6[%dma_wait3A_116, %dma_wait3A_117] : memref<40000x256xf32, #tpu.memory_space<hbm>> -> memref<8x256xf32, #tpu.memory_space<hbm>>
            %dma_wait3A_119 = arith.constant 0 : i32
            %dma_wait3A_120 = arith.constant 0 : i32
            %dma_wait3A_121 = tpu.memref_slice %arg6[%dma_wait3A_119, %dma_wait3A_120] : memref<40000x256xf32, #tpu.memory_space<hbm>> -> memref<8x256xf32, #tpu.memory_space<hbm>>
            tpu.wait_dma2 semaphore(%arg21 : memref<!tpu.dma_semaphore, #tpu.memory_space<semaphore_mem>>) src(%arg15 : memref<8x256xf32, #tpu.memory_space<vmem>>) dst(%dma_wait3A_121 : memref<8x256xf32, #tpu.memory_space<hbm>>)
          } else {
          }
          %mul3A_94 = arith.constant 64 : i32
          %mul3A_95 = arith.muli %add3A_84, %mul3A_94 : i32
          %dma_start3A_96 = tpu.memref_slice %arg4[%mul3A_95] : memref<320000xi32, #tpu.memory_space<hbm>> -> memref<64xi32, #tpu.memory_space<hbm>>
          %dma_start3A_97 = tpu.memref_slice %arg4[%mul3A_95] : memref<320000xi32, #tpu.memory_space<hbm>> -> memref<64xi32, #tpu.memory_space<hbm>>
          tpu.enqueue_dma source(%dma_start3A_97 : memref<64xi32, #tpu.memory_space<hbm>>) target(%arg7 : memref<64xi32, #tpu.memory_space<vmem>>) target_semaphore(%arg20 : memref<!tpu.dma_semaphore, #tpu.memory_space<semaphore_mem>>)
          %dma_start3A_98 = tpu.memref_slice %arg5[%mul3A_95] : memref<320000xi32, #tpu.memory_space<hbm>> -> memref<64xi32, #tpu.memory_space<hbm>>
          %dma_start3A_99 = tpu.memref_slice %arg5[%mul3A_95] : memref<320000xi32, #tpu.memory_space<hbm>> -> memref<64xi32, #tpu.memory_space<hbm>>
          tpu.enqueue_dma source(%dma_start3A_99 : memref<64xi32, #tpu.memory_space<hbm>>) target(%arg9 : memref<64xi32, #tpu.memory_space<vmem>>) target_semaphore(%arg20 : memref<!tpu.dma_semaphore, #tpu.memory_space<semaphore_mem>>)
          %dma_wait3A_100 = tpu.memref_slice %arg4[%mul3A_95] : memref<320000xi32, #tpu.memory_space<hbm>> -> memref<64xi32, #tpu.memory_space<hbm>>
          %dma_wait3A_101 = tpu.memref_slice %arg4[%mul3A_95] : memref<320000xi32, #tpu.memory_space<hbm>> -> memref<64xi32, #tpu.memory_space<hbm>>
          tpu.wait_dma2 semaphore(%arg20 : memref<!tpu.dma_semaphore, #tpu.memory_space<semaphore_mem>>) src(%dma_wait3A_101 : memref<64xi32, #tpu.memory_space<hbm>>) dst(%arg7 : memref<64xi32, #tpu.memory_space<vmem>>)
          %dma_wait3A_102 = tpu.memref_slice %arg5[%mul3A_95] : memref<320000xi32, #tpu.memory_space<hbm>> -> memref<64xi32, #tpu.memory_space<hbm>>
          %dma_wait3A_103 = tpu.memref_slice %arg5[%mul3A_95] : memref<320000xi32, #tpu.memory_space<hbm>> -> memref<64xi32, #tpu.memory_space<hbm>>
          tpu.wait_dma2 semaphore(%arg20 : memref<!tpu.dma_semaphore, #tpu.memory_space<semaphore_mem>>) src(%dma_wait3A_103 : memref<64xi32, #tpu.memory_space<hbm>>) dst(%arg9 : memref<64xi32, #tpu.memory_space<vmem>>)
          %dma_start3A_104 = arith.constant 0 : i32
          %dma_start3A_105 = arith.constant 0 : i32
          %dma_start3A_106 = tpu.memref_slice %arg2[%dma_start3A_104, %dma_start3A_105] : memref<10000x128xf32, #tpu.memory_space<hbm>> -> memref<10000x128xf32, #tpu.memory_space<hbm>>
          tpu.enqueue_indirect_dma source(%dma_start3A_106 : memref<10000x128xf32, #tpu.memory_space<hbm>>) target(%arg11 : memref<64x128xf32, #tpu.memory_space<vmem>>) offsets(%arg7 : memref<64xi32, #tpu.memory_space<vmem>>) semaphore(%arg17 : memref<!tpu.dma_semaphore, #tpu.memory_space<semaphore_mem>>)
          %dma_start3A_107 = arith.constant 0 : i32
          %dma_start3A_108 = arith.constant 0 : i32
          %dma_start3A_109 = tpu.memref_slice %arg2[%dma_start3A_107, %dma_start3A_108] : memref<10000x128xf32, #tpu.memory_space<hbm>> -> memref<10000x128xf32, #tpu.memory_space<hbm>>
          tpu.enqueue_indirect_dma source(%dma_start3A_109 : memref<10000x128xf32, #tpu.memory_space<hbm>>) target(%arg12 : memref<64x128xf32, #tpu.memory_space<vmem>>) offsets(%arg9 : memref<64xi32, #tpu.memory_space<vmem>>) semaphore(%arg18 : memref<!tpu.dma_semaphore, #tpu.memory_space<semaphore_mem>>)
          %mul3A_110 = arith.constant 8 : i32
          %mul3A_111 = arith.muli %add3A_84, %mul3A_110 : i32
          %dma_start3A_112 = arith.constant 0 : i32
          %dma_start3A_113 = tpu.memref_slice %arg3[%mul3A_111, %dma_start3A_112] : memref<40000x256xf32, #tpu.memory_space<hbm>> -> memref<8x256xf32, #tpu.memory_space<hbm>>
          %dma_start3A_114 = arith.constant 0 : i32
          %dma_start3A_115 = tpu.memref_slice %arg3[%mul3A_111, %dma_start3A_114] : memref<40000x256xf32, #tpu.memory_space<hbm>> -> memref<8x256xf32, #tpu.memory_space<hbm>>
          tpu.enqueue_dma source(%dma_start3A_115 : memref<8x256xf32, #tpu.memory_space<hbm>>) target(%arg13 : memref<8x256xf32, #tpu.memory_space<vmem>>) target_semaphore(%arg19 : memref<!tpu.dma_semaphore, #tpu.memory_space<semaphore_mem>>)
        } else {
        }
      } else {
      }
      %scan3A_60 = arith.constant 0 : i32
      scf.yield %scan3A_60 : i32
    }
    %scan3A_26 = arith.constant 79 : i32
    %dma_wait3A_27 = arith.constant 0 : i32
    %dma_wait3A_28 = arith.constant 0 : i32
    %dma_wait3A_29 = tpu.memref_slice %arg6[%dma_wait3A_27, %dma_wait3A_28] : memref<40000x256xf32, #tpu.memory_space<hbm>> -> memref<8x256xf32, #tpu.memory_space<hbm>>
    %dma_wait3A_30 = arith.constant 0 : i32
    %dma_wait3A_31 = arith.constant 0 : i32
    %dma_wait3A_32 = tpu.memref_slice %arg6[%dma_wait3A_30, %dma_wait3A_31] : memref<40000x256xf32, #tpu.memory_space<hbm>> -> memref<8x256xf32, #tpu.memory_space<hbm>>
    tpu.wait_dma2 semaphore(%arg21 : memref<!tpu.dma_semaphore, #tpu.memory_space<semaphore_mem>>) src(%arg15 : memref<8x256xf32, #tpu.memory_space<vmem>>) dst(%dma_wait3A_32 : memref<8x256xf32, #tpu.memory_space<hbm>>)
    %dma_wait3A_33 = arith.constant 0 : i32
    %dma_wait3A_34 = arith.constant 0 : i32
    %dma_wait3A_35 = tpu.memref_slice %arg6[%dma_wait3A_33, %dma_wait3A_34] : memref<40000x256xf32, #tpu.memory_space<hbm>> -> memref<8x256xf32, #tpu.memory_space<hbm>>
    %dma_wait3A_36 = arith.constant 0 : i32
    %dma_wait3A_37 = arith.constant 0 : i32
    %dma_wait3A_38 = tpu.memref_slice %arg6[%dma_wait3A_36, %dma_wait3A_37] : memref<40000x256xf32, #tpu.memory_space<hbm>> -> memref<8x256xf32, #tpu.memory_space<hbm>>
    tpu.wait_dma2 semaphore(%arg21 : memref<!tpu.dma_semaphore, #tpu.memory_space<semaphore_mem>>) src(%arg15 : memref<8x256xf32, #tpu.memory_space<vmem>>) dst(%dma_wait3A_38 : memref<8x256xf32, #tpu.memory_space<hbm>>)
    return
  }
}

#map = affine_map<(d0, d1) -> (0, 0)>
#map1 = affine_map<(d0, d1) -> (0)>
#map2 = affine_map<(d0, d1) -> (0, 0, 0)>
module attributes {stable_mosaic.version = 14 : i64} {
  func.func @sc_layer_agg(%arg0: i32, %arg1: i32, %arg2: memref<10000x128xf32, #tpu.memory_space<hbm>>, %arg3: memref<40000x256xf32, #tpu.memory_space<hbm>>, %arg4: memref<320000xi32, #tpu.memory_space<hbm>>, %arg5: memref<320000xi32, #tpu.memory_space<hbm>>, %arg6: memref<40000x256xf32, #tpu.memory_space<hbm>>, %arg7: memref<2x10240x128xf32, #tpu.memory_space<hbm>>, %arg8: memref<64xi32, #tpu.memory_space<vmem>>, %arg9: memref<64xi32, #tpu.memory_space<vmem>>, %arg10: memref<64xi32, #tpu.memory_space<vmem>>, %arg11: memref<64xi32, #tpu.memory_space<vmem>>, %arg12: memref<64x128xf32, #tpu.memory_space<vmem>>, %arg13: memref<64x128xf32, #tpu.memory_space<vmem>>, %arg14: memref<8x256xf32, #tpu.memory_space<vmem>>, %arg15: memref<8x256xf32, #tpu.memory_space<vmem>>, %arg16: memref<8x256xf32, #tpu.memory_space<vmem>>, %arg17: memref<8x256xf32, #tpu.memory_space<vmem>>, %arg18: memref<64x128xf32, #tpu.memory_space<vmem>>, %arg19: memref<10240x128xf32, #tpu.memory_space<vmem_shared>>, %arg20: memref<!tpu.dma_semaphore, #tpu.memory_space<semaphore_mem>>, %arg21: memref<!tpu.dma_semaphore, #tpu.memory_space<semaphore_mem>>, %arg22: memref<!tpu.dma_semaphore, #tpu.memory_space<semaphore_mem>>, %arg23: memref<!tpu.dma_semaphore, #tpu.memory_space<semaphore_mem>>, %arg24: memref<!tpu.dma_semaphore, #tpu.memory_space<semaphore_mem>>, %arg25: memref<!tpu.dma_semaphore, #tpu.memory_space<semaphore_mem>>) attributes {dimension_semantics = [#tpu.dimension_semantics<core_parallel>, #tpu.dimension_semantics<subcore_parallel>], iteration_bounds = array<i64: 2, 16>, scalar_prefetch = 0 : i64, scratch_operands = 18 : i64, tpu.core_type = #tpu.core_type<sc_vector_subcore>, window_params = [{transform_indices = #map}, {transform_indices = #map}, {transform_indices = #map1}, {transform_indices = #map1}, {transform_indices = #map}, {transform_indices = #map2}]} {
    %mul3A = arith.constant 2 : i32
    %mul3A_0 = arith.muli %arg1, %mul3A : i32
    %add3A = arith.addi %mul3A_0, %arg0 : i32
    %scan3A = arith.constant 0 : i32
    %scan3A_1 = arith.constant 0 : i32
    %scan3A_2 = arith.constant 64 : i32
    %scan3A_3 = arith.addi %scan3A_1, %scan3A_2 : i32
    %scan3A_4 = arith.constant 1 : i32
    %scan3A_5 = scf.for %scan3A_59 = %scan3A_1 to %scan3A_3 step %scan3A_4 iter_args(%scan3A_60 = %scan3A) -> (i32)  : i32 {
      %broadcast_in_dim3A = arith.constant 0.000000e+00 : f32
      %broadcast_in_dim3A_61 = vector.broadcast %broadcast_in_dim3A : f32 to vector<16xf32>
      %swap3A = arith.index_cast %scan3A_59 : i32 to index
      %swap3A_62 = arith.constant 0 : index
      %swap3A_63 = tpu.vector_load %arg18[%swap3A, %swap3A_62] {strides = array<i32>} : memref<64x128xf32, #tpu.memory_space<vmem>>, vector<1x16xf32>,
      %swap3A_64 = vector.shape_cast %swap3A_63 : vector<1x16xf32> to vector<16xf32>
      %swap3A_65 = vector.shape_cast %broadcast_in_dim3A_61 : vector<16xf32> to vector<1x16xf32>
      tpu.vector_store %arg18[%swap3A, %swap3A_62], %swap3A_65 {strides = array<i32>} : memref<64x128xf32, #tpu.memory_space<vmem>>, vector<1x16xf32>,
      %broadcast_in_dim3A_66 = arith.constant 0.000000e+00 : f32
      %broadcast_in_dim3A_67 = vector.broadcast %broadcast_in_dim3A_66 : f32 to vector<16xf32>
      %swap3A_68 = arith.index_cast %scan3A_59 : i32 to index
      %swap3A_69 = arith.constant 16 : index
      %swap3A_70 = tpu.vector_load %arg18[%swap3A_68, %swap3A_69] {strides = array<i32>} : memref<64x128xf32, #tpu.memory_space<vmem>>, vector<1x16xf32>,
      %swap3A_71 = vector.shape_cast %swap3A_70 : vector<1x16xf32> to vector<16xf32>
      %swap3A_72 = vector.shape_cast %broadcast_in_dim3A_67 : vector<16xf32> to vector<1x16xf32>
      tpu.vector_store %arg18[%swap3A_68, %swap3A_69], %swap3A_72 {strides = array<i32>} : memref<64x128xf32, #tpu.memory_space<vmem>>, vector<1x16xf32>,
      %broadcast_in_dim3A_73 = arith.constant 0.000000e+00 : f32
      %broadcast_in_dim3A_74 = vector.broadcast %broadcast_in_dim3A_73 : f32 to vector<16xf32>
      %swap3A_75 = arith.index_cast %scan3A_59 : i32 to index
      %swap3A_76 = arith.constant 32 : index
      %swap3A_77 = tpu.vector_load %arg18[%swap3A_75, %swap3A_76] {strides = array<i32>} : memref<64x128xf32, #tpu.memory_space<vmem>>, vector<1x16xf32>,
      %swap3A_78 = vector.shape_cast %swap3A_77 : vector<1x16xf32> to vector<16xf32>
      %swap3A_79 = vector.shape_cast %broadcast_in_dim3A_74 : vector<16xf32> to vector<1x16xf32>
      tpu.vector_store %arg18[%swap3A_75, %swap3A_76], %swap3A_79 {strides = array<i32>} : memref<64x128xf32, #tpu.memory_space<vmem>>, vector<1x16xf32>,
      %broadcast_in_dim3A_80 = arith.constant 0.000000e+00 : f32
      %broadcast_in_dim3A_81 = vector.broadcast %broadcast_in_dim3A_80 : f32 to vector<16xf32>
      %swap3A_82 = arith.index_cast %scan3A_59 : i32 to index
      %swap3A_83 = arith.constant 48 : index
      %swap3A_84 = tpu.vector_load %arg18[%swap3A_82, %swap3A_83] {strides = array<i32>} : memref<64x128xf32, #tpu.memory_space<vmem>>, vector<1x16xf32>,
      %swap3A_85 = vector.shape_cast %swap3A_84 : vector<1x16xf32> to vector<16xf32>
      %swap3A_86 = vector.shape_cast %broadcast_in_dim3A_81 : vector<16xf32> to vector<1x16xf32>
      tpu.vector_store %arg18[%swap3A_82, %swap3A_83], %swap3A_86 {strides = array<i32>} : memref<64x128xf32, #tpu.memory_space<vmem>>, vector<1x16xf32>,
      %broadcast_in_dim3A_87 = arith.constant 0.000000e+00 : f32
      %broadcast_in_dim3A_88 = vector.broadcast %broadcast_in_dim3A_87 : f32 to vector<16xf32>
      %swap3A_89 = arith.index_cast %scan3A_59 : i32 to index
      %swap3A_90 = arith.constant 64 : index
      %swap3A_91 = tpu.vector_load %arg18[%swap3A_89, %swap3A_90] {strides = array<i32>} : memref<64x128xf32, #tpu.memory_space<vmem>>, vector<1x16xf32>,
      %swap3A_92 = vector.shape_cast %swap3A_91 : vector<1x16xf32> to vector<16xf32>
      %swap3A_93 = vector.shape_cast %broadcast_in_dim3A_88 : vector<16xf32> to vector<1x16xf32>
      tpu.vector_store %arg18[%swap3A_89, %swap3A_90], %swap3A_93 {strides = array<i32>} : memref<64x128xf32, #tpu.memory_space<vmem>>, vector<1x16xf32>,
      %broadcast_in_dim3A_94 = arith.constant 0.000000e+00 : f32
      %broadcast_in_dim3A_95 = vector.broadcast %broadcast_in_dim3A_94 : f32 to vector<16xf32>
      %swap3A_96 = arith.index_cast %scan3A_59 : i32 to index
      %swap3A_97 = arith.constant 80 : index
      %swap3A_98 = tpu.vector_load %arg18[%swap3A_96, %swap3A_97] {strides = array<i32>} : memref<64x128xf32, #tpu.memory_space<vmem>>, vector<1x16xf32>,
      %swap3A_99 = vector.shape_cast %swap3A_98 : vector<1x16xf32> to vector<16xf32>
      %swap3A_100 = vector.shape_cast %broadcast_in_dim3A_95 : vector<16xf32> to vector<1x16xf32>
      tpu.vector_store %arg18[%swap3A_96, %swap3A_97], %swap3A_100 {strides = array<i32>} : memref<64x128xf32, #tpu.memory_space<vmem>>, vector<1x16xf32>,
      %broadcast_in_dim3A_101 = arith.constant 0.000000e+00 : f32
      %broadcast_in_dim3A_102 = vector.broadcast %broadcast_in_dim3A_101 : f32 to vector<16xf32>
      %swap3A_103 = arith.index_cast %scan3A_59 : i32 to index
      %swap3A_104 = arith.constant 96 : index
      %swap3A_105 = tpu.vector_load %arg18[%swap3A_103, %swap3A_104] {strides = array<i32>} : memref<64x128xf32, #tpu.memory_space<vmem>>, vector<1x16xf32>,
      %swap3A_106 = vector.shape_cast %swap3A_105 : vector<1x16xf32> to vector<16xf32>
      %swap3A_107 = vector.shape_cast %broadcast_in_dim3A_102 : vector<16xf32> to vector<1x16xf32>
      tpu.vector_store %arg18[%swap3A_103, %swap3A_104], %swap3A_107 {strides = array<i32>} : memref<64x128xf32, #tpu.memory_space<vmem>>, vector<1x16xf32>,
      %broadcast_in_dim3A_108 = arith.constant 0.000000e+00 : f32
      %broadcast_in_dim3A_109 = vector.broadcast %broadcast_in_dim3A_108 : f32 to vector<16xf32>
      %swap3A_110 = arith.index_cast %scan3A_59 : i32 to index
      %swap3A_111 = arith.constant 112 : index
      %swap3A_112 = tpu.vector_load %arg18[%swap3A_110, %swap3A_111] {strides = array<i32>} : memref<64x128xf32, #tpu.memory_space<vmem>>, vector<1x16xf32>,
      %swap3A_113 = vector.shape_cast %swap3A_112 : vector<1x16xf32> to vector<16xf32>
      %swap3A_114 = vector.shape_cast %broadcast_in_dim3A_109 : vector<16xf32> to vector<1x16xf32>
      tpu.vector_store %arg18[%swap3A_110, %swap3A_111], %swap3A_114 {strides = array<i32>} : memref<64x128xf32, #tpu.memory_space<vmem>>, vector<1x16xf32>,
      %scan3A_115 = arith.constant 0 : i32
      scf.yield %scan3A_115 : i32
    }
    %scan3A_6 = arith.constant 64 : i32
    %scan3A_7 = arith.constant 0 : i32
    %scan3A_8 = arith.constant 0 : i32
    %scan3A_9 = arith.constant 10 : i32
    %scan3A_10 = arith.addi %scan3A_8, %scan3A_9 : i32
    %scan3A_11 = arith.constant 1 : i32
    %scan3A_12 = scf.for %scan3A_59 = %scan3A_8 to %scan3A_10 step %scan3A_11 iter_args(%scan3A_60 = %scan3A_7) -> (i32)  : i32 {
      %mul3A_61 = arith.constant 640 : i32
      %mul3A_62 = arith.muli %arg1, %mul3A_61 : i32
      %mul3A_63 = arith.constant 64 : i32
      %mul3A_64 = arith.muli %scan3A_59, %mul3A_63 : i32
      %add3A_65 = arith.addi %mul3A_62, %mul3A_64 : i32
      "tpu.region"() ({
        %run_scoped3A = tpu.sem_alloc : memref<!tpu.dma_semaphore, #tpu.memory_space<semaphore_mem>>
        %dma_start3A_67 = arith.constant 0 : i32
        %dma_start3A_68 = tpu.memref_slice %arg19[%add3A_65, %dma_start3A_67] : memref<10240x128xf32, #tpu.memory_space<vmem_shared>> -> memref<64x128xf32, #tpu.memory_space<vmem_shared>>
        %dma_start3A_69 = arith.constant 0 : i32
        %dma_start3A_70 = tpu.memref_slice %arg19[%add3A_65, %dma_start3A_69] : memref<10240x128xf32, #tpu.memory_space<vmem_shared>> -> memref<64x128xf32, #tpu.memory_space<vmem_shared>>
        tpu.enqueue_dma source(%arg18 : memref<64x128xf32, #tpu.memory_space<vmem>>) target(%dma_start3A_70 : memref<64x128xf32, #tpu.memory_space<vmem_shared>>) target_semaphore(%run_scoped3A : memref<!tpu.dma_semaphore, #tpu.memory_space<semaphore_mem>>)
        %dma_wait3A_71 = arith.constant 0 : i32
        %dma_wait3A_72 = tpu.memref_slice %arg19[%add3A_65, %dma_wait3A_71] : memref<10240x128xf32, #tpu.memory_space<vmem_shared>> -> memref<64x128xf32, #tpu.memory_space<vmem_shared>>
        %dma_wait3A_73 = arith.constant 0 : i32
        %dma_wait3A_74 = tpu.memref_slice %arg19[%add3A_65, %dma_wait3A_73] : memref<10240x128xf32, #tpu.memory_space<vmem_shared>> -> memref<64x128xf32, #tpu.memory_space<vmem_shared>>
        tpu.wait_dma2 semaphore(%run_scoped3A : memref<!tpu.dma_semaphore, #tpu.memory_space<semaphore_mem>>) src(%arg18 : memref<64x128xf32, #tpu.memory_space<vmem>>) dst(%dma_wait3A_74 : memref<64x128xf32, #tpu.memory_space<vmem_shared>>)
        tpu.yield
      }) : () -> ()
      %scan3A_66 = arith.constant 0 : i32
      scf.yield %scan3A_66 : i32
    }
    %scan3A_13 = arith.constant 10 : i32
    %barrier3A = arith.constant 0 : index
    tpu.barrier barrier_id(%barrier3A)
    %mul3A_14 = arith.constant 64 : i32
    %mul3A_15 = arith.muli %add3A, %mul3A_14 : i32
    %dma_start3A = tpu.memref_slice %arg4[%mul3A_15] : memref<320000xi32, #tpu.memory_space<hbm>> -> memref<64xi32, #tpu.memory_space<hbm>>
    %dma_start3A_16 = tpu.memref_slice %arg4[%mul3A_15] : memref<320000xi32, #tpu.memory_space<hbm>> -> memref<64xi32, #tpu.memory_space<hbm>>
    tpu.enqueue_dma source(%dma_start3A_16 : memref<64xi32, #tpu.memory_space<hbm>>) target(%arg8 : memref<64xi32, #tpu.memory_space<vmem>>) target_semaphore(%arg23 : memref<!tpu.dma_semaphore, #tpu.memory_space<semaphore_mem>>)
    %dma_start3A_17 = tpu.memref_slice %arg5[%mul3A_15] : memref<320000xi32, #tpu.memory_space<hbm>> -> memref<64xi32, #tpu.memory_space<hbm>>
    %dma_start3A_18 = tpu.memref_slice %arg5[%mul3A_15] : memref<320000xi32, #tpu.memory_space<hbm>> -> memref<64xi32, #tpu.memory_space<hbm>>
    tpu.enqueue_dma source(%dma_start3A_18 : memref<64xi32, #tpu.memory_space<hbm>>) target(%arg10 : memref<64xi32, #tpu.memory_space<vmem>>) target_semaphore(%arg23 : memref<!tpu.dma_semaphore, #tpu.memory_space<semaphore_mem>>)
    %dma_wait3A = tpu.memref_slice %arg4[%mul3A_15] : memref<320000xi32, #tpu.memory_space<hbm>> -> memref<64xi32, #tpu.memory_space<hbm>>
    %dma_wait3A_19 = tpu.memref_slice %arg4[%mul3A_15] : memref<320000xi32, #tpu.memory_space<hbm>> -> memref<64xi32, #tpu.memory_space<hbm>>
    tpu.wait_dma2 semaphore(%arg23 : memref<!tpu.dma_semaphore, #tpu.memory_space<semaphore_mem>>) src(%dma_wait3A_19 : memref<64xi32, #tpu.memory_space<hbm>>) dst(%arg8 : memref<64xi32, #tpu.memory_space<vmem>>)
    %dma_wait3A_20 = tpu.memref_slice %arg5[%mul3A_15] : memref<320000xi32, #tpu.memory_space<hbm>> -> memref<64xi32, #tpu.memory_space<hbm>>
    %dma_wait3A_21 = tpu.memref_slice %arg5[%mul3A_15] : memref<320000xi32, #tpu.memory_space<hbm>> -> memref<64xi32, #tpu.memory_space<hbm>>
    tpu.wait_dma2 semaphore(%arg23 : memref<!tpu.dma_semaphore, #tpu.memory_space<semaphore_mem>>) src(%dma_wait3A_21 : memref<64xi32, #tpu.memory_space<hbm>>) dst(%arg10 : memref<64xi32, #tpu.memory_space<vmem>>)
    %dma_start3A_22 = arith.constant 0 : i32
    %dma_start3A_23 = arith.constant 0 : i32
    %dma_start3A_24 = tpu.memref_slice %arg2[%dma_start3A_22, %dma_start3A_23] : memref<10000x128xf32, #tpu.memory_space<hbm>> -> memref<10000x128xf32, #tpu.memory_space<hbm>>
    tpu.enqueue_indirect_dma source(%dma_start3A_24 : memref<10000x128xf32, #tpu.memory_space<hbm>>) target(%arg12 : memref<64x128xf32, #tpu.memory_space<vmem>>) offsets(%arg8 : memref<64xi32, #tpu.memory_space<vmem>>) semaphore(%arg20 : memref<!tpu.dma_semaphore, #tpu.memory_space<semaphore_mem>>)
    %dma_start3A_25 = arith.constant 0 : i32
    %dma_start3A_26 = arith.constant 0 : i32
    %dma_start3A_27 = tpu.memref_slice %arg2[%dma_start3A_25, %dma_start3A_26] : memref<10000x128xf32, #tpu.memory_space<hbm>> -> memref<10000x128xf32, #tpu.memory_space<hbm>>
    tpu.enqueue_indirect_dma source(%dma_start3A_27 : memref<10000x128xf32, #tpu.memory_space<hbm>>) target(%arg13 : memref<64x128xf32, #tpu.memory_space<vmem>>) offsets(%arg10 : memref<64xi32, #tpu.memory_space<vmem>>) semaphore(%arg21 : memref<!tpu.dma_semaphore, #tpu.memory_space<semaphore_mem>>)
    %mul3A_28 = arith.constant 8 : i32
    %mul3A_29 = arith.muli %add3A, %mul3A_28 : i32
    %dma_start3A_30 = arith.constant 0 : i32
    %dma_start3A_31 = tpu.memref_slice %arg3[%mul3A_29, %dma_start3A_30] : memref<40000x256xf32, #tpu.memory_space<hbm>> -> memref<8x256xf32, #tpu.memory_space<hbm>>
    %dma_start3A_32 = arith.constant 0 : i32
    %dma_start3A_33 = tpu.memref_slice %arg3[%mul3A_29, %dma_start3A_32] : memref<40000x256xf32, #tpu.memory_space<hbm>> -> memref<8x256xf32, #tpu.memory_space<hbm>>
    tpu.enqueue_dma source(%dma_start3A_33 : memref<8x256xf32, #tpu.memory_space<hbm>>) target(%arg14 : memref<8x256xf32, #tpu.memory_space<vmem>>) target_semaphore(%arg22 : memref<!tpu.dma_semaphore, #tpu.memory_space<semaphore_mem>>)
    %scan3A_34 = arith.constant 0 : i32
    %scan3A_35 = arith.constant 0 : i32
    %scan3A_36 = arith.constant 79 : i32
    %scan3A_37 = arith.addi %scan3A_35, %scan3A_36 : i32
    %scan3A_38 = arith.constant 1 : i32
    %scan3A_39 = scf.for %scan3A_59 = %scan3A_35 to %scan3A_37 step %scan3A_38 iter_args(%scan3A_60 = %scan3A_34) -> (i32)  : i32 {
      %mul3A_61 = arith.constant 2 : i32
      %mul3A_62 = arith.muli %mul3A_61, %scan3A_59 : i32
      %mul3A_63 = arith.constant 32 : i32
      %mul3A_64 = arith.muli %mul3A_62, %mul3A_63 : i32
      %add3A_65 = arith.addi %mul3A_64, %add3A : i32
      %lt3A = arith.constant 5000 : i32
      %lt3A_66 = arith.cmpi slt, %add3A_65, %lt3A : i32
      %convert_element_type3A = arith.extui %lt3A_66 : i1 to i32
      %cond3A = arith.constant 0 : i32
      %cond3A_67 = arith.cmpi ne, %convert_element_type3A, %cond3A : i32
      scf.if %cond3A_67 {
        %mul3A_81 = arith.constant 64 : i32
        %mul3A_82 = arith.muli %add3A_65, %mul3A_81 : i32
        %dma_wait3A_83 = arith.constant 0 : i32
        %dma_wait3A_84 = arith.constant 0 : i32
        %dma_wait3A_85 = tpu.memref_slice %arg2[%dma_wait3A_83, %dma_wait3A_84] : memref<10000x128xf32, #tpu.memory_space<hbm>> -> memref<10000x128xf32, #tpu.memory_space<hbm>>
        tpu.wait_indirect_dma semaphore(%arg20 : memref<!tpu.dma_semaphore, #tpu.memory_space<semaphore_mem>>) src(%dma_wait3A_85 : memref<10000x128xf32, #tpu.memory_space<hbm>>) dst(%arg12 : memref<64x128xf32, #tpu.memory_space<vmem>>)
        %dma_wait3A_86 = arith.constant 0 : i32
        %dma_wait3A_87 = arith.constant 0 : i32
        %dma_wait3A_88 = tpu.memref_slice %arg2[%dma_wait3A_86, %dma_wait3A_87] : memref<10000x128xf32, #tpu.memory_space<hbm>> -> memref<10000x128xf32, #tpu.memory_space<hbm>>
        tpu.wait_indirect_dma semaphore(%arg21 : memref<!tpu.dma_semaphore, #tpu.memory_space<semaphore_mem>>) src(%dma_wait3A_88 : memref<10000x128xf32, #tpu.memory_space<hbm>>) dst(%arg13 : memref<64x128xf32, #tpu.memory_space<vmem>>)
        %dma_wait3A_89 = arith.constant 0 : i32
        %dma_wait3A_90 = arith.constant 0 : i32
        %dma_wait3A_91 = tpu.memref_slice %arg3[%dma_wait3A_89, %dma_wait3A_90] : memref<40000x256xf32, #tpu.memory_space<hbm>> -> memref<8x256xf32, #tpu.memory_space<hbm>>
        %dma_wait3A_92 = arith.constant 0 : i32
        %dma_wait3A_93 = arith.constant 0 : i32
        %dma_wait3A_94 = tpu.memref_slice %arg3[%dma_wait3A_92, %dma_wait3A_93] : memref<40000x256xf32, #tpu.memory_space<hbm>> -> memref<8x256xf32, #tpu.memory_space<hbm>>
        tpu.wait_dma2 semaphore(%arg22 : memref<!tpu.dma_semaphore, #tpu.memory_space<semaphore_mem>>) src(%dma_wait3A_94 : memref<8x256xf32, #tpu.memory_space<hbm>>) dst(%arg14 : memref<8x256xf32, #tpu.memory_space<vmem>>)
        %gt3A = arith.constant 0 : i32
        %gt3A_95 = arith.cmpi sgt, %mul3A_62, %gt3A : i32
        %convert_element_type3A_96 = arith.extui %gt3A_95 : i1 to i32
        %cond3A_97 = arith.constant 0 : i32
        %cond3A_98 = arith.cmpi ne, %convert_element_type3A_96, %cond3A_97 : i32
        scf.if %cond3A_98 {
          %dma_wait3A_117 = arith.constant 0 : i32
          %dma_wait3A_118 = arith.constant 0 : i32
          %dma_wait3A_119 = tpu.memref_slice %arg19[%dma_wait3A_117, %dma_wait3A_118] : memref<10240x128xf32, #tpu.memory_space<vmem_shared>> -> memref<10240x128xf32, #tpu.memory_space<vmem_shared>>
          tpu.wait_indirect_dma semaphore(%arg25 : memref<!tpu.dma_semaphore, #tpu.memory_space<semaphore_mem>>) src(%arg18 : memref<64x128xf32, #tpu.memory_space<vmem>>) dst(%dma_wait3A_119 : memref<10240x128xf32, #tpu.memory_space<vmem_shared>>)
        } else {
        }
        %parallel_loop3A = arith.constant 0 : i32
        %parallel_loop3A_99 = arith.constant 64 : i32
        %parallel_loop3A_100 = arith.constant 1 : i32
        scf.for %parallel_loop3A_117 = %parallel_loop3A to %parallel_loop3A_99 step %parallel_loop3A_100  : i32 {
          %parallel_loop3A_118 = arith.constant 8 : i32
          %parallel_loop3A_119 = arith.divsi %parallel_loop3A_117, %parallel_loop3A_118 : i32
          %parallel_loop3A_120 = arith.constant 0 : i32
          %parallel_loop3A_121 = arith.cmpi sgt, %parallel_loop3A_117, %parallel_loop3A_120 : i32
          %parallel_loop3A_122 = arith.extui %parallel_loop3A_121 : i1 to i32
          %parallel_loop3A_123 = arith.constant 0 : i32
          %parallel_loop3A_124 = arith.cmpi slt, %parallel_loop3A_117, %parallel_loop3A_123 : i32
          %parallel_loop3A_125 = arith.extui %parallel_loop3A_124 : i1 to i32
          %parallel_loop3A_126 = arith.subi %parallel_loop3A_122, %parallel_loop3A_125 : i32
          %parallel_loop3A_127 = arith.constant 0 : i32
          %parallel_loop3A_128 = arith.cmpi sgt, %parallel_loop3A_118, %parallel_loop3A_127 : i32
          %parallel_loop3A_129 = arith.extui %parallel_loop3A_128 : i1 to i32
          %parallel_loop3A_130 = arith.constant 0 : i32
          %parallel_loop3A_131 = arith.cmpi slt, %parallel_loop3A_118, %parallel_loop3A_130 : i32
          %parallel_loop3A_132 = arith.extui %parallel_loop3A_131 : i1 to i32
          %parallel_loop3A_133 = arith.subi %parallel_loop3A_129, %parallel_loop3A_132 : i32
          %parallel_loop3A_134 = arith.cmpi ne, %parallel_loop3A_126, %parallel_loop3A_133 : i32
          %parallel_loop3A_135 = arith.remsi %parallel_loop3A_117, %parallel_loop3A_118 : i32
          %parallel_loop3A_136 = arith.constant 0 : i32
          %parallel_loop3A_137 = arith.cmpi ne, %parallel_loop3A_135, %parallel_loop3A_136 : i32
          %parallel_loop3A_138 = arith.andi %parallel_loop3A_134, %parallel_loop3A_137 : i1
          %parallel_loop3A_139 = arith.constant 1 : i32
          %parallel_loop3A_140 = arith.subi %parallel_loop3A_119, %parallel_loop3A_139 : i32
          %parallel_loop3A_141 = arith.select %parallel_loop3A_138, %parallel_loop3A_140, %parallel_loop3A_119 : i32
          %parallel_loop3A_142 = arith.constant 8 : i32
          %parallel_loop3A_143 = arith.constant 0 : i32
          %parallel_loop3A_144 = arith.cmpi eq, %parallel_loop3A_142, %parallel_loop3A_143 : i32
          %parallel_loop3A_145 = arith.constant 1 : i32
          %parallel_loop3A_146 = arith.select %parallel_loop3A_144, %parallel_loop3A_145, %parallel_loop3A_142 : i32
          %parallel_loop3A_147 = arith.remsi %parallel_loop3A_117, %parallel_loop3A_146 : i32
          %parallel_loop3A_148 = arith.constant 0 : i32
          %parallel_loop3A_149 = arith.cmpi ne, %parallel_loop3A_147, %parallel_loop3A_148 : i32
          %parallel_loop3A_150 = arith.constant 0 : i32
          %parallel_loop3A_151 = arith.cmpi slt, %parallel_loop3A_147, %parallel_loop3A_150 : i32
          %parallel_loop3A_152 = arith.constant 0 : i32
          %parallel_loop3A_153 = arith.cmpi slt, %parallel_loop3A_146, %parallel_loop3A_152 : i32
          %parallel_loop3A_154 = arith.xori %parallel_loop3A_151, %parallel_loop3A_153 : i1
          %parallel_loop3A_155 = arith.andi %parallel_loop3A_154, %parallel_loop3A_149 : i1
          %parallel_loop3A_156 = arith.addi %parallel_loop3A_147, %parallel_loop3A_146 : i32
          %parallel_loop3A_157 = arith.select %parallel_loop3A_155, %parallel_loop3A_156, %parallel_loop3A_147 : i32
          %parallel_loop3A_158 = arith.constant 32 : i32
          %parallel_loop3A_159 = arith.muli %parallel_loop3A_157, %parallel_loop3A_158 : i32
          %parallel_loop3A_160 = arith.constant 0 : i32
          %parallel_loop3A_161 = arith.addi %parallel_loop3A_159, %parallel_loop3A_160 : i32
          %parallel_loop3A_162 = tpu.assume_multiple %parallel_loop3A_161, 16 : i32
          %parallel_loop3A_163 = arith.index_cast %parallel_loop3A_141 : i32 to index
          %parallel_loop3A_164 = arith.index_cast %parallel_loop3A_162 : i32 to index
          %parallel_loop3A_165 = tpu.vector_load %arg14[%parallel_loop3A_163, %parallel_loop3A_164] {strides = array<i32>} : memref<8x256xf32, #tpu.memory_space<vmem>>, vector<1x16xf32>,
          %parallel_loop3A_166 = vector.shape_cast %parallel_loop3A_165 : vector<1x16xf32> to vector<16xf32>
          %parallel_loop3A_167 = arith.index_cast %parallel_loop3A_117 : i32 to index
          %parallel_loop3A_168 = arith.constant 0 : index
          %parallel_loop3A_169 = tpu.vector_load %arg12[%parallel_loop3A_167, %parallel_loop3A_168] {strides = array<i32>} : memref<64x128xf32, #tpu.memory_space<vmem>>, vector<1x16xf32>,
          %parallel_loop3A_170 = vector.shape_cast %parallel_loop3A_169 : vector<1x16xf32> to vector<16xf32>
          %parallel_loop3A_171 = arith.index_cast %parallel_loop3A_117 : i32 to index
          %parallel_loop3A_172 = arith.constant 32 : index
          %parallel_loop3A_173 = tpu.vector_load %arg13[%parallel_loop3A_171, %parallel_loop3A_172] {strides = array<i32>} : memref<64x128xf32, #tpu.memory_space<vmem>>, vector<1x16xf32>,
          %parallel_loop3A_174 = vector.shape_cast %parallel_loop3A_173 : vector<1x16xf32> to vector<16xf32>
          %parallel_loop3A_175 = arith.addf %parallel_loop3A_170, %parallel_loop3A_174 : vector<16xf32>
          %parallel_loop3A_176 = arith.addf %parallel_loop3A_175, %parallel_loop3A_166 : vector<16xf32>
          %parallel_loop3A_177 = arith.constant 0.000000e+00 : f32
          %parallel_loop3A_178 = vector.broadcast %parallel_loop3A_177 : f32 to vector<16xf32>
          %parallel_loop3A_179 = arith.maximumf %parallel_loop3A_176, %parallel_loop3A_178 : vector<16xf32>
          %parallel_loop3A_180 = arith.constant 0 : i32
          %parallel_loop3A_181 = arith.addi %parallel_loop3A_159, %parallel_loop3A_180 : i32
          %parallel_loop3A_182 = tpu.assume_multiple %parallel_loop3A_181, 16 : i32
          %parallel_loop3A_183 = arith.index_cast %parallel_loop3A_141 : i32 to index
          %parallel_loop3A_184 = arith.index_cast %parallel_loop3A_182 : i32 to index
          %parallel_loop3A_185 = tpu.vector_load %arg16[%parallel_loop3A_183, %parallel_loop3A_184] {strides = array<i32>} : memref<8x256xf32, #tpu.memory_space<vmem>>, vector<1x16xf32>,
          %parallel_loop3A_186 = vector.shape_cast %parallel_loop3A_185 : vector<1x16xf32> to vector<16xf32>
          %parallel_loop3A_187 = vector.shape_cast %parallel_loop3A_179 : vector<16xf32> to vector<1x16xf32>
          tpu.vector_store %arg16[%parallel_loop3A_183, %parallel_loop3A_184], %parallel_loop3A_187 {strides = array<i32>} : memref<8x256xf32, #tpu.memory_space<vmem>>, vector<1x16xf32>,
          %parallel_loop3A_188 = arith.index_cast %parallel_loop3A_117 : i32 to index
          %parallel_loop3A_189 = arith.constant 0 : index
          %parallel_loop3A_190 = tpu.vector_load %arg18[%parallel_loop3A_188, %parallel_loop3A_189] {strides = array<i32>} : memref<64x128xf32, #tpu.memory_space<vmem>>, vector<1x16xf32>,
          %parallel_loop3A_191 = vector.shape_cast %parallel_loop3A_190 : vector<1x16xf32> to vector<16xf32>
          %parallel_loop3A_192 = vector.shape_cast %parallel_loop3A_179 : vector<16xf32> to vector<1x16xf32>
          tpu.vector_store %arg18[%parallel_loop3A_188, %parallel_loop3A_189], %parallel_loop3A_192 {strides = array<i32>} : memref<64x128xf32, #tpu.memory_space<vmem>>, vector<1x16xf32>,
          %parallel_loop3A_193 = arith.constant 16 : i32
          %parallel_loop3A_194 = arith.addi %parallel_loop3A_159, %parallel_loop3A_193 : i32
          %parallel_loop3A_195 = tpu.assume_multiple %parallel_loop3A_194, 16 : i32
          %parallel_loop3A_196 = arith.index_cast %parallel_loop3A_141 : i32 to index
          %parallel_loop3A_197 = arith.index_cast %parallel_loop3A_195 : i32 to index
          %parallel_loop3A_198 = tpu.vector_load %arg14[%parallel_loop3A_196, %parallel_loop3A_197] {strides = array<i32>} : memref<8x256xf32, #tpu.memory_space<vmem>>, vector<1x16xf32>,
          %parallel_loop3A_199 = vector.shape_cast %parallel_loop3A_198 : vector<1x16xf32> to vector<16xf32>
          %parallel_loop3A_200 = arith.index_cast %parallel_loop3A_117 : i32 to index
          %parallel_loop3A_201 = arith.constant 16 : index
          %parallel_loop3A_202 = tpu.vector_load %arg12[%parallel_loop3A_200, %parallel_loop3A_201] {strides = array<i32>} : memref<64x128xf32, #tpu.memory_space<vmem>>, vector<1x16xf32>,
          %parallel_loop3A_203 = vector.shape_cast %parallel_loop3A_202 : vector<1x16xf32> to vector<16xf32>
          %parallel_loop3A_204 = arith.index_cast %parallel_loop3A_117 : i32 to index
          %parallel_loop3A_205 = arith.constant 48 : index
          %parallel_loop3A_206 = tpu.vector_load %arg13[%parallel_loop3A_204, %parallel_loop3A_205] {strides = array<i32>} : memref<64x128xf32, #tpu.memory_space<vmem>>, vector<1x16xf32>,
          %parallel_loop3A_207 = vector.shape_cast %parallel_loop3A_206 : vector<1x16xf32> to vector<16xf32>
          %parallel_loop3A_208 = arith.addf %parallel_loop3A_203, %parallel_loop3A_207 : vector<16xf32>
          %parallel_loop3A_209 = arith.addf %parallel_loop3A_208, %parallel_loop3A_199 : vector<16xf32>
          %parallel_loop3A_210 = arith.constant 0.000000e+00 : f32
          %parallel_loop3A_211 = vector.broadcast %parallel_loop3A_210 : f32 to vector<16xf32>
          %parallel_loop3A_212 = arith.maximumf %parallel_loop3A_209, %parallel_loop3A_211 : vector<16xf32>
          %parallel_loop3A_213 = arith.constant 16 : i32
          %parallel_loop3A_214 = arith.addi %parallel_loop3A_159, %parallel_loop3A_213 : i32
          %parallel_loop3A_215 = tpu.assume_multiple %parallel_loop3A_214, 16 : i32
          %parallel_loop3A_216 = arith.index_cast %parallel_loop3A_141 : i32 to index
          %parallel_loop3A_217 = arith.index_cast %parallel_loop3A_215 : i32 to index
          %parallel_loop3A_218 = tpu.vector_load %arg16[%parallel_loop3A_216, %parallel_loop3A_217] {strides = array<i32>} : memref<8x256xf32, #tpu.memory_space<vmem>>, vector<1x16xf32>,
          %parallel_loop3A_219 = vector.shape_cast %parallel_loop3A_218 : vector<1x16xf32> to vector<16xf32>
          %parallel_loop3A_220 = vector.shape_cast %parallel_loop3A_212 : vector<16xf32> to vector<1x16xf32>
          tpu.vector_store %arg16[%parallel_loop3A_216, %parallel_loop3A_217], %parallel_loop3A_220 {strides = array<i32>} : memref<8x256xf32, #tpu.memory_space<vmem>>, vector<1x16xf32>,
          %parallel_loop3A_221 = arith.index_cast %parallel_loop3A_117 : i32 to index
          %parallel_loop3A_222 = arith.constant 16 : index
          %parallel_loop3A_223 = tpu.vector_load %arg18[%parallel_loop3A_221, %parallel_loop3A_222] {strides = array<i32>} : memref<64x128xf32, #tpu.memory_space<vmem>>, vector<1x16xf32>,
          %parallel_loop3A_224 = vector.shape_cast %parallel_loop3A_223 : vector<1x16xf32> to vector<16xf32>
          %parallel_loop3A_225 = vector.shape_cast %parallel_loop3A_212 : vector<16xf32> to vector<1x16xf32>
          tpu.vector_store %arg18[%parallel_loop3A_221, %parallel_loop3A_222], %parallel_loop3A_225 {strides = array<i32>} : memref<64x128xf32, #tpu.memory_space<vmem>>, vector<1x16xf32>,
        } {sc.loop_unroll_factor = 8 : i64, sc.parallel_access}
        %mul3A_101 = arith.constant 8 : i32
        %mul3A_102 = arith.muli %add3A_65, %mul3A_101 : i32
        %dma_start3A_103 = arith.constant 0 : i32
        %dma_start3A_104 = tpu.memref_slice %arg6[%mul3A_102, %dma_start3A_103] : memref<40000x256xf32, #tpu.memory_space<hbm>> -> memref<8x256xf32, #tpu.memory_space<hbm>>
        %dma_start3A_105 = arith.constant 0 : i32
        %dma_start3A_106 = tpu.memref_slice %arg6[%mul3A_102, %dma_start3A_105] : memref<40000x256xf32, #tpu.memory_space<hbm>> -> memref<8x256xf32, #tpu.memory_space<hbm>>
        tpu.enqueue_dma source(%arg16 : memref<8x256xf32, #tpu.memory_space<vmem>>) target(%dma_start3A_106 : memref<8x256xf32, #tpu.memory_space<hbm>>) target_semaphore(%arg24 : memref<!tpu.dma_semaphore, #tpu.memory_space<semaphore_mem>>)
        %dma_start3A_107 = arith.constant 0 : i32
        %dma_start3A_108 = arith.constant 0 : i32
        %dma_start3A_109 = tpu.memref_slice %arg19[%dma_start3A_107, %dma_start3A_108] : memref<10240x128xf32, #tpu.memory_space<vmem_shared>> -> memref<10240x128xf32, #tpu.memory_space<vmem_shared>>
        tpu.enqueue_indirect_dma source(%arg18 : memref<64x128xf32, #tpu.memory_space<vmem>>) target(%dma_start3A_109 : memref<10240x128xf32, #tpu.memory_space<vmem_shared>>) offsets(%arg10 : memref<64xi32, #tpu.memory_space<vmem>>) semaphore(%arg25 : memref<!tpu.dma_semaphore, #tpu.memory_space<semaphore_mem>>) {add = true}
        %add3A_110 = arith.constant 32 : i32
        %add3A_111 = arith.addi %add3A_65, %add3A_110 : i32
        %lt3A_112 = arith.constant 5000 : i32
        %lt3A_113 = arith.cmpi slt, %add3A_111, %lt3A_112 : i32
        %convert_element_type3A_114 = arith.extui %lt3A_113 : i1 to i32
        %cond3A_115 = arith.constant 0 : i32
        %cond3A_116 = arith.cmpi ne, %convert_element_type3A_114, %cond3A_115 : i32
        scf.if %cond3A_116 {
          %gt3A_117 = arith.constant 0 : i32
          %gt3A_118 = arith.cmpi sgt, %mul3A_62, %gt3A_117 : i32
          %convert_element_type3A_119 = arith.extui %gt3A_118 : i1 to i32
          %cond3A_120 = arith.constant 0 : i32
          %cond3A_121 = arith.cmpi ne, %convert_element_type3A_119, %cond3A_120 : i32
          scf.if %cond3A_121 {
            %dma_wait3A_144 = arith.constant 0 : i32
            %dma_wait3A_145 = arith.constant 0 : i32
            %dma_wait3A_146 = tpu.memref_slice %arg6[%dma_wait3A_144, %dma_wait3A_145] : memref<40000x256xf32, #tpu.memory_space<hbm>> -> memref<8x256xf32, #tpu.memory_space<hbm>>
            %dma_wait3A_147 = arith.constant 0 : i32
            %dma_wait3A_148 = arith.constant 0 : i32
            %dma_wait3A_149 = tpu.memref_slice %arg6[%dma_wait3A_147, %dma_wait3A_148] : memref<40000x256xf32, #tpu.memory_space<hbm>> -> memref<8x256xf32, #tpu.memory_space<hbm>>
            tpu.wait_dma2 semaphore(%arg24 : memref<!tpu.dma_semaphore, #tpu.memory_space<semaphore_mem>>) src(%arg17 : memref<8x256xf32, #tpu.memory_space<vmem>>) dst(%dma_wait3A_149 : memref<8x256xf32, #tpu.memory_space<hbm>>)
          } else {
          }
          %mul3A_122 = arith.constant 64 : i32
          %mul3A_123 = arith.muli %add3A_111, %mul3A_122 : i32
          %dma_start3A_124 = tpu.memref_slice %arg4[%mul3A_123] : memref<320000xi32, #tpu.memory_space<hbm>> -> memref<64xi32, #tpu.memory_space<hbm>>
          %dma_start3A_125 = tpu.memref_slice %arg4[%mul3A_123] : memref<320000xi32, #tpu.memory_space<hbm>> -> memref<64xi32, #tpu.memory_space<hbm>>
          tpu.enqueue_dma source(%dma_start3A_125 : memref<64xi32, #tpu.memory_space<hbm>>) target(%arg9 : memref<64xi32, #tpu.memory_space<vmem>>) target_semaphore(%arg23 : memref<!tpu.dma_semaphore, #tpu.memory_space<semaphore_mem>>)
          %dma_start3A_126 = tpu.memref_slice %arg5[%mul3A_123] : memref<320000xi32, #tpu.memory_space<hbm>> -> memref<64xi32, #tpu.memory_space<hbm>>
          %dma_start3A_127 = tpu.memref_slice %arg5[%mul3A_123] : memref<320000xi32, #tpu.memory_space<hbm>> -> memref<64xi32, #tpu.memory_space<hbm>>
          tpu.enqueue_dma source(%dma_start3A_127 : memref<64xi32, #tpu.memory_space<hbm>>) target(%arg11 : memref<64xi32, #tpu.memory_space<vmem>>) target_semaphore(%arg23 : memref<!tpu.dma_semaphore, #tpu.memory_space<semaphore_mem>>)
          %dma_wait3A_128 = tpu.memref_slice %arg4[%mul3A_123] : memref<320000xi32, #tpu.memory_space<hbm>> -> memref<64xi32, #tpu.memory_space<hbm>>
          %dma_wait3A_129 = tpu.memref_slice %arg4[%mul3A_123] : memref<320000xi32, #tpu.memory_space<hbm>> -> memref<64xi32, #tpu.memory_space<hbm>>
          tpu.wait_dma2 semaphore(%arg23 : memref<!tpu.dma_semaphore, #tpu.memory_space<semaphore_mem>>) src(%dma_wait3A_129 : memref<64xi32, #tpu.memory_space<hbm>>) dst(%arg9 : memref<64xi32, #tpu.memory_space<vmem>>)
          %dma_wait3A_130 = tpu.memref_slice %arg5[%mul3A_123] : memref<320000xi32, #tpu.memory_space<hbm>> -> memref<64xi32, #tpu.memory_space<hbm>>
          %dma_wait3A_131 = tpu.memref_slice %arg5[%mul3A_123] : memref<320000xi32, #tpu.memory_space<hbm>> -> memref<64xi32, #tpu.memory_space<hbm>>
          tpu.wait_dma2 semaphore(%arg23 : memref<!tpu.dma_semaphore, #tpu.memory_space<semaphore_mem>>) src(%dma_wait3A_131 : memref<64xi32, #tpu.memory_space<hbm>>) dst(%arg11 : memref<64xi32, #tpu.memory_space<vmem>>)
          %dma_start3A_132 = arith.constant 0 : i32
          %dma_start3A_133 = arith.constant 0 : i32
          %dma_start3A_134 = tpu.memref_slice %arg2[%dma_start3A_132, %dma_start3A_133] : memref<10000x128xf32, #tpu.memory_space<hbm>> -> memref<10000x128xf32, #tpu.memory_space<hbm>>
          tpu.enqueue_indirect_dma source(%dma_start3A_134 : memref<10000x128xf32, #tpu.memory_space<hbm>>) target(%arg12 : memref<64x128xf32, #tpu.memory_space<vmem>>) offsets(%arg9 : memref<64xi32, #tpu.memory_space<vmem>>) semaphore(%arg20 : memref<!tpu.dma_semaphore, #tpu.memory_space<semaphore_mem>>)
          %dma_start3A_135 = arith.constant 0 : i32
          %dma_start3A_136 = arith.constant 0 : i32
          %dma_start3A_137 = tpu.memref_slice %arg2[%dma_start3A_135, %dma_start3A_136] : memref<10000x128xf32, #tpu.memory_space<hbm>> -> memref<10000x128xf32, #tpu.memory_space<hbm>>
          tpu.enqueue_indirect_dma source(%dma_start3A_137 : memref<10000x128xf32, #tpu.memory_space<hbm>>) target(%arg13 : memref<64x128xf32, #tpu.memory_space<vmem>>) offsets(%arg11 : memref<64xi32, #tpu.memory_space<vmem>>) semaphore(%arg21 : memref<!tpu.dma_semaphore, #tpu.memory_space<semaphore_mem>>)
          %mul3A_138 = arith.constant 8 : i32
          %mul3A_139 = arith.muli %add3A_111, %mul3A_138 : i32
          %dma_start3A_140 = arith.constant 0 : i32
          %dma_start3A_141 = tpu.memref_slice %arg3[%mul3A_139, %dma_start3A_140] : memref<40000x256xf32, #tpu.memory_space<hbm>> -> memref<8x256xf32, #tpu.memory_space<hbm>>
          %dma_start3A_142 = arith.constant 0 : i32
          %dma_start3A_143 = tpu.memref_slice %arg3[%mul3A_139, %dma_start3A_142] : memref<40000x256xf32, #tpu.memory_space<hbm>> -> memref<8x256xf32, #tpu.memory_space<hbm>>
          tpu.enqueue_dma source(%dma_start3A_143 : memref<8x256xf32, #tpu.memory_space<hbm>>) target(%arg15 : memref<8x256xf32, #tpu.memory_space<vmem>>) target_semaphore(%arg22 : memref<!tpu.dma_semaphore, #tpu.memory_space<semaphore_mem>>)
        } else {
        }
      } else {
      }
      %mul3A_68 = arith.constant 2 : i32
      %mul3A_69 = arith.muli %mul3A_68, %scan3A_59 : i32
      %add3A_70 = arith.constant 1 : i32
      %add3A_71 = arith.addi %mul3A_69, %add3A_70 : i32
      %mul3A_72 = arith.constant 32 : i32
      %mul3A_73 = arith.muli %add3A_71, %mul3A_72 : i32
      %add3A_74 = arith.addi %mul3A_73, %add3A : i32
      %lt3A_75 = arith.constant 5000 : i32
      %lt3A_76 = arith.cmpi slt, %add3A_74, %lt3A_75 : i32
      %convert_element_type3A_77 = arith.extui %lt3A_76 : i1 to i32
      %cond3A_78 = arith.constant 0 : i32
      %cond3A_79 = arith.cmpi ne, %convert_element_type3A_77, %cond3A_78 : i32
      scf.if %cond3A_79 {
        %mul3A_81 = arith.constant 64 : i32
        %mul3A_82 = arith.muli %add3A_74, %mul3A_81 : i32
        %dma_wait3A_83 = arith.constant 0 : i32
        %dma_wait3A_84 = arith.constant 0 : i32
        %dma_wait3A_85 = tpu.memref_slice %arg2[%dma_wait3A_83, %dma_wait3A_84] : memref<10000x128xf32, #tpu.memory_space<hbm>> -> memref<10000x128xf32, #tpu.memory_space<hbm>>
        tpu.wait_indirect_dma semaphore(%arg20 : memref<!tpu.dma_semaphore, #tpu.memory_space<semaphore_mem>>) src(%dma_wait3A_85 : memref<10000x128xf32, #tpu.memory_space<hbm>>) dst(%arg12 : memref<64x128xf32, #tpu.memory_space<vmem>>)
        %dma_wait3A_86 = arith.constant 0 : i32
        %dma_wait3A_87 = arith.constant 0 : i32
        %dma_wait3A_88 = tpu.memref_slice %arg2[%dma_wait3A_86, %dma_wait3A_87] : memref<10000x128xf32, #tpu.memory_space<hbm>> -> memref<10000x128xf32, #tpu.memory_space<hbm>>
        tpu.wait_indirect_dma semaphore(%arg21 : memref<!tpu.dma_semaphore, #tpu.memory_space<semaphore_mem>>) src(%dma_wait3A_88 : memref<10000x128xf32, #tpu.memory_space<hbm>>) dst(%arg13 : memref<64x128xf32, #tpu.memory_space<vmem>>)
        %dma_wait3A_89 = arith.constant 0 : i32
        %dma_wait3A_90 = arith.constant 0 : i32
        %dma_wait3A_91 = tpu.memref_slice %arg3[%dma_wait3A_89, %dma_wait3A_90] : memref<40000x256xf32, #tpu.memory_space<hbm>> -> memref<8x256xf32, #tpu.memory_space<hbm>>
        %dma_wait3A_92 = arith.constant 0 : i32
        %dma_wait3A_93 = arith.constant 0 : i32
        %dma_wait3A_94 = tpu.memref_slice %arg3[%dma_wait3A_92, %dma_wait3A_93] : memref<40000x256xf32, #tpu.memory_space<hbm>> -> memref<8x256xf32, #tpu.memory_space<hbm>>
        tpu.wait_dma2 semaphore(%arg22 : memref<!tpu.dma_semaphore, #tpu.memory_space<semaphore_mem>>) src(%dma_wait3A_94 : memref<8x256xf32, #tpu.memory_space<hbm>>) dst(%arg15 : memref<8x256xf32, #tpu.memory_space<vmem>>)
        %gt3A = arith.constant 0 : i32
        %gt3A_95 = arith.cmpi sgt, %add3A_71, %gt3A : i32
        %convert_element_type3A_96 = arith.extui %gt3A_95 : i1 to i32
        %cond3A_97 = arith.constant 0 : i32
        %cond3A_98 = arith.cmpi ne, %convert_element_type3A_96, %cond3A_97 : i32
        scf.if %cond3A_98 {
          %dma_wait3A_117 = arith.constant 0 : i32
          %dma_wait3A_118 = arith.constant 0 : i32
          %dma_wait3A_119 = tpu.memref_slice %arg19[%dma_wait3A_117, %dma_wait3A_118] : memref<10240x128xf32, #tpu.memory_space<vmem_shared>> -> memref<10240x128xf32, #tpu.memory_space<vmem_shared>>
          tpu.wait_indirect_dma semaphore(%arg25 : memref<!tpu.dma_semaphore, #tpu.memory_space<semaphore_mem>>) src(%arg18 : memref<64x128xf32, #tpu.memory_space<vmem>>) dst(%dma_wait3A_119 : memref<10240x128xf32, #tpu.memory_space<vmem_shared>>)
        } else {
        }
        %parallel_loop3A = arith.constant 0 : i32
        %parallel_loop3A_99 = arith.constant 64 : i32
        %parallel_loop3A_100 = arith.constant 1 : i32
        scf.for %parallel_loop3A_117 = %parallel_loop3A to %parallel_loop3A_99 step %parallel_loop3A_100  : i32 {
          %parallel_loop3A_118 = arith.constant 8 : i32
          %parallel_loop3A_119 = arith.divsi %parallel_loop3A_117, %parallel_loop3A_118 : i32
          %parallel_loop3A_120 = arith.constant 0 : i32
          %parallel_loop3A_121 = arith.cmpi sgt, %parallel_loop3A_117, %parallel_loop3A_120 : i32
          %parallel_loop3A_122 = arith.extui %parallel_loop3A_121 : i1 to i32
          %parallel_loop3A_123 = arith.constant 0 : i32
          %parallel_loop3A_124 = arith.cmpi slt, %parallel_loop3A_117, %parallel_loop3A_123 : i32
          %parallel_loop3A_125 = arith.extui %parallel_loop3A_124 : i1 to i32
          %parallel_loop3A_126 = arith.subi %parallel_loop3A_122, %parallel_loop3A_125 : i32
          %parallel_loop3A_127 = arith.constant 0 : i32
          %parallel_loop3A_128 = arith.cmpi sgt, %parallel_loop3A_118, %parallel_loop3A_127 : i32
          %parallel_loop3A_129 = arith.extui %parallel_loop3A_128 : i1 to i32
          %parallel_loop3A_130 = arith.constant 0 : i32
          %parallel_loop3A_131 = arith.cmpi slt, %parallel_loop3A_118, %parallel_loop3A_130 : i32
          %parallel_loop3A_132 = arith.extui %parallel_loop3A_131 : i1 to i32
          %parallel_loop3A_133 = arith.subi %parallel_loop3A_129, %parallel_loop3A_132 : i32
          %parallel_loop3A_134 = arith.cmpi ne, %parallel_loop3A_126, %parallel_loop3A_133 : i32
          %parallel_loop3A_135 = arith.remsi %parallel_loop3A_117, %parallel_loop3A_118 : i32
          %parallel_loop3A_136 = arith.constant 0 : i32
          %parallel_loop3A_137 = arith.cmpi ne, %parallel_loop3A_135, %parallel_loop3A_136 : i32
          %parallel_loop3A_138 = arith.andi %parallel_loop3A_134, %parallel_loop3A_137 : i1
          %parallel_loop3A_139 = arith.constant 1 : i32
          %parallel_loop3A_140 = arith.subi %parallel_loop3A_119, %parallel_loop3A_139 : i32
          %parallel_loop3A_141 = arith.select %parallel_loop3A_138, %parallel_loop3A_140, %parallel_loop3A_119 : i32
          %parallel_loop3A_142 = arith.constant 8 : i32
          %parallel_loop3A_143 = arith.constant 0 : i32
          %parallel_loop3A_144 = arith.cmpi eq, %parallel_loop3A_142, %parallel_loop3A_143 : i32
          %parallel_loop3A_145 = arith.constant 1 : i32
          %parallel_loop3A_146 = arith.select %parallel_loop3A_144, %parallel_loop3A_145, %parallel_loop3A_142 : i32
          %parallel_loop3A_147 = arith.remsi %parallel_loop3A_117, %parallel_loop3A_146 : i32
          %parallel_loop3A_148 = arith.constant 0 : i32
          %parallel_loop3A_149 = arith.cmpi ne, %parallel_loop3A_147, %parallel_loop3A_148 : i32
          %parallel_loop3A_150 = arith.constant 0 : i32
          %parallel_loop3A_151 = arith.cmpi slt, %parallel_loop3A_147, %parallel_loop3A_150 : i32
          %parallel_loop3A_152 = arith.constant 0 : i32
          %parallel_loop3A_153 = arith.cmpi slt, %parallel_loop3A_146, %parallel_loop3A_152 : i32
          %parallel_loop3A_154 = arith.xori %parallel_loop3A_151, %parallel_loop3A_153 : i1
          %parallel_loop3A_155 = arith.andi %parallel_loop3A_154, %parallel_loop3A_149 : i1
          %parallel_loop3A_156 = arith.addi %parallel_loop3A_147, %parallel_loop3A_146 : i32
          %parallel_loop3A_157 = arith.select %parallel_loop3A_155, %parallel_loop3A_156, %parallel_loop3A_147 : i32
          %parallel_loop3A_158 = arith.constant 32 : i32
          %parallel_loop3A_159 = arith.muli %parallel_loop3A_157, %parallel_loop3A_158 : i32
          %parallel_loop3A_160 = arith.constant 0 : i32
          %parallel_loop3A_161 = arith.addi %parallel_loop3A_159, %parallel_loop3A_160 : i32
          %parallel_loop3A_162 = tpu.assume_multiple %parallel_loop3A_161, 16 : i32
          %parallel_loop3A_163 = arith.index_cast %parallel_loop3A_141 : i32 to index
          %parallel_loop3A_164 = arith.index_cast %parallel_loop3A_162 : i32 to index
          %parallel_loop3A_165 = tpu.vector_load %arg15[%parallel_loop3A_163, %parallel_loop3A_164] {strides = array<i32>} : memref<8x256xf32, #tpu.memory_space<vmem>>, vector<1x16xf32>,
          %parallel_loop3A_166 = vector.shape_cast %parallel_loop3A_165 : vector<1x16xf32> to vector<16xf32>
          %parallel_loop3A_167 = arith.index_cast %parallel_loop3A_117 : i32 to index
          %parallel_loop3A_168 = arith.constant 0 : index
          %parallel_loop3A_169 = tpu.vector_load %arg12[%parallel_loop3A_167, %parallel_loop3A_168] {strides = array<i32>} : memref<64x128xf32, #tpu.memory_space<vmem>>, vector<1x16xf32>,
          %parallel_loop3A_170 = vector.shape_cast %parallel_loop3A_169 : vector<1x16xf32> to vector<16xf32>
          %parallel_loop3A_171 = arith.index_cast %parallel_loop3A_117 : i32 to index
          %parallel_loop3A_172 = arith.constant 32 : index
          %parallel_loop3A_173 = tpu.vector_load %arg13[%parallel_loop3A_171, %parallel_loop3A_172] {strides = array<i32>} : memref<64x128xf32, #tpu.memory_space<vmem>>, vector<1x16xf32>,
          %parallel_loop3A_174 = vector.shape_cast %parallel_loop3A_173 : vector<1x16xf32> to vector<16xf32>
          %parallel_loop3A_175 = arith.addf %parallel_loop3A_170, %parallel_loop3A_174 : vector<16xf32>
          %parallel_loop3A_176 = arith.addf %parallel_loop3A_175, %parallel_loop3A_166 : vector<16xf32>
          %parallel_loop3A_177 = arith.constant 0.000000e+00 : f32
          %parallel_loop3A_178 = vector.broadcast %parallel_loop3A_177 : f32 to vector<16xf32>
          %parallel_loop3A_179 = arith.maximumf %parallel_loop3A_176, %parallel_loop3A_178 : vector<16xf32>
          %parallel_loop3A_180 = arith.constant 0 : i32
          %parallel_loop3A_181 = arith.addi %parallel_loop3A_159, %parallel_loop3A_180 : i32
          %parallel_loop3A_182 = tpu.assume_multiple %parallel_loop3A_181, 16 : i32
          %parallel_loop3A_183 = arith.index_cast %parallel_loop3A_141 : i32 to index
          %parallel_loop3A_184 = arith.index_cast %parallel_loop3A_182 : i32 to index
          %parallel_loop3A_185 = tpu.vector_load %arg17[%parallel_loop3A_183, %parallel_loop3A_184] {strides = array<i32>} : memref<8x256xf32, #tpu.memory_space<vmem>>, vector<1x16xf32>,
          %parallel_loop3A_186 = vector.shape_cast %parallel_loop3A_185 : vector<1x16xf32> to vector<16xf32>
          %parallel_loop3A_187 = vector.shape_cast %parallel_loop3A_179 : vector<16xf32> to vector<1x16xf32>
          tpu.vector_store %arg17[%parallel_loop3A_183, %parallel_loop3A_184], %parallel_loop3A_187 {strides = array<i32>} : memref<8x256xf32, #tpu.memory_space<vmem>>, vector<1x16xf32>,
          %parallel_loop3A_188 = arith.index_cast %parallel_loop3A_117 : i32 to index
          %parallel_loop3A_189 = arith.constant 0 : index
          %parallel_loop3A_190 = tpu.vector_load %arg18[%parallel_loop3A_188, %parallel_loop3A_189] {strides = array<i32>} : memref<64x128xf32, #tpu.memory_space<vmem>>, vector<1x16xf32>,
          %parallel_loop3A_191 = vector.shape_cast %parallel_loop3A_190 : vector<1x16xf32> to vector<16xf32>
          %parallel_loop3A_192 = vector.shape_cast %parallel_loop3A_179 : vector<16xf32> to vector<1x16xf32>
          tpu.vector_store %arg18[%parallel_loop3A_188, %parallel_loop3A_189], %parallel_loop3A_192 {strides = array<i32>} : memref<64x128xf32, #tpu.memory_space<vmem>>, vector<1x16xf32>,
          %parallel_loop3A_193 = arith.constant 16 : i32
          %parallel_loop3A_194 = arith.addi %parallel_loop3A_159, %parallel_loop3A_193 : i32
          %parallel_loop3A_195 = tpu.assume_multiple %parallel_loop3A_194, 16 : i32
          %parallel_loop3A_196 = arith.index_cast %parallel_loop3A_141 : i32 to index
          %parallel_loop3A_197 = arith.index_cast %parallel_loop3A_195 : i32 to index
          %parallel_loop3A_198 = tpu.vector_load %arg15[%parallel_loop3A_196, %parallel_loop3A_197] {strides = array<i32>} : memref<8x256xf32, #tpu.memory_space<vmem>>, vector<1x16xf32>,
          %parallel_loop3A_199 = vector.shape_cast %parallel_loop3A_198 : vector<1x16xf32> to vector<16xf32>
          %parallel_loop3A_200 = arith.index_cast %parallel_loop3A_117 : i32 to index
          %parallel_loop3A_201 = arith.constant 16 : index
          %parallel_loop3A_202 = tpu.vector_load %arg12[%parallel_loop3A_200, %parallel_loop3A_201] {strides = array<i32>} : memref<64x128xf32, #tpu.memory_space<vmem>>, vector<1x16xf32>,
          %parallel_loop3A_203 = vector.shape_cast %parallel_loop3A_202 : vector<1x16xf32> to vector<16xf32>
          %parallel_loop3A_204 = arith.index_cast %parallel_loop3A_117 : i32 to index
          %parallel_loop3A_205 = arith.constant 48 : index
          %parallel_loop3A_206 = tpu.vector_load %arg13[%parallel_loop3A_204, %parallel_loop3A_205] {strides = array<i32>} : memref<64x128xf32, #tpu.memory_space<vmem>>, vector<1x16xf32>,
          %parallel_loop3A_207 = vector.shape_cast %parallel_loop3A_206 : vector<1x16xf32> to vector<16xf32>
          %parallel_loop3A_208 = arith.addf %parallel_loop3A_203, %parallel_loop3A_207 : vector<16xf32>
          %parallel_loop3A_209 = arith.addf %parallel_loop3A_208, %parallel_loop3A_199 : vector<16xf32>
          %parallel_loop3A_210 = arith.constant 0.000000e+00 : f32
          %parallel_loop3A_211 = vector.broadcast %parallel_loop3A_210 : f32 to vector<16xf32>
          %parallel_loop3A_212 = arith.maximumf %parallel_loop3A_209, %parallel_loop3A_211 : vector<16xf32>
          %parallel_loop3A_213 = arith.constant 16 : i32
          %parallel_loop3A_214 = arith.addi %parallel_loop3A_159, %parallel_loop3A_213 : i32
          %parallel_loop3A_215 = tpu.assume_multiple %parallel_loop3A_214, 16 : i32
          %parallel_loop3A_216 = arith.index_cast %parallel_loop3A_141 : i32 to index
          %parallel_loop3A_217 = arith.index_cast %parallel_loop3A_215 : i32 to index
          %parallel_loop3A_218 = tpu.vector_load %arg17[%parallel_loop3A_216, %parallel_loop3A_217] {strides = array<i32>} : memref<8x256xf32, #tpu.memory_space<vmem>>, vector<1x16xf32>,
          %parallel_loop3A_219 = vector.shape_cast %parallel_loop3A_218 : vector<1x16xf32> to vector<16xf32>
          %parallel_loop3A_220 = vector.shape_cast %parallel_loop3A_212 : vector<16xf32> to vector<1x16xf32>
          tpu.vector_store %arg17[%parallel_loop3A_216, %parallel_loop3A_217], %parallel_loop3A_220 {strides = array<i32>} : memref<8x256xf32, #tpu.memory_space<vmem>>, vector<1x16xf32>,
          %parallel_loop3A_221 = arith.index_cast %parallel_loop3A_117 : i32 to index
          %parallel_loop3A_222 = arith.constant 16 : index
          %parallel_loop3A_223 = tpu.vector_load %arg18[%parallel_loop3A_221, %parallel_loop3A_222] {strides = array<i32>} : memref<64x128xf32, #tpu.memory_space<vmem>>, vector<1x16xf32>,
          %parallel_loop3A_224 = vector.shape_cast %parallel_loop3A_223 : vector<1x16xf32> to vector<16xf32>
          %parallel_loop3A_225 = vector.shape_cast %parallel_loop3A_212 : vector<16xf32> to vector<1x16xf32>
          tpu.vector_store %arg18[%parallel_loop3A_221, %parallel_loop3A_222], %parallel_loop3A_225 {strides = array<i32>} : memref<64x128xf32, #tpu.memory_space<vmem>>, vector<1x16xf32>,
        } {sc.loop_unroll_factor = 8 : i64, sc.parallel_access}
        %mul3A_101 = arith.constant 8 : i32
        %mul3A_102 = arith.muli %add3A_74, %mul3A_101 : i32
        %dma_start3A_103 = arith.constant 0 : i32
        %dma_start3A_104 = tpu.memref_slice %arg6[%mul3A_102, %dma_start3A_103] : memref<40000x256xf32, #tpu.memory_space<hbm>> -> memref<8x256xf32, #tpu.memory_space<hbm>>
        %dma_start3A_105 = arith.constant 0 : i32
        %dma_start3A_106 = tpu.memref_slice %arg6[%mul3A_102, %dma_start3A_105] : memref<40000x256xf32, #tpu.memory_space<hbm>> -> memref<8x256xf32, #tpu.memory_space<hbm>>
        tpu.enqueue_dma source(%arg17 : memref<8x256xf32, #tpu.memory_space<vmem>>) target(%dma_start3A_106 : memref<8x256xf32, #tpu.memory_space<hbm>>) target_semaphore(%arg24 : memref<!tpu.dma_semaphore, #tpu.memory_space<semaphore_mem>>)
        %dma_start3A_107 = arith.constant 0 : i32
        %dma_start3A_108 = arith.constant 0 : i32
        %dma_start3A_109 = tpu.memref_slice %arg19[%dma_start3A_107, %dma_start3A_108] : memref<10240x128xf32, #tpu.memory_space<vmem_shared>> -> memref<10240x128xf32, #tpu.memory_space<vmem_shared>>
        tpu.enqueue_indirect_dma source(%arg18 : memref<64x128xf32, #tpu.memory_space<vmem>>) target(%dma_start3A_109 : memref<10240x128xf32, #tpu.memory_space<vmem_shared>>) offsets(%arg11 : memref<64xi32, #tpu.memory_space<vmem>>) semaphore(%arg25 : memref<!tpu.dma_semaphore, #tpu.memory_space<semaphore_mem>>) {add = true}
        %add3A_110 = arith.constant 32 : i32
        %add3A_111 = arith.addi %add3A_74, %add3A_110 : i32
        %lt3A_112 = arith.constant 5000 : i32
        %lt3A_113 = arith.cmpi slt, %add3A_111, %lt3A_112 : i32
        %convert_element_type3A_114 = arith.extui %lt3A_113 : i1 to i32
        %cond3A_115 = arith.constant 0 : i32
        %cond3A_116 = arith.cmpi ne, %convert_element_type3A_114, %cond3A_115 : i32
        scf.if %cond3A_116 {
          %gt3A_117 = arith.constant 0 : i32
          %gt3A_118 = arith.cmpi sgt, %add3A_71, %gt3A_117 : i32
          %convert_element_type3A_119 = arith.extui %gt3A_118 : i1 to i32
          %cond3A_120 = arith.constant 0 : i32
          %cond3A_121 = arith.cmpi ne, %convert_element_type3A_119, %cond3A_120 : i32
          scf.if %cond3A_121 {
            %dma_wait3A_144 = arith.constant 0 : i32
            %dma_wait3A_145 = arith.constant 0 : i32
            %dma_wait3A_146 = tpu.memref_slice %arg6[%dma_wait3A_144, %dma_wait3A_145] : memref<40000x256xf32, #tpu.memory_space<hbm>> -> memref<8x256xf32, #tpu.memory_space<hbm>>
            %dma_wait3A_147 = arith.constant 0 : i32
            %dma_wait3A_148 = arith.constant 0 : i32
            %dma_wait3A_149 = tpu.memref_slice %arg6[%dma_wait3A_147, %dma_wait3A_148] : memref<40000x256xf32, #tpu.memory_space<hbm>> -> memref<8x256xf32, #tpu.memory_space<hbm>>
            tpu.wait_dma2 semaphore(%arg24 : memref<!tpu.dma_semaphore, #tpu.memory_space<semaphore_mem>>) src(%arg16 : memref<8x256xf32, #tpu.memory_space<vmem>>) dst(%dma_wait3A_149 : memref<8x256xf32, #tpu.memory_space<hbm>>)
          } else {
          }
          %mul3A_122 = arith.constant 64 : i32
          %mul3A_123 = arith.muli %add3A_111, %mul3A_122 : i32
          %dma_start3A_124 = tpu.memref_slice %arg4[%mul3A_123] : memref<320000xi32, #tpu.memory_space<hbm>> -> memref<64xi32, #tpu.memory_space<hbm>>
          %dma_start3A_125 = tpu.memref_slice %arg4[%mul3A_123] : memref<320000xi32, #tpu.memory_space<hbm>> -> memref<64xi32, #tpu.memory_space<hbm>>
          tpu.enqueue_dma source(%dma_start3A_125 : memref<64xi32, #tpu.memory_space<hbm>>) target(%arg8 : memref<64xi32, #tpu.memory_space<vmem>>) target_semaphore(%arg23 : memref<!tpu.dma_semaphore, #tpu.memory_space<semaphore_mem>>)
          %dma_start3A_126 = tpu.memref_slice %arg5[%mul3A_123] : memref<320000xi32, #tpu.memory_space<hbm>> -> memref<64xi32, #tpu.memory_space<hbm>>
          %dma_start3A_127 = tpu.memref_slice %arg5[%mul3A_123] : memref<320000xi32, #tpu.memory_space<hbm>> -> memref<64xi32, #tpu.memory_space<hbm>>
          tpu.enqueue_dma source(%dma_start3A_127 : memref<64xi32, #tpu.memory_space<hbm>>) target(%arg10 : memref<64xi32, #tpu.memory_space<vmem>>) target_semaphore(%arg23 : memref<!tpu.dma_semaphore, #tpu.memory_space<semaphore_mem>>)
          %dma_wait3A_128 = tpu.memref_slice %arg4[%mul3A_123] : memref<320000xi32, #tpu.memory_space<hbm>> -> memref<64xi32, #tpu.memory_space<hbm>>
          %dma_wait3A_129 = tpu.memref_slice %arg4[%mul3A_123] : memref<320000xi32, #tpu.memory_space<hbm>> -> memref<64xi32, #tpu.memory_space<hbm>>
          tpu.wait_dma2 semaphore(%arg23 : memref<!tpu.dma_semaphore, #tpu.memory_space<semaphore_mem>>) src(%dma_wait3A_129 : memref<64xi32, #tpu.memory_space<hbm>>) dst(%arg8 : memref<64xi32, #tpu.memory_space<vmem>>)
          %dma_wait3A_130 = tpu.memref_slice %arg5[%mul3A_123] : memref<320000xi32, #tpu.memory_space<hbm>> -> memref<64xi32, #tpu.memory_space<hbm>>
          %dma_wait3A_131 = tpu.memref_slice %arg5[%mul3A_123] : memref<320000xi32, #tpu.memory_space<hbm>> -> memref<64xi32, #tpu.memory_space<hbm>>
          tpu.wait_dma2 semaphore(%arg23 : memref<!tpu.dma_semaphore, #tpu.memory_space<semaphore_mem>>) src(%dma_wait3A_131 : memref<64xi32, #tpu.memory_space<hbm>>) dst(%arg10 : memref<64xi32, #tpu.memory_space<vmem>>)
          %dma_start3A_132 = arith.constant 0 : i32
          %dma_start3A_133 = arith.constant 0 : i32
          %dma_start3A_134 = tpu.memref_slice %arg2[%dma_start3A_132, %dma_start3A_133] : memref<10000x128xf32, #tpu.memory_space<hbm>> -> memref<10000x128xf32, #tpu.memory_space<hbm>>
          tpu.enqueue_indirect_dma source(%dma_start3A_134 : memref<10000x128xf32, #tpu.memory_space<hbm>>) target(%arg12 : memref<64x128xf32, #tpu.memory_space<vmem>>) offsets(%arg8 : memref<64xi32, #tpu.memory_space<vmem>>) semaphore(%arg20 : memref<!tpu.dma_semaphore, #tpu.memory_space<semaphore_mem>>)
          %dma_start3A_135 = arith.constant 0 : i32
          %dma_start3A_136 = arith.constant 0 : i32
          %dma_start3A_137 = tpu.memref_slice %arg2[%dma_start3A_135, %dma_start3A_136] : memref<10000x128xf32, #tpu.memory_space<hbm>> -> memref<10000x128xf32, #tpu.memory_space<hbm>>
          tpu.enqueue_indirect_dma source(%dma_start3A_137 : memref<10000x128xf32, #tpu.memory_space<hbm>>) target(%arg13 : memref<64x128xf32, #tpu.memory_space<vmem>>) offsets(%arg10 : memref<64xi32, #tpu.memory_space<vmem>>) semaphore(%arg21 : memref<!tpu.dma_semaphore, #tpu.memory_space<semaphore_mem>>)
          %mul3A_138 = arith.constant 8 : i32
          %mul3A_139 = arith.muli %add3A_111, %mul3A_138 : i32
          %dma_start3A_140 = arith.constant 0 : i32
          %dma_start3A_141 = tpu.memref_slice %arg3[%mul3A_139, %dma_start3A_140] : memref<40000x256xf32, #tpu.memory_space<hbm>> -> memref<8x256xf32, #tpu.memory_space<hbm>>
          %dma_start3A_142 = arith.constant 0 : i32
          %dma_start3A_143 = tpu.memref_slice %arg3[%mul3A_139, %dma_start3A_142] : memref<40000x256xf32, #tpu.memory_space<hbm>> -> memref<8x256xf32, #tpu.memory_space<hbm>>
          tpu.enqueue_dma source(%dma_start3A_143 : memref<8x256xf32, #tpu.memory_space<hbm>>) target(%arg14 : memref<8x256xf32, #tpu.memory_space<vmem>>) target_semaphore(%arg22 : memref<!tpu.dma_semaphore, #tpu.memory_space<semaphore_mem>>)
        } else {
        }
      } else {
      }
      %scan3A_80 = arith.constant 0 : i32
      scf.yield %scan3A_80 : i32
    }
    %scan3A_40 = arith.constant 79 : i32
    %dma_wait3A_41 = arith.constant 0 : i32
    %dma_wait3A_42 = arith.constant 0 : i32
    %dma_wait3A_43 = tpu.memref_slice %arg6[%dma_wait3A_41, %dma_wait3A_42] : memref<40000x256xf32, #tpu.memory_space<hbm>> -> memref<8x256xf32, #tpu.memory_space<hbm>>
    %dma_wait3A_44 = arith.constant 0 : i32
    %dma_wait3A_45 = arith.constant 0 : i32
    %dma_wait3A_46 = tpu.memref_slice %arg6[%dma_wait3A_44, %dma_wait3A_45] : memref<40000x256xf32, #tpu.memory_space<hbm>> -> memref<8x256xf32, #tpu.memory_space<hbm>>
    tpu.wait_dma2 semaphore(%arg24 : memref<!tpu.dma_semaphore, #tpu.memory_space<semaphore_mem>>) src(%arg16 : memref<8x256xf32, #tpu.memory_space<vmem>>) dst(%dma_wait3A_46 : memref<8x256xf32, #tpu.memory_space<hbm>>)
    %dma_wait3A_47 = arith.constant 0 : i32
    %dma_wait3A_48 = arith.constant 0 : i32
    %dma_wait3A_49 = tpu.memref_slice %arg6[%dma_wait3A_47, %dma_wait3A_48] : memref<40000x256xf32, #tpu.memory_space<hbm>> -> memref<8x256xf32, #tpu.memory_space<hbm>>
    %dma_wait3A_50 = arith.constant 0 : i32
    %dma_wait3A_51 = arith.constant 0 : i32
    %dma_wait3A_52 = tpu.memref_slice %arg6[%dma_wait3A_50, %dma_wait3A_51] : memref<40000x256xf32, #tpu.memory_space<hbm>> -> memref<8x256xf32, #tpu.memory_space<hbm>>
    tpu.wait_dma2 semaphore(%arg24 : memref<!tpu.dma_semaphore, #tpu.memory_space<semaphore_mem>>) src(%arg16 : memref<8x256xf32, #tpu.memory_space<vmem>>) dst(%dma_wait3A_52 : memref<8x256xf32, #tpu.memory_space<hbm>>)
    %dma_wait3A_53 = arith.constant 0 : i32
    %dma_wait3A_54 = arith.constant 0 : i32
    %dma_wait3A_55 = tpu.memref_slice %arg19[%dma_wait3A_53, %dma_wait3A_54] : memref<10240x128xf32, #tpu.memory_space<vmem_shared>> -> memref<10240x128xf32, #tpu.memory_space<vmem_shared>>
    tpu.wait_indirect_dma semaphore(%arg25 : memref<!tpu.dma_semaphore, #tpu.memory_space<semaphore_mem>>) src(%arg18 : memref<64x128xf32, #tpu.memory_space<vmem>>) dst(%dma_wait3A_55 : memref<10240x128xf32, #tpu.memory_space<vmem_shared>>)
    %barrier3A_56 = arith.constant 0 : index
    tpu.barrier barrier_id(%barrier3A_56)
    %mul3A_57 = arith.constant 640 : i32
    %mul3A_58 = arith.muli %arg1, %mul3A_57 : i32
    "tpu.region"() ({
      %run_scoped3A = tpu.sem_alloc : memref<!tpu.dma_semaphore, #tpu.memory_space<semaphore_mem>>
      %dma_start3A_59 = arith.constant 0 : i32
      %dma_start3A_60 = tpu.memref_slice %arg7[%arg0, %mul3A_58, %dma_start3A_59] : memref<2x10240x128xf32, #tpu.memory_space<hbm>> -> memref<1x640x128xf32, #tpu.memory_space<hbm>>
      %dma_start3A_61 = tpu.memref_squeeze %dma_start3A_60 : memref<1x640x128xf32, #tpu.memory_space<hbm>> -> memref<640x128xf32, #tpu.memory_space<hbm>>
      %dma_start3A_62 = arith.constant 0 : i32
      %dma_start3A_63 = tpu.memref_slice %arg19[%mul3A_58, %dma_start3A_62] : memref<10240x128xf32, #tpu.memory_space<vmem_shared>> -> memref<640x128xf32, #tpu.memory_space<vmem_shared>>
      tpu.enqueue_dma source(%dma_start3A_63 : memref<640x128xf32, #tpu.memory_space<vmem_shared>>) target(%dma_start3A_61 : memref<640x128xf32, #tpu.memory_space<hbm>>) target_semaphore(%run_scoped3A : memref<!tpu.dma_semaphore, #tpu.memory_space<semaphore_mem>>)
      %dma_wait3A_64 = arith.constant 0 : i32
      %dma_wait3A_65 = tpu.memref_slice %arg7[%arg0, %mul3A_58, %dma_wait3A_64] : memref<2x10240x128xf32, #tpu.memory_space<hbm>> -> memref<1x640x128xf32, #tpu.memory_space<hbm>>
      %dma_wait3A_66 = tpu.memref_squeeze %dma_wait3A_65 : memref<1x640x128xf32, #tpu.memory_space<hbm>> -> memref<640x128xf32, #tpu.memory_space<hbm>>
      %dma_wait3A_67 = arith.constant 0 : i32
      %dma_wait3A_68 = tpu.memref_slice %arg19[%mul3A_58, %dma_wait3A_67] : memref<10240x128xf32, #tpu.memory_space<vmem_shared>> -> memref<640x128xf32, #tpu.memory_space<vmem_shared>>
      tpu.wait_dma2 semaphore(%run_scoped3A : memref<!tpu.dma_semaphore, #tpu.memory_space<semaphore_mem>>) src(%dma_wait3A_68 : memref<640x128xf32, #tpu.memory_space<vmem_shared>>) dst(%dma_wait3A_66 : memref<640x128xf32, #tpu.memory_space<hbm>>)
      tpu.yield
    }) : () -> ()
    return
  }
}

module attributes {stable_mosaic.version = 14 : i64} {
  func.func @_encode_body(%arg0: i32, %arg1: memref<1000x128xf32, #tpu.memory_space<vmem>>, %arg2: memref<128x32xf32, #tpu.memory_space<vmem>>, %arg3: memref<1x32xf32, #tpu.memory_space<vmem>>, %arg4: memref<32x32xf32, #tpu.memory_space<vmem>>, %arg5: memref<32x32xf32, #tpu.memory_space<vmem>>, %arg6: memref<1000x32xf32, #tpu.memory_space<vmem>>, %arg7: memref<1000x128xf32, #tpu.memory_space<vmem>>) attributes {dimension_semantics = [#tpu.dimension_semantics<arbitrary>], iteration_bounds = array<i64: 10>, scalar_prefetch = 0 : i64, scratch_operands = 0 : i64, tpu.core_type = #tpu.core_type<tc>, window_params = [{transform_indices = @transform_0, window_bounds = array<i64: 1000, 128>}, {pipeline_mode = #tpu.pipeline_mode<synchronous>, transform_indices = @transform_1, window_bounds = array<i64: 128, 32>}, {pipeline_mode = #tpu.pipeline_mode<synchronous>, transform_indices = @transform_2, window_bounds = array<i64: 1, 32>}, {pipeline_mode = #tpu.pipeline_mode<synchronous>, transform_indices = @transform_3, window_bounds = array<i64: 32, 32>}, {pipeline_mode = #tpu.pipeline_mode<synchronous>, transform_indices = @transform_4, window_bounds = array<i64: 32, 32>}, {transform_indices = @transform_5, window_bounds = array<i64: 1000, 32>}, {transform_indices = @transform_6, window_bounds = array<i64: 1000, 128>}]} {
    %get3A = arith.constant 0 : index
    %get3A_0 = arith.constant 0 : index
    %get3A_1 = vector.load %arg1[%get3A, %get3A_0] : memref<1000x128xf32, #tpu.memory_space<vmem>>, vector<1000x128xf32>
    %get3A_2 = arith.constant 0 : index
    %get3A_3 = arith.constant 0 : index
    %get3A_4 = vector.load %arg2[%get3A_2, %get3A_3] : memref<128x32xf32, #tpu.memory_space<vmem>>, vector<128x32xf32>
    %dot_general3A = arith.constant dense<0.000000e+00> : vector<1000x32xf32>
    %dot_general3A_5 = tpu.matmul %get3A_1, %get3A_4, %dot_general3A {dimension_numbers = #tpu.dot_dimension_numbers<[1], [0], [0], [1], [0, 0, 1, 1], [], []>, transpose_lhs_hint = false} : vector<1000x128xf32>, vector<128x32xf32>, vector<1000x32xf32> -> vector<1000x32xf32>
    %get3A_6 = arith.constant 0 : index
    %get3A_7 = arith.constant 0 : index
    %get3A_8 = vector.load %arg3[%get3A_6, %get3A_7] : memref<1x32xf32, #tpu.memory_space<vmem>>, vector<1x32xf32>
    %add3A = vector.broadcast %get3A_8 : vector<1x32xf32> to vector<1000x32xf32>
    %add3A_9 = arith.addf %dot_general3A_5, %add3A : vector<1000x32xf32>
    %max3A = arith.constant 0.000000e+00 : f32
    %max3A_10 = vector.broadcast %max3A : f32 to vector<1000x32xf32>
    %max3A_11 = arith.maximumf %add3A_9, %max3A_10 : vector<1000x32xf32>
    %swap3A = arith.constant 0 : index
    %swap3A_12 = arith.constant 0 : index
    %swap3A_13 = vector.load %arg6[%swap3A, %swap3A_12] : memref<1000x32xf32, #tpu.memory_space<vmem>>, vector<1000x32xf32>
    tpu.vector_store %arg6[%swap3A, %swap3A_12], %max3A_11 {strides = array<i32>} : memref<1000x32xf32, #tpu.memory_space<vmem>>, vector<1000x32xf32>,
    %get3A_14 = arith.constant 0 : index
    %get3A_15 = arith.constant 0 : index
    %get3A_16 = vector.load %arg4[%get3A_14, %get3A_15] : memref<32x32xf32, #tpu.memory_space<vmem>>, vector<32x32xf32>
    %dot_general3A_17 = arith.constant dense<0.000000e+00> : vector<1000x32xf32>
    %dot_general3A_18 = tpu.matmul %max3A_11, %get3A_16, %dot_general3A_17 {dimension_numbers = #tpu.dot_dimension_numbers<[1], [0], [0], [1], [0, 0, 1, 1], [], []>, transpose_lhs_hint = false} : vector<1000x32xf32>, vector<32x32xf32>, vector<1000x32xf32> -> vector<1000x32xf32>
    %get3A_19 = arith.constant 0 : index
    %get3A_20 = arith.constant 0 : index
    %get3A_21 = vector.load %arg5[%get3A_19, %get3A_20] : memref<32x32xf32, #tpu.memory_space<vmem>>, vector<32x32xf32>
    %dot_general3A_22 = arith.constant dense<0.000000e+00> : vector<1000x32xf32>
    %dot_general3A_23 = tpu.matmul %max3A_11, %get3A_21, %dot_general3A_22 {dimension_numbers = #tpu.dot_dimension_numbers<[1], [0], [0], [1], [0, 0, 1, 1], [], []>, transpose_lhs_hint = false} : vector<1000x32xf32>, vector<32x32xf32>, vector<1000x32xf32> -> vector<1000x32xf32>
    %broadcast_in_dim3A = arith.constant 0.000000e+00 : f32
    %broadcast_in_dim3A_24 = vector.broadcast %broadcast_in_dim3A : f32 to vector<1000x64xf32>
    %concatenate3A = tpu.concatenate %dot_general3A_18, %dot_general3A_23, %broadcast_in_dim3A_24 in 1 : vector<1000x32xf32>, vector<1000x32xf32>, vector<1000x64xf32> -> vector<1000x128xf32>
    %swap3A_25 = arith.constant 0 : index
    %swap3A_26 = arith.constant 0 : index
    %swap3A_27 = vector.load %arg7[%swap3A_25, %swap3A_26] : memref<1000x128xf32, #tpu.memory_space<vmem>>, vector<1000x128xf32>
    tpu.vector_store %arg7[%swap3A_25, %swap3A_26], %concatenate3A {strides = array<i32>} : memref<1000x128xf32, #tpu.memory_space<vmem>>, vector<1000x128xf32>,
    return
  }
  func.func @transform_0(%arg0: i32) -> (i32, i32) {
    %c0_i32 = arith.constant 0 : i32
    %c0_i32_0 = arith.constant 0 : i32
    return %arg0, %c0_i32 : i32, i32
  }
  func.func @transform_1(%arg0: i32) -> (i32, i32) {
    %c0_i32 = arith.constant 0 : i32
    %c0_i32_0 = arith.constant 0 : i32
    %c0_i32_1 = arith.constant 0 : i32
    return %c0_i32, %c0_i32_0 : i32, i32
  }
  func.func @transform_2(%arg0: i32) -> (i32, i32) {
    %c0_i32 = arith.constant 0 : i32
    %c0_i32_0 = arith.constant 0 : i32
    %c0_i32_1 = arith.constant 0 : i32
    return %c0_i32, %c0_i32_0 : i32, i32
  }
  func.func @transform_3(%arg0: i32) -> (i32, i32) {
    %c0_i32 = arith.constant 0 : i32
    %c0_i32_0 = arith.constant 0 : i32
    %c0_i32_1 = arith.constant 0 : i32
    return %c0_i32, %c0_i32_0 : i32, i32
  }
  func.func @transform_4(%arg0: i32) -> (i32, i32) {
    %c0_i32 = arith.constant 0 : i32
    %c0_i32_0 = arith.constant 0 : i32
    %c0_i32_1 = arith.constant 0 : i32
    return %c0_i32, %c0_i32_0 : i32, i32
  }
  func.func @transform_5(%arg0: i32) -> (i32, i32) {
    %c0_i32 = arith.constant 0 : i32
    %c0_i32_0 = arith.constant 0 : i32
    return %arg0, %c0_i32 : i32, i32
  }
  func.func @transform_6(%arg0: i32) -> (i32, i32) {
    %c0_i32 = arith.constant 0 : i32
    %c0_i32_0 = arith.constant 0 : i32
    return %arg0, %c0_i32 : i32, i32
  }
}

module attributes {stable_mosaic.version = 14 : i64} {
  func.func @_norm_body(%arg0: memref<2500x128xf32, #tpu.memory_space<vmem>>, %arg1: memref<1x1xf32, #tpu.memory_space<vmem>>) attributes {dimension_semantics = [], scalar_prefetch = 0 : i64, scratch_operands = 0 : i64, tpu.core_type = #tpu.core_type<tc>} {
    %get3A = arith.constant 0 : index
    %get3A_0 = arith.constant 0 : index
    %get3A_1 = vector.load %arg0[%get3A, %get3A_0] : memref<2500x128xf32, #tpu.memory_space<vmem>>, vector<2500x128xf32>
    %abs3A = math.absf %get3A_1 : vector<2500x128xf32>
    %reduce_max3A = vector.shape_cast %abs3A : vector<2500x128xf32> to vector<1x2500x128xf32>
    %reduce_max3A_2 = arith.constant dense<0xFF800000> : vector<1xf32>
    %reduce_max3A_3 = vector.multi_reduction <maximumf>, %reduce_max3A, %reduce_max3A_2 [1, 2] : vector<1x2500x128xf32> to vector<1xf32>
    %reduce_max3A_4 = vector.shape_cast %reduce_max3A_3 : vector<1xf32> to vector<1x1x1xf32>
    %reduce_max3A_5 = vector.extract %reduce_max3A_4[0, 0, 0] : f32 from vector<1x1x1xf32>
    %reshape3A = vector.broadcast %reduce_max3A_5 : f32 to vector<1x1xf32>
    %swap3A = arith.constant 0 : index
    %swap3A_6 = arith.constant 0 : index
    %swap3A_7 = vector.load %arg1[%swap3A, %swap3A_6] : memref<1x1xf32, #tpu.memory_space<vmem>>, vector<1x1xf32>
    tpu.vector_store %arg1[%swap3A, %swap3A_6], %reshape3A {strides = array<i32>} : memref<1x1xf32, #tpu.memory_space<vmem>>, vector<1x1xf32>,
    return
  }
}

module attributes {stable_mosaic.version = 14 : i64} {
  func.func @_c0_body(%arg0: i32, %arg1: memref<1000x8xf32, #tpu.memory_space<vmem>>, %arg2: memref<1x1xf32, #tpu.memory_space<vmem>>, %arg3: memref<1x32xf32, #tpu.memory_space<vmem>>, %arg4: memref<1x32xf32, #tpu.memory_space<vmem>>, %arg5: memref<32x32xf32, #tpu.memory_space<vmem>>, %arg6: memref<1x32xf32, #tpu.memory_space<vmem>>, %arg7: memref<1000x256xf32, #tpu.memory_space<vmem>>) attributes {dimension_semantics = [#tpu.dimension_semantics<arbitrary>], iteration_bounds = array<i64: 40>, scalar_prefetch = 0 : i64, scratch_operands = 0 : i64, tpu.core_type = #tpu.core_type<tc>, window_params = [{transform_indices = @transform_0, window_bounds = array<i64: 1000, 8>}, {pipeline_mode = #tpu.pipeline_mode<synchronous>, transform_indices = @transform_1, window_bounds = array<i64: 1, 1>}, {pipeline_mode = #tpu.pipeline_mode<synchronous>, transform_indices = @transform_2, window_bounds = array<i64: 1, 32>}, {pipeline_mode = #tpu.pipeline_mode<synchronous>, transform_indices = @transform_3, window_bounds = array<i64: 1, 32>}, {pipeline_mode = #tpu.pipeline_mode<synchronous>, transform_indices = @transform_4, window_bounds = array<i64: 32, 32>}, {pipeline_mode = #tpu.pipeline_mode<synchronous>, transform_indices = @transform_5, window_bounds = array<i64: 1, 32>}, {transform_indices = @transform_6, window_bounds = array<i64: 1000, 256>}]} {
    %get3A = arith.constant 0 : index
    %get3A_0 = arith.constant 0 : index
    %get3A_1 = vector.load %arg2[%get3A, %get3A_0] : memref<1x1xf32, #tpu.memory_space<vmem>>, vector<1x1xf32>
    %get3A_2 = vector.extract %get3A_1[0, 0] : f32 from vector<1x1xf32>
    %div3A = arith.constant 1.000000e+00 : f32
    %div3A_3 = arith.divf %div3A, %get3A_2 : f32
    %get3A_4 = arith.constant 0 : index
    %get3A_5 = arith.constant 0 : index
    %get3A_6 = vector.load %arg1[%get3A_4, %get3A_5] : memref<1000x8xf32, #tpu.memory_space<vmem>>, vector<1000x1xf32>
    %mul3A = vector.broadcast %div3A_3 : f32 to vector<1000x1xf32>
    %mul3A_7 = arith.mulf %get3A_6, %mul3A : vector<1000x1xf32>
    %get3A_8 = arith.constant 0 : index
    %get3A_9 = arith.constant 0 : index
    %get3A_10 = vector.load %arg3[%get3A_8, %get3A_9] : memref<1x32xf32, #tpu.memory_space<vmem>>, vector<1x32xf32>
    %mul3A_11 = vector.broadcast %mul3A_7 : vector<1000x1xf32> to vector<1000x32xf32>
    %mul3A_12 = vector.broadcast %get3A_10 : vector<1x32xf32> to vector<1000x32xf32>
    %mul3A_13 = arith.mulf %mul3A_11, %mul3A_12 : vector<1000x32xf32>
    %get3A_14 = arith.constant 0 : index
    %get3A_15 = arith.constant 0 : index
    %get3A_16 = vector.load %arg4[%get3A_14, %get3A_15] : memref<1x32xf32, #tpu.memory_space<vmem>>, vector<1x32xf32>
    %add3A = vector.broadcast %get3A_16 : vector<1x32xf32> to vector<1000x32xf32>
    %add3A_17 = arith.addf %mul3A_13, %add3A : vector<1000x32xf32>
    %max3A = arith.constant 0.000000e+00 : f32
    %max3A_18 = vector.broadcast %max3A : f32 to vector<1000x32xf32>
    %max3A_19 = arith.maximumf %add3A_17, %max3A_18 : vector<1000x32xf32>
    %get3A_20 = arith.constant 0 : index
    %get3A_21 = arith.constant 0 : index
    %get3A_22 = vector.load %arg5[%get3A_20, %get3A_21] : memref<32x32xf32, #tpu.memory_space<vmem>>, vector<32x32xf32>
    %dot_general3A = arith.constant dense<0.000000e+00> : vector<1000x32xf32>
    %dot_general3A_23 = tpu.matmul %max3A_19, %get3A_22, %dot_general3A {dimension_numbers = #tpu.dot_dimension_numbers<[1], [0], [0], [1], [0, 0, 1, 1], [], []>, transpose_lhs_hint = false} : vector<1000x32xf32>, vector<32x32xf32>, vector<1000x32xf32> -> vector<1000x32xf32>
    %get3A_24 = arith.constant 0 : index
    %get3A_25 = arith.constant 0 : index
    %get3A_26 = vector.load %arg6[%get3A_24, %get3A_25] : memref<1x32xf32, #tpu.memory_space<vmem>>, vector<1x32xf32>
    %add3A_27 = vector.broadcast %get3A_26 : vector<1x32xf32> to vector<1000x32xf32>
    %add3A_28 = arith.addf %dot_general3A_23, %add3A_27 : vector<1000x32xf32>
    %get3A_29 = arith.constant 0 : index
    %get3A_30 = arith.constant 1 : index
    %get3A_31 = vector.load %arg1[%get3A_29, %get3A_30] : memref<1000x8xf32, #tpu.memory_space<vmem>>, vector<1000x1xf32>
    %mul3A_32 = vector.broadcast %div3A_3 : f32 to vector<1000x1xf32>
    %mul3A_33 = arith.mulf %get3A_31, %mul3A_32 : vector<1000x1xf32>
    %get3A_34 = arith.constant 0 : index
    %get3A_35 = arith.constant 0 : index
    %get3A_36 = vector.load %arg3[%get3A_34, %get3A_35] : memref<1x32xf32, #tpu.memory_space<vmem>>, vector<1x32xf32>
    %mul3A_37 = vector.broadcast %mul3A_33 : vector<1000x1xf32> to vector<1000x32xf32>
    %mul3A_38 = vector.broadcast %get3A_36 : vector<1x32xf32> to vector<1000x32xf32>
    %mul3A_39 = arith.mulf %mul3A_37, %mul3A_38 : vector<1000x32xf32>
    %get3A_40 = arith.constant 0 : index
    %get3A_41 = arith.constant 0 : index
    %get3A_42 = vector.load %arg4[%get3A_40, %get3A_41] : memref<1x32xf32, #tpu.memory_space<vmem>>, vector<1x32xf32>
    %add3A_43 = vector.broadcast %get3A_42 : vector<1x32xf32> to vector<1000x32xf32>
    %add3A_44 = arith.addf %mul3A_39, %add3A_43 : vector<1000x32xf32>
    %max3A_45 = arith.constant 0.000000e+00 : f32
    %max3A_46 = vector.broadcast %max3A_45 : f32 to vector<1000x32xf32>
    %max3A_47 = arith.maximumf %add3A_44, %max3A_46 : vector<1000x32xf32>
    %get3A_48 = arith.constant 0 : index
    %get3A_49 = arith.constant 0 : index
    %get3A_50 = vector.load %arg5[%get3A_48, %get3A_49] : memref<32x32xf32, #tpu.memory_space<vmem>>, vector<32x32xf32>
    %dot_general3A_51 = arith.constant dense<0.000000e+00> : vector<1000x32xf32>
    %dot_general3A_52 = tpu.matmul %max3A_47, %get3A_50, %dot_general3A_51 {dimension_numbers = #tpu.dot_dimension_numbers<[1], [0], [0], [1], [0, 0, 1, 1], [], []>, transpose_lhs_hint = false} : vector<1000x32xf32>, vector<32x32xf32>, vector<1000x32xf32> -> vector<1000x32xf32>
    %get3A_53 = arith.constant 0 : index
    %get3A_54 = arith.constant 0 : index
    %get3A_55 = vector.load %arg6[%get3A_53, %get3A_54] : memref<1x32xf32, #tpu.memory_space<vmem>>, vector<1x32xf32>
    %add3A_56 = vector.broadcast %get3A_55 : vector<1x32xf32> to vector<1000x32xf32>
    %add3A_57 = arith.addf %dot_general3A_52, %add3A_56 : vector<1000x32xf32>
    %get3A_58 = arith.constant 0 : index
    %get3A_59 = arith.constant 2 : index
    %get3A_60 = vector.load %arg1[%get3A_58, %get3A_59] : memref<1000x8xf32, #tpu.memory_space<vmem>>, vector<1000x1xf32>
    %mul3A_61 = vector.broadcast %div3A_3 : f32 to vector<1000x1xf32>
    %mul3A_62 = arith.mulf %get3A_60, %mul3A_61 : vector<1000x1xf32>
    %get3A_63 = arith.constant 0 : index
    %get3A_64 = arith.constant 0 : index
    %get3A_65 = vector.load %arg3[%get3A_63, %get3A_64] : memref<1x32xf32, #tpu.memory_space<vmem>>, vector<1x32xf32>
    %mul3A_66 = vector.broadcast %mul3A_62 : vector<1000x1xf32> to vector<1000x32xf32>
    %mul3A_67 = vector.broadcast %get3A_65 : vector<1x32xf32> to vector<1000x32xf32>
    %mul3A_68 = arith.mulf %mul3A_66, %mul3A_67 : vector<1000x32xf32>
    %get3A_69 = arith.constant 0 : index
    %get3A_70 = arith.constant 0 : index
    %get3A_71 = vector.load %arg4[%get3A_69, %get3A_70] : memref<1x32xf32, #tpu.memory_space<vmem>>, vector<1x32xf32>
    %add3A_72 = vector.broadcast %get3A_71 : vector<1x32xf32> to vector<1000x32xf32>
    %add3A_73 = arith.addf %mul3A_68, %add3A_72 : vector<1000x32xf32>
    %max3A_74 = arith.constant 0.000000e+00 : f32
    %max3A_75 = vector.broadcast %max3A_74 : f32 to vector<1000x32xf32>
    %max3A_76 = arith.maximumf %add3A_73, %max3A_75 : vector<1000x32xf32>
    %get3A_77 = arith.constant 0 : index
    %get3A_78 = arith.constant 0 : index
    %get3A_79 = vector.load %arg5[%get3A_77, %get3A_78] : memref<32x32xf32, #tpu.memory_space<vmem>>, vector<32x32xf32>
    %dot_general3A_80 = arith.constant dense<0.000000e+00> : vector<1000x32xf32>
    %dot_general3A_81 = tpu.matmul %max3A_76, %get3A_79, %dot_general3A_80 {dimension_numbers = #tpu.dot_dimension_numbers<[1], [0], [0], [1], [0, 0, 1, 1], [], []>, transpose_lhs_hint = false} : vector<1000x32xf32>, vector<32x32xf32>, vector<1000x32xf32> -> vector<1000x32xf32>
    %get3A_82 = arith.constant 0 : index
    %get3A_83 = arith.constant 0 : index
    %get3A_84 = vector.load %arg6[%get3A_82, %get3A_83] : memref<1x32xf32, #tpu.memory_space<vmem>>, vector<1x32xf32>
    %add3A_85 = vector.broadcast %get3A_84 : vector<1x32xf32> to vector<1000x32xf32>
    %add3A_86 = arith.addf %dot_general3A_81, %add3A_85 : vector<1000x32xf32>
    %get3A_87 = arith.constant 0 : index
    %get3A_88 = arith.constant 3 : index
    %get3A_89 = vector.load %arg1[%get3A_87, %get3A_88] : memref<1000x8xf32, #tpu.memory_space<vmem>>, vector<1000x1xf32>
    %mul3A_90 = vector.broadcast %div3A_3 : f32 to vector<1000x1xf32>
    %mul3A_91 = arith.mulf %get3A_89, %mul3A_90 : vector<1000x1xf32>
    %get3A_92 = arith.constant 0 : index
    %get3A_93 = arith.constant 0 : index
    %get3A_94 = vector.load %arg3[%get3A_92, %get3A_93] : memref<1x32xf32, #tpu.memory_space<vmem>>, vector<1x32xf32>
    %mul3A_95 = vector.broadcast %mul3A_91 : vector<1000x1xf32> to vector<1000x32xf32>
    %mul3A_96 = vector.broadcast %get3A_94 : vector<1x32xf32> to vector<1000x32xf32>
    %mul3A_97 = arith.mulf %mul3A_95, %mul3A_96 : vector<1000x32xf32>
    %get3A_98 = arith.constant 0 : index
    %get3A_99 = arith.constant 0 : index
    %get3A_100 = vector.load %arg4[%get3A_98, %get3A_99] : memref<1x32xf32, #tpu.memory_space<vmem>>, vector<1x32xf32>
    %add3A_101 = vector.broadcast %get3A_100 : vector<1x32xf32> to vector<1000x32xf32>
    %add3A_102 = arith.addf %mul3A_97, %add3A_101 : vector<1000x32xf32>
    %max3A_103 = arith.constant 0.000000e+00 : f32
    %max3A_104 = vector.broadcast %max3A_103 : f32 to vector<1000x32xf32>
    %max3A_105 = arith.maximumf %add3A_102, %max3A_104 : vector<1000x32xf32>
    %get3A_106 = arith.constant 0 : index
    %get3A_107 = arith.constant 0 : index
    %get3A_108 = vector.load %arg5[%get3A_106, %get3A_107] : memref<32x32xf32, #tpu.memory_space<vmem>>, vector<32x32xf32>
    %dot_general3A_109 = arith.constant dense<0.000000e+00> : vector<1000x32xf32>
    %dot_general3A_110 = tpu.matmul %max3A_105, %get3A_108, %dot_general3A_109 {dimension_numbers = #tpu.dot_dimension_numbers<[1], [0], [0], [1], [0, 0, 1, 1], [], []>, transpose_lhs_hint = false} : vector<1000x32xf32>, vector<32x32xf32>, vector<1000x32xf32> -> vector<1000x32xf32>
    %get3A_111 = arith.constant 0 : index
    %get3A_112 = arith.constant 0 : index
    %get3A_113 = vector.load %arg6[%get3A_111, %get3A_112] : memref<1x32xf32, #tpu.memory_space<vmem>>, vector<1x32xf32>
    %add3A_114 = vector.broadcast %get3A_113 : vector<1x32xf32> to vector<1000x32xf32>
    %add3A_115 = arith.addf %dot_general3A_110, %add3A_114 : vector<1000x32xf32>
    %get3A_116 = arith.constant 0 : index
    %get3A_117 = arith.constant 4 : index
    %get3A_118 = vector.load %arg1[%get3A_116, %get3A_117] : memref<1000x8xf32, #tpu.memory_space<vmem>>, vector<1000x1xf32>
    %mul3A_119 = vector.broadcast %div3A_3 : f32 to vector<1000x1xf32>
    %mul3A_120 = arith.mulf %get3A_118, %mul3A_119 : vector<1000x1xf32>
    %get3A_121 = arith.constant 0 : index
    %get3A_122 = arith.constant 0 : index
    %get3A_123 = vector.load %arg3[%get3A_121, %get3A_122] : memref<1x32xf32, #tpu.memory_space<vmem>>, vector<1x32xf32>
    %mul3A_124 = vector.broadcast %mul3A_120 : vector<1000x1xf32> to vector<1000x32xf32>
    %mul3A_125 = vector.broadcast %get3A_123 : vector<1x32xf32> to vector<1000x32xf32>
    %mul3A_126 = arith.mulf %mul3A_124, %mul3A_125 : vector<1000x32xf32>
    %get3A_127 = arith.constant 0 : index
    %get3A_128 = arith.constant 0 : index
    %get3A_129 = vector.load %arg4[%get3A_127, %get3A_128] : memref<1x32xf32, #tpu.memory_space<vmem>>, vector<1x32xf32>
    %add3A_130 = vector.broadcast %get3A_129 : vector<1x32xf32> to vector<1000x32xf32>
    %add3A_131 = arith.addf %mul3A_126, %add3A_130 : vector<1000x32xf32>
    %max3A_132 = arith.constant 0.000000e+00 : f32
    %max3A_133 = vector.broadcast %max3A_132 : f32 to vector<1000x32xf32>
    %max3A_134 = arith.maximumf %add3A_131, %max3A_133 : vector<1000x32xf32>
    %get3A_135 = arith.constant 0 : index
    %get3A_136 = arith.constant 0 : index
    %get3A_137 = vector.load %arg5[%get3A_135, %get3A_136] : memref<32x32xf32, #tpu.memory_space<vmem>>, vector<32x32xf32>
    %dot_general3A_138 = arith.constant dense<0.000000e+00> : vector<1000x32xf32>
    %dot_general3A_139 = tpu.matmul %max3A_134, %get3A_137, %dot_general3A_138 {dimension_numbers = #tpu.dot_dimension_numbers<[1], [0], [0], [1], [0, 0, 1, 1], [], []>, transpose_lhs_hint = false} : vector<1000x32xf32>, vector<32x32xf32>, vector<1000x32xf32> -> vector<1000x32xf32>
    %get3A_140 = arith.constant 0 : index
    %get3A_141 = arith.constant 0 : index
    %get3A_142 = vector.load %arg6[%get3A_140, %get3A_141] : memref<1x32xf32, #tpu.memory_space<vmem>>, vector<1x32xf32>
    %add3A_143 = vector.broadcast %get3A_142 : vector<1x32xf32> to vector<1000x32xf32>
    %add3A_144 = arith.addf %dot_general3A_139, %add3A_143 : vector<1000x32xf32>
    %get3A_145 = arith.constant 0 : index
    %get3A_146 = arith.constant 5 : index
    %get3A_147 = vector.load %arg1[%get3A_145, %get3A_146] : memref<1000x8xf32, #tpu.memory_space<vmem>>, vector<1000x1xf32>
    %mul3A_148 = vector.broadcast %div3A_3 : f32 to vector<1000x1xf32>
    %mul3A_149 = arith.mulf %get3A_147, %mul3A_148 : vector<1000x1xf32>
    %get3A_150 = arith.constant 0 : index
    %get3A_151 = arith.constant 0 : index
    %get3A_152 = vector.load %arg3[%get3A_150, %get3A_151] : memref<1x32xf32, #tpu.memory_space<vmem>>, vector<1x32xf32>
    %mul3A_153 = vector.broadcast %mul3A_149 : vector<1000x1xf32> to vector<1000x32xf32>
    %mul3A_154 = vector.broadcast %get3A_152 : vector<1x32xf32> to vector<1000x32xf32>
    %mul3A_155 = arith.mulf %mul3A_153, %mul3A_154 : vector<1000x32xf32>
    %get3A_156 = arith.constant 0 : index
    %get3A_157 = arith.constant 0 : index
    %get3A_158 = vector.load %arg4[%get3A_156, %get3A_157] : memref<1x32xf32, #tpu.memory_space<vmem>>, vector<1x32xf32>
    %add3A_159 = vector.broadcast %get3A_158 : vector<1x32xf32> to vector<1000x32xf32>
    %add3A_160 = arith.addf %mul3A_155, %add3A_159 : vector<1000x32xf32>
    %max3A_161 = arith.constant 0.000000e+00 : f32
    %max3A_162 = vector.broadcast %max3A_161 : f32 to vector<1000x32xf32>
    %max3A_163 = arith.maximumf %add3A_160, %max3A_162 : vector<1000x32xf32>
    %get3A_164 = arith.constant 0 : index
    %get3A_165 = arith.constant 0 : index
    %get3A_166 = vector.load %arg5[%get3A_164, %get3A_165] : memref<32x32xf32, #tpu.memory_space<vmem>>, vector<32x32xf32>
    %dot_general3A_167 = arith.constant dense<0.000000e+00> : vector<1000x32xf32>
    %dot_general3A_168 = tpu.matmul %max3A_163, %get3A_166, %dot_general3A_167 {dimension_numbers = #tpu.dot_dimension_numbers<[1], [0], [0], [1], [0, 0, 1, 1], [], []>, transpose_lhs_hint = false} : vector<1000x32xf32>, vector<32x32xf32>, vector<1000x32xf32> -> vector<1000x32xf32>
    %get3A_169 = arith.constant 0 : index
    %get3A_170 = arith.constant 0 : index
    %get3A_171 = vector.load %arg6[%get3A_169, %get3A_170] : memref<1x32xf32, #tpu.memory_space<vmem>>, vector<1x32xf32>
    %add3A_172 = vector.broadcast %get3A_171 : vector<1x32xf32> to vector<1000x32xf32>
    %add3A_173 = arith.addf %dot_general3A_168, %add3A_172 : vector<1000x32xf32>
    %get3A_174 = arith.constant 0 : index
    %get3A_175 = arith.constant 6 : index
    %get3A_176 = vector.load %arg1[%get3A_174, %get3A_175] : memref<1000x8xf32, #tpu.memory_space<vmem>>, vector<1000x1xf32>
    %mul3A_177 = vector.broadcast %div3A_3 : f32 to vector<1000x1xf32>
    %mul3A_178 = arith.mulf %get3A_176, %mul3A_177 : vector<1000x1xf32>
    %get3A_179 = arith.constant 0 : index
    %get3A_180 = arith.constant 0 : index
    %get3A_181 = vector.load %arg3[%get3A_179, %get3A_180] : memref<1x32xf32, #tpu.memory_space<vmem>>, vector<1x32xf32>
    %mul3A_182 = vector.broadcast %mul3A_178 : vector<1000x1xf32> to vector<1000x32xf32>
    %mul3A_183 = vector.broadcast %get3A_181 : vector<1x32xf32> to vector<1000x32xf32>
    %mul3A_184 = arith.mulf %mul3A_182, %mul3A_183 : vector<1000x32xf32>
    %get3A_185 = arith.constant 0 : index
    %get3A_186 = arith.constant 0 : index
    %get3A_187 = vector.load %arg4[%get3A_185, %get3A_186] : memref<1x32xf32, #tpu.memory_space<vmem>>, vector<1x32xf32>
    %add3A_188 = vector.broadcast %get3A_187 : vector<1x32xf32> to vector<1000x32xf32>
    %add3A_189 = arith.addf %mul3A_184, %add3A_188 : vector<1000x32xf32>
    %max3A_190 = arith.constant 0.000000e+00 : f32
    %max3A_191 = vector.broadcast %max3A_190 : f32 to vector<1000x32xf32>
    %max3A_192 = arith.maximumf %add3A_189, %max3A_191 : vector<1000x32xf32>
    %get3A_193 = arith.constant 0 : index
    %get3A_194 = arith.constant 0 : index
    %get3A_195 = vector.load %arg5[%get3A_193, %get3A_194] : memref<32x32xf32, #tpu.memory_space<vmem>>, vector<32x32xf32>
    %dot_general3A_196 = arith.constant dense<0.000000e+00> : vector<1000x32xf32>
    %dot_general3A_197 = tpu.matmul %max3A_192, %get3A_195, %dot_general3A_196 {dimension_numbers = #tpu.dot_dimension_numbers<[1], [0], [0], [1], [0, 0, 1, 1], [], []>, transpose_lhs_hint = false} : vector<1000x32xf32>, vector<32x32xf32>, vector<1000x32xf32> -> vector<1000x32xf32>
    %get3A_198 = arith.constant 0 : index
    %get3A_199 = arith.constant 0 : index
    %get3A_200 = vector.load %arg6[%get3A_198, %get3A_199] : memref<1x32xf32, #tpu.memory_space<vmem>>, vector<1x32xf32>
    %add3A_201 = vector.broadcast %get3A_200 : vector<1x32xf32> to vector<1000x32xf32>
    %add3A_202 = arith.addf %dot_general3A_197, %add3A_201 : vector<1000x32xf32>
    %get3A_203 = arith.constant 0 : index
    %get3A_204 = arith.constant 7 : index
    %get3A_205 = vector.load %arg1[%get3A_203, %get3A_204] : memref<1000x8xf32, #tpu.memory_space<vmem>>, vector<1000x1xf32>
    %mul3A_206 = vector.broadcast %div3A_3 : f32 to vector<1000x1xf32>
    %mul3A_207 = arith.mulf %get3A_205, %mul3A_206 : vector<1000x1xf32>
    %get3A_208 = arith.constant 0 : index
    %get3A_209 = arith.constant 0 : index
    %get3A_210 = vector.load %arg3[%get3A_208, %get3A_209] : memref<1x32xf32, #tpu.memory_space<vmem>>, vector<1x32xf32>
    %mul3A_211 = vector.broadcast %mul3A_207 : vector<1000x1xf32> to vector<1000x32xf32>
    %mul3A_212 = vector.broadcast %get3A_210 : vector<1x32xf32> to vector<1000x32xf32>
    %mul3A_213 = arith.mulf %mul3A_211, %mul3A_212 : vector<1000x32xf32>
    %get3A_214 = arith.constant 0 : index
    %get3A_215 = arith.constant 0 : index
    %get3A_216 = vector.load %arg4[%get3A_214, %get3A_215] : memref<1x32xf32, #tpu.memory_space<vmem>>, vector<1x32xf32>
    %add3A_217 = vector.broadcast %get3A_216 : vector<1x32xf32> to vector<1000x32xf32>
    %add3A_218 = arith.addf %mul3A_213, %add3A_217 : vector<1000x32xf32>
    %max3A_219 = arith.constant 0.000000e+00 : f32
    %max3A_220 = vector.broadcast %max3A_219 : f32 to vector<1000x32xf32>
    %max3A_221 = arith.maximumf %add3A_218, %max3A_220 : vector<1000x32xf32>
    %get3A_222 = arith.constant 0 : index
    %get3A_223 = arith.constant 0 : index
    %get3A_224 = vector.load %arg5[%get3A_222, %get3A_223] : memref<32x32xf32, #tpu.memory_space<vmem>>, vector<32x32xf32>
    %dot_general3A_225 = arith.constant dense<0.000000e+00> : vector<1000x32xf32>
    %dot_general3A_226 = tpu.matmul %max3A_221, %get3A_224, %dot_general3A_225 {dimension_numbers = #tpu.dot_dimension_numbers<[1], [0], [0], [1], [0, 0, 1, 1], [], []>, transpose_lhs_hint = false} : vector<1000x32xf32>, vector<32x32xf32>, vector<1000x32xf32> -> vector<1000x32xf32>
    %get3A_227 = arith.constant 0 : index
    %get3A_228 = arith.constant 0 : index
    %get3A_229 = vector.load %arg6[%get3A_227, %get3A_228] : memref<1x32xf32, #tpu.memory_space<vmem>>, vector<1x32xf32>
    %add3A_230 = vector.broadcast %get3A_229 : vector<1x32xf32> to vector<1000x32xf32>
    %add3A_231 = arith.addf %dot_general3A_226, %add3A_230 : vector<1000x32xf32>
    %concatenate3A = tpu.concatenate %add3A_28, %add3A_57, %add3A_86, %add3A_115, %add3A_144, %add3A_173, %add3A_202, %add3A_231 in 1 : vector<1000x32xf32>, vector<1000x32xf32>, vector<1000x32xf32>, vector<1000x32xf32>, vector<1000x32xf32>, vector<1000x32xf32>, vector<1000x32xf32>, vector<1000x32xf32> -> vector<1000x256xf32>
    %swap3A = arith.constant 0 : index
    %swap3A_232 = arith.constant 0 : index
    %swap3A_233 = vector.load %arg7[%swap3A, %swap3A_232] : memref<1000x256xf32, #tpu.memory_space<vmem>>, vector<1000x256xf32>
    tpu.vector_store %arg7[%swap3A, %swap3A_232], %concatenate3A {strides = array<i32>} : memref<1000x256xf32, #tpu.memory_space<vmem>>, vector<1000x256xf32>,
    return
  }
  func.func @transform_0(%arg0: i32) -> (i32, i32) {
    %c0_i32 = arith.constant 0 : i32
    %c0_i32_0 = arith.constant 0 : i32
    return %arg0, %c0_i32 : i32, i32
  }
  func.func @transform_1(%arg0: i32) -> (i32, i32) {
    %c0_i32 = arith.constant 0 : i32
    %c0_i32_0 = arith.constant 0 : i32
    %c0_i32_1 = arith.constant 0 : i32
    return %c0_i32, %c0_i32_0 : i32, i32
  }
  func.func @transform_2(%arg0: i32) -> (i32, i32) {
    %c0_i32 = arith.constant 0 : i32
    %c0_i32_0 = arith.constant 0 : i32
    %c0_i32_1 = arith.constant 0 : i32
    return %c0_i32, %c0_i32_0 : i32, i32
  }
  func.func @transform_3(%arg0: i32) -> (i32, i32) {
    %c0_i32 = arith.constant 0 : i32
    %c0_i32_0 = arith.constant 0 : i32
    %c0_i32_1 = arith.constant 0 : i32
    return %c0_i32, %c0_i32_0 : i32, i32
  }
  func.func @transform_4(%arg0: i32) -> (i32, i32) {
    %c0_i32 = arith.constant 0 : i32
    %c0_i32_0 = arith.constant 0 : i32
    %c0_i32_1 = arith.constant 0 : i32
    return %c0_i32, %c0_i32_0 : i32, i32
  }
  func.func @transform_5(%arg0: i32) -> (i32, i32) {
    %c0_i32 = arith.constant 0 : i32
    %c0_i32_0 = arith.constant 0 : i32
    %c0_i32_1 = arith.constant 0 : i32
    return %c0_i32, %c0_i32_0 : i32, i32
  }
  func.func @transform_6(%arg0: i32) -> (i32, i32) {
    %c0_i32 = arith.constant 0 : i32
    %c0_i32_0 = arith.constant 0 : i32
    return %arg0, %c0_i32 : i32, i32
  }
}

module attributes {stable_mosaic.version = 14 : i64} {
  func.func @_cmat_body(%arg0: i32, %arg1: memref<1000x256xf32, #tpu.memory_space<vmem>>, %arg2: memref<256x256xf32, #tpu.memory_space<vmem>>, %arg3: memref<1x256xf32, #tpu.memory_space<vmem>>, %arg4: memref<1000x256xf32, #tpu.memory_space<vmem>>) attributes {dimension_semantics = [#tpu.dimension_semantics<arbitrary>], iteration_bounds = array<i64: 40>, scalar_prefetch = 0 : i64, scratch_operands = 0 : i64, tpu.core_type = #tpu.core_type<tc>, window_params = [{transform_indices = @transform_0, window_bounds = array<i64: 1000, 256>}, {pipeline_mode = #tpu.pipeline_mode<synchronous>, transform_indices = @transform_1, window_bounds = array<i64: 256, 256>}, {pipeline_mode = #tpu.pipeline_mode<synchronous>, transform_indices = @transform_2, window_bounds = array<i64: 1, 256>}, {transform_indices = @transform_3, window_bounds = array<i64: 1000, 256>}]} {
    %get3A = arith.constant 0 : index
    %get3A_0 = arith.constant 0 : index
    %get3A_1 = vector.load %arg1[%get3A, %get3A_0] : memref<1000x256xf32, #tpu.memory_space<vmem>>, vector<1000x256xf32>
    %get3A_2 = arith.constant 0 : index
    %get3A_3 = arith.constant 0 : index
    %get3A_4 = vector.load %arg2[%get3A_2, %get3A_3] : memref<256x256xf32, #tpu.memory_space<vmem>>, vector<256x256xf32>
    %dot_general3A = arith.constant dense<0.000000e+00> : vector<1000x256xf32>
    %dot_general3A_5 = tpu.matmul %get3A_1, %get3A_4, %dot_general3A {dimension_numbers = #tpu.dot_dimension_numbers<[1], [0], [0], [1], [0, 0, 1, 1], [], []>, transpose_lhs_hint = false} : vector<1000x256xf32>, vector<256x256xf32>, vector<1000x256xf32> -> vector<1000x256xf32>
    %get3A_6 = arith.constant 0 : index
    %get3A_7 = arith.constant 0 : index
    %get3A_8 = vector.load %arg3[%get3A_6, %get3A_7] : memref<1x256xf32, #tpu.memory_space<vmem>>, vector<1x256xf32>
    %add3A = vector.broadcast %get3A_8 : vector<1x256xf32> to vector<1000x256xf32>
    %add3A_9 = arith.addf %dot_general3A_5, %add3A : vector<1000x256xf32>
    %swap3A = arith.constant 0 : index
    %swap3A_10 = arith.constant 0 : index
    %swap3A_11 = vector.load %arg4[%swap3A, %swap3A_10] : memref<1000x256xf32, #tpu.memory_space<vmem>>, vector<1000x256xf32>
    tpu.vector_store %arg4[%swap3A, %swap3A_10], %add3A_9 {strides = array<i32>} : memref<1000x256xf32, #tpu.memory_space<vmem>>, vector<1000x256xf32>,
    return
  }
  func.func @transform_0(%arg0: i32) -> (i32, i32) {
    %c0_i32 = arith.constant 0 : i32
    %c0_i32_0 = arith.constant 0 : i32
    return %arg0, %c0_i32 : i32, i32
  }
  func.func @transform_1(%arg0: i32) -> (i32, i32) {
    %c0_i32 = arith.constant 0 : i32
    %c0_i32_0 = arith.constant 0 : i32
    %c0_i32_1 = arith.constant 0 : i32
    return %c0_i32, %c0_i32_0 : i32, i32
  }
  func.func @transform_2(%arg0: i32) -> (i32, i32) {
    %c0_i32 = arith.constant 0 : i32
    %c0_i32_0 = arith.constant 0 : i32
    %c0_i32_1 = arith.constant 0 : i32
    return %c0_i32, %c0_i32_0 : i32, i32
  }
  func.func @transform_3(%arg0: i32) -> (i32, i32) {
    %c0_i32 = arith.constant 0 : i32
    %c0_i32_0 = arith.constant 0 : i32
    return %arg0, %c0_i32 : i32, i32
  }
}

module attributes {stable_mosaic.version = 14 : i64} {
  func.func @_node_body(%arg0: i32, %arg1: memref<1000x32xf32, #tpu.memory_space<vmem>>, %arg2: memref<1x1000x128xf32, #tpu.memory_space<vmem>>, %arg3: memref<1x1000x128xf32, #tpu.memory_space<vmem>>, %arg4: memref<32x32xf32, #tpu.memory_space<vmem>>, %arg5: memref<32x32xf32, #tpu.memory_space<vmem>>, %arg6: memref<1x32xf32, #tpu.memory_space<vmem>>, %arg7: memref<32x32xf32, #tpu.memory_space<vmem>>, %arg8: memref<32x32xf32, #tpu.memory_space<vmem>>, %arg9: memref<1000x32xf32, #tpu.memory_space<vmem>>, %arg10: memref<1000x128xf32, #tpu.memory_space<vmem>>) attributes {dimension_semantics = [#tpu.dimension_semantics<arbitrary>], iteration_bounds = array<i64: 10>, scalar_prefetch = 0 : i64, scratch_operands = 0 : i64, tpu.core_type = #tpu.core_type<tc>, window_params = [{transform_indices = @transform_0, window_bounds = array<i64: 1000, 32>}, {transform_indices = @transform_1, window_bounds = array<i64: 1, 1000, 128>}, {transform_indices = @transform_2, window_bounds = array<i64: 1, 1000, 128>}, {pipeline_mode = #tpu.pipeline_mode<synchronous>, transform_indices = @transform_3, window_bounds = array<i64: 32, 32>}, {pipeline_mode = #tpu.pipeline_mode<synchronous>, transform_indices = @transform_4, window_bounds = array<i64: 32, 32>}, {pipeline_mode = #tpu.pipeline_mode<synchronous>, transform_indices = @transform_5, window_bounds = array<i64: 1, 32>}, {pipeline_mode = #tpu.pipeline_mode<synchronous>, transform_indices = @transform_6, window_bounds = array<i64: 32, 32>}, {pipeline_mode = #tpu.pipeline_mode<synchronous>, transform_indices = @transform_7, window_bounds = array<i64: 32, 32>}, {transform_indices = @transform_8, window_bounds = array<i64: 1000, 32>}, {transform_indices = @transform_9, window_bounds = array<i64: 1000, 128>}]} {
    %get3A = arith.constant 0 : index
    %get3A_0 = arith.constant 0 : index
    %get3A_1 = arith.constant 0 : index
    %get3A_2 = vector.load %arg2[%get3A, %get3A_0, %get3A_1] : memref<1x1000x128xf32, #tpu.memory_space<vmem>>, vector<1x1000x32xf32>
    %get3A_3 = vector.shape_cast %get3A_2 : vector<1x1000x32xf32> to vector<1000x32xf32>
    %get3A_4 = arith.constant 0 : index
    %get3A_5 = arith.constant 0 : index
    %get3A_6 = arith.constant 0 : index
    %get3A_7 = vector.load %arg3[%get3A_4, %get3A_5, %get3A_6] : memref<1x1000x128xf32, #tpu.memory_space<vmem>>, vector<1x1000x32xf32>
    %get3A_8 = vector.shape_cast %get3A_7 : vector<1x1000x32xf32> to vector<1000x32xf32>
    %add3A = arith.addf %get3A_3, %get3A_8 : vector<1000x32xf32>
    %get3A_9 = arith.constant 0 : index
    %get3A_10 = arith.constant 0 : index
    %get3A_11 = vector.load %arg1[%get3A_9, %get3A_10] : memref<1000x32xf32, #tpu.memory_space<vmem>>, vector<1000x32xf32>
    %get3A_12 = arith.constant 0 : index
    %get3A_13 = arith.constant 0 : index
    %get3A_14 = vector.load %arg4[%get3A_12, %get3A_13] : memref<32x32xf32, #tpu.memory_space<vmem>>, vector<32x32xf32>
    %dot_general3A = arith.constant dense<0.000000e+00> : vector<1000x32xf32>
    %dot_general3A_15 = tpu.matmul %get3A_11, %get3A_14, %dot_general3A {dimension_numbers = #tpu.dot_dimension_numbers<[1], [0], [0], [1], [0, 0, 1, 1], [], []>, transpose_lhs_hint = false} : vector<1000x32xf32>, vector<32x32xf32>, vector<1000x32xf32> -> vector<1000x32xf32>
    %get3A_16 = arith.constant 0 : index
    %get3A_17 = arith.constant 0 : index
    %get3A_18 = vector.load %arg5[%get3A_16, %get3A_17] : memref<32x32xf32, #tpu.memory_space<vmem>>, vector<32x32xf32>
    %dot_general3A_19 = arith.constant dense<0.000000e+00> : vector<1000x32xf32>
    %dot_general3A_20 = tpu.matmul %add3A, %get3A_18, %dot_general3A_19 {dimension_numbers = #tpu.dot_dimension_numbers<[1], [0], [0], [1], [0, 0, 1, 1], [], []>, transpose_lhs_hint = false} : vector<1000x32xf32>, vector<32x32xf32>, vector<1000x32xf32> -> vector<1000x32xf32>
    %add3A_21 = arith.addf %dot_general3A_15, %dot_general3A_20 : vector<1000x32xf32>
    %get3A_22 = arith.constant 0 : index
    %get3A_23 = arith.constant 0 : index
    %get3A_24 = vector.load %arg6[%get3A_22, %get3A_23] : memref<1x32xf32, #tpu.memory_space<vmem>>, vector<1x32xf32>
    %add3A_25 = vector.broadcast %get3A_24 : vector<1x32xf32> to vector<1000x32xf32>
    %add3A_26 = arith.addf %add3A_21, %add3A_25 : vector<1000x32xf32>
    %max3A = arith.constant 0.000000e+00 : f32
    %max3A_27 = vector.broadcast %max3A : f32 to vector<1000x32xf32>
    %max3A_28 = arith.maximumf %add3A_26, %max3A_27 : vector<1000x32xf32>
    %swap3A = arith.constant 0 : index
    %swap3A_29 = arith.constant 0 : index
    %swap3A_30 = vector.load %arg9[%swap3A, %swap3A_29] : memref<1000x32xf32, #tpu.memory_space<vmem>>, vector<1000x32xf32>
    tpu.vector_store %arg9[%swap3A, %swap3A_29], %max3A_28 {strides = array<i32>} : memref<1000x32xf32, #tpu.memory_space<vmem>>, vector<1000x32xf32>,
    %get3A_31 = arith.constant 0 : index
    %get3A_32 = arith.constant 0 : index
    %get3A_33 = vector.load %arg7[%get3A_31, %get3A_32] : memref<32x32xf32, #tpu.memory_space<vmem>>, vector<32x32xf32>
    %dot_general3A_34 = arith.constant dense<0.000000e+00> : vector<1000x32xf32>
    %dot_general3A_35 = tpu.matmul %max3A_28, %get3A_33, %dot_general3A_34 {dimension_numbers = #tpu.dot_dimension_numbers<[1], [0], [0], [1], [0, 0, 1, 1], [], []>, transpose_lhs_hint = false} : vector<1000x32xf32>, vector<32x32xf32>, vector<1000x32xf32> -> vector<1000x32xf32>
    %get3A_36 = arith.constant 0 : index
    %get3A_37 = arith.constant 0 : index
    %get3A_38 = vector.load %arg8[%get3A_36, %get3A_37] : memref<32x32xf32, #tpu.memory_space<vmem>>, vector<32x32xf32>
    %dot_general3A_39 = arith.constant dense<0.000000e+00> : vector<1000x32xf32>
    %dot_general3A_40 = tpu.matmul %max3A_28, %get3A_38, %dot_general3A_39 {dimension_numbers = #tpu.dot_dimension_numbers<[1], [0], [0], [1], [0, 0, 1, 1], [], []>, transpose_lhs_hint = false} : vector<1000x32xf32>, vector<32x32xf32>, vector<1000x32xf32> -> vector<1000x32xf32>
    %broadcast_in_dim3A = arith.constant 0.000000e+00 : f32
    %broadcast_in_dim3A_41 = vector.broadcast %broadcast_in_dim3A : f32 to vector<1000x64xf32>
    %concatenate3A = tpu.concatenate %dot_general3A_35, %dot_general3A_40, %broadcast_in_dim3A_41 in 1 : vector<1000x32xf32>, vector<1000x32xf32>, vector<1000x64xf32> -> vector<1000x128xf32>
    %swap3A_42 = arith.constant 0 : index
    %swap3A_43 = arith.constant 0 : index
    %swap3A_44 = vector.load %arg10[%swap3A_42, %swap3A_43] : memref<1000x128xf32, #tpu.memory_space<vmem>>, vector<1000x128xf32>
    tpu.vector_store %arg10[%swap3A_42, %swap3A_43], %concatenate3A {strides = array<i32>} : memref<1000x128xf32, #tpu.memory_space<vmem>>, vector<1000x128xf32>,
    return
  }
  func.func @transform_0(%arg0: i32) -> (i32, i32) {
    %c0_i32 = arith.constant 0 : i32
    %c0_i32_0 = arith.constant 0 : i32
    return %arg0, %c0_i32 : i32, i32
  }
  func.func @transform_1(%arg0: i32) -> (i32, i32, i32) {
    %c0_i32 = arith.constant 0 : i32
    %c0_i32_0 = arith.constant 0 : i32
    %c0_i32_1 = arith.constant 0 : i32
    return %c0_i32, %arg0, %c0_i32_0 : i32, i32, i32
  }
  func.func @transform_2(%arg0: i32) -> (i32, i32, i32) {
    %c1_i32 = arith.constant 1 : i32
    %c0_i32 = arith.constant 0 : i32
    %c0_i32_0 = arith.constant 0 : i32
    return %c1_i32, %arg0, %c0_i32 : i32, i32, i32
  }
  func.func @transform_3(%arg0: i32) -> (i32, i32) {
    %c0_i32 = arith.constant 0 : i32
    %c0_i32_0 = arith.constant 0 : i32
    %c0_i32_1 = arith.constant 0 : i32
    return %c0_i32, %c0_i32_0 : i32, i32
  }
  func.func @transform_4(%arg0: i32) -> (i32, i32) {
    %c0_i32 = arith.constant 0 : i32
    %c0_i32_0 = arith.constant 0 : i32
    %c0_i32_1 = arith.constant 0 : i32
    return %c0_i32, %c0_i32_0 : i32, i32
  }
  func.func @transform_5(%arg0: i32) -> (i32, i32) {
    %c0_i32 = arith.constant 0 : i32
    %c0_i32_0 = arith.constant 0 : i32
    %c0_i32_1 = arith.constant 0 : i32
    return %c0_i32, %c0_i32_0 : i32, i32
  }
  func.func @transform_6(%arg0: i32) -> (i32, i32) {
    %c0_i32 = arith.constant 0 : i32
    %c0_i32_0 = arith.constant 0 : i32
    %c0_i32_1 = arith.constant 0 : i32
    return %c0_i32, %c0_i32_0 : i32, i32
  }
  func.func @transform_7(%arg0: i32) -> (i32, i32) {
    %c0_i32 = arith.constant 0 : i32
    %c0_i32_0 = arith.constant 0 : i32
    %c0_i32_1 = arith.constant 0 : i32
    return %c0_i32, %c0_i32_0 : i32, i32
  }
  func.func @transform_8(%arg0: i32) -> (i32, i32) {
    %c0_i32 = arith.constant 0 : i32
    %c0_i32_0 = arith.constant 0 : i32
    return %arg0, %c0_i32 : i32, i32
  }
  func.func @transform_9(%arg0: i32) -> (i32, i32) {
    %c0_i32 = arith.constant 0 : i32
    %c0_i32_0 = arith.constant 0 : i32
    return %arg0, %c0_i32 : i32, i32
  }
}

module attributes {stable_mosaic.version = 14 : i64} {
  func.func @_node_body(%arg0: i32, %arg1: memref<1000x32xf32, #tpu.memory_space<vmem>>, %arg2: memref<1x1000x128xf32, #tpu.memory_space<vmem>>, %arg3: memref<1x1000x128xf32, #tpu.memory_space<vmem>>, %arg4: memref<32x32xf32, #tpu.memory_space<vmem>>, %arg5: memref<32x32xf32, #tpu.memory_space<vmem>>, %arg6: memref<1x32xf32, #tpu.memory_space<vmem>>, %arg7: memref<32x32xf32, #tpu.memory_space<vmem>>, %arg8: memref<32x32xf32, #tpu.memory_space<vmem>>, %arg9: memref<1000x32xf32, #tpu.memory_space<vmem>>, %arg10: memref<1000x128xf32, #tpu.memory_space<vmem>>) attributes {dimension_semantics = [#tpu.dimension_semantics<arbitrary>], iteration_bounds = array<i64: 10>, scalar_prefetch = 0 : i64, scratch_operands = 0 : i64, tpu.core_type = #tpu.core_type<tc>, window_params = [{transform_indices = @transform_0, window_bounds = array<i64: 1000, 32>}, {transform_indices = @transform_1, window_bounds = array<i64: 1, 1000, 128>}, {transform_indices = @transform_2, window_bounds = array<i64: 1, 1000, 128>}, {pipeline_mode = #tpu.pipeline_mode<synchronous>, transform_indices = @transform_3, window_bounds = array<i64: 32, 32>}, {pipeline_mode = #tpu.pipeline_mode<synchronous>, transform_indices = @transform_4, window_bounds = array<i64: 32, 32>}, {pipeline_mode = #tpu.pipeline_mode<synchronous>, transform_indices = @transform_5, window_bounds = array<i64: 1, 32>}, {pipeline_mode = #tpu.pipeline_mode<synchronous>, transform_indices = @transform_6, window_bounds = array<i64: 32, 32>}, {pipeline_mode = #tpu.pipeline_mode<synchronous>, transform_indices = @transform_7, window_bounds = array<i64: 32, 32>}, {transform_indices = @transform_8, window_bounds = array<i64: 1000, 32>}, {transform_indices = @transform_9, window_bounds = array<i64: 1000, 128>}]} {
    %get3A = arith.constant 0 : index
    %get3A_0 = arith.constant 0 : index
    %get3A_1 = arith.constant 0 : index
    %get3A_2 = vector.load %arg2[%get3A, %get3A_0, %get3A_1] : memref<1x1000x128xf32, #tpu.memory_space<vmem>>, vector<1x1000x32xf32>
    %get3A_3 = vector.shape_cast %get3A_2 : vector<1x1000x32xf32> to vector<1000x32xf32>
    %get3A_4 = arith.constant 0 : index
    %get3A_5 = arith.constant 0 : index
    %get3A_6 = arith.constant 0 : index
    %get3A_7 = vector.load %arg3[%get3A_4, %get3A_5, %get3A_6] : memref<1x1000x128xf32, #tpu.memory_space<vmem>>, vector<1x1000x32xf32>
    %get3A_8 = vector.shape_cast %get3A_7 : vector<1x1000x32xf32> to vector<1000x32xf32>
    %add3A = arith.addf %get3A_3, %get3A_8 : vector<1000x32xf32>
    %get3A_9 = arith.constant 0 : index
    %get3A_10 = arith.constant 0 : index
    %get3A_11 = vector.load %arg1[%get3A_9, %get3A_10] : memref<1000x32xf32, #tpu.memory_space<vmem>>, vector<1000x32xf32>
    %get3A_12 = arith.constant 0 : index
    %get3A_13 = arith.constant 0 : index
    %get3A_14 = vector.load %arg4[%get3A_12, %get3A_13] : memref<32x32xf32, #tpu.memory_space<vmem>>, vector<32x32xf32>
    %dot_general3A = arith.constant dense<0.000000e+00> : vector<1000x32xf32>
    %dot_general3A_15 = tpu.matmul %get3A_11, %get3A_14, %dot_general3A {dimension_numbers = #tpu.dot_dimension_numbers<[1], [0], [0], [1], [0, 0, 1, 1], [], []>, transpose_lhs_hint = false} : vector<1000x32xf32>, vector<32x32xf32>, vector<1000x32xf32> -> vector<1000x32xf32>
    %get3A_16 = arith.constant 0 : index
    %get3A_17 = arith.constant 0 : index
    %get3A_18 = vector.load %arg5[%get3A_16, %get3A_17] : memref<32x32xf32, #tpu.memory_space<vmem>>, vector<32x32xf32>
    %dot_general3A_19 = arith.constant dense<0.000000e+00> : vector<1000x32xf32>
    %dot_general3A_20 = tpu.matmul %add3A, %get3A_18, %dot_general3A_19 {dimension_numbers = #tpu.dot_dimension_numbers<[1], [0], [0], [1], [0, 0, 1, 1], [], []>, transpose_lhs_hint = false} : vector<1000x32xf32>, vector<32x32xf32>, vector<1000x32xf32> -> vector<1000x32xf32>
    %add3A_21 = arith.addf %dot_general3A_15, %dot_general3A_20 : vector<1000x32xf32>
    %get3A_22 = arith.constant 0 : index
    %get3A_23 = arith.constant 0 : index
    %get3A_24 = vector.load %arg6[%get3A_22, %get3A_23] : memref<1x32xf32, #tpu.memory_space<vmem>>, vector<1x32xf32>
    %add3A_25 = vector.broadcast %get3A_24 : vector<1x32xf32> to vector<1000x32xf32>
    %add3A_26 = arith.addf %add3A_21, %add3A_25 : vector<1000x32xf32>
    %max3A = arith.constant 0.000000e+00 : f32
    %max3A_27 = vector.broadcast %max3A : f32 to vector<1000x32xf32>
    %max3A_28 = arith.maximumf %add3A_26, %max3A_27 : vector<1000x32xf32>
    %swap3A = arith.constant 0 : index
    %swap3A_29 = arith.constant 0 : index
    %swap3A_30 = vector.load %arg9[%swap3A, %swap3A_29] : memref<1000x32xf32, #tpu.memory_space<vmem>>, vector<1000x32xf32>
    tpu.vector_store %arg9[%swap3A, %swap3A_29], %max3A_28 {strides = array<i32>} : memref<1000x32xf32, #tpu.memory_space<vmem>>, vector<1000x32xf32>,
    %get3A_31 = arith.constant 0 : index
    %get3A_32 = arith.constant 0 : index
    %get3A_33 = vector.load %arg7[%get3A_31, %get3A_32] : memref<32x32xf32, #tpu.memory_space<vmem>>, vector<32x32xf32>
    %dot_general3A_34 = arith.constant dense<0.000000e+00> : vector<1000x32xf32>
    %dot_general3A_35 = tpu.matmul %max3A_28, %get3A_33, %dot_general3A_34 {dimension_numbers = #tpu.dot_dimension_numbers<[1], [0], [0], [1], [0, 0, 1, 1], [], []>, transpose_lhs_hint = false} : vector<1000x32xf32>, vector<32x32xf32>, vector<1000x32xf32> -> vector<1000x32xf32>
    %get3A_36 = arith.constant 0 : index
    %get3A_37 = arith.constant 0 : index
    %get3A_38 = vector.load %arg8[%get3A_36, %get3A_37] : memref<32x32xf32, #tpu.memory_space<vmem>>, vector<32x32xf32>
    %dot_general3A_39 = arith.constant dense<0.000000e+00> : vector<1000x32xf32>
    %dot_general3A_40 = tpu.matmul %max3A_28, %get3A_38, %dot_general3A_39 {dimension_numbers = #tpu.dot_dimension_numbers<[1], [0], [0], [1], [0, 0, 1, 1], [], []>, transpose_lhs_hint = false} : vector<1000x32xf32>, vector<32x32xf32>, vector<1000x32xf32> -> vector<1000x32xf32>
    %broadcast_in_dim3A = arith.constant 0.000000e+00 : f32
    %broadcast_in_dim3A_41 = vector.broadcast %broadcast_in_dim3A : f32 to vector<1000x64xf32>
    %concatenate3A = tpu.concatenate %dot_general3A_35, %dot_general3A_40, %broadcast_in_dim3A_41 in 1 : vector<1000x32xf32>, vector<1000x32xf32>, vector<1000x64xf32> -> vector<1000x128xf32>
    %swap3A_42 = arith.constant 0 : index
    %swap3A_43 = arith.constant 0 : index
    %swap3A_44 = vector.load %arg10[%swap3A_42, %swap3A_43] : memref<1000x128xf32, #tpu.memory_space<vmem>>, vector<1000x128xf32>
    tpu.vector_store %arg10[%swap3A_42, %swap3A_43], %concatenate3A {strides = array<i32>} : memref<1000x128xf32, #tpu.memory_space<vmem>>, vector<1000x128xf32>,
    return
  }
  func.func @transform_0(%arg0: i32) -> (i32, i32) {
    %c0_i32 = arith.constant 0 : i32
    %c0_i32_0 = arith.constant 0 : i32
    return %arg0, %c0_i32 : i32, i32
  }
  func.func @transform_1(%arg0: i32) -> (i32, i32, i32) {
    %c0_i32 = arith.constant 0 : i32
    %c0_i32_0 = arith.constant 0 : i32
    %c0_i32_1 = arith.constant 0 : i32
    return %c0_i32, %arg0, %c0_i32_0 : i32, i32, i32
  }
  func.func @transform_2(%arg0: i32) -> (i32, i32, i32) {
    %c1_i32 = arith.constant 1 : i32
    %c0_i32 = arith.constant 0 : i32
    %c0_i32_0 = arith.constant 0 : i32
    return %c1_i32, %arg0, %c0_i32 : i32, i32, i32
  }
  func.func @transform_3(%arg0: i32) -> (i32, i32) {
    %c0_i32 = arith.constant 0 : i32
    %c0_i32_0 = arith.constant 0 : i32
    %c0_i32_1 = arith.constant 0 : i32
    return %c0_i32, %c0_i32_0 : i32, i32
  }
  func.func @transform_4(%arg0: i32) -> (i32, i32) {
    %c0_i32 = arith.constant 0 : i32
    %c0_i32_0 = arith.constant 0 : i32
    %c0_i32_1 = arith.constant 0 : i32
    return %c0_i32, %c0_i32_0 : i32, i32
  }
  func.func @transform_5(%arg0: i32) -> (i32, i32) {
    %c0_i32 = arith.constant 0 : i32
    %c0_i32_0 = arith.constant 0 : i32
    %c0_i32_1 = arith.constant 0 : i32
    return %c0_i32, %c0_i32_0 : i32, i32
  }
  func.func @transform_6(%arg0: i32) -> (i32, i32) {
    %c0_i32 = arith.constant 0 : i32
    %c0_i32_0 = arith.constant 0 : i32
    %c0_i32_1 = arith.constant 0 : i32
    return %c0_i32, %c0_i32_0 : i32, i32
  }
  func.func @transform_7(%arg0: i32) -> (i32, i32) {
    %c0_i32 = arith.constant 0 : i32
    %c0_i32_0 = arith.constant 0 : i32
    %c0_i32_1 = arith.constant 0 : i32
    return %c0_i32, %c0_i32_0 : i32, i32
  }
  func.func @transform_8(%arg0: i32) -> (i32, i32) {
    %c0_i32 = arith.constant 0 : i32
    %c0_i32_0 = arith.constant 0 : i32
    return %arg0, %c0_i32 : i32, i32
  }
  func.func @transform_9(%arg0: i32) -> (i32, i32) {
    %c0_i32 = arith.constant 0 : i32
    %c0_i32_0 = arith.constant 0 : i32
    return %arg0, %c0_i32 : i32, i32
  }
}

module attributes {stable_mosaic.version = 14 : i64} {
  func.func @_dec_body(%arg0: i32, %arg1: memref<1000x256xf32, #tpu.memory_space<vmem>>, %arg2: memref<256x8xf32, #tpu.memory_space<vmem>>, %arg3: memref<1x8xf32, #tpu.memory_space<vmem>>, %arg4: memref<1000x8xf32, #tpu.memory_space<vmem>>) attributes {dimension_semantics = [#tpu.dimension_semantics<arbitrary>], iteration_bounds = array<i64: 40>, scalar_prefetch = 0 : i64, scratch_operands = 0 : i64, tpu.core_type = #tpu.core_type<tc>, window_params = [{transform_indices = @transform_0, window_bounds = array<i64: 1000, 256>}, {pipeline_mode = #tpu.pipeline_mode<synchronous>, transform_indices = @transform_1, window_bounds = array<i64: 256, 8>}, {pipeline_mode = #tpu.pipeline_mode<synchronous>, transform_indices = @transform_2, window_bounds = array<i64: 1, 8>}, {transform_indices = @transform_3, window_bounds = array<i64: 1000, 8>}]} {
    %get3A = arith.constant 0 : index
    %get3A_0 = arith.constant 0 : index
    %get3A_1 = vector.load %arg1[%get3A, %get3A_0] : memref<1000x256xf32, #tpu.memory_space<vmem>>, vector<1000x256xf32>
    %get3A_2 = arith.constant 0 : index
    %get3A_3 = arith.constant 0 : index
    %get3A_4 = vector.load %arg2[%get3A_2, %get3A_3] : memref<256x8xf32, #tpu.memory_space<vmem>>, vector<256x8xf32>
    %dot_general3A = arith.constant dense<0.000000e+00> : vector<1000x8xf32>
    %dot_general3A_5 = tpu.matmul %get3A_1, %get3A_4, %dot_general3A {dimension_numbers = #tpu.dot_dimension_numbers<[1], [0], [0], [1], [0, 0, 1, 1], [], []>, transpose_lhs_hint = false} : vector<1000x256xf32>, vector<256x8xf32>, vector<1000x8xf32> -> vector<1000x8xf32>
    %get3A_6 = arith.constant 0 : index
    %get3A_7 = arith.constant 0 : index
    %get3A_8 = vector.load %arg3[%get3A_6, %get3A_7] : memref<1x8xf32, #tpu.memory_space<vmem>>, vector<1x8xf32>
    %add3A = vector.broadcast %get3A_8 : vector<1x8xf32> to vector<1000x8xf32>
    %add3A_9 = arith.addf %dot_general3A_5, %add3A : vector<1000x8xf32>
    %swap3A = arith.constant 0 : index
    %swap3A_10 = arith.constant 0 : index
    %swap3A_11 = vector.load %arg4[%swap3A, %swap3A_10] : memref<1000x8xf32, #tpu.memory_space<vmem>>, vector<1000x8xf32>
    tpu.vector_store %arg4[%swap3A, %swap3A_10], %add3A_9 {strides = array<i32>} : memref<1000x8xf32, #tpu.memory_space<vmem>>, vector<1000x8xf32>,
    return
  }
  func.func @transform_0(%arg0: i32) -> (i32, i32) {
    %c0_i32 = arith.constant 0 : i32
    %c0_i32_0 = arith.constant 0 : i32
    return %arg0, %c0_i32 : i32, i32
  }
  func.func @transform_1(%arg0: i32) -> (i32, i32) {
    %c0_i32 = arith.constant 0 : i32
    %c0_i32_0 = arith.constant 0 : i32
    %c0_i32_1 = arith.constant 0 : i32
    return %c0_i32, %c0_i32_0 : i32, i32
  }
  func.func @transform_2(%arg0: i32) -> (i32, i32) {
    %c0_i32 = arith.constant 0 : i32
    %c0_i32_0 = arith.constant 0 : i32
    %c0_i32_1 = arith.constant 0 : i32
    return %c0_i32, %c0_i32_0 : i32, i32
  }
  func.func @transform_3(%arg0: i32) -> (i32, i32) {
    %c0_i32 = arith.constant 0 : i32
    %c0_i32_0 = arith.constant 0 : i32
    return %arg0, %c0_i32 : i32, i32
  }
}

module attributes {stable_mosaic.version = 14 : i64} {
  func.func @_mask_body(%arg0: memref<625x512xf32, #tpu.memory_space<vmem>>, %arg1: memref<625x512xf32, #tpu.memory_space<vmem>>, %arg2: memref<625x512xi32, #tpu.memory_space<vmem>>, %arg3: memref<625x512xi32, #tpu.memory_space<vmem>>, %arg4: memref<1x1xf32, #tpu.memory_space<vmem>>, %arg5: memref<1x1xf32, #tpu.memory_space<vmem>>, %arg6: memref<625x512xf32, #tpu.memory_space<vmem>>) attributes {dimension_semantics = [], scalar_prefetch = 0 : i64, scratch_operands = 0 : i64, tpu.core_type = #tpu.core_type<tc>} {
    %get3A = arith.constant 0 : index
    %get3A_0 = arith.constant 0 : index
    %get3A_1 = vector.load %arg5[%get3A, %get3A_0] : memref<1x1xf32, #tpu.memory_space<vmem>>, vector<1x1xf32>
    %get3A_2 = vector.extract %get3A_1[0, 0] : f32 from vector<1x1xf32>
    %get3A_3 = arith.constant 0 : index
    %get3A_4 = arith.constant 0 : index
    %get3A_5 = vector.load %arg4[%get3A_3, %get3A_4] : memref<1x1xf32, #tpu.memory_space<vmem>>, vector<1x1xf32>
    %get3A_6 = vector.extract %get3A_5[0, 0] : f32 from vector<1x1xf32>
    %mul3A = arith.mulf %get3A_2, %get3A_6 : f32
    %get3A_7 = arith.constant 0 : index
    %get3A_8 = arith.constant 0 : index
    %get3A_9 = vector.load %arg1[%get3A_7, %get3A_8] : memref<625x512xf32, #tpu.memory_space<vmem>>, vector<625x512xf32>
    %get3A_10 = arith.constant 0 : index
    %get3A_11 = arith.constant 0 : index
    %get3A_12 = vector.load %arg0[%get3A_10, %get3A_11] : memref<625x512xf32, #tpu.memory_space<vmem>>, vector<625x512xf32>
    %mul3A_13 = vector.broadcast %mul3A : f32 to vector<625x512xf32>
    %mul3A_14 = arith.mulf %mul3A_13, %get3A_12 : vector<625x512xf32>
    %add3A = arith.addf %get3A_9, %mul3A_14 : vector<625x512xf32>
    %get3A_15 = arith.constant 0 : index
    %get3A_16 = arith.constant 0 : index
    %get3A_17 = vector.load %arg2[%get3A_15, %get3A_16] : memref<625x512xi32, #tpu.memory_space<vmem>>, vector<625x512xi32>
    %get3A_18 = arith.constant 0 : index
    %get3A_19 = arith.constant 0 : index
    %get3A_20 = vector.load %arg3[%get3A_18, %get3A_19] : memref<625x512xi32, #tpu.memory_space<vmem>>, vector<625x512xi32>
    %ge3A = arith.cmpi sge, %get3A_17, %get3A_20 : vector<625x512xi32>
    %jit3A = arith.constant 0.000000e+00 : f32
    %broadcast_in_dim3A = vector.broadcast %jit3A : f32 to vector<625x512xf32>
    %select_n3A = arith.select %ge3A, %add3A, %broadcast_in_dim3A : vector<625x512xi1>, vector<625x512xf32>
    %swap3A = arith.constant 0 : index
    %swap3A_21 = arith.constant 0 : index
    %swap3A_22 = vector.load %arg6[%swap3A, %swap3A_21] : memref<625x512xf32, #tpu.memory_space<vmem>>, vector<625x512xf32>
    tpu.vector_store %arg6[%swap3A, %swap3A_21], %select_n3A {strides = array<i32>} : memref<625x512xf32, #tpu.memory_space<vmem>>, vector<625x512xf32>,
    return
  }
}

</mosaic_0001>

<sc_bundles>
// kernel: sc_layer.3.cloned.1.call-start
scs
__scs_entry_jumppad:
0x0: {  	(pc) =	sbr.rel $0x88, $3  }
0x1: {  	(tag) =	ssettag $0x0;
	lr =	simm.s32 $0x1  }
0x2: {  	[smem:$0x3F92] =	sst lr;
	_ =	strace $0xD0000000  }
0x3: {  	_ = 	snop  }
0x4: {  	_ = 	snop  }
0x5: {  	_ = 	snop  }
0x6: {  	_ = 	snop  }
0x7: {  	_ = 	snop  }
__scs_overlays_trampoline_lowered:
0x8: {  	[smem:$0x3FA1] =	sst s0  }
0x9: {  	[smem:$0x3FA2] =	sst s1  }
0xa: {  	[smem:$0x3FA3] =	sst s2  }
0xb: {  	[smem:$0x3FA4] =	sst s3  }
0xc: {  	[smem:$0x3FA5] =	sst s4  }
0xd: {  	[smem:$0x3FA6] =	sst s5  }
0xe: {  	[smem:$0x3FA7] =	sst s6  }
0xf: {  	[smem:$0x3FA8] =	sst s7  }
0x10: {  	[smem:$0x3FA9] =	sst s8  }
0x11: {  	[smem:$0x3FAA] =	sst s9;
	s0 =	simm.s32 @!p0 $0x0  }
0x12: {  	s1 =	sld [smem:$0x3F90];
	s0 =	simm.s32 @p0 $0x1  }
0x13: {  	[smem:$0x3FAB] =	sst s0;
	s0 =	simm.s32 @!p1 $0x0  }
0x14: {  	s2 =	sld [smem:$0x3F8F];
	s0 =	simm.s32 @p1 $0x1  }
0x15: {  	[smem:$0x3FAC] =	sst s0;
	s0 =	simm.s32 @!p2 $0x0  }
0x16: {  	s3 =	sld [smem:$0x3FDB];
	s0 =	simm.s32 @p2 $0x1  }
0x17: {  	s4 =	simm.s32 $0x1BF5;
	[smem:$0x3FAE] =	sst s0  }
0x18: {  	s0 =	sld [smem:$0x3F91];
	_ =	swait.ge [sflag:s4], $0x0  }
0x19: {  	s7 =	sld [smem:$0x3F92]  }
0x1a: {  	s8 =	sadd.s32 $0xFFFFE003, lr  }
0x1b: {  	s9 =	sadd.s32 $0xFFFFFEF7, lr;
	s5 =	simm.s32 $0xFFFFFFFF;
	p2 =	slt.u32 s8, $0xFFFFF086  }
0x1c: {  	p1 =	slt.u32 s9, $0xF7A;
	s5 =	simm.s32 @!p2 $0x0  }
0x1d: {  	s5 =	simm.s32 @p1 $0x1;
	p0 =	seq.s32 s7, s2  }
0x1e: {  	s7 =	smul.u32 @!p0 $0xF7A, s2;
	p2 =	seq.s32 @!p0 s5, $0x0  }
0x1f: {  	s9 =	smul.u32 $0xF7A, s1;
	s8 =	simm.s32 @!p0 $0x1BF5;
	p2 =	por !p2, p0  }
0x20: {  	[sflag:s8] =	ssyncset.s32 @!p0 $0xFFFFF086;
	s6 =	sadd.s32 @!p0 s3, s7;
	s7 =	simm.s32 @!p0 $0x108  }
0x21: {  	s3 =	sadd.s32 s3, s9;
	s6 =	sadd.s32 @!p0 $0x88, s6;
	s7 =	simm.s32 @p2 $0x1082  }
0x22: {  	[simem:s7], [sflag:s8] =	dma.local @!p0 [hbm:s6], $0xF7A  }
0x23: {  	s9 =	sor.u32 $0xD0000000, s2;
	s6 =	simm.s32 $0x108;
	_ =	swait.ge @!p0 [sflag:s8], $0x0  }
0x24: {  	s3 =	sadd.s32 $0x88, s3;
	s6 =	simm.s32 @!p1 $0x1082;
	[sflag:s4] =	ssyncset.s32 $0xFFFFF086  }
0x25: {  	[simem:s6], [sflag:s4] =	dma.local [hbm:s3], $0xF7A  }
0x26: {  	[smem:$0x3F92] =	sst s1;
	(tag) =	ssettag s2;
	_ =	strace s9  }
0x27: {  	s1 =	sld [smem:$0x3FA2]  }
0x28: {  	s2 =	sld [smem:$0x3FA3]  }
0x29: {  	s4 =	sld [smem:$0x3FA5]  }
0x2a: {  	p0 =	seq.s32 s5, $0x0;
	s5 =	sld [smem:$0x3FA6]  }
0x2b: {  	s6 =	sld [smem:$0x3FA7]  }
0x2c: {  	s7 =	sld [smem:$0x3FA8]  }
0x2d: {  	s3 =	simm.s32 $0x108;
	s8 =	sld [smem:$0x3FA9]  }
0x2e: {  	s3 =	simm.s32 @!p0 $0x1082;
	s9 =	sld [smem:$0x3FAA]  }
0x2f: {  	lr =	sadd.s32 s0, s3;
	s0 =	sld [smem:$0x3FA1]  }
0x30: {  	s3 =	sld [smem:$0x3FA4]  }
0x31: {  	[smem:$0x3FAD] =	sst s10  }
0x32: {  	s10 =	sld [smem:$0x3FAB];
	_ =	sdelay $0x3  }
0x33: {  	p0 =	seq.s32 s10, $0x1;
	s10 =	sld [smem:$0x3FAD];
	_ =	sdelay $0x3  }
0x34: {  	[smem:$0x3FAD] =	sst s10  }
0x35: {  	s10 =	sld [smem:$0x3FAC];
	_ =	sdelay $0x3  }
0x36: {  	p1 =	seq.s32 s10, $0x1;
	s10 =	sld [smem:$0x3FAD];
	_ =	sdelay $0x3  }
0x37: {  	[smem:$0x3FAD] =	sst s10  }
0x38: {  	s10 =	sld [smem:$0x3FAE]  }
0x39: {  	_ = 	snop;
	(pc) =	sbr.ind lr, $3  }
0x3a: {  	_ = 	snop  }
0x3b: {  	_ = 	snop  }
0x3c: {  	p2 =	seq.s32 s10, $0x1;
	s10 =	sld [smem:$0x3FAD]  }
0x3d: {  	_ =	shalt  }
0x3e: {  	_ =	shalt  }
0x3f: {  	_ =	shalt  }
0x40: {  	_ =	shalt  }
0x41: {  	_ =	shalt  }
0x42: {  	_ =	shalt  }
0x43: {  	_ =	shalt  }
0x44: {  	_ =	shalt  }
0x45: {  	_ =	shalt  }
0x46: {  	_ =	shalt  }
0x47: {  	_ =	shalt  }
0x48: {  	_ =	shalt  }
0x49: {  	_ =	shalt  }
0x4a: {  	_ =	shalt  }
0x4b: {  	_ =	shalt  }
0x4c: {  	_ =	shalt  }
0x4d: {  	_ =	shalt  }
0x4e: {  	_ =	shalt  }
0x4f: {  	_ =	shalt  }
0x50: {  	_ =	shalt  }
0x51: {  	_ =	shalt  }
0x52: {  	_ =	shalt  }
0x53: {  	_ =	shalt  }
0x54: {  	_ =	shalt  }
0x55: {  	_ =	shalt  }
0x56: {  	_ =	shalt  }
0x57: {  	_ =	shalt  }
0x58: {  	_ =	shalt  }
0x59: {  	_ =	shalt  }
0x5a: {  	_ =	shalt  }
0x5b: {  	_ =	shalt  }
0x5c: {  	_ =	shalt  }
0x5d: {  	_ =	shalt  }
0x5e: {  	_ =	shalt  }
0x5f: {  	_ =	shalt  }
0x60: {  	_ =	shalt  }
0x61: {  	_ =	shalt  }
0x62: {  	_ =	shalt  }
0x63: {  	_ =	shalt  }
0x64: {  	_ =	shalt  }
0x65: {  	_ =	shalt  }
0x66: {  	_ =	shalt  }
0x67: {  	_ =	shalt  }
0x68: {  	_ =	shalt  }
0x69: {  	_ =	shalt  }
0x6a: {  	_ =	shalt  }
0x6b: {  	_ =	shalt  }
0x6c: {  	_ =	shalt  }
0x6d: {  	_ =	shalt  }
0x6e: {  	_ =	shalt  }
0x6f: {  	_ =	shalt  }
0x70: {  	_ =	shalt  }
0x71: {  	_ =	shalt  }
0x72: {  	_ =	shalt  }
0x73: {  	_ =	shalt  }
0x74: {  	_ =	shalt  }
0x75: {  	_ =	shalt  }
0x76: {  	_ =	shalt  }
0x77: {  	_ =	shalt  }
0x78: {  	_ =	shalt  }
0x79: {  	_ =	shalt  }
0x7a: {  	_ =	shalt  }
0x7b: {  	_ =	shalt  }
0x7c: {  	_ =	shalt  }
0x7d: {  	_ =	shalt  }
0x7e: {  	_ =	shalt  }
0x7f: {  	_ =	shalt  }
0x80: {  	_ =	shalt  }
0x81: {  	_ =	shalt  }
0x82: {  	_ =	shalt  }
0x83: {  	_ =	shalt  }
0x84: {  	_ =	shalt  }
0x85: {  	_ =	shalt  }
0x86: {  	_ =	shalt  }
0x87: {  	_ =	shalt  }
.Lfunc_end0:
.L_simem_size_0:
called_computation.2_lowered:
.L_overlay_start_0:
0x88: {  	s2 =	sld [smem:$0x3FD9]  }
0x89: {  	s3 =	sld [smem:$0x3FFE];
	_ =	sdelay $0x1  }
0x8a: {  	s1 =	srdreg.scid  }
0x8b: {  	s0 =	sand.u32 $0x1, s1  }
0x8c: {  	s17 =	sshll.u32 s0, $0xA;
	s2 =	sadd.s32 s3, s2  }
0x8d: {  	s2 =	sadd.s32 s2, s17  }
0x8e: {  	[smem:$0x3FB9] =	sst s2  }
0x8f: {  	_ = 	snop  }
0x90: {  	s2 =	sld [smem:$0x3FC7]  }
0x91: {  	s18 =	sld [smem:$0x3FC6];
	(tm) =	ssettm $0x1  }
0x92: {  	s4 =	sld [smem:$0x3FFB];
	_ =	sdelay $0x3  }
0x93: {  	_ =	strace s4  }
0x94: {  	s4 =	sld [smem:$0x3FFC];
	_ =	sdelay $0x3  }
0x95: {  	_ =	strace s4  }
0x96: {  	s4 =	sld [smem:$0x3FFD];
	_ =	sdelay $0x3  }
0x97: {  	_ =	strace s4  }
0x98: {  	_ =	strace $0x8FFFFFFF  }
0x99: {  	s19 =	sld [smem:$0x3FDB];
	_ =	sdelay $0x1  }
0x9a: {  	s5 =	simm.s32 $_scs_section_size  }
0x9b: {  	s6 =	simm.s32 $_size__tile_overlayer_lowered;
	s7 =	simm.s32 $_tile_overlayer_lowered  }
0x9c: {  	s22 =	simm.s32 $0x1BFF;
	s21 =	sshll.u32 s7, $0x1;
	s4 =	sadd.s32 s5, s19  }
0x9d: {  	s8 =	simm.s32 $0x0;
	s20 =	sshll.u32 s6, $0x1;
	s6 =	sadd.s32 s21, s4  }
0x9e: {  	[timem:s8], [sflag:s22] =	dma.local [hbm:s6], s20  }
0x9f: {  	_ =	swait.ge [sflag:s22], s20  }
0xa0: {  	s5 =	ssub.s32 $0x0, s20;
	[sflag:s22] =	ssyncset.done $0x0  }
0xa1: {  	[sflag:s22] =	ssyncadd.s32 s5;
	_ =	sdelay $0x1  }
0xa2: {  	s23 =	simm.s32 $0x1B8B  }
0xa3: {  	_ =	swait.ge [sflag:s23], $0x1  }
0xa4: {  	[sflag:s23] =	ssyncset.done $0x0  }
0xa5: {  	s25 =	simm.s32 $0x1B8E;
	s24 =	sld [smem:$0x3FFE];
	[sflag:s23] =	ssyncadd.s32 $0xFFFFFFFF  }
0xa6: {  	s26 =	simm.s32 $execute0_lowered;
	[smem:$0x3FD2] =	sst s25  }
0xa7: {  	s6 =	sshll.u32 s26, $0x1;
	_ =	strace $0x8000004C;
	[dreg:$0x1] =	wrdreg $0xFFFFFFFF  }
0xa8: {  	s28 =	simm.s32 $_size_execute0_lowered;
	s4 =	sadd.s32 s4, s6;
	[dreg:$0x0] =	wrdreg $0x0  }
0xa9: {  	s6 =	sshll.u32 s28, $0x1;
	[dreg:$0x2] =	wrdreg s4  }
0xaa: {  	[dreg:$0x3] =	wrdreg s6  }
0xab: {  	[dreg:$0x4] =	wrdreg $0xC0  }
0xac: {  	_ =	task [dreg:s8], $0x5FFFF  }
0xad: {  	[dreg:$0x1] =	wrdreg $0xFFFFFFFF  }
0xae: {  	[dreg:$0x0] =	wrdreg $0x60  }
0xaf: {  	[dreg:$0x2] =	wrdreg s24  }
0xb0: {  	[dreg:$0x3] =	wrdreg s18  }
0xb1: {  	[dreg:$0x4] =	wrdreg s2  }
0xb2: {  	[dreg:$0x5] =	wrdreg $0x9  }
0xb3: {  	_ =	task.clear_ibuf [dreg:s8], $0x6FFFF;
	_ =	strace $0x9000004C  }
0xb4: {  	s29 =	simm.s32 $0x9;
	_ =	strace $0x8000004E  }
0xb5: {  	_ =	swait.ge [sflag:s29], $0x1  }
0xb6: {  	[sflag:s29] =	ssyncadd.s32 $0xFFFFFFFF  }
0xb7: {  	_ =	strace $0x9000004E  }
0xb8: {  	_ =	sfence  }
0xb9: {  	s30 =	sld [smem:$0x0];
	_ =	sdelay $0x2  }
0xba: {  	s31 =	sshll.u32 s1, $0xD;
	s1 =	sshrl.u32 s1, $0x2  }
0xbb: {  	s3 =	sand.u32 $0x4000, s31;
	s1 =	sadd.s32 s1, s30  }
0xbc: {  	s0 =	sor.u32 s3, s0;
	s1 =	sshll.u32 s1, $0x11  }
0xbd: {  	s0 =	sor.u32 s1, s0  }
0xbe: {  	s0 =	sadd.s32 $0x8F2B, s0  }
0xbf: {  	[sflag:s0] =	ssyncadd.remote.s32 $0x1  }
0xc0: {  	_ =	sfence.sel $0xFFFF  }
0xc1: {  	[dreg:$0x0] =	wrdreg $0xFFFFFFFF;
	(pc) =	sbr.abs _section_cstart, $3  }
0xc2: {  	[dreg:$0x1] =	wrdreg $0xFFFFFFFF  }
0xc3: {  	_ =	task.clear_ibuf [dreg:s8], $0x2FFFF;
	_ =	strace $0x9FFFFFFF  }
0xc4: {  	(tm) =	ssettm $0x7FFFFFFF  }
0xc5: {  	_ =	shalt  }
tec
execute0_lowered:
.L_overlay_start_1:
0x0: {  	(tag) =	ssettag $0x1  }
0x1: {  	s0 =	rddreg [dreg:$0x0]  }
0x2: {  	s1 =	rddreg [dreg:$0x1]  }
0x3: {  	s2 =	rddreg [dreg:$0x2]  }
0x4: {  	s4 =	simm.s32 $0x0;
	s3 =	srdreg.scid;
	s6 =	stileid.u32  }
0x5: {  	s14 =	simm.s32 $0x4;
	s15 =	simm.s32 $0x40;
	s16 =	simm.s32 $0x200  }
0x6: {  	s17 =	simm.s32 $0x2200;
	s19 =	simm.s32 $0x1;
	s20 =	simm.s32 $0x2  }
0x7: {  	s21 =	simm.s32 $0x3;
	s22 =	simm.s32 $0x5200;
	s23 =	simm.s32 $0x80  }
0x8: {  	s24 =	simm.s32 $0x180;
	s25 =	simm.s32 $0x4A00;
	s28 =	simm.s32 $0x5  }
0x9: {  	[smem:$0x7FF] =	sst s4;
	s3 =	sand.u32 $0x1, s3;
	s7 =	sshll.u32 s6, $0x1  }
0xa: {  	s5 =	sadd.s32 $0x54C00, s0;
	s6 =	sadd.s32 $0xA1000, s0;
	s7 =	sor.u32 s3, s7  }
0xb: {  	_ =	strace $0x8000004D;
	s9 =	ssub.s32 $0x2, s3;
	s3 =	sshll.u32 s7, $0x3  }
.Ltmp0:
0xc: {  	s10 =	sshrl.u32 s9, $0x1;
	s30 =	sadd.s32 s1, s3;
	(pc) =	sbr.rel .LBB2_1-.Ltmp0, $4  }
0xd: {  	s31 =	sshll.u32 s7, $0x8;
	s3 =	sadd.s32 s2, s3;
	[dreg:$0x4] =	wrdreg s30  }
0xe: {  	s26 =	ssub.s32 s9, s10;
	[dreg:$0x5] =	wrdreg s3;
	s3 =	sadd.s32 s6, s31  }
0xf: {  	s8 =	sadd.s32 $0x1D9800, s0;
	s0 =	smax.u32 s26, $0x1;
	[dreg:$0x6] =	wrdreg s3  }
0x10: {  	s29 =	simm.s32 $0x0;
	s26 =	simm.s32 $0x5A00;
	[dreg:$0x7] =	wrdreg s0  }
.LBB2_10:
0x11: {  	_ =	swait.ge [sflag:s28], $0x800  }
0x12: {  	[sflag:s28] =	ssyncset.done $0x0  }
0x13: {  	[sflag:s28] =	ssyncadd.s32 $0xFFFFF800  }
0x14: {  	_ =	swait.ge [sflag:s28], $0x800  }
0x15: {  	s29 =	sadd.s32 $0x1, s29;
	s0 =	rddreg [dreg:$0x7]  }
0x16: {  	p0 =	sne.s32 s29, s0  }
.Ltmp1:
0x17: {  	_ = 	snop;
	(pc) =	sbr.rel @!p0 .LBB2_11-.Ltmp1, $3  }
0x18: {  	_ =	sdelay $0x1  }
0x19: {  	[sflag:s28] =	ssyncset.done $0x0  }
0x1a: {  	[sflag:s28] =	ssyncadd.s32 $0xFFFFF800  }
.LBB2_1:
0x1b: {  	s0 =	rddreg [dreg:$0x4]  }
0x1c: {  	[tilespmem:s4], [sflag:$0x4] =	stream.linear.gather [hbm4b:s0+s4], $0x40, $0x38;
	[tilespmem:$0x6200] =	vst v63  }
0x1d: {  	s13 =	rddreg [dreg:$0x5];
	s3 =	simm.s32 $0x100  }
0x1e: {  	[tilespmem:s3], [sflag:$0x4] =	stream.linear.gather [hbm4b:s13+s4], $0x40, $0x38;
	[tilespmem:$0x6200] =	vst v63  }
0x1f: {  	_ =	swait.ge [sflag:s14], $0x40  }
0x20: {  	[sflag:s14] =	ssyncset.done $0x0  }
0x21: {  	[sflag:s14] =	ssyncadd.s32 $0xFFFFFFC0  }
0x22: {  	_ =	swait.ge [sflag:s14], $0x40  }
0x23: {  	[sflag:s14] =	ssyncset.done $0x0  }
0x24: {  	[sflag:s14] =	ssyncadd.s32 $0xFFFFFFC0  }
0x25: {  	[tilespmem:s16], [sflag:$0x1] =	stream.indirect.gather [hbm4b:s5+s15], $0x80, s4, s15, $0xb8;
	[tilespmem:$0x6200] =	vst v63  }
.Ltmp2:
0x26: {  	_ = 	snop;
	(pc) =	sbr.rel .LBB2_2-.Ltmp2, $4  }
0x27: {  	_ = 	snop  }
0x28: {  	[tilespmem:s17], [sflag:$0x2] =	stream.indirect.gather [hbm4b:s5+s15], $0x80, s3, s15, $0xb8;
	[tilespmem:$0x6200] =	vst v63  }
0x29: {  	s31 =	simm.s32 $0x4200;
	s30 =	simm.s32 $0x0;
	s18 =	rddreg [dreg:$0x6]  }
0x2a: {  	[tilespmem:s31], [sflag:$0x3] =	stream.linear.gather [hbm4b:s18+s4], $0x800, $0x38;
	[tilespmem:$0x6200] =	vst v63  }
.LBB2_9:
0x2b: {  	s30 =	sadd.s32 $0x1, s30  }
0x2c: {  	p0 =	sne.s32 s30, $0x4F  }
.Ltmp3:
0x2d: {  	_ = 	snop;
	(pc) =	sbr.rel @!p0 .LBB2_10-.Ltmp3, $1  }
0x2e: {  	_ =	sdelay $0x3  }
.LBB2_2:
0x2f: {  	s0 =	sshll.u32 s30, $0x6  }
0x30: {  	s31 =	sor.u32 s7, s0  }
0x31: {  	p0 =	sgt.u32 s31, $0x1387  }
.Ltmp4:
0x32: {  	_ = 	snop;
	(pc) =	sbr.rel @p0 .LBB2_9-.Ltmp4, $1  }
0x33: {  	_ =	sdelay $0x3  }
0x34: {  	_ =	swait.ge [sflag:s19], $0x2000  }
0x35: {  	[sflag:s19] =	ssyncset.done $0x0  }
0x36: {  	[sflag:s19] =	ssyncadd.s32 $0xFFFFE000  }
0x37: {  	_ =	swait.ge [sflag:s20], $0x2000  }
0x38: {  	[sflag:s20] =	ssyncset.done $0x0  }
0x39: {  	[sflag:s20] =	ssyncadd.s32 $0xFFFFE000  }
0x3a: {  	_ =	swait.ge [sflag:s21], $0x800  }
0x3b: {  	[sflag:s21] =	ssyncset.done $0x0  }
0x3c: {  	s9 =	simm.s32 $0x400;
	[sflag:s21] =	ssyncadd.s32 $0xFFFFF800  }
0x3d: {  	s3 =	simm.s32 $0x2420;
	v0 =	vld [tilespmem:s9+$0x180]  }
0x3e: {  	v1 =	vld [tilespmem:s3+$0x180]  }
0x3f: {  	s18 =	simm.s32 $0x4600;
	v2 =	vld [tilespmem:s9+$0xFFFFFE00]  }
0x40: {  	v3 =	vld [tilespmem:s18+$0x60]  }
0x41: {  	v4 =	vld [tilespmem:s3+$0xFFFFFE00]  }
0x42: {  	v5 =	vld [tilespmem:s9+$0xFFFFFE80]  }
0x43: {  	v6 =	vld [tilespmem:s3+$0xFFFFFE80]  }
0x44: {  	v7 =	vld [tilespmem:s3+$0xFFFFFF00]  }
0x45: {  	v8 =	vld [tilespmem:s3+$0xFFFFFF80]  }
0x46: {  	v9 =	vld [tilespmem:s9+$0x0]  }
0x47: {  	v11 =	vld [tilespmem:s3+$0x0]  }
0x48: {  	v13 =	vld [tilespmem:s9+$0x80]  }
0x49: {  	v14 =	vld [tilespmem:s3+$0x80]  }
0x4a: {  	v15 =	vld [tilespmem:s18+$0xFFFFFC20]  }
0x4b: {  	v16 =	vld [tilespmem:s9+$0x100]  }
0x4c: {  	v17 =	vld [tilespmem:s18+$0xFFFFFC40]  }
0x4d: {  	v0 =	vadd.f32 v1, v0;
	v1 =	vld [tilespmem:s9+$0xFFFFFF00]  }
0x4e: {  	v18 =	vld [tilespmem:s18+$0xFFFFFC60];
	v5 =	vadd.f32 v6, v5  }
0x4f: {  	v57 =	vld [tilespmem:s18+$0xFFFFFC00];
	v0 =	vadd.f32 v0, v3  }
0x50: {  	v6 =	vld [tilespmem:s3+$0x100];
	v5 =	vadd.f32 v5, v15  }
0x51: {  	s0 =	simm.s32 $0x5600;
	v3 =	vld [tilespmem:s9+$0xFFFFFF80];
	v0 =	vmax.f32 v0, $0.0e+00  }
0x52: {  	v2 =	vadd.f32 v4, v2;
	v5 =	vmax.f32 v5, $0.0e+00;
	[tilespmem:s0+$0x60] =	vst v0;
	v1 =	vadd.f32 v7, v1;
	v7 =	vld [tilespmem:s18+$0x0]  }
0x53: {  	[tilespmem:s0+$0xFFFFFC20] =	vst v5;
	v5 =	vld [tilespmem:s18+$0x40]  }
0x54: {  	v2 =	vadd.f32 v2, v57;
	v0 =	vld [tilespmem:s9+$0x190]  }
0x55: {  	v10 =	vld [tilespmem:s3+$0x190]  }
0x56: {  	v2 =	vmax.f32 v2, $0.0e+00;
	v12 =	vld [tilespmem:s18+$0x70]  }
0x57: {  	[tilespmem:s0+$0xFFFFFC00] =	vst v2;
	v4 =	vld [tilespmem:s9+$0xFFFFFE90];
	v3 =	vadd.f32 v8, v3;
	v1 =	vadd.f32 v1, v17  }
0x58: {  	v60 =	vld [tilespmem:s9+$0xFFFFFE10]  }
0x59: {  	v8 =	vld [tilespmem:s18+$0x20];
	v3 =	vadd.f32 v3, v18;
	v1 =	vmax.f32 v1, $0.0e+00  }
0x5a: {  	v9 =	vadd.f32 v11, v9;
	[tilespmem:s0+$0xFFFFFC40] =	vst v1;
	v1 =	vld [tilespmem:s3+$0xFFFFFE90]  }
0x5b: {  	v3 =	vmax.f32 v3, $0.0e+00;
	v11 =	vld [tilespmem:s9+$0xFFFFFF10]  }
0x5c: {  	v7 =	vadd.f32 v9, v7;
	v58 =	vld [tilespmem:s3+$0xFFFFFF10];
	[tilespmem:s0+$0xFFFFFC60] =	vst v3;
	v3 =	vadd.f32 v14, v13  }
0x5d: {  	v59 =	vld [tilespmem:s9+$0xFFFFFF90]  }
0x5e: {  	v6 =	vadd.f32 v6, v16;
	v7 =	vmax.f32 v7, $0.0e+00;
	v2 =	vld [tilespmem:s3+$0xFFFFFF90];
	v3 =	vadd.f32 v3, v8  }
0x5f: {  	[tilespmem:s0+$0x0] =	vst v7;
	v7 =	vld [tilespmem:s3+$0xFFFFFE10]  }
0x60: {  	v5 =	vadd.f32 v6, v5;
	v6 =	vld [tilespmem:s9+$0x10];
	v3 =	vmax.f32 v3, $0.0e+00  }
0x61: {  	v61 =	vld [tilespmem:s3+$0x10];
	[tilespmem:s0+$0x20] =	vst v3  }
0x62: {  	v3 =	vmax.f32 v5, $0.0e+00;
	v62 =	vld [tilespmem:s9+$0x90]  }
0x63: {  	[tilespmem:s0+$0x40] =	vst v3;
	v63 =	vld [tilespmem:s3+$0x90]  }
0x64: {  	v19 =	vld [tilespmem:s9+$0x110]  }
0x65: {  	v0 =	vadd.f32 v10, v0;
	v20 =	vld [tilespmem:s3+$0x110]  }
0x66: {  	v9 =	vld [tilespmem:s18+$0xFFFFFC10]  }
0x67: {  	v10 =	vld [tilespmem:s18+$0xFFFFFC30];
	v0 =	vadd.f32 v0, v12;
	v3 =	vadd.f32 v1, v4  }
0x68: {  	v8 =	vld [tilespmem:s18+$0xFFFFFC50];
	v4 =	vadd.f32 v58, v11;
	v2 =	vadd.f32 v2, v59  }
0x69: {  	s11 =	simm.s32 $0x800;
	v0 =	vmax.f32 v0, $0.0e+00;
	v11 =	vadd.f32 v7, v60;
	v7 =	vld [tilespmem:s18+$0xFFFFFC70];
	v5 =	vadd.f32 v61, v6  }
0x6a: {  	s10 =	simm.s32 $0x4600;
	s13 =	simm.s32 $0x5600;
	[tilespmem:s0+$0x70] =	vst v0;
	s9 =	simm.s32 $0x0;
	v6 =	vld [tilespmem:s18+$0x10];
	v1 =	vadd.f32 v63, v62;
	v0 =	vadd.f32 v20, v19  }
.LBB2_4:
0x6b: {  	v12 =	vld [tilespmem:s11+$0x180];
	v9 =	vadd.f32 v11, v9;
	s3 =	sadd.s32 $0x400, s3  }
0x6c: {  	v11 =	vld [tilespmem:s3+$0x180];
	v3 =	vadd.f32 v3, v10  }
0x6d: {  	s9 =	sadd.s32 $0x8, s9;
	s18 =	sadd.s32 $0x80, s18;
	v10 =	vld [tilespmem:s11+$0xFFFFFE00];
	v9 =	vmax.f32 v9, $0.0e+00;
	v4 =	vadd.f32 v4, v8  }
0x6e: {  	p0 =	slt.u32 s9, $0x38;
	v8 =	vld [tilespmem:s18+$0x60];
	[tilespmem:s0+$0xFFFFFC10] =	vst v9;
	v3 =	vmax.f32 v3, $0.0e+00;
	v2 =	vadd.f32 v2, v7  }
0x6f: {  	v7 =	vld [tilespmem:s3+$0xFFFFFE00];
	[tilespmem:s0+$0xFFFFFC30] =	vst v3;
	v3 =	vmax.f32 v4, $0.0e+00;
	v4 =	vadd.f32 v5, v6  }
0x70: {  	v5 =	vld [tilespmem:s11+$0xFFFFFE80];
	[tilespmem:s0+$0xFFFFFC50] =	vst v3;
	v2 =	vmax.f32 v2, $0.0e+00  }
0x71: {  	v3 =	vld [tilespmem:s3+$0xFFFFFE80];
	v6 =	vadd.f32 v11, v12;
	[tilespmem:s0+$0xFFFFFC70] =	vst v2;
	v2 =	vmax.f32 v4, $0.0e+00  }
0x72: {  	v4 =	vld [tilespmem:s11+$0xFFFFFF00];
	[tilespmem:s0+$0x10] =	vst v2  }
0x73: {  	v2 =	vld [tilespmem:s3+$0xFFFFFF00];
	v6 =	vadd.f32 v6, v8  }
0x74: {  	v7 =	vadd.f32 v7, v10;
	v8 =	vld [tilespmem:s11+$0xFFFFFF80]  }
0x75: {  	s0 =	sadd.s32 $0x80, s0;
	v9 =	vld [tilespmem:s3+$0xFFFFFF80];
	v6 =	vmax.f32 v6, $0.0e+00  }
0x76: {  	v3 =	vadd.f32 v3, v5;
	v5 =	vld [tilespmem:s11+$0x0];
	[tilespmem:s0+$0x60] =	vst v6  }
0x77: {  	v6 =	vld [tilespmem:s11+$0x190]  }
0x78: {  	v2 =	vadd.f32 v2, v4;
	v4 =	vld [tilespmem:s3+$0x190]  }
0x79: {  	v10 =	vld [tilespmem:s3+$0x0]  }
0x7a: {  	v8 =	vadd.f32 v9, v8;
	v9 =	vld [tilespmem:s18+$0x70]  }
0x7b: {  	v11 =	vld [tilespmem:s11+$0x80]  }
0x7c: {  	v12 =	vld [tilespmem:s3+$0x80]  }
0x7d: {  	v13 =	vld [tilespmem:s11+$0x100];
	v4 =	vadd.f32 v4, v6  }
0x7e: {  	v5 =	vadd.f32 v10, v5;
	v6 =	vld [tilespmem:s3+$0x100]  }
0x7f: {  	v10 =	vld [tilespmem:s18+$0xFFFFFC20];
	v4 =	vadd.f32 v4, v9  }
0x80: {  	v9 =	vld [tilespmem:s18+$0xFFFFFC40]  }
0x81: {  	v14 =	vld [tilespmem:s18+$0xFFFFFC60];
	v11 =	vadd.f32 v12, v11;
	v4 =	vmax.f32 v4, $0.0e+00  }
0x82: {  	v12 =	vld [tilespmem:s18+$0x0];
	[tilespmem:s0+$0x70] =	vst v4  }
0x83: {  	v4 =	vld [tilespmem:s18+$0x20];
	v6 =	vadd.f32 v6, v13  }
0x84: {  	v3 =	vadd.f32 v3, v10;
	v10 =	vld [tilespmem:s18+$0x40]  }
0x85: {  	v13 =	vld [tilespmem:s18+$0xFFFFFC00];
	v2 =	vadd.f32 v2, v9  }
0x86: {  	v3 =	vmax.f32 v3, $0.0e+00;
	v8 =	vadd.f32 v8, v14;
	v9 =	vld [tilespmem:s10+$0x30]  }
0x87: {  	[tilespmem:s0+$0xFFFFFC20] =	vst v3;
	v2 =	vmax.f32 v2, $0.0e+00;
	v3 =	vadd.f32 v5, v12;
	v5 =	vld [tilespmem:s10+$0x50];
	s10 =	smov.u32 s18  }
0x88: {  	v12 =	vld [tilespmem:s11+$0xFFFFFE90];
	[tilespmem:s0+$0xFFFFFC40] =	vst v2;
	v2 =	vmax.f32 v8, $0.0e+00;
	v4 =	vadd.f32 v11, v4  }
0x89: {  	v8 =	vld [tilespmem:s3+$0xFFFFFE90];
	[tilespmem:s0+$0xFFFFFC60] =	vst v2;
	v2 =	vmax.f32 v3, $0.0e+00;
	v3 =	vadd.f32 v6, v10  }
0x8a: {  	v6 =	vadd.f32 v7, v13;
	v7 =	vld [tilespmem:s11+$0xFFFFFF10];
	[tilespmem:s0+$0x0] =	vst v2;
	v2 =	vmax.f32 v4, $0.0e+00  }
0x8b: {  	v4 =	vld [tilespmem:s3+$0xFFFFFF10];
	[tilespmem:s0+$0x20] =	vst v2;
	v2 =	vmax.f32 v3, $0.0e+00;
	v1 =	vadd.f32 v1, v9  }
0x8c: {  	v3 =	vmax.f32 v6, $0.0e+00;
	v6 =	vld [tilespmem:s11+$0xFFFFFF90];
	[tilespmem:s0+$0x40] =	vst v2;
	v0 =	vadd.f32 v0, v5  }
0x8d: {  	[tilespmem:s0+$0xFFFFFC00] =	vst v3;
	v2 =	vld [tilespmem:s3+$0xFFFFFF90];
	v1 =	vmax.f32 v1, $0.0e+00  }
0x8e: {  	v5 =	vld [tilespmem:s11+$0xFFFFFE10];
	v3 =	vadd.f32 v8, v12;
	[tilespmem:s13+$0x30] =	vst v1;
	v0 =	vmax.f32 v0, $0.0e+00  }
0x8f: {  	v1 =	vld [tilespmem:s3+$0xFFFFFE10];
	[tilespmem:s13+$0x50] =	vst v0;
	s13 =	smov.u32 s0  }
0x90: {  	v4 =	vadd.f32 v4, v7;
	v0 =	vld [tilespmem:s11+$0x10]  }
0x91: {  	v7 =	vld [tilespmem:s3+$0x10]  }
0x92: {  	v2 =	vadd.f32 v2, v6;
	v6 =	vld [tilespmem:s11+$0x90]  }
0x93: {  	v12 =	vld [tilespmem:s3+$0x90]  }
0x94: {  	v11 =	vadd.f32 v1, v5;
	v13 =	vld [tilespmem:s11+$0x110]  }
0x95: {  	v14 =	vld [tilespmem:s3+$0x110]  }
.Ltmp5:
0x96: {  	v9 =	vld [tilespmem:s18+$0xFFFFFC10];
	v5 =	vadd.f32 v7, v0;
	(pc) =	sbr.rel @p0 .LBB2_4-.Ltmp5, $4  }
0x97: {  	v10 =	vld [tilespmem:s18+$0xFFFFFC30]  }
0x98: {  	v8 =	vld [tilespmem:s18+$0xFFFFFC50];
	v1 =	vadd.f32 v12, v6  }
0x99: {  	v7 =	vld [tilespmem:s18+$0xFFFFFC70]  }
0x9a: {  	s11 =	sadd.s32 $0x400, s11;
	v6 =	vld [tilespmem:s18+$0x10];
	v0 =	vadd.f32 v14, v13  }
0x9b: {  	v9 =	vadd.f32 v11, v9;
	v59 =	vld [tilespmem:s10+$0x30]  }
0x9c: {  	v60 =	vld [tilespmem:s10+$0x50];
	v3 =	vadd.f32 v3, v10  }
0x9d: {  	v9 =	vmax.f32 v9, $0.0e+00;
	v4 =	vadd.f32 v4, v8  }
0x9e: {  	[tilespmem:s0+$0xFFFFFC10] =	vst v9;
	v3 =	vmax.f32 v3, $0.0e+00;
	v2 =	vadd.f32 v2, v7  }
0x9f: {  	[tilespmem:s0+$0xFFFFFC30] =	vst v3;
	v61 =	vmax.f32 v4, $0.0e+00;
	v62 =	vadd.f32 v5, v6  }
0xa0: {  	[tilespmem:s0+$0xFFFFFC50] =	vst v61;
	v2 =	vmax.f32 v2, $0.0e+00;
	v1 =	vadd.f32 v1, v59  }
0xa1: {  	v0 =	vadd.f32 v0, v60;
	[tilespmem:s0+$0xFFFFFC70] =	vst v2;
	v63 =	vmax.f32 v62, $0.0e+00  }
0xa2: {  	[tilespmem:s0+$0x10] =	vst v63;
	v1 =	vmax.f32 v1, $0.0e+00  }
0xa3: {  	s18 =	sshll.u32 s31, $0x8;
	v0 =	vmax.f32 v0, $0.0e+00;
	[tilespmem:s13+$0x30] =	vst v1  }
0xa4: {  	s0 =	sadd.s32 s8, s18;
	[tilespmem:s13+$0x50] =	vst v0  }
0xa5: {  	[hbm4b:s0+s4] =	stream.linear.scatter [tilespmem:s22], [sflag:$0x5], $0x800, $0x38;
	[tilespmem:$0x6200] =	vst v63  }
0xa6: {  	s0 =	sor.u32 $0x20, s31  }
0xa7: {  	p0 =	sgt.u32 s0, $0x1387  }
.Ltmp6:
0xa8: {  	_ = 	snop;
	(pc) =	sbr.rel @p0 .LBB2_9-.Ltmp6, $1  }
0xa9: {  	_ =	sdelay $0x3  }
0xaa: {  	p0 =	seq.s32 s30, $0x0  }
0xab: {  	s3 =	simm.s32 @!p0 $0x5  }
0xac: {  	_ =	swait.ge @!p0 [sflag:s3], $0x800  }
0xad: {  	s9 =	sshll.u32 s0, $0x3;
	[sflag:s3] =	ssyncset.done @!p0 $0x0  }
0xae: {  	s18 =	sadd.s32 s1, s9;
	[sflag:s3] =	ssyncadd.s32 @!p0 $0xFFFFF800  }
0xaf: {  	[tilespmem:s23], [sflag:$0x4] =	stream.linear.gather [hbm4b:s18+s4], $0x40, $0x38;
	[tilespmem:$0x6200] =	vst v63  }
0xb0: {  	s10 =	sadd.s32 s2, s9  }
0xb1: {  	[tilespmem:s24], [sflag:$0x4] =	stream.linear.gather [hbm4b:s10+s4], $0x40, $0x38;
	[tilespmem:$0x6200] =	vst v63  }
0xb2: {  	_ =	swait.ge [sflag:s14], $0x40  }
0xb3: {  	[sflag:s14] =	ssyncset.done $0x0  }
0xb4: {  	[sflag:s14] =	ssyncadd.s32 $0xFFFFFFC0  }
0xb5: {  	_ =	swait.ge [sflag:s14], $0x40  }
0xb6: {  	[sflag:s14] =	ssyncset.done $0x0  }
0xb7: {  	[sflag:s14] =	ssyncadd.s32 $0xFFFFFFC0  }
0xb8: {  	[tilespmem:s16], [sflag:$0x1] =	stream.indirect.gather [hbm4b:s5+s15], $0x80, s23, s15, $0xb8;
	[tilespmem:$0x6200] =	vst v63  }
0xb9: {  	s0 =	sshll.u32 s0, $0x8  }
0xba: {  	[tilespmem:s17], [sflag:$0x2] =	stream.indirect.gather [hbm4b:s5+s15], $0x80, s24, s15, $0xb8;
	[tilespmem:$0x6200] =	vst v63  }
0xbb: {  	s11 =	sadd.s32 s6, s0  }
0xbc: {  	[tilespmem:s25], [sflag:$0x3] =	stream.linear.gather [hbm4b:s11+s4], $0x800, $0x38;
	[tilespmem:$0x6200] =	vst v63  }
0xbd: {  	_ =	swait.ge [sflag:s19], $0x2000  }
0xbe: {  	[sflag:s19] =	ssyncset.done $0x0  }
0xbf: {  	[sflag:s19] =	ssyncadd.s32 $0xFFFFE000  }
0xc0: {  	_ =	swait.ge [sflag:s20], $0x2000  }
0xc1: {  	[sflag:s20] =	ssyncset.done $0x0  }
0xc2: {  	[sflag:s20] =	ssyncadd.s32 $0xFFFFE000  }
0xc3: {  	_ =	swait.ge [sflag:s21], $0x800  }
0xc4: {  	[sflag:s21] =	ssyncset.done $0x0  }
0xc5: {  	s12 =	simm.s32 $0x400;
	[sflag:s21] =	ssyncadd.s32 $0xFFFFF800  }
0xc6: {  	s18 =	simm.s32 $0x2420;
	v0 =	vld [tilespmem:s12+$0x180]  }
0xc7: {  	v1 =	vld [tilespmem:s18+$0x180]  }
0xc8: {  	s13 =	simm.s32 $0x4E00;
	v2 =	vld [tilespmem:s12+$0xFFFFFE00]  }
0xc9: {  	v3 =	vld [tilespmem:s13+$0x60]  }
0xca: {  	v4 =	vld [tilespmem:s18+$0xFFFFFE00]  }
0xcb: {  	v5 =	vld [tilespmem:s12+$0xFFFFFE80]  }
0xcc: {  	v6 =	vld [tilespmem:s18+$0xFFFFFE80]  }
0xcd: {  	v7 =	vld [tilespmem:s18+$0xFFFFFF00]  }
0xce: {  	v8 =	vld [tilespmem:s18+$0xFFFFFF80]  }
0xcf: {  	v9 =	vld [tilespmem:s12+$0x0]  }
0xd0: {  	v11 =	vld [tilespmem:s18+$0x0]  }
0xd1: {  	v13 =	vld [tilespmem:s12+$0x80]  }
0xd2: {  	v14 =	vld [tilespmem:s18+$0x80]  }
0xd3: {  	v15 =	vld [tilespmem:s13+$0xFFFFFC20]  }
0xd4: {  	v16 =	vld [tilespmem:s12+$0x100]  }
0xd5: {  	v17 =	vld [tilespmem:s13+$0xFFFFFC40]  }
0xd6: {  	v0 =	vadd.f32 v1, v0;
	v1 =	vld [tilespmem:s12+$0xFFFFFF00]  }
0xd7: {  	v18 =	vld [tilespmem:s13+$0xFFFFFC60];
	v5 =	vadd.f32 v6, v5  }
0xd8: {  	v57 =	vld [tilespmem:s13+$0xFFFFFC00];
	v0 =	vadd.f32 v0, v3  }
0xd9: {  	v6 =	vld [tilespmem:s18+$0x100];
	v5 =	vadd.f32 v5, v15  }
0xda: {  	s3 =	simm.s32 $0x5E00;
	v3 =	vld [tilespmem:s12+$0xFFFFFF80];
	v0 =	vmax.f32 v0, $0.0e+00  }
0xdb: {  	v2 =	vadd.f32 v4, v2;
	v5 =	vmax.f32 v5, $0.0e+00;
	[tilespmem:s3+$0x60] =	vst v0;
	v1 =	vadd.f32 v7, v1;
	v7 =	vld [tilespmem:s13+$0x0]  }
0xdc: {  	[tilespmem:s3+$0xFFFFFC20] =	vst v5;
	v5 =	vld [tilespmem:s13+$0x40]  }
0xdd: {  	v2 =	vadd.f32 v2, v57;
	v0 =	vld [tilespmem:s12+$0x190]  }
0xde: {  	v10 =	vld [tilespmem:s18+$0x190]  }
0xdf: {  	v2 =	vmax.f32 v2, $0.0e+00;
	v12 =	vld [tilespmem:s13+$0x70]  }
0xe0: {  	[tilespmem:s3+$0xFFFFFC00] =	vst v2;
	v4 =	vld [tilespmem:s12+$0xFFFFFE90];
	v3 =	vadd.f32 v8, v3;
	v1 =	vadd.f32 v1, v17  }
0xe1: {  	v60 =	vld [tilespmem:s12+$0xFFFFFE10]  }
0xe2: {  	v8 =	vld [tilespmem:s13+$0x20];
	v3 =	vadd.f32 v3, v18;
	v1 =	vmax.f32 v1, $0.0e+00  }
0xe3: {  	v9 =	vadd.f32 v11, v9;
	[tilespmem:s3+$0xFFFFFC40] =	vst v1;
	v1 =	vld [tilespmem:s18+$0xFFFFFE90]  }
0xe4: {  	v3 =	vmax.f32 v3, $0.0e+00;
	v11 =	vld [tilespmem:s12+$0xFFFFFF10]  }
0xe5: {  	v7 =	vadd.f32 v9, v7;
	v58 =	vld [tilespmem:s18+$0xFFFFFF10];
	[tilespmem:s3+$0xFFFFFC60] =	vst v3;
	v3 =	vadd.f32 v14, v13  }
0xe6: {  	v59 =	vld [tilespmem:s12+$0xFFFFFF90]  }
0xe7: {  	v6 =	vadd.f32 v6, v16;
	v7 =	vmax.f32 v7, $0.0e+00;
	v2 =	vld [tilespmem:s18+$0xFFFFFF90];
	v3 =	vadd.f32 v3, v8  }
0xe8: {  	[tilespmem:s3+$0x0] =	vst v7;
	v7 =	vld [tilespmem:s18+$0xFFFFFE10]  }
0xe9: {  	v5 =	vadd.f32 v6, v5;
	v6 =	vld [tilespmem:s12+$0x10];
	v3 =	vmax.f32 v3, $0.0e+00  }
0xea: {  	v61 =	vld [tilespmem:s18+$0x10];
	[tilespmem:s3+$0x20] =	vst v3  }
0xeb: {  	v3 =	vmax.f32 v5, $0.0e+00;
	v62 =	vld [tilespmem:s12+$0x90]  }
0xec: {  	[tilespmem:s3+$0x40] =	vst v3;
	v63 =	vld [tilespmem:s18+$0x90]  }
0xed: {  	v19 =	vld [tilespmem:s12+$0x110]  }
0xee: {  	v0 =	vadd.f32 v10, v0;
	v20 =	vld [tilespmem:s18+$0x110]  }
0xef: {  	v9 =	vld [tilespmem:s13+$0xFFFFFC10]  }
0xf0: {  	v10 =	vld [tilespmem:s13+$0xFFFFFC30];
	v0 =	vadd.f32 v0, v12;
	v3 =	vadd.f32 v1, v4  }
0xf1: {  	v8 =	vld [tilespmem:s13+$0xFFFFFC50];
	v4 =	vadd.f32 v58, v11;
	v2 =	vadd.f32 v2, v59  }
0xf2: {  	s9 =	simm.s32 $0x5E00;
	v0 =	vmax.f32 v0, $0.0e+00;
	v11 =	vadd.f32 v7, v60;
	v7 =	vld [tilespmem:s13+$0xFFFFFC70];
	v5 =	vadd.f32 v61, v6  }
0xf3: {  	s10 =	simm.s32 $0x0;
	s11 =	simm.s32 $0x4E00;
	[tilespmem:s3+$0x70] =	vst v0;
	v6 =	vld [tilespmem:s13+$0x10];
	s12 =	simm.s32 $0x800;
	v1 =	vadd.f32 v63, v62;
	v0 =	vadd.f32 v20, v19  }
.LBB2_7:
0xf4: {  	v12 =	vld [tilespmem:s12+$0x180];
	v9 =	vadd.f32 v11, v9;
	s18 =	sadd.s32 $0x400, s18  }
0xf5: {  	v11 =	vld [tilespmem:s18+$0x180];
	v3 =	vadd.f32 v3, v10  }
0xf6: {  	s10 =	sadd.s32 $0x8, s10;
	s13 =	sadd.s32 $0x80, s13;
	v10 =	vld [tilespmem:s12+$0xFFFFFE00];
	v9 =	vmax.f32 v9, $0.0e+00;
	v4 =	vadd.f32 v4, v8  }
0xf7: {  	p0 =	slt.u32 s10, $0x38;
	v8 =	vld [tilespmem:s13+$0x60];
	[tilespmem:s3+$0xFFFFFC10] =	vst v9;
	v3 =	vmax.f32 v3, $0.0e+00;
	v2 =	vadd.f32 v2, v7  }
0xf8: {  	v7 =	vld [tilespmem:s18+$0xFFFFFE00];
	[tilespmem:s3+$0xFFFFFC30] =	vst v3;
	v3 =	vmax.f32 v4, $0.0e+00;
	v4 =	vadd.f32 v5, v6  }
0xf9: {  	v5 =	vld [tilespmem:s12+$0xFFFFFE80];
	[tilespmem:s3+$0xFFFFFC50] =	vst v3;
	v2 =	vmax.f32 v2, $0.0e+00  }
0xfa: {  	v3 =	vld [tilespmem:s18+$0xFFFFFE80];
	v6 =	vadd.f32 v11, v12;
	[tilespmem:s3+$0xFFFFFC70] =	vst v2;
	v2 =	vmax.f32 v4, $0.0e+00  }
0xfb: {  	v4 =	vld [tilespmem:s12+$0xFFFFFF00];
	[tilespmem:s3+$0x10] =	vst v2  }
0xfc: {  	v2 =	vld [tilespmem:s18+$0xFFFFFF00];
	v6 =	vadd.f32 v6, v8  }
0xfd: {  	v7 =	vadd.f32 v7, v10;
	v8 =	vld [tilespmem:s12+$0xFFFFFF80]  }
0xfe: {  	s3 =	sadd.s32 $0x80, s3;
	v9 =	vld [tilespmem:s18+$0xFFFFFF80];
	v6 =	vmax.f32 v6, $0.0e+00  }
0xff: {  	v3 =	vadd.f32 v3, v5;
	v5 =	vld [tilespmem:s12+$0x0];
	[tilespmem:s3+$0x60] =	vst v6  }
0x100: {  	v6 =	vld [tilespmem:s12+$0x190]  }
0x101: {  	v2 =	vadd.f32 v2, v4;
	v4 =	vld [tilespmem:s18+$0x190]  }
0x102: {  	v10 =	vld [tilespmem:s18+$0x0]  }
0x103: {  	v8 =	vadd.f32 v9, v8;
	v9 =	vld [tilespmem:s13+$0x70]  }
0x104: {  	v11 =	vld [tilespmem:s12+$0x80]  }
0x105: {  	v12 =	vld [tilespmem:s18+$0x80]  }
0x106: {  	v13 =	vld [tilespmem:s12+$0x100];
	v4 =	vadd.f32 v4, v6  }
0x107: {  	v5 =	vadd.f32 v10, v5;
	v6 =	vld [tilespmem:s18+$0x100]  }
0x108: {  	v10 =	vld [tilespmem:s13+$0xFFFFFC20];
	v4 =	vadd.f32 v4, v9  }
0x109: {  	v9 =	vld [tilespmem:s13+$0xFFFFFC40]  }
0x10a: {  	v14 =	vld [tilespmem:s13+$0xFFFFFC60];
	v11 =	vadd.f32 v12, v11;
	v4 =	vmax.f32 v4, $0.0e+00  }
0x10b: {  	v12 =	vld [tilespmem:s13+$0x0];
	[tilespmem:s3+$0x70] =	vst v4  }
0x10c: {  	v4 =	vld [tilespmem:s13+$0x20];
	v6 =	vadd.f32 v6, v13  }
0x10d: {  	v3 =	vadd.f32 v3, v10;
	v10 =	vld [tilespmem:s13+$0x40]  }
0x10e: {  	v13 =	vld [tilespmem:s13+$0xFFFFFC00];
	v2 =	vadd.f32 v2, v9  }
0x10f: {  	v3 =	vmax.f32 v3, $0.0e+00;
	v8 =	vadd.f32 v8, v14;
	v9 =	vld [tilespmem:s11+$0x30]  }
0x110: {  	[tilespmem:s3+$0xFFFFFC20] =	vst v3;
	v2 =	vmax.f32 v2, $0.0e+00;
	v3 =	vadd.f32 v5, v12;
	v5 =	vld [tilespmem:s11+$0x50];
	s11 =	smov.u32 s13  }
0x111: {  	v12 =	vld [tilespmem:s12+$0xFFFFFE90];
	[tilespmem:s3+$0xFFFFFC40] =	vst v2;
	v2 =	vmax.f32 v8, $0.0e+00;
	v4 =	vadd.f32 v11, v4  }
0x112: {  	v8 =	vld [tilespmem:s18+$0xFFFFFE90];
	[tilespmem:s3+$0xFFFFFC60] =	vst v2;
	v2 =	vmax.f32 v3, $0.0e+00;
	v3 =	vadd.f32 v6, v10  }
0x113: {  	v6 =	vadd.f32 v7, v13;
	v7 =	vld [tilespmem:s12+$0xFFFFFF10];
	[tilespmem:s3+$0x0] =	vst v2;
	v2 =	vmax.f32 v4, $0.0e+00  }
0x114: {  	v4 =	vld [tilespmem:s18+$0xFFFFFF10];
	[tilespmem:s3+$0x20] =	vst v2;
	v2 =	vmax.f32 v3, $0.0e+00;
	v1 =	vadd.f32 v1, v9  }
0x115: {  	v3 =	vmax.f32 v6, $0.0e+00;
	v6 =	vld [tilespmem:s12+$0xFFFFFF90];
	[tilespmem:s3+$0x40] =	vst v2;
	v0 =	vadd.f32 v0, v5  }
0x116: {  	[tilespmem:s3+$0xFFFFFC00] =	vst v3;
	v2 =	vld [tilespmem:s18+$0xFFFFFF90];
	v1 =	vmax.f32 v1, $0.0e+00  }
0x117: {  	v5 =	vld [tilespmem:s12+$0xFFFFFE10];
	v3 =	vadd.f32 v8, v12;
	[tilespmem:s9+$0x30] =	vst v1;
	v0 =	vmax.f32 v0, $0.0e+00  }
0x118: {  	v1 =	vld [tilespmem:s18+$0xFFFFFE10];
	[tilespmem:s9+$0x50] =	vst v0;
	s9 =	smov.u32 s3  }
0x119: {  	v4 =	vadd.f32 v4, v7;
	v0 =	vld [tilespmem:s12+$0x10]  }
0x11a: {  	v7 =	vld [tilespmem:s18+$0x10]  }
0x11b: {  	v2 =	vadd.f32 v2, v6;
	v6 =	vld [tilespmem:s12+$0x90]  }
0x11c: {  	v12 =	vld [tilespmem:s18+$0x90]  }
0x11d: {  	v11 =	vadd.f32 v1, v5;
	v13 =	vld [tilespmem:s12+$0x110]  }
0x11e: {  	v14 =	vld [tilespmem:s18+$0x110]  }
.Ltmp7:
0x11f: {  	v9 =	vld [tilespmem:s13+$0xFFFFFC10];
	v5 =	vadd.f32 v7, v0;
	(pc) =	sbr.rel @p0 .LBB2_7-.Ltmp7, $4  }
0x120: {  	v10 =	vld [tilespmem:s13+$0xFFFFFC30]  }
0x121: {  	v8 =	vld [tilespmem:s13+$0xFFFFFC50];
	v1 =	vadd.f32 v12, v6  }
0x122: {  	v7 =	vld [tilespmem:s13+$0xFFFFFC70]  }
0x123: {  	s12 =	sadd.s32 $0x400, s12;
	v6 =	vld [tilespmem:s13+$0x10];
	v0 =	vadd.f32 v14, v13  }
0x124: {  	v9 =	vadd.f32 v11, v9;
	v59 =	vld [tilespmem:s11+$0x30]  }
0x125: {  	v60 =	vld [tilespmem:s11+$0x50];
	v3 =	vadd.f32 v3, v10  }
0x126: {  	v9 =	vmax.f32 v9, $0.0e+00;
	v4 =	vadd.f32 v4, v8  }
0x127: {  	[tilespmem:s3+$0xFFFFFC10] =	vst v9;
	v3 =	vmax.f32 v3, $0.0e+00;
	v2 =	vadd.f32 v2, v7  }
0x128: {  	[tilespmem:s3+$0xFFFFFC30] =	vst v3;
	v61 =	vmax.f32 v4, $0.0e+00;
	v62 =	vadd.f32 v5, v6  }
0x129: {  	[tilespmem:s3+$0xFFFFFC50] =	vst v61;
	v2 =	vmax.f32 v2, $0.0e+00;
	v1 =	vadd.f32 v1, v59  }
0x12a: {  	v0 =	vadd.f32 v0, v60;
	[tilespmem:s3+$0xFFFFFC70] =	vst v2;
	v63 =	vmax.f32 v62, $0.0e+00  }
0x12b: {  	[tilespmem:s3+$0x10] =	vst v63;
	v1 =	vmax.f32 v1, $0.0e+00  }
0x12c: {  	v0 =	vmax.f32 v0, $0.0e+00;
	[tilespmem:s9+$0x30] =	vst v1  }
0x12d: {  	s0 =	sadd.s32 s8, s0;
	p0 =	sgt.u32 s31, $0x1347;
	[tilespmem:s9+$0x50] =	vst v0  }
0x12e: {  	[hbm4b:s0+s4] =	stream.linear.scatter [tilespmem:s26], [sflag:$0x5], $0x800, $0x38;
	[tilespmem:$0x6200] =	vst v63  }
0x12f: {  	s0 =	simm.s32 @!p0 $0x5  }
0x130: {  	s3 =	sadd.s32 @!p0 $0x40, s31;
	_ =	swait.ge @!p0 [sflag:s0], $0x800  }
0x131: {  	s9 =	sshll.u32 @!p0 s3, $0x3;
	[sflag:s0] =	ssyncset.done @!p0 $0x0  }
0x132: {  	s10 =	simm.s32 @!p0 $0x0;
	[sflag:s0] =	ssyncadd.s32 @!p0 $0xFFFFF800;
	s0 =	sadd.s32 @!p0 s1, s9  }
0x133: {  	[tilespmem:s10], [sflag:$0x4] =	stream.linear.gather @!p0 [hbm4b:s0+s10], $0x40, $0x38;
	[tilespmem:$0x6200] =	vst v63  }
0x134: {  	s0 =	sadd.s32 @!p0 s2, s9;
	s9 =	simm.s32 @!p0 $0x100  }
0x135: {  	[tilespmem:s9], [sflag:$0x4] =	stream.linear.gather @!p0 [hbm4b:s0+s10], $0x40, $0x38;
	[tilespmem:$0x6200] =	vst v63  }
0x136: {  	s0 =	simm.s32 @!p0 $0x4  }
0x137: {  	_ =	swait.ge @!p0 [sflag:s0], $0x40  }
0x138: {  	[sflag:s0] =	ssyncset.done @!p0 $0x0  }
0x139: {  	[sflag:s0] =	ssyncadd.s32 @!p0 $0xFFFFFFC0  }
0x13a: {  	_ =	swait.ge @!p0 [sflag:s0], $0x40  }
0x13b: {  	[sflag:s0] =	ssyncset.done @!p0 $0x0  }
0x13c: {  	s11 =	simm.s32 @!p0 $0x200;
	[sflag:s0] =	ssyncadd.s32 @!p0 $0xFFFFFFC0;
	s0 =	simm.s32 @!p0 $0x40  }
0x13d: {  	[tilespmem:s11], [sflag:$0x1] =	stream.indirect.gather @!p0 [hbm4b:s5+s0], $0x80, s10, s0, $0xb8;
	[tilespmem:$0x6200] =	vst v63  }
.Ltmp8:
0x13e: {  	s11 =	simm.s32 @!p0 $0x2200;
	(pc) =	sbr.rel .LBB2_9-.Ltmp8, $4  }
0x13f: {  	[tilespmem:s11], [sflag:$0x2] =	stream.indirect.gather @!p0 [hbm4b:s5+s0], $0x80, s9, s0, $0xb8;
	[tilespmem:$0x6200] =	vst v63  }
0x140: {  	s0 =	sshll.u32 @!p0 s3, $0x8  }
0x141: {  	s3 =	simm.s32 @!p0 $0x4200;
	s0 =	sadd.s32 @!p0 s6, s0  }
0x142: {  	[tilespmem:s3], [sflag:$0x3] =	stream.linear.gather @!p0 [hbm4b:s0+s10], $0x800, $0x38;
	[tilespmem:$0x6200] =	vst v63  }
.LBB2_11:
0x143: {  	_ =	sfence.sel $0x180000  }
0x144: {  	[bflag:$0x0] =	sbarrier.arrive $0xFFFF  }
0x145: {  	_ =	strace $0x9000004D  }
0x146: {  	s0 =	stileid.u32;
	[bflag:$0x2] =	sbarrier.arrive $0xFFFF  }
0x147: {  	p0 =	sne.s32 s0, $0x0;
	s0 =	rddreg [dreg:$0x3]  }
0x148: {  	s0 =	sadd.s32 @!p0 $0x100000, s0  }
0x149: {  	[sflag:s0] =	ssyncadd.tile.s32 @!p0 $0x1;
	_ =	shalt  }
.Lfunc_end2:
_tile_overlayer_lowered:
.L_overlay_start_2:
0x14a: {  	(tag) =	ssettag $0x2  }
0x14b: {  	s0 =	rddreg [dreg:$0x0];
	s2 =	stileid.u32  }
0x14c: {  	s1 =	rddreg [dreg:$0x1];
	p0 =	sne.s32 s2, $0x0  }
0x14d: {  	s3 =	rddreg [dreg:$0x2];
	[bflag:$0x3] =	sbarrier.arrive $0xFFFF;
	s2 =	simm.s32 @!p0 $0x1C06  }
0x14e: {  	[timem:s3], [sflag:s2] =	dma.local @!p0 [hbm:s0], s1  }
0x14f: {  	s0 =	simm.s32 @!p0 $0x6  }
0x150: {  	_ =	swait.ge @!p0 [sflag:s0], s1  }
0x151: {  	s1 =	ssub.s32 @!p0 $0x0, s1;
	[sflag:s0] =	ssyncset.done @!p0 $0x0  }
0x152: {  	[sflag:s0] =	ssyncadd.s32 @!p0 s1  }
0x153: {  	[bflag:$0x3] =	sbarrier.arrive $0xFFFF  }
0x154: {  	_ =	shalt  }

// kernel: sc_layer_agg.4.cloned.1.call-start
scs
__scs_entry_jumppad:
0x0: {  	(pc) =	sbr.rel $0x88, $3  }
0x1: {  	(tag) =	ssettag $0x0;
	lr =	simm.s32 $0x1  }
0x2: {  	[smem:$0x3F92] =	sst lr;
	_ =	strace $0xD0000000  }
0x3: {  	_ = 	snop  }
0x4: {  	_ = 	snop  }
0x5: {  	_ = 	snop  }
0x6: {  	_ = 	snop  }
0x7: {  	_ = 	snop  }
__scs_overlays_trampoline_lowered:
0x8: {  	[smem:$0x3FA1] =	sst s0  }
0x9: {  	[smem:$0x3FA2] =	sst s1  }
0xa: {  	[smem:$0x3FA3] =	sst s2  }
0xb: {  	[smem:$0x3FA4] =	sst s3  }
0xc: {  	[smem:$0x3FA5] =	sst s4  }
0xd: {  	[smem:$0x3FA6] =	sst s5  }
0xe: {  	[smem:$0x3FA7] =	sst s6  }
0xf: {  	[smem:$0x3FA8] =	sst s7  }
0x10: {  	[smem:$0x3FA9] =	sst s8  }
0x11: {  	[smem:$0x3FAA] =	sst s9;
	s0 =	simm.s32 @!p0 $0x0  }
0x12: {  	s1 =	sld [smem:$0x3F90];
	s0 =	simm.s32 @p0 $0x1  }
0x13: {  	[smem:$0x3FAB] =	sst s0;
	s0 =	simm.s32 @!p1 $0x0  }
0x14: {  	s2 =	sld [smem:$0x3F8F];
	s0 =	simm.s32 @p1 $0x1  }
0x15: {  	[smem:$0x3FAC] =	sst s0;
	s0 =	simm.s32 @!p2 $0x0  }
0x16: {  	s3 =	sld [smem:$0x3FDB];
	s0 =	simm.s32 @p2 $0x1  }
0x17: {  	s4 =	simm.s32 $0x1BF5;
	[smem:$0x3FAE] =	sst s0  }
0x18: {  	s0 =	sld [smem:$0x3F91];
	_ =	swait.ge [sflag:s4], $0x0  }
0x19: {  	s7 =	sld [smem:$0x3F92]  }
0x1a: {  	s8 =	sadd.s32 $0xFFFFE003, lr  }
0x1b: {  	s9 =	sadd.s32 $0xFFFFFEF7, lr;
	s5 =	simm.s32 $0xFFFFFFFF;
	p2 =	slt.u32 s8, $0xFFFFF086  }
0x1c: {  	p1 =	slt.u32 s9, $0xF7A;
	s5 =	simm.s32 @!p2 $0x0  }
0x1d: {  	s5 =	simm.s32 @p1 $0x1;
	p0 =	seq.s32 s7, s2  }
0x1e: {  	s7 =	smul.u32 @!p0 $0xF7A, s2;
	p2 =	seq.s32 @!p0 s5, $0x0  }
0x1f: {  	s9 =	smul.u32 $0xF7A, s1;
	s8 =	simm.s32 @!p0 $0x1BF5;
	p2 =	por !p2, p0  }
0x20: {  	[sflag:s8] =	ssyncset.s32 @!p0 $0xFFFFF086;
	s6 =	sadd.s32 @!p0 s3, s7;
	s7 =	simm.s32 @!p0 $0x108  }
0x21: {  	s3 =	sadd.s32 s3, s9;
	s6 =	sadd.s32 @!p0 $0x88, s6;
	s7 =	simm.s32 @p2 $0x1082  }
0x22: {  	[simem:s7], [sflag:s8] =	dma.local @!p0 [hbm:s6], $0xF7A  }
0x23: {  	s9 =	sor.u32 $0xD0000000, s2;
	s6 =	simm.s32 $0x108;
	_ =	swait.ge @!p0 [sflag:s8], $0x0  }
0x24: {  	s3 =	sadd.s32 $0x88, s3;
	s6 =	simm.s32 @!p1 $0x1082;
	[sflag:s4] =	ssyncset.s32 $0xFFFFF086  }
0x25: {  	[simem:s6], [sflag:s4] =	dma.local [hbm:s3], $0xF7A  }
0x26: {  	[smem:$0x3F92] =	sst s1;
	(tag) =	ssettag s2;
	_ =	strace s9  }
0x27: {  	s1 =	sld [smem:$0x3FA2]  }
0x28: {  	s2 =	sld [smem:$0x3FA3]  }
0x29: {  	s4 =	sld [smem:$0x3FA5]  }
0x2a: {  	p0 =	seq.s32 s5, $0x0;
	s5 =	sld [smem:$0x3FA6]  }
0x2b: {  	s6 =	sld [smem:$0x3FA7]  }
0x2c: {  	s7 =	sld [smem:$0x3FA8]  }
0x2d: {  	s3 =	simm.s32 $0x108;
	s8 =	sld [smem:$0x3FA9]  }
0x2e: {  	s3 =	simm.s32 @!p0 $0x1082;
	s9 =	sld [smem:$0x3FAA]  }
0x2f: {  	lr =	sadd.s32 s0, s3;
	s0 =	sld [smem:$0x3FA1]  }
0x30: {  	s3 =	sld [smem:$0x3FA4]  }
0x31: {  	[smem:$0x3FAD] =	sst s10  }
0x32: {  	s10 =	sld [smem:$0x3FAB];
	_ =	sdelay $0x3  }
0x33: {  	p0 =	seq.s32 s10, $0x1;
	s10 =	sld [smem:$0x3FAD];
	_ =	sdelay $0x3  }
0x34: {  	[smem:$0x3FAD] =	sst s10  }
0x35: {  	s10 =	sld [smem:$0x3FAC];
	_ =	sdelay $0x3  }
0x36: {  	p1 =	seq.s32 s10, $0x1;
	s10 =	sld [smem:$0x3FAD];
	_ =	sdelay $0x3  }
0x37: {  	[smem:$0x3FAD] =	sst s10  }
0x38: {  	s10 =	sld [smem:$0x3FAE]  }
0x39: {  	_ = 	snop;
	(pc) =	sbr.ind lr, $3  }
0x3a: {  	_ = 	snop  }
0x3b: {  	_ = 	snop  }
0x3c: {  	p2 =	seq.s32 s10, $0x1;
	s10 =	sld [smem:$0x3FAD]  }
0x3d: {  	_ =	shalt  }
0x3e: {  	_ =	shalt  }
0x3f: {  	_ =	shalt  }
0x40: {  	_ =	shalt  }
0x41: {  	_ =	shalt  }
0x42: {  	_ =	shalt  }
0x43: {  	_ =	shalt  }
0x44: {  	_ =	shalt  }
0x45: {  	_ =	shalt  }
0x46: {  	_ =	shalt  }
0x47: {  	_ =	shalt  }
0x48: {  	_ =	shalt  }
0x49: {  	_ =	shalt  }
0x4a: {  	_ =	shalt  }
0x4b: {  	_ =	shalt  }
0x4c: {  	_ =	shalt  }
0x4d: {  	_ =	shalt  }
0x4e: {  	_ =	shalt  }
0x4f: {  	_ =	shalt  }
0x50: {  	_ =	shalt  }
0x51: {  	_ =	shalt  }
0x52: {  	_ =	shalt  }
0x53: {  	_ =	shalt  }
0x54: {  	_ =	shalt  }
0x55: {  	_ =	shalt  }
0x56: {  	_ =	shalt  }
0x57: {  	_ =	shalt  }
0x58: {  	_ =	shalt  }
0x59: {  	_ =	shalt  }
0x5a: {  	_ =	shalt  }
0x5b: {  	_ =	shalt  }
0x5c: {  	_ =	shalt  }
0x5d: {  	_ =	shalt  }
0x5e: {  	_ =	shalt  }
0x5f: {  	_ =	shalt  }
0x60: {  	_ =	shalt  }
0x61: {  	_ =	shalt  }
0x62: {  	_ =	shalt  }
0x63: {  	_ =	shalt  }
0x64: {  	_ =	shalt  }
0x65: {  	_ =	shalt  }
0x66: {  	_ =	shalt  }
0x67: {  	_ =	shalt  }
0x68: {  	_ =	shalt  }
0x69: {  	_ =	shalt  }
0x6a: {  	_ =	shalt  }
0x6b: {  	_ =	shalt  }
0x6c: {  	_ =	shalt  }
0x6d: {  	_ =	shalt  }
0x6e: {  	_ =	shalt  }
0x6f: {  	_ =	shalt  }
0x70: {  	_ =	shalt  }
0x71: {  	_ =	shalt  }
0x72: {  	_ =	shalt  }
0x73: {  	_ =	shalt  }
0x74: {  	_ =	shalt  }
0x75: {  	_ =	shalt  }
0x76: {  	_ =	shalt  }
0x77: {  	_ =	shalt  }
0x78: {  	_ =	shalt  }
0x79: {  	_ =	shalt  }
0x7a: {  	_ =	shalt  }
0x7b: {  	_ =	shalt  }
0x7c: {  	_ =	shalt  }
0x7d: {  	_ =	shalt  }
0x7e: {  	_ =	shalt  }
0x7f: {  	_ =	shalt  }
0x80: {  	_ =	shalt  }
0x81: {  	_ =	shalt  }
0x82: {  	_ =	shalt  }
0x83: {  	_ =	shalt  }
0x84: {  	_ =	shalt  }
0x85: {  	_ =	shalt  }
0x86: {  	_ =	shalt  }
0x87: {  	_ =	shalt  }
.Lfunc_end0:
.L_simem_size_0:
called_computation_lowered:
.L_overlay_start_0:
0x88: {  	s2 =	sld [smem:$0x3FD9]  }
0x89: {  	s3 =	sld [smem:$0x3FFE];
	_ =	sdelay $0x1  }
0x8a: {  	s1 =	srdreg.scid  }
0x8b: {  	s0 =	sand.u32 $0x1, s1  }
0x8c: {  	s17 =	sshll.u32 s0, $0xA;
	s2 =	sadd.s32 s3, s2  }
0x8d: {  	s2 =	sadd.s32 s2, s17  }
0x8e: {  	[smem:$0x3FB9] =	sst s2  }
0x8f: {  	_ = 	snop  }
0x90: {  	s2 =	sld [smem:$0x3FC7]  }
0x91: {  	s18 =	sld [smem:$0x3FC6];
	(tm) =	ssettm $0x1  }
0x92: {  	s4 =	sld [smem:$0x3FFB];
	_ =	sdelay $0x3  }
0x93: {  	_ =	strace s4  }
0x94: {  	s4 =	sld [smem:$0x3FFC];
	_ =	sdelay $0x3  }
0x95: {  	_ =	strace s4  }
0x96: {  	s4 =	sld [smem:$0x3FFD];
	_ =	sdelay $0x3  }
0x97: {  	_ =	strace s4  }
0x98: {  	_ =	strace $0x8FFFFFFF  }
0x99: {  	s19 =	sld [smem:$0x3FDB];
	_ =	sdelay $0x1  }
0x9a: {  	s5 =	simm.s32 $_scs_section_size  }
0x9b: {  	s6 =	simm.s32 $_size__tile_overlayer_lowered;
	s7 =	simm.s32 $_tile_overlayer_lowered  }
0x9c: {  	s22 =	simm.s32 $0x1BFF;
	s21 =	sshll.u32 s7, $0x1;
	s4 =	sadd.s32 s5, s19  }
0x9d: {  	s8 =	simm.s32 $0x0;
	s20 =	sshll.u32 s6, $0x1;
	s6 =	sadd.s32 s21, s4  }
0x9e: {  	[timem:s8], [sflag:s22] =	dma.local [hbm:s6], s20  }
0x9f: {  	_ =	swait.ge [sflag:s22], s20  }
0xa0: {  	s5 =	ssub.s32 $0x0, s20;
	[sflag:s22] =	ssyncset.done $0x0  }
0xa1: {  	[sflag:s22] =	ssyncadd.s32 s5;
	_ =	sdelay $0x1  }
0xa2: {  	s23 =	simm.s32 $0x1B8B  }
0xa3: {  	_ =	swait.ge [sflag:s23], $0x1  }
0xa4: {  	[sflag:s23] =	ssyncset.done $0x0  }
0xa5: {  	s25 =	simm.s32 $0x1B8E;
	s24 =	sld [smem:$0x3FFE];
	[sflag:s23] =	ssyncadd.s32 $0xFFFFFFFF  }
0xa6: {  	s26 =	simm.s32 $execute0_lowered;
	[smem:$0x3FD2] =	sst s25  }
0xa7: {  	s6 =	sshll.u32 s26, $0x1;
	_ =	strace $0x80000046;
	[dreg:$0x1] =	wrdreg $0xFFFFFFFF  }
0xa8: {  	s28 =	simm.s32 $_size_execute0_lowered;
	s4 =	sadd.s32 s4, s6;
	[dreg:$0x0] =	wrdreg $0x0  }
0xa9: {  	s6 =	sshll.u32 s28, $0x1;
	[dreg:$0x2] =	wrdreg s4  }
0xaa: {  	[dreg:$0x3] =	wrdreg s6  }
0xab: {  	[dreg:$0x4] =	wrdreg $0xC0  }
0xac: {  	_ =	task [dreg:s8], $0x5FFFF  }
0xad: {  	[dreg:$0x1] =	wrdreg $0xFFFFFFFF  }
0xae: {  	[dreg:$0x0] =	wrdreg $0x60  }
0xaf: {  	[dreg:$0x2] =	wrdreg s24  }
0xb0: {  	[dreg:$0x3] =	wrdreg s18  }
0xb1: {  	[dreg:$0x4] =	wrdreg s2  }
0xb2: {  	[dreg:$0x5] =	wrdreg $0x82000  }
0xb3: {  	[dreg:$0x6] =	wrdreg $0x9  }
0xb4: {  	_ =	task.clear_ibuf [dreg:s8], $0x7FFFF;
	_ =	strace $0x90000046  }
0xb5: {  	s29 =	simm.s32 $0x9;
	_ =	strace $0x80000048  }
0xb6: {  	_ =	swait.ge [sflag:s29], $0x1  }
0xb7: {  	[sflag:s29] =	ssyncadd.s32 $0xFFFFFFFF  }
0xb8: {  	_ =	strace $0x90000048  }
0xb9: {  	_ =	sfence  }
0xba: {  	s30 =	sld [smem:$0x0];
	_ =	sdelay $0x2  }
0xbb: {  	s31 =	sshll.u32 s1, $0xD;
	s1 =	sshrl.u32 s1, $0x2  }
0xbc: {  	s3 =	sand.u32 $0x4000, s31;
	s1 =	sadd.s32 s1, s30  }
0xbd: {  	s0 =	sor.u32 s3, s0;
	s1 =	sshll.u32 s1, $0x11  }
0xbe: {  	s0 =	sor.u32 s1, s0  }
0xbf: {  	s0 =	sadd.s32 $0x8F2B, s0  }
0xc0: {  	[sflag:s0] =	ssyncadd.remote.s32 $0x1  }
0xc1: {  	_ =	sfence.sel $0xFFFF  }
0xc2: {  	[dreg:$0x0] =	wrdreg $0xFFFFFFFF;
	(pc) =	sbr.abs _section_cstart, $3  }
0xc3: {  	[dreg:$0x1] =	wrdreg $0xFFFFFFFF  }
0xc4: {  	_ =	task.clear_ibuf [dreg:s8], $0x2FFFF;
	_ =	strace $0x9FFFFFFF  }
0xc5: {  	(tm) =	ssettm $0x7FFFFFFF  }
tec
execute0_lowered:
.L_overlay_start_1:
0x0: {  	(tag) =	ssettag $0x1  }
0x1: {  	s0 =	rddreg [dreg:$0x0]  }
0x2: {  	s2 =	rddreg [dreg:$0x1]  }
0x3: {  	s12 =	rddreg [dreg:$0x2]  }
0x4: {  	s3 =	rddreg [dreg:$0x3];
	s1 =	srdreg.scid;
	s5 =	simm.s32 $0x0  }
0x5: {  	s11 =	stileid.u32;
	s28 =	simm.s32 $0x100;
	s29 =	simm.s32 $0x4  }
0x6: {  	s30 =	simm.s32 $0x40;
	s1 =	sand.u32 $0x1, s1;
	s9 =	smul.u32 $0x14000, s11  }
0x7: {  	[smem:$0x7FF] =	sst s5;
	s6 =	sadd.s32 $0xA1000, s0;
	s10 =	smul.u32 $0x50000, s11  }
0x8: {  	s7 =	sadd.s32 $0xC8200, s0;
	s8 =	sadd.s32 $0x200A00, s0;
	s4 =	smul.u32 $0x140000, s1  }
0x9: {  	s11 =	sshll.u32 s11, $0x1;
	_ =	strace $0x80000047;
	s26 =	ssub.s32 $0x2, s1  }
0xa: {  	s31 =	sshrl.u32 s26, $0x1;
	s13 =	sshrl.u32 s10, $0x2;
	s4 =	sadd.s32 s9, s4  }
0xb: {  	s9 =	sor.u32 s1, s11;
	s16 =	sadd.s32 s13, s3;
	s11 =	simm.s32 $0x2  }
0xc: {  	s13 =	simm.s32 $0x5200;
	s19 =	sadd.s32 $0x2000, s16;
	[dreg:$0x5] =	wrdreg s16  }
0xd: {  	s4 =	sshrl.u32 s4, $0x3;
	s20 =	sadd.s32 $0x4000, s16;
	[dreg:$0xb] =	wrdreg s19  }
0xe: {  	s14 =	sshll.u32 s9, $0x3;
	s21 =	sadd.s32 $0x6000, s16;
	[dreg:$0xc] =	wrdreg s20  }
0xf: {  	s15 =	sshll.u32 s9, $0x8;
	s22 =	sadd.s32 $0x8000, s16;
	[dreg:$0xd] =	wrdreg s21  }
0x10: {  	s23 =	sadd.s32 $0xA000, s16;
	s24 =	sadd.s32 $0xC000, s16;
	[dreg:$0xe] =	wrdreg s22  }
0x11: {  	s25 =	sadd.s32 $0xE000, s16;
	s0 =	sadd.s32 s4, s0;
	[dreg:$0xf] =	wrdreg s23  }
0x12: {  	s4 =	ssub.s32 s26, s31;
	s2 =	sadd.s32 s2, s14;
	[dreg:$0x10] =	wrdreg s24  }
0x13: {  	s1 =	sadd.s32 s12, s14;
	s17 =	sadd.s32 s7, s15;
	[dreg:$0x11] =	wrdreg s25  }
0x14: {  	s26 =	sadd.s32 $0x10000, s16;
	s31 =	sadd.s32 $0x12000, s16;
	[dreg:$0x6] =	wrdreg s2  }
0x15: {  	s25 =	simm.s32 $0x6200;
	s14 =	simm.s32 $0x80;
	[dreg:$0x7] =	wrdreg s1  }
.Ltmp0:
0x16: {  	s15 =	simm.s32 $0x180;
	[dreg:$0x8] =	wrdreg s17;
	(pc) =	sbr.rel .LBB2_1-.Ltmp0, $4  }
0x17: {  	s2 =	smov.u32 s12;
	s0 =	sadd.s32 $0x4A00, s0;
	[dreg:$0x12] =	wrdreg s26  }
0x18: {  	s18 =	smax.u32 s4, $0x1;
	[dreg:$0x13] =	wrdreg s31;
	s26 =	simm.s32 $0x7  }
0x19: {  	s4 =	simm.s32 $0x1;
	s12 =	simm.s32 $0x3;
	[dreg:$0x9] =	wrdreg s0  }
0x1a: {  	v0 =	vimm.f32 $0.0e+00;
	s17 =	simm.s32 $0x6;
	s1 =	simm.s32 $0x0;
	[dreg:$0xa] =	wrdreg s18  }
.LBB2_12:
0x1b: {  	s0 =	simm.s32 $0x5  }
0x1c: {  	_ =	swait.ge [sflag:s0], $0x800  }
0x1d: {  	[sflag:s0] =	ssyncset.done $0x0  }
0x1e: {  	[sflag:s0] =	ssyncadd.s32 $0xFFFFF800  }
0x1f: {  	_ =	swait.ge [sflag:s0], $0x800  }
0x20: {  	[sflag:s0] =	ssyncset.done $0x0  }
0x21: {  	[sflag:s0] =	ssyncadd.s32 $0xFFFFF800  }
0x22: {  	_ =	swait.ge [sflag:s17], $0x2000  }
0x23: {  	[sflag:s17] =	ssyncset.done $0x0  }
0x24: {  	[sflag:s17] =	ssyncadd.s32 $0xFFFFE000  }
0x25: {  	s23 =	stileid.u32;
	[bflag:$0x0] =	sbarrier.arrive $0xFFFF  }
0x26: {  	s0 =	sshll.u32 s23, $0x6;
	s16 =	rddreg [dreg:$0x5]  }
0x27: {  	s0 =	sor.u32 $0x1C07, s0;
	s10 =	rddreg [dreg:$0x9];
	s1 =	sshrl.u32 s16, $0x3  }
0x28: {  	[hbm:s10], [sflag:s0] =	dma.local [spmem:s1], $0x2800  }
0x29: {  	_ =	swait.ge [sflag:s26], $0x2800  }
0x2a: {  	s24 =	rddreg [dreg:$0x14]  }
0x2b: {  	s31 =	rddreg [dreg:$0xa];
	s1 =	sadd.s32 $0x1, s24  }
0x2c: {  	p0 =	sne.s32 s1, s31  }
.Ltmp1:
0x2d: {  	_ = 	snop;
	(pc) =	sbr.rel @!p0 .LBB2_13-.Ltmp1, $3  }
0x2e: {  	_ =	sdelay $0x1  }
0x2f: {  	[sflag:s26] =	ssyncset.done $0x0  }
0x30: {  	[sflag:s26] =	ssyncadd.s32 $0xFFFFD800  }
.LBB2_1:
0x31: {  	[dreg:$0x14] =	wrdreg s1;
	s0 =	simm.s32 $0x0;
	s1 =	simm.s32 $0x200  }
.LBB2_2:
0x32: {  	p0 =	sne.s32 s1, $0x7E00;
	[tilespmem:s0+$0x6270] =	vst v0  }
0x33: {  	[tilespmem:s0+$0x6200] =	vst v0  }
0x34: {  	[tilespmem:s0+$0x6210] =	vst v0  }
.Ltmp2:
0x35: {  	[tilespmem:s0+$0x6220] =	vst v0;
	(pc) =	sbr.rel @p0 .LBB2_2-.Ltmp2, $4  }
0x36: {  	[tilespmem:s0+$0x6230] =	vst v0  }
0x37: {  	[tilespmem:s0+$0x6240] =	vst v0  }
0x38: {  	[tilespmem:s0+$0x6250] =	vst v0  }
0x39: {  	[tilespmem:s0+$0x6260] =	vst v0;
	s0 =	sshra.s32 s1, $0x2;
	s1 =	sadd.s32 $0x200, s1  }
0x3a: {  	[tilespmem:s0+$0x6270] =	vst v0  }
0x3b: {  	[tilespmem:s0+$0x6200] =	vst v0  }
0x3c: {  	[tilespmem:s0+$0x6210] =	vst v0  }
0x3d: {  	[tilespmem:s0+$0x6220] =	vst v0  }
0x3e: {  	[tilespmem:s0+$0x6230] =	vst v0  }
0x3f: {  	[tilespmem:s0+$0x6240] =	vst v0  }
0x40: {  	[tilespmem:s0+$0x6250] =	vst v0  }
0x41: {  	[tilespmem:s0+$0x6260] =	vst v0  }
0x42: {  	[spmem:s16] =	stream.linear.scatter [tilespmem:s25], [sflag:$0x7], $0x2000, $0x38;
	[tilespmem:$0x1C200] =	vst v63  }
0x43: {  	_ =	swait.ge [sflag:s26], $0x2000  }
0x44: {  	[sflag:s26] =	ssyncset.done $0x0  }
0x45: {  	s22 =	rddreg [dreg:$0xb];
	[sflag:s26] =	ssyncadd.s32 $0xFFFFE000  }
0x46: {  	[spmem:s22] =	stream.linear.scatter [tilespmem:s25], [sflag:$0x7], $0x2000, $0x38;
	[tilespmem:$0x1C200] =	vst v63  }
0x47: {  	_ =	swait.ge [sflag:s26], $0x2000  }
0x48: {  	[sflag:s26] =	ssyncset.done $0x0  }
0x49: {  	s23 =	rddreg [dreg:$0xc];
	[sflag:s26] =	ssyncadd.s32 $0xFFFFE000  }
0x4a: {  	[spmem:s23] =	stream.linear.scatter [tilespmem:s25], [sflag:$0x7], $0x2000, $0x38;
	[tilespmem:$0x1C200] =	vst v63  }
0x4b: {  	_ =	swait.ge [sflag:s26], $0x2000  }
0x4c: {  	[sflag:s26] =	ssyncset.done $0x0  }
0x4d: {  	s24 =	rddreg [dreg:$0xd];
	[sflag:s26] =	ssyncadd.s32 $0xFFFFE000  }
0x4e: {  	[spmem:s24] =	stream.linear.scatter [tilespmem:s25], [sflag:$0x7], $0x2000, $0x38;
	[tilespmem:$0x1C200] =	vst v63  }
0x4f: {  	_ =	swait.ge [sflag:s26], $0x2000  }
0x50: {  	[sflag:s26] =	ssyncset.done $0x0  }
0x51: {  	s31 =	rddreg [dreg:$0xe];
	[sflag:s26] =	ssyncadd.s32 $0xFFFFE000  }
0x52: {  	[spmem:s31] =	stream.linear.scatter [tilespmem:s25], [sflag:$0x7], $0x2000, $0x38;
	[tilespmem:$0x1C200] =	vst v63  }
0x53: {  	_ =	swait.ge [sflag:s26], $0x2000  }
0x54: {  	[sflag:s26] =	ssyncset.done $0x0  }
0x55: {  	s1 =	rddreg [dreg:$0xf];
	[sflag:s26] =	ssyncadd.s32 $0xFFFFE000  }
0x56: {  	[spmem:s1] =	stream.linear.scatter [tilespmem:s25], [sflag:$0x7], $0x2000, $0x38;
	[tilespmem:$0x1C200] =	vst v63  }
0x57: {  	_ =	swait.ge [sflag:s26], $0x2000  }
0x58: {  	[sflag:s26] =	ssyncset.done $0x0  }
0x59: {  	s10 =	rddreg [dreg:$0x10];
	[sflag:s26] =	ssyncadd.s32 $0xFFFFE000  }
0x5a: {  	[spmem:s10] =	stream.linear.scatter [tilespmem:s25], [sflag:$0x7], $0x2000, $0x38;
	[tilespmem:$0x1C200] =	vst v63  }
0x5b: {  	_ =	swait.ge [sflag:s26], $0x2000  }
0x5c: {  	[sflag:s26] =	ssyncset.done $0x0  }
0x5d: {  	s16 =	rddreg [dreg:$0x11];
	[sflag:s26] =	ssyncadd.s32 $0xFFFFE000  }
0x5e: {  	[spmem:s16] =	stream.linear.scatter [tilespmem:s25], [sflag:$0x7], $0x2000, $0x38;
	[tilespmem:$0x1C200] =	vst v63  }
0x5f: {  	_ =	swait.ge [sflag:s26], $0x2000  }
0x60: {  	[sflag:s26] =	ssyncset.done $0x0  }
0x61: {  	s18 =	rddreg [dreg:$0x12];
	[sflag:s26] =	ssyncadd.s32 $0xFFFFE000  }
0x62: {  	[spmem:s18] =	stream.linear.scatter [tilespmem:s25], [sflag:$0x7], $0x2000, $0x38;
	[tilespmem:$0x1C200] =	vst v63  }
0x63: {  	_ =	swait.ge [sflag:s26], $0x2000  }
0x64: {  	[sflag:s26] =	ssyncset.done $0x0  }
0x65: {  	s19 =	rddreg [dreg:$0x13];
	[sflag:s26] =	ssyncadd.s32 $0xFFFFE000  }
0x66: {  	[spmem:s19] =	stream.linear.scatter [tilespmem:s25], [sflag:$0x7], $0x2000, $0x38;
	[tilespmem:$0x1C200] =	vst v63  }
0x67: {  	_ =	swait.ge [sflag:s26], $0x2000  }
0x68: {  	[sflag:s26] =	ssyncset.done $0x0  }
0x69: {  	[sflag:s26] =	ssyncadd.s32 $0xFFFFE000  }
0x6a: {  	[bflag:$0x0] =	sbarrier.arrive $0xFFFF  }
0x6b: {  	s21 =	simm.s32 $0x0;
	s20 =	rddreg [dreg:$0x6]  }
0x6c: {  	[tilespmem:s21], [sflag:$0x4] =	stream.linear.gather [hbm4b:s20+s21], $0x40, $0x38;
	[tilespmem:$0x1C200] =	vst v63  }
0x6d: {  	s22 =	rddreg [dreg:$0x7]  }
0x6e: {  	[tilespmem:s28], [sflag:$0x4] =	stream.linear.gather [hbm4b:s22+s21], $0x40, $0x38;
	[tilespmem:$0x1C200] =	vst v63  }
0x6f: {  	_ =	swait.ge [sflag:s29], $0x40  }
0x70: {  	[sflag:s29] =	ssyncset.done $0x0  }
0x71: {  	[sflag:s29] =	ssyncadd.s32 $0xFFFFFFC0  }
0x72: {  	_ =	swait.ge [sflag:s29], $0x40  }
0x73: {  	[sflag:s29] =	ssyncset.done $0x0  }
0x74: {  	s23 =	simm.s32 $0x200;
	[sflag:s29] =	ssyncadd.s32 $0xFFFFFFC0  }
0x75: {  	[tilespmem:s23], [sflag:$0x1] =	stream.indirect.gather [hbm4b:s6+s30], $0x80, s21, s30, $0xb8;
	[tilespmem:$0x1C200] =	vst v63  }
.Ltmp3:
0x76: {  	_ = 	snop;
	(pc) =	sbr.rel .LBB2_4-.Ltmp3, $4  }
0x77: {  	s24 =	simm.s32 $0x2200  }
0x78: {  	[tilespmem:s24], [sflag:$0x2] =	stream.indirect.gather [hbm4b:s6+s30], $0x80, s28, s30, $0xb8;
	[tilespmem:$0x1C200] =	vst v63  }
0x79: {  	s1 =	simm.s32 $0x4200;
	s31 =	rddreg [dreg:$0x8]  }
0x7a: {  	[tilespmem:s1], [sflag:$0x3] =	stream.linear.gather [hbm4b:s31+s21], $0x800, $0x38;
	[tilespmem:$0x1C200] =	vst v63  }
.LBB2_11:
0x7b: {  	s21 =	sadd.s32 $0x1, s21  }
0x7c: {  	p0 =	sne.s32 s21, $0x4F  }
.Ltmp4:
0x7d: {  	_ = 	snop;
	(pc) =	sbr.rel @!p0 .LBB2_12-.Ltmp4, $1  }
0x7e: {  	_ =	sdelay $0x3  }
.LBB2_4:
0x7f: {  	s0 =	sshll.u32 s21, $0x6  }
0x80: {  	s22 =	sor.u32 s9, s0  }
0x81: {  	p0 =	sgt.u32 s22, $0x1387  }
.Ltmp5:
0x82: {  	_ = 	snop;
	(pc) =	sbr.rel @p0 .LBB2_11-.Ltmp5, $1  }
0x83: {  	_ =	sdelay $0x3  }
0x84: {  	_ =	swait.ge [sflag:s4], $0x2000  }
0x85: {  	[sflag:s4] =	ssyncset.done $0x0  }
0x86: {  	[sflag:s4] =	ssyncadd.s32 $0xFFFFE000  }
0x87: {  	_ =	swait.ge [sflag:s11], $0x2000  }
0x88: {  	[sflag:s11] =	ssyncset.done $0x0  }
0x89: {  	[sflag:s11] =	ssyncadd.s32 $0xFFFFE000  }
0x8a: {  	_ =	swait.ge [sflag:s12], $0x800  }
0x8b: {  	p0 =	seq.s32 s21, $0x0;
	[sflag:s12] =	ssyncset.done $0x0  }
0x8c: {  	s0 =	simm.s32 @!p0 $0x6;
	[sflag:s12] =	ssyncadd.s32 $0xFFFFF800  }
0x8d: {  	_ =	swait.ge @!p0 [sflag:s0], $0x2000  }
0x8e: {  	[sflag:s0] =	ssyncset.done @!p0 $0x0  }
0x8f: {  	s20 =	simm.s32 $0x400;
	[sflag:s0] =	ssyncadd.s32 @!p0 $0xFFFFE000  }
0x90: {  	s10 =	simm.s32 $0x2420;
	v1 =	vld [tilespmem:s20+$0x180]  }
0x91: {  	v2 =	vld [tilespmem:s10+$0x180]  }
0x92: {  	s19 =	simm.s32 $0x4600;
	v3 =	vld [tilespmem:s20+$0xFFFFFE00]  }
0x93: {  	v4 =	vld [tilespmem:s19+$0x60]  }
0x94: {  	v5 =	vld [tilespmem:s10+$0xFFFFFE00]  }
0x95: {  	v6 =	vld [tilespmem:s20+$0xFFFFFE80]  }
0x96: {  	v7 =	vld [tilespmem:s10+$0xFFFFFE80]  }
0x97: {  	v8 =	vld [tilespmem:s10+$0xFFFFFF00]  }
0x98: {  	v9 =	vld [tilespmem:s10+$0xFFFFFF80]  }
0x99: {  	v10 =	vld [tilespmem:s20+$0x0]  }
0x9a: {  	v11 =	vld [tilespmem:s10+$0x0]  }
0x9b: {  	v13 =	vld [tilespmem:s20+$0x80]  }
0x9c: {  	v15 =	vld [tilespmem:s19+$0xFFFFFC20]  }
0x9d: {  	v16 =	vld [tilespmem:s10+$0x80]  }
0x9e: {  	v17 =	vld [tilespmem:s19+$0xFFFFFC40]  }
0x9f: {  	v18 =	vld [tilespmem:s19+$0xFFFFFC60]  }
0xa0: {  	v60 =	vld [tilespmem:s19+$0x20];
	v1 =	vadd.f32 v2, v1  }
0xa1: {  	v2 =	vld [tilespmem:s20+$0xFFFFFF00]  }
0xa2: {  	v6 =	vadd.f32 v7, v6;
	v7 =	vld [tilespmem:s20+$0x100];
	v1 =	vadd.f32 v1, v4  }
0xa3: {  	v3 =	vadd.f32 v5, v3;
	v5 =	vld [tilespmem:s19+$0x40]  }
0xa4: {  	s23 =	simm.s32 $0x5600;
	v4 =	vld [tilespmem:s20+$0xFFFFFF80];
	v1 =	vmax.f32 v1, $0.0e+00  }
0xa5: {  	s24 =	simm.s32 $0x6400;
	v6 =	vadd.f32 v6, v15;
	v15 =	vld [tilespmem:s19+$0xFFFFFC00];
	[tilespmem:s23+$0x60] =	vst v1  }
0xa6: {  	v2 =	vadd.f32 v8, v2;
	v8 =	vld [tilespmem:s10+$0x100];
	[tilespmem:s24+$0x180] =	vst v1  }
0xa7: {  	v1 =	vld [tilespmem:s20+$0x190]  }
0xa8: {  	v6 =	vmax.f32 v6, $0.0e+00;
	v12 =	vld [tilespmem:s10+$0x190];
	v2 =	vadd.f32 v2, v17  }
0xa9: {  	[tilespmem:s23+$0xFFFFFC20] =	vst v6;
	v4 =	vadd.f32 v9, v4;
	v9 =	vld [tilespmem:s19+$0x0]  }
0xaa: {  	[tilespmem:s24+$0xFFFFFE80] =	vst v6;
	v14 =	vld [tilespmem:s19+$0x70];
	v3 =	vadd.f32 v3, v15;
	v2 =	vmax.f32 v2, $0.0e+00  }
0xab: {  	v10 =	vadd.f32 v11, v10;
	v6 =	vld [tilespmem:s20+$0xFFFFFE90];
	[tilespmem:s23+$0xFFFFFC40] =	vst v2  }
0xac: {  	v13 =	vadd.f32 v16, v13;
	v11 =	vld [tilespmem:s10+$0xFFFFFE90];
	v4 =	vadd.f32 v4, v18;
	v3 =	vmax.f32 v3, $0.0e+00;
	[tilespmem:s24+$0xFFFFFF00] =	vst v2  }
0xad: {  	[tilespmem:s23+$0xFFFFFC00] =	vst v3;
	v7 =	vadd.f32 v8, v7;
	v2 =	vld [tilespmem:s20+$0xFFFFFF10]  }
0xae: {  	v8 =	vadd.f32 v13, v60;
	v4 =	vmax.f32 v4, $0.0e+00;
	[tilespmem:s24+$0xFFFFFE00] =	vst v3;
	v9 =	vadd.f32 v10, v9;
	v10 =	vld [tilespmem:s10+$0xFFFFFF10]  }
0xaf: {  	[tilespmem:s23+$0xFFFFFC60] =	vst v4;
	v15 =	vld [tilespmem:s20+$0xFFFFFE10]  }
0xb0: {  	v3 =	vadd.f32 v7, v5;
	v5 =	vmax.f32 v8, $0.0e+00;
	v61 =	vld [tilespmem:s10+$0xFFFFFE10];
	[tilespmem:s24+$0xFFFFFF80] =	vst v4  }
0xb1: {  	[tilespmem:s23+$0x20] =	vst v5;
	v4 =	vld [tilespmem:s20+$0xFFFFFF90]  }
0xb2: {  	v9 =	vmax.f32 v9, $0.0e+00;
	v13 =	vld [tilespmem:s10+$0xFFFFFF90];
	[tilespmem:s24+$0x80] =	vst v5  }
0xb3: {  	[tilespmem:s23+$0x0] =	vst v9;
	v19 =	vld [tilespmem:s20+$0x90]  }
0xb4: {  	v3 =	vmax.f32 v3, $0.0e+00;
	v20 =	vld [tilespmem:s10+$0x90];
	[tilespmem:s24+$0x0] =	vst v9  }
0xb5: {  	[tilespmem:s23+$0x40] =	vst v3;
	v62 =	vld [tilespmem:s20+$0x10]  }
0xb6: {  	v1 =	vadd.f32 v12, v1;
	[tilespmem:s24+$0x100] =	vst v3;
	v63 =	vld [tilespmem:s10+$0x10]  }
0xb7: {  	v3 =	vld [tilespmem:s20+$0x110]  }
0xb8: {  	v1 =	vadd.f32 v1, v14;
	v7 =	vld [tilespmem:s10+$0x110]  }
0xb9: {  	v8 =	vld [tilespmem:s19+$0xFFFFFC10]  }
0xba: {  	v12 =	vld [tilespmem:s19+$0xFFFFFC30];
	v5 =	vadd.f32 v11, v6;
	v1 =	vmax.f32 v1, $0.0e+00;
	v6 =	vadd.f32 v10, v2  }
0xbb: {  	s18 =	simm.s32 $0x5600;
	s16 =	simm.s32 $0x6400;
	v11 =	vld [tilespmem:s19+$0xFFFFFC50];
	[tilespmem:s23+$0x70] =	vst v1;
	v9 =	vadd.f32 v61, v15;
	v4 =	vadd.f32 v13, v4  }
0xbc: {  	s31 =	simm.s32 $0x4600;
	s0 =	simm.s32 $0x0;
	s20 =	simm.s32 $0x800;
	v10 =	vld [tilespmem:s19+$0xFFFFFC70];
	[tilespmem:s24+$0x190] =	vst v1;
	v1 =	vadd.f32 v20, v19;
	v2 =	vadd.f32 v63, v62  }
.LBB2_6:
0xbd: {  	v13 =	vld [tilespmem:s20+$0x180];
	v3 =	vadd.f32 v7, v3;
	s10 =	sadd.s32 $0x400, s10  }
0xbe: {  	v7 =	vld [tilespmem:s10+$0x180];
	v8 =	vadd.f32 v9, v8  }
0xbf: {  	s19 =	sadd.s32 $0x80, s19;
	v9 =	vld [tilespmem:s20+$0xFFFFFE00];
	v5 =	vadd.f32 v5, v12  }
0xc0: {  	v12 =	vld [tilespmem:s19+$0x60];
	v8 =	vmax.f32 v8, $0.0e+00;
	v6 =	vadd.f32 v6, v11  }
0xc1: {  	s0 =	sadd.s32 $0x8, s0;
	v11 =	vld [tilespmem:s10+$0xFFFFFE00];
	[tilespmem:s23+$0xFFFFFC10] =	vst v8;
	v5 =	vmax.f32 v5, $0.0e+00;
	v4 =	vadd.f32 v4, v10  }
0xc2: {  	p1 =	slt.u32 s0, $0x38;
	v10 =	vld [tilespmem:s20+$0xFFFFFE80];
	[tilespmem:s24+$0xFFFFFE10] =	vst v8;
	v6 =	vmax.f32 v6, $0.0e+00  }
0xc3: {  	v8 =	vld [tilespmem:s10+$0xFFFFFE80];
	v7 =	vadd.f32 v7, v13;
	[tilespmem:s23+$0xFFFFFC30] =	vst v5;
	v4 =	vmax.f32 v4, $0.0e+00  }
0xc4: {  	v13 =	vld [tilespmem:s20+$0xFFFFFF00];
	[tilespmem:s24+$0xFFFFFE90] =	vst v5  }
0xc5: {  	v5 =	vld [tilespmem:s10+$0xFFFFFF00];
	v7 =	vadd.f32 v7, v12;
	[tilespmem:s23+$0xFFFFFC50] =	vst v6  }
0xc6: {  	v9 =	vadd.f32 v11, v9;
	v11 =	vld [tilespmem:s20+$0xFFFFFF80];
	[tilespmem:s24+$0xFFFFFF10] =	vst v6  }
0xc7: {  	s23 =	sadd.s32 $0x80, s23;
	v6 =	vld [tilespmem:s10+$0xFFFFFF80];
	v7 =	vmax.f32 v7, $0.0e+00;
	[tilespmem:s18+$0xFFFFFC70] =	vst v4  }
0xc8: {  	s24 =	sadd.s32 $0x400, s24;
	v8 =	vadd.f32 v8, v10;
	v10 =	vld [tilespmem:s20+$0x0];
	[tilespmem:s23+$0x60] =	vst v7  }
0xc9: {  	v12 =	vld [tilespmem:s10+$0x0];
	[tilespmem:s24+$0x180] =	vst v7  }
0xca: {  	v5 =	vadd.f32 v5, v13;
	v7 =	vld [tilespmem:s20+$0x190];
	[tilespmem:s16+$0xFFFFFF90] =	vst v4  }
0xcb: {  	v4 =	vld [tilespmem:s10+$0x190]  }
0xcc: {  	v6 =	vadd.f32 v6, v11;
	v11 =	vld [tilespmem:s20+$0x80]  }
0xcd: {  	v13 =	vld [tilespmem:s19+$0x70]  }
0xce: {  	v10 =	vadd.f32 v12, v10;
	v12 =	vld [tilespmem:s10+$0x80]  }
0xcf: {  	v14 =	vld [tilespmem:s20+$0x100]  }
0xd0: {  	v15 =	vld [tilespmem:s10+$0x100];
	v4 =	vadd.f32 v4, v7  }
0xd1: {  	v7 =	vld [tilespmem:s19+$0xFFFFFC20]  }
0xd2: {  	v16 =	vld [tilespmem:s19+$0xFFFFFC40];
	v4 =	vadd.f32 v4, v13  }
0xd3: {  	v13 =	vld [tilespmem:s19+$0xFFFFFC60];
	v11 =	vadd.f32 v12, v11  }
0xd4: {  	v12 =	vld [tilespmem:s19+$0x0];
	v4 =	vmax.f32 v4, $0.0e+00  }
0xd5: {  	v17 =	vld [tilespmem:s19+$0x20];
	v14 =	vadd.f32 v15, v14;
	[tilespmem:s23+$0x70] =	vst v4  }
0xd6: {  	v7 =	vadd.f32 v8, v7;
	v8 =	vld [tilespmem:s19+$0x40];
	[tilespmem:s24+$0x190] =	vst v4  }
0xd7: {  	v4 =	vld [tilespmem:s19+$0xFFFFFC00];
	v5 =	vadd.f32 v5, v16  }
0xd8: {  	v7 =	vmax.f32 v7, $0.0e+00;
	v6 =	vadd.f32 v6, v13;
	v13 =	vld [tilespmem:s31+$0x10]  }
0xd9: {  	[tilespmem:s23+$0xFFFFFC20] =	vst v7;
	v5 =	vmax.f32 v5, $0.0e+00;
	v10 =	vadd.f32 v10, v12;
	v12 =	vld [tilespmem:s31+$0x30]  }
0xda: {  	[tilespmem:s24+$0xFFFFFE80] =	vst v7;
	v6 =	vmax.f32 v6, $0.0e+00;
	v7 =	vadd.f32 v11, v17;
	v11 =	vld [tilespmem:s31+$0x50];
	s31 =	smov.u32 s19  }
0xdb: {  	v15 =	vld [tilespmem:s20+$0xFFFFFE90];
	[tilespmem:s23+$0xFFFFFC40] =	vst v5;
	v10 =	vmax.f32 v10, $0.0e+00;
	v8 =	vadd.f32 v14, v8  }
0xdc: {  	v4 =	vadd.f32 v9, v4;
	v9 =	vld [tilespmem:s10+$0xFFFFFE90];
	[tilespmem:s24+$0xFFFFFF00] =	vst v5;
	v7 =	vmax.f32 v7, $0.0e+00  }
0xdd: {  	v14 =	vld [tilespmem:s20+$0xFFFFFF10];
	[tilespmem:s23+$0xFFFFFC60] =	vst v6;
	v8 =	vmax.f32 v8, $0.0e+00;
	v2 =	vadd.f32 v2, v13  }
0xde: {  	v4 =	vmax.f32 v4, $0.0e+00;
	v13 =	vld [tilespmem:s10+$0xFFFFFF10];
	[tilespmem:s24+$0xFFFFFF80] =	vst v6;
	v1 =	vadd.f32 v1, v12  }
0xdf: {  	[tilespmem:s23+$0xFFFFFC00] =	vst v4;
	v12 =	vld [tilespmem:s20+$0xFFFFFF90];
	v2 =	vmax.f32 v2, $0.0e+00;
	v3 =	vadd.f32 v3, v11  }
0xe0: {  	[tilespmem:s24+$0xFFFFFE00] =	vst v4;
	v4 =	vld [tilespmem:s10+$0xFFFFFF90];
	v1 =	vmax.f32 v1, $0.0e+00  }
0xe1: {  	v11 =	vld [tilespmem:s20+$0xFFFFFE10];
	v5 =	vadd.f32 v9, v15;
	[tilespmem:s23+$0x0] =	vst v10;
	v15 =	vmax.f32 v3, $0.0e+00  }
0xe2: {  	v3 =	vld [tilespmem:s10+$0xFFFFFE10];
	[tilespmem:s24+$0x0] =	vst v10  }
0xe3: {  	v6 =	vadd.f32 v13, v14;
	v10 =	vld [tilespmem:s20+$0x10];
	[tilespmem:s23+$0x20] =	vst v7  }
0xe4: {  	v13 =	vld [tilespmem:s10+$0x10];
	[tilespmem:s24+$0x80] =	vst v7  }
0xe5: {  	v4 =	vadd.f32 v4, v12;
	v14 =	vld [tilespmem:s20+$0x90];
	[tilespmem:s23+$0x40] =	vst v8  }
0xe6: {  	v16 =	vld [tilespmem:s10+$0x90];
	[tilespmem:s24+$0x100] =	vst v8  }
0xe7: {  	v9 =	vadd.f32 v3, v11;
	v3 =	vld [tilespmem:s20+$0x110];
	[tilespmem:s18+$0x10] =	vst v2  }
.Ltmp6:
0xe8: {  	v7 =	vld [tilespmem:s10+$0x110];
	[tilespmem:s16+$0x10] =	vst v2;
	(pc) =	sbr.rel @p1 .LBB2_6-.Ltmp6, $4  }
0xe9: {  	v8 =	vld [tilespmem:s19+$0xFFFFFC10];
	v2 =	vadd.f32 v13, v10;
	[tilespmem:s18+$0x30] =	vst v1  }
0xea: {  	v12 =	vld [tilespmem:s19+$0xFFFFFC30];
	[tilespmem:s16+$0x90] =	vst v1  }
0xeb: {  	v11 =	vld [tilespmem:s19+$0xFFFFFC50];
	v1 =	vadd.f32 v16, v14;
	[tilespmem:s18+$0x50] =	vst v15;
	s18 =	smov.u32 s23  }
0xec: {  	s20 =	sadd.s32 $0x400, s20;
	v10 =	vld [tilespmem:s19+$0xFFFFFC70];
	[tilespmem:s16+$0x110] =	vst v15;
	s16 =	smov.u32 s24  }
0xed: {  	_ = 	snop  }
0xee: {  	v8 =	vadd.f32 v9, v8;
	_ =	sdelay $0x1  }
0xef: {  	v5 =	vadd.f32 v5, v12;
	v8 =	vmax.f32 v8, $0.0e+00  }
0xf0: {  	v61 =	vld [tilespmem:s31+$0x10];
	[tilespmem:s23+$0xFFFFFC10] =	vst v8  }
0xf1: {  	v62 =	vld [tilespmem:s31+$0x30];
	v6 =	vadd.f32 v6, v11;
	v5 =	vmax.f32 v5, $0.0e+00;
	[tilespmem:s24+$0xFFFFFE10] =	vst v8  }
0xf2: {  	[tilespmem:s23+$0xFFFFFC30] =	vst v5  }
0xf3: {  	v4 =	vadd.f32 v4, v10;
	v6 =	vmax.f32 v6, $0.0e+00;
	[tilespmem:s24+$0xFFFFFE90] =	vst v5  }
0xf4: {  	v63 =	vld [tilespmem:s31+$0x50];
	[tilespmem:s23+$0xFFFFFC50] =	vst v6  }
0xf5: {  	v2 =	vadd.f32 v2, v61;
	v4 =	vmax.f32 v4, $0.0e+00;
	[tilespmem:s24+$0xFFFFFF10] =	vst v6  }
0xf6: {  	v1 =	vadd.f32 v1, v62;
	[tilespmem:s18+$0xFFFFFC70] =	vst v4  }
0xf7: {  	v3 =	vadd.f32 v7, v3;
	v2 =	vmax.f32 v2, $0.0e+00;
	[tilespmem:s16+$0xFFFFFF90] =	vst v4  }
0xf8: {  	v1 =	vmax.f32 v1, $0.0e+00;
	[tilespmem:s18+$0x10] =	vst v2  }
0xf9: {  	v3 =	vadd.f32 v3, v63;
	[tilespmem:s18+$0x30] =	vst v1  }
0xfa: {  	[tilespmem:s16+$0x10] =	vst v2  }
0xfb: {  	v2 =	vmax.f32 v3, $0.0e+00;
	[tilespmem:s16+$0x90] =	vst v1  }
0xfc: {  	s0 =	sshll.u32 s22, $0x8;
	[tilespmem:s18+$0x50] =	vst v2  }
0xfd: {  	s0 =	sadd.s32 s8, s0;
	[tilespmem:s16+$0x110] =	vst v2  }
0xfe: {  	[hbm4b:s0+s5] =	stream.linear.scatter [tilespmem:s13], [sflag:$0x5], $0x800, $0x38;
	[tilespmem:$0x1C200] =	vst v63  }
0xff: {  	s0 =	sor.u32 $0x20, s22  }
0x100: {  	p1 =	sgt.u32 s0, $0x1387  }
.Ltmp7:
0x101: {  	_ = 	snop;
	(pc) =	sbr.rel @p1 .LBB2_11-.Ltmp7, $2  }
0x102: {  	_ =	sdelay $0x2  }
0x103: {  	[spmem:s3] =	stream.indirect.scatter.add.f32 [tilespmem:s25], [sflag:$0x6], $0x80, s28, s30, $0xb8;
	[tilespmem:$0x1C200] =	vst v63  }
0x104: {  	s1 =	simm.s32 @!p0 $0x5  }
0x105: {  	_ =	swait.ge @!p0 [sflag:s1], $0x800  }
0x106: {  	[sflag:s1] =	ssyncset.done @!p0 $0x0  }
0x107: {  	[sflag:s1] =	ssyncadd.s32 @!p0 $0xFFFFF800  }
0x108: {  	s10 =	sshll.u32 s0, $0x3;
	s1 =	rddreg [dreg:$0x1]  }
0x109: {  	s1 =	sadd.s32 s1, s10  }
0x10a: {  	[tilespmem:s14], [sflag:$0x4] =	stream.linear.gather [hbm4b:s1+s5], $0x40, $0x38;
	[tilespmem:$0x1C200] =	vst v63  }
0x10b: {  	s10 =	sadd.s32 s2, s10  }
0x10c: {  	[tilespmem:s15], [sflag:$0x4] =	stream.linear.gather [hbm4b:s10+s5], $0x40, $0x38;
	[tilespmem:$0x1C200] =	vst v63  }
0x10d: {  	_ =	swait.ge [sflag:s29], $0x40  }
0x10e: {  	[sflag:s29] =	ssyncset.done $0x0  }
0x10f: {  	[sflag:s29] =	ssyncadd.s32 $0xFFFFFFC0  }
0x110: {  	_ =	swait.ge [sflag:s29], $0x40  }
0x111: {  	[sflag:s29] =	ssyncset.done $0x0  }
0x112: {  	s16 =	simm.s32 $0x200;
	[sflag:s29] =	ssyncadd.s32 $0xFFFFFFC0  }
0x113: {  	[tilespmem:s16], [sflag:$0x1] =	stream.indirect.gather [hbm4b:s6+s30], $0x80, s14, s30, $0xb8;
	[tilespmem:$0x1C200] =	vst v63  }
0x114: {  	s18 =	simm.s32 $0x2200;
	s23 =	sshll.u32 s0, $0x8  }
0x115: {  	[tilespmem:s18], [sflag:$0x2] =	stream.indirect.gather [hbm4b:s6+s30], $0x80, s15, s30, $0xb8;
	[tilespmem:$0x1C200] =	vst v63  }
0x116: {  	s19 =	simm.s32 $0x4A00;
	s0 =	sadd.s32 s7, s23  }
0x117: {  	[tilespmem:s19], [sflag:$0x3] =	stream.linear.gather [hbm4b:s0+s5], $0x800, $0x38;
	[tilespmem:$0x1C200] =	vst v63  }
0x118: {  	_ =	swait.ge [sflag:s4], $0x2000  }
0x119: {  	[sflag:s4] =	ssyncset.done $0x0  }
0x11a: {  	[sflag:s4] =	ssyncadd.s32 $0xFFFFE000  }
0x11b: {  	_ =	swait.ge [sflag:s11], $0x2000  }
0x11c: {  	[sflag:s11] =	ssyncset.done $0x0  }
0x11d: {  	[sflag:s11] =	ssyncadd.s32 $0xFFFFE000  }
0x11e: {  	_ =	swait.ge [sflag:s12], $0x800  }
0x11f: {  	[sflag:s12] =	ssyncset.done $0x0  }
0x120: {  	[sflag:s12] =	ssyncadd.s32 $0xFFFFF800  }
0x121: {  	_ =	swait.ge [sflag:s17], $0x2000  }
0x122: {  	[sflag:s17] =	ssyncset.done $0x0  }
0x123: {  	s20 =	simm.s32 $0x400;
	[sflag:s17] =	ssyncadd.s32 $0xFFFFE000  }
0x124: {  	s19 =	simm.s32 $0x2420;
	v1 =	vld [tilespmem:s20+$0x180]  }
0x125: {  	v2 =	vld [tilespmem:s19+$0x180]  }
0x126: {  	s16 =	simm.s32 $0x4E00;
	v3 =	vld [tilespmem:s20+$0xFFFFFE00]  }
0x127: {  	v4 =	vld [tilespmem:s16+$0x60]  }
0x128: {  	v5 =	vld [tilespmem:s19+$0xFFFFFE00]  }
0x129: {  	v6 =	vld [tilespmem:s20+$0xFFFFFE80]  }
0x12a: {  	v7 =	vld [tilespmem:s19+$0xFFFFFE80]  }
0x12b: {  	v8 =	vld [tilespmem:s19+$0xFFFFFF00]  }
0x12c: {  	v9 =	vld [tilespmem:s19+$0xFFFFFF80]  }
0x12d: {  	v10 =	vld [tilespmem:s20+$0x0]  }
0x12e: {  	v11 =	vld [tilespmem:s19+$0x0]  }
0x12f: {  	v13 =	vld [tilespmem:s20+$0x80]  }
0x130: {  	v15 =	vld [tilespmem:s16+$0xFFFFFC20]  }
0x131: {  	v16 =	vld [tilespmem:s19+$0x80]  }
0x132: {  	v17 =	vld [tilespmem:s16+$0xFFFFFC40]  }
0x133: {  	v18 =	vld [tilespmem:s16+$0xFFFFFC60]  }
0x134: {  	v60 =	vld [tilespmem:s16+$0x20];
	v1 =	vadd.f32 v2, v1  }
0x135: {  	v2 =	vld [tilespmem:s20+$0xFFFFFF00]  }
0x136: {  	v6 =	vadd.f32 v7, v6;
	v7 =	vld [tilespmem:s20+$0x100];
	v1 =	vadd.f32 v1, v4  }
0x137: {  	v3 =	vadd.f32 v5, v3;
	v5 =	vld [tilespmem:s16+$0x40]  }
0x138: {  	s24 =	simm.s32 $0x5E00;
	v4 =	vld [tilespmem:s20+$0xFFFFFF80];
	v1 =	vmax.f32 v1, $0.0e+00  }
0x139: {  	s10 =	simm.s32 $0x6400;
	v6 =	vadd.f32 v6, v15;
	v15 =	vld [tilespmem:s16+$0xFFFFFC00];
	[tilespmem:s24+$0x60] =	vst v1  }
0x13a: {  	v2 =	vadd.f32 v8, v2;
	v8 =	vld [tilespmem:s19+$0x100];
	[tilespmem:s10+$0x180] =	vst v1  }
0x13b: {  	v1 =	vld [tilespmem:s20+$0x190]  }
0x13c: {  	v6 =	vmax.f32 v6, $0.0e+00;
	v12 =	vld [tilespmem:s19+$0x190];
	v2 =	vadd.f32 v2, v17  }
0x13d: {  	[tilespmem:s24+$0xFFFFFC20] =	vst v6;
	v4 =	vadd.f32 v9, v4;
	v9 =	vld [tilespmem:s16+$0x0]  }
0x13e: {  	[tilespmem:s10+$0xFFFFFE80] =	vst v6;
	v14 =	vld [tilespmem:s16+$0x70];
	v3 =	vadd.f32 v3, v15;
	v2 =	vmax.f32 v2, $0.0e+00  }
0x13f: {  	v10 =	vadd.f32 v11, v10;
	v6 =	vld [tilespmem:s20+$0xFFFFFE90];
	[tilespmem:s24+$0xFFFFFC40] =	vst v2  }
0x140: {  	v13 =	vadd.f32 v16, v13;
	v11 =	vld [tilespmem:s19+$0xFFFFFE90];
	v4 =	vadd.f32 v4, v18;
	v3 =	vmax.f32 v3, $0.0e+00;
	[tilespmem:s10+$0xFFFFFF00] =	vst v2  }
0x141: {  	[tilespmem:s24+$0xFFFFFC00] =	vst v3;
	v7 =	vadd.f32 v8, v7;
	v2 =	vld [tilespmem:s20+$0xFFFFFF10]  }
0x142: {  	v8 =	vadd.f32 v13, v60;
	v4 =	vmax.f32 v4, $0.0e+00;
	[tilespmem:s10+$0xFFFFFE00] =	vst v3;
	v9 =	vadd.f32 v10, v9;
	v10 =	vld [tilespmem:s19+$0xFFFFFF10]  }
0x143: {  	[tilespmem:s24+$0xFFFFFC60] =	vst v4;
	v15 =	vld [tilespmem:s20+$0xFFFFFE10]  }
0x144: {  	v3 =	vadd.f32 v7, v5;
	v5 =	vmax.f32 v8, $0.0e+00;
	v61 =	vld [tilespmem:s19+$0xFFFFFE10];
	[tilespmem:s10+$0xFFFFFF80] =	vst v4  }
0x145: {  	[tilespmem:s24+$0x20] =	vst v5;
	v4 =	vld [tilespmem:s20+$0xFFFFFF90]  }
0x146: {  	v9 =	vmax.f32 v9, $0.0e+00;
	v13 =	vld [tilespmem:s19+$0xFFFFFF90];
	[tilespmem:s10+$0x80] =	vst v5  }
0x147: {  	[tilespmem:s24+$0x0] =	vst v9;
	v19 =	vld [tilespmem:s20+$0x90]  }
0x148: {  	v3 =	vmax.f32 v3, $0.0e+00;
	v20 =	vld [tilespmem:s19+$0x90];
	[tilespmem:s10+$0x0] =	vst v9  }
0x149: {  	[tilespmem:s24+$0x40] =	vst v3;
	v62 =	vld [tilespmem:s20+$0x10]  }
0x14a: {  	v1 =	vadd.f32 v12, v1;
	[tilespmem:s10+$0x100] =	vst v3;
	v63 =	vld [tilespmem:s19+$0x10]  }
0x14b: {  	v3 =	vld [tilespmem:s20+$0x110]  }
0x14c: {  	v1 =	vadd.f32 v1, v14;
	v7 =	vld [tilespmem:s19+$0x110]  }
0x14d: {  	v8 =	vld [tilespmem:s16+$0xFFFFFC10]  }
0x14e: {  	v12 =	vld [tilespmem:s16+$0xFFFFFC30];
	v5 =	vadd.f32 v11, v6;
	v1 =	vmax.f32 v1, $0.0e+00;
	v6 =	vadd.f32 v10, v2  }
0x14f: {  	s31 =	simm.s32 $0x6400;
	s1 =	simm.s32 $0x800;
	v11 =	vld [tilespmem:s16+$0xFFFFFC50];
	[tilespmem:s24+$0x70] =	vst v1;
	v9 =	vadd.f32 v61, v15;
	v4 =	vadd.f32 v13, v4  }
0x150: {  	s18 =	simm.s32 $0x5E00;
	s0 =	simm.s32 $0x4E00;
	s20 =	simm.s32 $0x0;
	v10 =	vld [tilespmem:s16+$0xFFFFFC70];
	[tilespmem:s10+$0x190] =	vst v1;
	v1 =	vadd.f32 v20, v19;
	v2 =	vadd.f32 v63, v62  }
.LBB2_9:
0x151: {  	v13 =	vld [tilespmem:s1+$0x180];
	v3 =	vadd.f32 v7, v3;
	s19 =	sadd.s32 $0x400, s19  }
0x152: {  	v7 =	vld [tilespmem:s19+$0x180];
	v8 =	vadd.f32 v9, v8  }
0x153: {  	s16 =	sadd.s32 $0x80, s16;
	v9 =	vld [tilespmem:s1+$0xFFFFFE00];
	v5 =	vadd.f32 v5, v12  }
0x154: {  	v12 =	vld [tilespmem:s16+$0x60];
	v8 =	vmax.f32 v8, $0.0e+00;
	v6 =	vadd.f32 v6, v11  }
0x155: {  	s20 =	sadd.s32 $0x8, s20;
	v11 =	vld [tilespmem:s19+$0xFFFFFE00];
	[tilespmem:s24+$0xFFFFFC10] =	vst v8;
	v5 =	vmax.f32 v5, $0.0e+00;
	v4 =	vadd.f32 v4, v10  }
0x156: {  	p0 =	slt.u32 s20, $0x38;
	v10 =	vld [tilespmem:s1+$0xFFFFFE80];
	[tilespmem:s10+$0xFFFFFE10] =	vst v8;
	v6 =	vmax.f32 v6, $0.0e+00  }
0x157: {  	v8 =	vld [tilespmem:s19+$0xFFFFFE80];
	v7 =	vadd.f32 v7, v13;
	[tilespmem:s24+$0xFFFFFC30] =	vst v5;
	v4 =	vmax.f32 v4, $0.0e+00  }
0x158: {  	v13 =	vld [tilespmem:s1+$0xFFFFFF00];
	[tilespmem:s10+$0xFFFFFE90] =	vst v5  }
0x159: {  	v5 =	vld [tilespmem:s19+$0xFFFFFF00];
	v7 =	vadd.f32 v7, v12;
	[tilespmem:s24+$0xFFFFFC50] =	vst v6  }
0x15a: {  	v9 =	vadd.f32 v11, v9;
	v11 =	vld [tilespmem:s1+$0xFFFFFF80];
	[tilespmem:s10+$0xFFFFFF10] =	vst v6  }
0x15b: {  	s24 =	sadd.s32 $0x80, s24;
	v6 =	vld [tilespmem:s19+$0xFFFFFF80];
	v7 =	vmax.f32 v7, $0.0e+00;
	[tilespmem:s18+$0xFFFFFC70] =	vst v4  }
0x15c: {  	s10 =	sadd.s32 $0x400, s10;
	v8 =	vadd.f32 v8, v10;
	v10 =	vld [tilespmem:s1+$0x0];
	[tilespmem:s24+$0x60] =	vst v7  }
0x15d: {  	v12 =	vld [tilespmem:s19+$0x0];
	[tilespmem:s10+$0x180] =	vst v7  }
0x15e: {  	v5 =	vadd.f32 v5, v13;
	v7 =	vld [tilespmem:s1+$0x190];
	[tilespmem:s31+$0xFFFFFF90] =	vst v4  }
0x15f: {  	v4 =	vld [tilespmem:s19+$0x190]  }
0x160: {  	v6 =	vadd.f32 v6, v11;
	v11 =	vld [tilespmem:s1+$0x80]  }
0x161: {  	v13 =	vld [tilespmem:s16+$0x70]  }
0x162: {  	v10 =	vadd.f32 v12, v10;
	v12 =	vld [tilespmem:s19+$0x80]  }
0x163: {  	v14 =	vld [tilespmem:s1+$0x100]  }
0x164: {  	v15 =	vld [tilespmem:s19+$0x100];
	v4 =	vadd.f32 v4, v7  }
0x165: {  	v7 =	vld [tilespmem:s16+$0xFFFFFC20]  }
0x166: {  	v16 =	vld [tilespmem:s16+$0xFFFFFC40];
	v4 =	vadd.f32 v4, v13  }
0x167: {  	v13 =	vld [tilespmem:s16+$0xFFFFFC60];
	v11 =	vadd.f32 v12, v11  }
0x168: {  	v12 =	vld [tilespmem:s16+$0x0];
	v4 =	vmax.f32 v4, $0.0e+00  }
0x169: {  	v17 =	vld [tilespmem:s16+$0x20];
	v14 =	vadd.f32 v15, v14;
	[tilespmem:s24+$0x70] =	vst v4  }
0x16a: {  	v7 =	vadd.f32 v8, v7;
	v8 =	vld [tilespmem:s16+$0x40];
	[tilespmem:s10+$0x190] =	vst v4  }
0x16b: {  	v4 =	vld [tilespmem:s16+$0xFFFFFC00];
	v5 =	vadd.f32 v5, v16  }
0x16c: {  	v7 =	vmax.f32 v7, $0.0e+00;
	v6 =	vadd.f32 v6, v13;
	v13 =	vld [tilespmem:s0+$0x10]  }
0x16d: {  	[tilespmem:s24+$0xFFFFFC20] =	vst v7;
	v5 =	vmax.f32 v5, $0.0e+00;
	v10 =	vadd.f32 v10, v12;
	v12 =	vld [tilespmem:s0+$0x30]  }
0x16e: {  	[tilespmem:s10+$0xFFFFFE80] =	vst v7;
	v6 =	vmax.f32 v6, $0.0e+00;
	v7 =	vadd.f32 v11, v17;
	v11 =	vld [tilespmem:s0+$0x50];
	s0 =	smov.u32 s16  }
0x16f: {  	v15 =	vld [tilespmem:s1+$0xFFFFFE90];
	[tilespmem:s24+$0xFFFFFC40] =	vst v5;
	v10 =	vmax.f32 v10, $0.0e+00;
	v8 =	vadd.f32 v14, v8  }
0x170: {  	v4 =	vadd.f32 v9, v4;
	v9 =	vld [tilespmem:s19+$0xFFFFFE90];
	[tilespmem:s10+$0xFFFFFF00] =	vst v5;
	v7 =	vmax.f32 v7, $0.0e+00  }
0x171: {  	v14 =	vld [tilespmem:s1+$0xFFFFFF10];
	[tilespmem:s24+$0xFFFFFC60] =	vst v6;
	v8 =	vmax.f32 v8, $0.0e+00;
	v2 =	vadd.f32 v2, v13  }
0x172: {  	v4 =	vmax.f32 v4, $0.0e+00;
	v13 =	vld [tilespmem:s19+$0xFFFFFF10];
	[tilespmem:s10+$0xFFFFFF80] =	vst v6;
	v1 =	vadd.f32 v1, v12  }
0x173: {  	[tilespmem:s24+$0xFFFFFC00] =	vst v4;
	v12 =	vld [tilespmem:s1+$0xFFFFFF90];
	v2 =	vmax.f32 v2, $0.0e+00;
	v3 =	vadd.f32 v3, v11  }
0x174: {  	[tilespmem:s10+$0xFFFFFE00] =	vst v4;
	v4 =	vld [tilespmem:s19+$0xFFFFFF90];
	v1 =	vmax.f32 v1, $0.0e+00  }
0x175: {  	v11 =	vld [tilespmem:s1+$0xFFFFFE10];
	v5 =	vadd.f32 v9, v15;
	[tilespmem:s24+$0x0] =	vst v10;
	v15 =	vmax.f32 v3, $0.0e+00  }
0x176: {  	v3 =	vld [tilespmem:s19+$0xFFFFFE10];
	[tilespmem:s10+$0x0] =	vst v10  }
0x177: {  	v6 =	vadd.f32 v13, v14;
	v10 =	vld [tilespmem:s1+$0x10];
	[tilespmem:s24+$0x20] =	vst v7  }
0x178: {  	v13 =	vld [tilespmem:s19+$0x10];
	[tilespmem:s10+$0x80] =	vst v7  }
0x179: {  	v4 =	vadd.f32 v4, v12;
	v14 =	vld [tilespmem:s1+$0x90];
	[tilespmem:s24+$0x40] =	vst v8  }
0x17a: {  	v16 =	vld [tilespmem:s19+$0x90];
	[tilespmem:s10+$0x100] =	vst v8  }
0x17b: {  	v9 =	vadd.f32 v3, v11;
	v3 =	vld [tilespmem:s1+$0x110];
	[tilespmem:s18+$0x10] =	vst v2  }
.Ltmp8:
0x17c: {  	v7 =	vld [tilespmem:s19+$0x110];
	[tilespmem:s31+$0x10] =	vst v2;
	(pc) =	sbr.rel @p0 .LBB2_9-.Ltmp8, $4  }
0x17d: {  	v8 =	vld [tilespmem:s16+$0xFFFFFC10];
	v2 =	vadd.f32 v13, v10;
	[tilespmem:s18+$0x30] =	vst v1  }
0x17e: {  	v12 =	vld [tilespmem:s16+$0xFFFFFC30];
	[tilespmem:s31+$0x90] =	vst v1  }
0x17f: {  	v11 =	vld [tilespmem:s16+$0xFFFFFC50];
	v1 =	vadd.f32 v16, v14;
	[tilespmem:s18+$0x50] =	vst v15;
	s18 =	smov.u32 s24  }
0x180: {  	s1 =	sadd.s32 $0x400, s1;
	v10 =	vld [tilespmem:s16+$0xFFFFFC70];
	[tilespmem:s31+$0x110] =	vst v15;
	s31 =	smov.u32 s10  }
0x181: {  	_ = 	snop  }
0x182: {  	v8 =	vadd.f32 v9, v8;
	_ =	sdelay $0x1  }
0x183: {  	v5 =	vadd.f32 v5, v12;
	v8 =	vmax.f32 v8, $0.0e+00  }
0x184: {  	v61 =	vld [tilespmem:s0+$0x10];
	[tilespmem:s24+$0xFFFFFC10] =	vst v8  }
0x185: {  	v62 =	vld [tilespmem:s0+$0x30];
	v6 =	vadd.f32 v6, v11;
	v5 =	vmax.f32 v5, $0.0e+00;
	[tilespmem:s10+$0xFFFFFE10] =	vst v8  }
0x186: {  	[tilespmem:s24+$0xFFFFFC30] =	vst v5  }
0x187: {  	v4 =	vadd.f32 v4, v10;
	v6 =	vmax.f32 v6, $0.0e+00;
	[tilespmem:s10+$0xFFFFFE90] =	vst v5  }
0x188: {  	v63 =	vld [tilespmem:s0+$0x50];
	[tilespmem:s24+$0xFFFFFC50] =	vst v6  }
0x189: {  	v2 =	vadd.f32 v2, v61;
	v4 =	vmax.f32 v4, $0.0e+00;
	[tilespmem:s10+$0xFFFFFF10] =	vst v6  }
0x18a: {  	v1 =	vadd.f32 v1, v62;
	[tilespmem:s18+$0xFFFFFC70] =	vst v4  }
0x18b: {  	v3 =	vadd.f32 v7, v3;
	v2 =	vmax.f32 v2, $0.0e+00;
	[tilespmem:s31+$0xFFFFFF90] =	vst v4  }
0x18c: {  	v1 =	vmax.f32 v1, $0.0e+00;
	[tilespmem:s18+$0x10] =	vst v2  }
0x18d: {  	v3 =	vadd.f32 v3, v63;
	[tilespmem:s18+$0x30] =	vst v1  }
0x18e: {  	[tilespmem:s31+$0x10] =	vst v2  }
0x18f: {  	v2 =	vmax.f32 v3, $0.0e+00;
	[tilespmem:s31+$0x90] =	vst v1  }
0x190: {  	[tilespmem:s18+$0x50] =	vst v2  }
0x191: {  	s1 =	simm.s32 $0x5A00;
	p0 =	sgt.u32 s22, $0x1347;
	[tilespmem:s31+$0x110] =	vst v2;
	s31 =	sadd.s32 s8, s23  }
0x192: {  	[hbm4b:s31+s5] =	stream.linear.scatter [tilespmem:s1], [sflag:$0x5], $0x800, $0x38;
	[tilespmem:$0x1C200] =	vst v63  }
0x193: {  	s0 =	simm.s32 @!p0 $0x5  }
0x194: {  	[spmem:s3] =	stream.indirect.scatter.add.f32 [tilespmem:s25], [sflag:$0x6], $0x80, s15, s30, $0xb8;
	[tilespmem:$0x1C200] =	vst v63  }
0x195: {  	_ =	swait.ge @!p0 [sflag:s0], $0x800  }
0x196: {  	[sflag:s0] =	ssyncset.done @!p0 $0x0  }
0x197: {  	s1 =	sadd.s32 @!p0 $0x40, s22;
	[sflag:s0] =	ssyncadd.s32 @!p0 $0xFFFFF800  }
0x198: {  	s10 =	sshll.u32 @!p0 s1, $0x3;
	s0 =	rddreg [dreg:$0x1]  }
0x199: {  	s16 =	simm.s32 @!p0 $0x0;
	s0 =	sadd.s32 @!p0 s0, s10  }
0x19a: {  	[tilespmem:s16], [sflag:$0x4] =	stream.linear.gather @!p0 [hbm4b:s0+s16], $0x40, $0x38;
	[tilespmem:$0x1C200] =	vst v63  }
0x19b: {  	s0 =	sadd.s32 @!p0 s2, s10;
	s10 =	simm.s32 @!p0 $0x100  }
0x19c: {  	[tilespmem:s10], [sflag:$0x4] =	stream.linear.gather @!p0 [hbm4b:s0+s16], $0x40, $0x38;
	[tilespmem:$0x1C200] =	vst v63  }
0x19d: {  	s0 =	simm.s32 @!p0 $0x4  }
0x19e: {  	_ =	swait.ge @!p0 [sflag:s0], $0x40  }
0x19f: {  	[sflag:s0] =	ssyncset.done @!p0 $0x0  }
0x1a0: {  	[sflag:s0] =	ssyncadd.s32 @!p0 $0xFFFFFFC0  }
0x1a1: {  	_ =	swait.ge @!p0 [sflag:s0], $0x40  }
0x1a2: {  	[sflag:s0] =	ssyncset.done @!p0 $0x0  }
0x1a3: {  	s18 =	simm.s32 @!p0 $0x200;
	[sflag:s0] =	ssyncadd.s32 @!p0 $0xFFFFFFC0;
	s0 =	simm.s32 @!p0 $0x40  }
0x1a4: {  	[tilespmem:s18], [sflag:$0x1] =	stream.indirect.gather @!p0 [hbm4b:s6+s0], $0x80, s16, s0, $0xb8;
	[tilespmem:$0x1C200] =	vst v63  }
.Ltmp9:
0x1a5: {  	s18 =	simm.s32 @!p0 $0x2200;
	(pc) =	sbr.rel .LBB2_11-.Ltmp9, $4  }
0x1a6: {  	[tilespmem:s18], [sflag:$0x2] =	stream.indirect.gather @!p0 [hbm4b:s6+s0], $0x80, s10, s0, $0xb8;
	[tilespmem:$0x1C200] =	vst v63  }
0x1a7: {  	s0 =	sshll.u32 @!p0 s1, $0x8  }
0x1a8: {  	s1 =	simm.s32 @!p0 $0x4200;
	s0 =	sadd.s32 @!p0 s7, s0  }
0x1a9: {  	[tilespmem:s1], [sflag:$0x3] =	stream.linear.gather @!p0 [hbm4b:s0+s16], $0x800, $0x38;
	[tilespmem:$0x1C200] =	vst v63  }
.LBB2_13:
0x1aa: {  	_ =	sfence.sel $0x180000  }
0x1ab: {  	[bflag:$0x0] =	sbarrier.arrive $0xFFFF  }
0x1ac: {  	_ =	strace $0x90000047  }
0x1ad: {  	s0 =	stileid.u32;
	[bflag:$0x2] =	sbarrier.arrive $0xFFFF  }
0x1ae: {  	p0 =	sne.s32 s0, $0x0;
	s0 =	rddreg [dreg:$0x4]  }
0x1af: {  	s0 =	sadd.s32 @!p0 $0x100000, s0  }
0x1b0: {  	[sflag:s0] =	ssyncadd.tile.s32 @!p0 $0x1;
	_ =	shalt  }
.Lfunc_end2:
_tile_overlayer_lowered:
.L_overlay_start_2:
0x1b1: {  	(tag) =	ssettag $0x2  }
0x1b2: {  	s0 =	rddreg [dreg:$0x0];
	s2 =	stileid.u32  }
0x1b3: {  	s1 =	rddreg [dreg:$0x1];
	p0 =	sne.s32 s2, $0x0  }
0x1b4: {  	s3 =	rddreg [dreg:$0x2];
	[bflag:$0x3] =	sbarrier.arrive $0xFFFF;
	s2 =	simm.s32 @!p0 $0x1C07  }
0x1b5: {  	[timem:s3], [sflag:s2] =	dma.local @!p0 [hbm:s0], s1  }
0x1b6: {  	s0 =	simm.s32 @!p0 $0x7  }
0x1b7: {  	_ =	swait.ge @!p0 [sflag:s0], s1  }
0x1b8: {  	s1 =	ssub.s32 @!p0 $0x0, s1;
	[sflag:s0] =	ssyncset.done @!p0 $0x0  }
0x1b9: {  	[sflag:s0] =	ssyncadd.s32 @!p0 s1  }
0x1ba: {  	[bflag:$0x3] =	sbarrier.arrive $0xFFFF  }
0x1bb: {  	_ =	shalt  }

// kernel: sc_layer_agg.7.cloned.1.call-start
scs
__scs_entry_jumppad:
0x0: {  	(pc) =	sbr.rel $0x88, $3  }
0x1: {  	(tag) =	ssettag $0x0;
	lr =	simm.s32 $0x1  }
0x2: {  	[smem:$0x3F92] =	sst lr;
	_ =	strace $0xD0000000  }
0x3: {  	_ = 	snop  }
0x4: {  	_ = 	snop  }
0x5: {  	_ = 	snop  }
0x6: {  	_ = 	snop  }
0x7: {  	_ = 	snop  }
__scs_overlays_trampoline_lowered:
0x8: {  	[smem:$0x3FA1] =	sst s0  }
0x9: {  	[smem:$0x3FA2] =	sst s1  }
0xa: {  	[smem:$0x3FA3] =	sst s2  }
0xb: {  	[smem:$0x3FA4] =	sst s3  }
0xc: {  	[smem:$0x3FA5] =	sst s4  }
0xd: {  	[smem:$0x3FA6] =	sst s5  }
0xe: {  	[smem:$0x3FA7] =	sst s6  }
0xf: {  	[smem:$0x3FA8] =	sst s7  }
0x10: {  	[smem:$0x3FA9] =	sst s8  }
0x11: {  	[smem:$0x3FAA] =	sst s9;
	s0 =	simm.s32 @!p0 $0x0  }
0x12: {  	s1 =	sld [smem:$0x3F90];
	s0 =	simm.s32 @p0 $0x1  }
0x13: {  	[smem:$0x3FAB] =	sst s0;
	s0 =	simm.s32 @!p1 $0x0  }
0x14: {  	s2 =	sld [smem:$0x3F8F];
	s0 =	simm.s32 @p1 $0x1  }
0x15: {  	[smem:$0x3FAC] =	sst s0;
	s0 =	simm.s32 @!p2 $0x0  }
0x16: {  	s3 =	sld [smem:$0x3FDB];
	s0 =	simm.s32 @p2 $0x1  }
0x17: {  	s4 =	simm.s32 $0x1BF5;
	[smem:$0x3FAE] =	sst s0  }
0x18: {  	s0 =	sld [smem:$0x3F91];
	_ =	swait.ge [sflag:s4], $0x0  }
0x19: {  	s7 =	sld [smem:$0x3F92]  }
0x1a: {  	s8 =	sadd.s32 $0xFFFFE003, lr  }
0x1b: {  	s9 =	sadd.s32 $0xFFFFFEF7, lr;
	s5 =	simm.s32 $0xFFFFFFFF;
	p2 =	slt.u32 s8, $0xFFFFF086  }
0x1c: {  	p1 =	slt.u32 s9, $0xF7A;
	s5 =	simm.s32 @!p2 $0x0  }
0x1d: {  	s5 =	simm.s32 @p1 $0x1;
	p0 =	seq.s32 s7, s2  }
0x1e: {  	s7 =	smul.u32 @!p0 $0xF7A, s2;
	p2 =	seq.s32 @!p0 s5, $0x0  }
0x1f: {  	s9 =	smul.u32 $0xF7A, s1;
	s8 =	simm.s32 @!p0 $0x1BF5;
	p2 =	por !p2, p0  }
0x20: {  	[sflag:s8] =	ssyncset.s32 @!p0 $0xFFFFF086;
	s6 =	sadd.s32 @!p0 s3, s7;
	s7 =	simm.s32 @!p0 $0x108  }
0x21: {  	s3 =	sadd.s32 s3, s9;
	s6 =	sadd.s32 @!p0 $0x88, s6;
	s7 =	simm.s32 @p2 $0x1082  }
0x22: {  	[simem:s7], [sflag:s8] =	dma.local @!p0 [hbm:s6], $0xF7A  }
0x23: {  	s9 =	sor.u32 $0xD0000000, s2;
	s6 =	simm.s32 $0x108;
	_ =	swait.ge @!p0 [sflag:s8], $0x0  }
0x24: {  	s3 =	sadd.s32 $0x88, s3;
	s6 =	simm.s32 @!p1 $0x1082;
	[sflag:s4] =	ssyncset.s32 $0xFFFFF086  }
0x25: {  	[simem:s6], [sflag:s4] =	dma.local [hbm:s3], $0xF7A  }
0x26: {  	[smem:$0x3F92] =	sst s1;
	(tag) =	ssettag s2;
	_ =	strace s9  }
0x27: {  	s1 =	sld [smem:$0x3FA2]  }
0x28: {  	s2 =	sld [smem:$0x3FA3]  }
0x29: {  	s4 =	sld [smem:$0x3FA5]  }
0x2a: {  	p0 =	seq.s32 s5, $0x0;
	s5 =	sld [smem:$0x3FA6]  }
0x2b: {  	s6 =	sld [smem:$0x3FA7]  }
0x2c: {  	s7 =	sld [smem:$0x3FA8]  }
0x2d: {  	s3 =	simm.s32 $0x108;
	s8 =	sld [smem:$0x3FA9]  }
0x2e: {  	s3 =	simm.s32 @!p0 $0x1082;
	s9 =	sld [smem:$0x3FAA]  }
0x2f: {  	lr =	sadd.s32 s0, s3;
	s0 =	sld [smem:$0x3FA1]  }
0x30: {  	s3 =	sld [smem:$0x3FA4]  }
0x31: {  	[smem:$0x3FAD] =	sst s10  }
0x32: {  	s10 =	sld [smem:$0x3FAB];
	_ =	sdelay $0x3  }
0x33: {  	p0 =	seq.s32 s10, $0x1;
	s10 =	sld [smem:$0x3FAD];
	_ =	sdelay $0x3  }
0x34: {  	[smem:$0x3FAD] =	sst s10  }
0x35: {  	s10 =	sld [smem:$0x3FAC];
	_ =	sdelay $0x3  }
0x36: {  	p1 =	seq.s32 s10, $0x1;
	s10 =	sld [smem:$0x3FAD];
	_ =	sdelay $0x3  }
0x37: {  	[smem:$0x3FAD] =	sst s10  }
0x38: {  	s10 =	sld [smem:$0x3FAE]  }
0x39: {  	_ = 	snop;
	(pc) =	sbr.ind lr, $3  }
0x3a: {  	_ = 	snop  }
0x3b: {  	_ = 	snop  }
0x3c: {  	p2 =	seq.s32 s10, $0x1;
	s10 =	sld [smem:$0x3FAD]  }
0x3d: {  	_ =	shalt  }
0x3e: {  	_ =	shalt  }
0x3f: {  	_ =	shalt  }
0x40: {  	_ =	shalt  }
0x41: {  	_ =	shalt  }
0x42: {  	_ =	shalt  }
0x43: {  	_ =	shalt  }
0x44: {  	_ =	shalt  }
0x45: {  	_ =	shalt  }
0x46: {  	_ =	shalt  }
0x47: {  	_ =	shalt  }
0x48: {  	_ =	shalt  }
0x49: {  	_ =	shalt  }
0x4a: {  	_ =	shalt  }
0x4b: {  	_ =	shalt  }
0x4c: {  	_ =	shalt  }
0x4d: {  	_ =	shalt  }
0x4e: {  	_ =	shalt  }
0x4f: {  	_ =	shalt  }
0x50: {  	_ =	shalt  }
0x51: {  	_ =	shalt  }
0x52: {  	_ =	shalt  }
0x53: {  	_ =	shalt  }
0x54: {  	_ =	shalt  }
0x55: {  	_ =	shalt  }
0x56: {  	_ =	shalt  }
0x57: {  	_ =	shalt  }
0x58: {  	_ =	shalt  }
0x59: {  	_ =	shalt  }
0x5a: {  	_ =	shalt  }
0x5b: {  	_ =	shalt  }
0x5c: {  	_ =	shalt  }
0x5d: {  	_ =	shalt  }
0x5e: {  	_ =	shalt  }
0x5f: {  	_ =	shalt  }
0x60: {  	_ =	shalt  }
0x61: {  	_ =	shalt  }
0x62: {  	_ =	shalt  }
0x63: {  	_ =	shalt  }
0x64: {  	_ =	shalt  }
0x65: {  	_ =	shalt  }
0x66: {  	_ =	shalt  }
0x67: {  	_ =	shalt  }
0x68: {  	_ =	shalt  }
0x69: {  	_ =	shalt  }
0x6a: {  	_ =	shalt  }
0x6b: {  	_ =	shalt  }
0x6c: {  	_ =	shalt  }
0x6d: {  	_ =	shalt  }
0x6e: {  	_ =	shalt  }
0x6f: {  	_ =	shalt  }
0x70: {  	_ =	shalt  }
0x71: {  	_ =	shalt  }
0x72: {  	_ =	shalt  }
0x73: {  	_ =	shalt  }
0x74: {  	_ =	shalt  }
0x75: {  	_ =	shalt  }
0x76: {  	_ =	shalt  }
0x77: {  	_ =	shalt  }
0x78: {  	_ =	shalt  }
0x79: {  	_ =	shalt  }
0x7a: {  	_ =	shalt  }
0x7b: {  	_ =	shalt  }
0x7c: {  	_ =	shalt  }
0x7d: {  	_ =	shalt  }
0x7e: {  	_ =	shalt  }
0x7f: {  	_ =	shalt  }
0x80: {  	_ =	shalt  }
0x81: {  	_ =	shalt  }
0x82: {  	_ =	shalt  }
0x83: {  	_ =	shalt  }
0x84: {  	_ =	shalt  }
0x85: {  	_ =	shalt  }
0x86: {  	_ =	shalt  }
0x87: {  	_ =	shalt  }
.Lfunc_end0:
.L_simem_size_0:
called_computation.1_lowered:
.L_overlay_start_0:
0x88: {  	s2 =	sld [smem:$0x3FD9]  }
0x89: {  	s3 =	sld [smem:$0x3FFE];
	_ =	sdelay $0x1  }
0x8a: {  	s1 =	srdreg.scid  }
0x8b: {  	s0 =	sand.u32 $0x1, s1  }
0x8c: {  	s17 =	sshll.u32 s0, $0xA;
	s2 =	sadd.s32 s3, s2  }
0x8d: {  	s2 =	sadd.s32 s2, s17  }
0x8e: {  	[smem:$0x3FB9] =	sst s2  }
0x8f: {  	_ = 	snop  }
0x90: {  	s2 =	sld [smem:$0x3FC7]  }
0x91: {  	s18 =	sld [smem:$0x3FC6];
	(tm) =	ssettm $0x1  }
0x92: {  	s4 =	sld [smem:$0x3FFB];
	_ =	sdelay $0x3  }
0x93: {  	_ =	strace s4  }
0x94: {  	s4 =	sld [smem:$0x3FFC];
	_ =	sdelay $0x3  }
0x95: {  	_ =	strace s4  }
0x96: {  	s4 =	sld [smem:$0x3FFD];
	_ =	sdelay $0x3  }
0x97: {  	_ =	strace s4  }
0x98: {  	_ =	strace $0x8FFFFFFF  }
0x99: {  	s19 =	sld [smem:$0x3FDB];
	_ =	sdelay $0x1  }
0x9a: {  	s5 =	simm.s32 $_scs_section_size  }
0x9b: {  	s6 =	simm.s32 $_size__tile_overlayer_lowered;
	s7 =	simm.s32 $_tile_overlayer_lowered  }
0x9c: {  	s22 =	simm.s32 $0x1BFF;
	s21 =	sshll.u32 s7, $0x1;
	s4 =	sadd.s32 s5, s19  }
0x9d: {  	s8 =	simm.s32 $0x0;
	s20 =	sshll.u32 s6, $0x1;
	s6 =	sadd.s32 s21, s4  }
0x9e: {  	[timem:s8], [sflag:s22] =	dma.local [hbm:s6], s20  }
0x9f: {  	_ =	swait.ge [sflag:s22], s20  }
0xa0: {  	s5 =	ssub.s32 $0x0, s20;
	[sflag:s22] =	ssyncset.done $0x0  }
0xa1: {  	[sflag:s22] =	ssyncadd.s32 s5;
	_ =	sdelay $0x1  }
0xa2: {  	s23 =	simm.s32 $0x1B8B  }
0xa3: {  	_ =	swait.ge [sflag:s23], $0x1  }
0xa4: {  	[sflag:s23] =	ssyncset.done $0x0  }
0xa5: {  	s25 =	simm.s32 $0x1B8E;
	s24 =	sld [smem:$0x3FFE];
	[sflag:s23] =	ssyncadd.s32 $0xFFFFFFFF  }
0xa6: {  	s26 =	simm.s32 $execute0_lowered;
	[smem:$0x3FD2] =	sst s25  }
0xa7: {  	s6 =	sshll.u32 s26, $0x1;
	_ =	strace $0x80000049;
	[dreg:$0x1] =	wrdreg $0xFFFFFFFF  }
0xa8: {  	s28 =	simm.s32 $_size_execute0_lowered;
	s4 =	sadd.s32 s4, s6;
	[dreg:$0x0] =	wrdreg $0x0  }
0xa9: {  	s6 =	sshll.u32 s28, $0x1;
	[dreg:$0x2] =	wrdreg s4  }
0xaa: {  	[dreg:$0x3] =	wrdreg s6  }
0xab: {  	[dreg:$0x4] =	wrdreg $0xC0  }
0xac: {  	_ =	task [dreg:s8], $0x5FFFF  }
0xad: {  	[dreg:$0x1] =	wrdreg $0xFFFFFFFF  }
0xae: {  	[dreg:$0x0] =	wrdreg $0x60  }
0xaf: {  	[dreg:$0x2] =	wrdreg s24  }
0xb0: {  	[dreg:$0x3] =	wrdreg s18  }
0xb1: {  	[dreg:$0x4] =	wrdreg s2  }
0xb2: {  	[dreg:$0x5] =	wrdreg $0x82000  }
0xb3: {  	[dreg:$0x6] =	wrdreg $0x9  }
0xb4: {  	_ =	task.clear_ibuf [dreg:s8], $0x7FFFF;
	_ =	strace $0x90000049  }
0xb5: {  	s29 =	simm.s32 $0x9;
	_ =	strace $0x8000004B  }
0xb6: {  	_ =	swait.ge [sflag:s29], $0x1  }
0xb7: {  	[sflag:s29] =	ssyncadd.s32 $0xFFFFFFFF  }
0xb8: {  	_ =	strace $0x9000004B  }
0xb9: {  	_ =	sfence  }
0xba: {  	s30 =	sld [smem:$0x0];
	_ =	sdelay $0x2  }
0xbb: {  	s31 =	sshll.u32 s1, $0xD;
	s1 =	sshrl.u32 s1, $0x2  }
0xbc: {  	s3 =	sand.u32 $0x4000, s31;
	s1 =	sadd.s32 s1, s30  }
0xbd: {  	s0 =	sor.u32 s3, s0;
	s1 =	sshll.u32 s1, $0x11  }
0xbe: {  	s0 =	sor.u32 s1, s0  }
0xbf: {  	s0 =	sadd.s32 $0x8F2B, s0  }
0xc0: {  	[sflag:s0] =	ssyncadd.remote.s32 $0x1  }
0xc1: {  	_ =	sfence.sel $0xFFFF  }
0xc2: {  	[dreg:$0x0] =	wrdreg $0xFFFFFFFF;
	(pc) =	sbr.abs _section_cstart, $3  }
0xc3: {  	[dreg:$0x1] =	wrdreg $0xFFFFFFFF  }
0xc4: {  	_ =	task.clear_ibuf [dreg:s8], $0x2FFFF;
	_ =	strace $0x9FFFFFFF  }
0xc5: {  	(tm) =	ssettm $0x7FFFFFFF  }
tec
execute0_lowered:
.L_overlay_start_1:
0x0: {  	(tag) =	ssettag $0x1  }
0x1: {  	s0 =	rddreg [dreg:$0x0]  }
0x2: {  	s2 =	rddreg [dreg:$0x1]  }
0x3: {  	s12 =	rddreg [dreg:$0x2]  }
0x4: {  	s3 =	rddreg [dreg:$0x3];
	s1 =	srdreg.scid;
	s5 =	simm.s32 $0x0  }
0x5: {  	s11 =	stileid.u32;
	s28 =	simm.s32 $0x100;
	s29 =	simm.s32 $0x4  }
0x6: {  	s30 =	simm.s32 $0x40;
	s1 =	sand.u32 $0x1, s1;
	s9 =	smul.u32 $0x14000, s11  }
0x7: {  	[smem:$0x7FF] =	sst s5;
	s6 =	sadd.s32 $0x54C00, s0;
	s10 =	smul.u32 $0x50000, s11  }
0x8: {  	s7 =	sadd.s32 $0xA1000, s0;
	s8 =	sadd.s32 $0x1D9800, s0;
	s4 =	smul.u32 $0x140000, s1  }
0x9: {  	s11 =	sshll.u32 s11, $0x1;
	_ =	strace $0x8000004A;
	s26 =	ssub.s32 $0x2, s1  }
0xa: {  	s31 =	sshrl.u32 s26, $0x1;
	s13 =	sshrl.u32 s10, $0x2;
	s4 =	sadd.s32 s9, s4  }
0xb: {  	s9 =	sor.u32 s1, s11;
	s16 =	sadd.s32 s13, s3;
	s11 =	simm.s32 $0x2  }
0xc: {  	s13 =	simm.s32 $0x5200;
	s19 =	sadd.s32 $0x2000, s16;
	[dreg:$0x5] =	wrdreg s16  }
0xd: {  	s4 =	sshrl.u32 s4, $0x3;
	s20 =	sadd.s32 $0x4000, s16;
	[dreg:$0xb] =	wrdreg s19  }
0xe: {  	s14 =	sshll.u32 s9, $0x3;
	s21 =	sadd.s32 $0x6000, s16;
	[dreg:$0xc] =	wrdreg s20  }
0xf: {  	s15 =	sshll.u32 s9, $0x8;
	s22 =	sadd.s32 $0x8000, s16;
	[dreg:$0xd] =	wrdreg s21  }
0x10: {  	s23 =	sadd.s32 $0xA000, s16;
	s24 =	sadd.s32 $0xC000, s16;
	[dreg:$0xe] =	wrdreg s22  }
0x11: {  	s25 =	sadd.s32 $0xE000, s16;
	s0 =	sadd.s32 s4, s0;
	[dreg:$0xf] =	wrdreg s23  }
0x12: {  	s4 =	ssub.s32 s26, s31;
	s2 =	sadd.s32 s2, s14;
	[dreg:$0x10] =	wrdreg s24  }
0x13: {  	s1 =	sadd.s32 s12, s14;
	s17 =	sadd.s32 s7, s15;
	[dreg:$0x11] =	wrdreg s25  }
0x14: {  	s26 =	sadd.s32 $0x10000, s16;
	s31 =	sadd.s32 $0x12000, s16;
	[dreg:$0x6] =	wrdreg s2  }
0x15: {  	s25 =	simm.s32 $0x6200;
	s14 =	simm.s32 $0x80;
	[dreg:$0x7] =	wrdreg s1  }
.Ltmp0:
0x16: {  	s15 =	simm.s32 $0x180;
	[dreg:$0x8] =	wrdreg s17;
	(pc) =	sbr.rel .LBB2_1-.Ltmp0, $4  }
0x17: {  	s2 =	smov.u32 s12;
	s0 =	sadd.s32 $0x4A00, s0;
	[dreg:$0x12] =	wrdreg s26  }
0x18: {  	s18 =	smax.u32 s4, $0x1;
	[dreg:$0x13] =	wrdreg s31;
	s26 =	simm.s32 $0x7  }
0x19: {  	s4 =	simm.s32 $0x1;
	s12 =	simm.s32 $0x3;
	[dreg:$0x9] =	wrdreg s0  }
0x1a: {  	v0 =	vimm.f32 $0.0e+00;
	s17 =	simm.s32 $0x6;
	s1 =	simm.s32 $0x0;
	[dreg:$0xa] =	wrdreg s18  }
.LBB2_12:
0x1b: {  	s0 =	simm.s32 $0x5  }
0x1c: {  	_ =	swait.ge [sflag:s0], $0x800  }
0x1d: {  	[sflag:s0] =	ssyncset.done $0x0  }
0x1e: {  	[sflag:s0] =	ssyncadd.s32 $0xFFFFF800  }
0x1f: {  	_ =	swait.ge [sflag:s0], $0x800  }
0x20: {  	[sflag:s0] =	ssyncset.done $0x0  }
0x21: {  	[sflag:s0] =	ssyncadd.s32 $0xFFFFF800  }
0x22: {  	_ =	swait.ge [sflag:s17], $0x2000  }
0x23: {  	[sflag:s17] =	ssyncset.done $0x0  }
0x24: {  	[sflag:s17] =	ssyncadd.s32 $0xFFFFE000  }
0x25: {  	s23 =	stileid.u32;
	[bflag:$0x0] =	sbarrier.arrive $0xFFFF  }
0x26: {  	s0 =	sshll.u32 s23, $0x6;
	s16 =	rddreg [dreg:$0x5]  }
0x27: {  	s0 =	sor.u32 $0x1C07, s0;
	s10 =	rddreg [dreg:$0x9];
	s1 =	sshrl.u32 s16, $0x3  }
0x28: {  	[hbm:s10], [sflag:s0] =	dma.local [spmem:s1], $0x2800  }
0x29: {  	_ =	swait.ge [sflag:s26], $0x2800  }
0x2a: {  	s24 =	rddreg [dreg:$0x14]  }
0x2b: {  	s31 =	rddreg [dreg:$0xa];
	s1 =	sadd.s32 $0x1, s24  }
0x2c: {  	p0 =	sne.s32 s1, s31  }
.Ltmp1:
0x2d: {  	_ = 	snop;
	(pc) =	sbr.rel @!p0 .LBB2_13-.Ltmp1, $3  }
0x2e: {  	_ =	sdelay $0x1  }
0x2f: {  	[sflag:s26] =	ssyncset.done $0x0  }
0x30: {  	[sflag:s26] =	ssyncadd.s32 $0xFFFFD800  }
.LBB2_1:
0x31: {  	[dreg:$0x14] =	wrdreg s1;
	s0 =	simm.s32 $0x0;
	s1 =	simm.s32 $0x200  }
.LBB2_2:
0x32: {  	p0 =	sne.s32 s1, $0x7E00;
	[tilespmem:s0+$0x6270] =	vst v0  }
0x33: {  	[tilespmem:s0+$0x6200] =	vst v0  }
0x34: {  	[tilespmem:s0+$0x6210] =	vst v0  }
.Ltmp2:
0x35: {  	[tilespmem:s0+$0x6220] =	vst v0;
	(pc) =	sbr.rel @p0 .LBB2_2-.Ltmp2, $4  }
0x36: {  	[tilespmem:s0+$0x6230] =	vst v0  }
0x37: {  	[tilespmem:s0+$0x6240] =	vst v0  }
0x38: {  	[tilespmem:s0+$0x6250] =	vst v0  }
0x39: {  	[tilespmem:s0+$0x6260] =	vst v0;
	s0 =	sshra.s32 s1, $0x2;
	s1 =	sadd.s32 $0x200, s1  }
0x3a: {  	[tilespmem:s0+$0x6270] =	vst v0  }
0x3b: {  	[tilespmem:s0+$0x6200] =	vst v0  }
0x3c: {  	[tilespmem:s0+$0x6210] =	vst v0  }
0x3d: {  	[tilespmem:s0+$0x6220] =	vst v0  }
0x3e: {  	[tilespmem:s0+$0x6230] =	vst v0  }
0x3f: {  	[tilespmem:s0+$0x6240] =	vst v0  }
0x40: {  	[tilespmem:s0+$0x6250] =	vst v0  }
0x41: {  	[tilespmem:s0+$0x6260] =	vst v0  }
0x42: {  	[spmem:s16] =	stream.linear.scatter [tilespmem:s25], [sflag:$0x7], $0x2000, $0x38;
	[tilespmem:$0x1C200] =	vst v63  }
0x43: {  	_ =	swait.ge [sflag:s26], $0x2000  }
0x44: {  	[sflag:s26] =	ssyncset.done $0x0  }
0x45: {  	s22 =	rddreg [dreg:$0xb];
	[sflag:s26] =	ssyncadd.s32 $0xFFFFE000  }
0x46: {  	[spmem:s22] =	stream.linear.scatter [tilespmem:s25], [sflag:$0x7], $0x2000, $0x38;
	[tilespmem:$0x1C200] =	vst v63  }
0x47: {  	_ =	swait.ge [sflag:s26], $0x2000  }
0x48: {  	[sflag:s26] =	ssyncset.done $0x0  }
0x49: {  	s23 =	rddreg [dreg:$0xc];
	[sflag:s26] =	ssyncadd.s32 $0xFFFFE000  }
0x4a: {  	[spmem:s23] =	stream.linear.scatter [tilespmem:s25], [sflag:$0x7], $0x2000, $0x38;
	[tilespmem:$0x1C200] =	vst v63  }
0x4b: {  	_ =	swait.ge [sflag:s26], $0x2000  }
0x4c: {  	[sflag:s26] =	ssyncset.done $0x0  }
0x4d: {  	s24 =	rddreg [dreg:$0xd];
	[sflag:s26] =	ssyncadd.s32 $0xFFFFE000  }
0x4e: {  	[spmem:s24] =	stream.linear.scatter [tilespmem:s25], [sflag:$0x7], $0x2000, $0x38;
	[tilespmem:$0x1C200] =	vst v63  }
0x4f: {  	_ =	swait.ge [sflag:s26], $0x2000  }
0x50: {  	[sflag:s26] =	ssyncset.done $0x0  }
0x51: {  	s31 =	rddreg [dreg:$0xe];
	[sflag:s26] =	ssyncadd.s32 $0xFFFFE000  }
0x52: {  	[spmem:s31] =	stream.linear.scatter [tilespmem:s25], [sflag:$0x7], $0x2000, $0x38;
	[tilespmem:$0x1C200] =	vst v63  }
0x53: {  	_ =	swait.ge [sflag:s26], $0x2000  }
0x54: {  	[sflag:s26] =	ssyncset.done $0x0  }
0x55: {  	s1 =	rddreg [dreg:$0xf];
	[sflag:s26] =	ssyncadd.s32 $0xFFFFE000  }
0x56: {  	[spmem:s1] =	stream.linear.scatter [tilespmem:s25], [sflag:$0x7], $0x2000, $0x38;
	[tilespmem:$0x1C200] =	vst v63  }
0x57: {  	_ =	swait.ge [sflag:s26], $0x2000  }
0x58: {  	[sflag:s26] =	ssyncset.done $0x0  }
0x59: {  	s10 =	rddreg [dreg:$0x10];
	[sflag:s26] =	ssyncadd.s32 $0xFFFFE000  }
0x5a: {  	[spmem:s10] =	stream.linear.scatter [tilespmem:s25], [sflag:$0x7], $0x2000, $0x38;
	[tilespmem:$0x1C200] =	vst v63  }
0x5b: {  	_ =	swait.ge [sflag:s26], $0x2000  }
0x5c: {  	[sflag:s26] =	ssyncset.done $0x0  }
0x5d: {  	s16 =	rddreg [dreg:$0x11];
	[sflag:s26] =	ssyncadd.s32 $0xFFFFE000  }
0x5e: {  	[spmem:s16] =	stream.linear.scatter [tilespmem:s25], [sflag:$0x7], $0x2000, $0x38;
	[tilespmem:$0x1C200] =	vst v63  }
0x5f: {  	_ =	swait.ge [sflag:s26], $0x2000  }
0x60: {  	[sflag:s26] =	ssyncset.done $0x0  }
0x61: {  	s18 =	rddreg [dreg:$0x12];
	[sflag:s26] =	ssyncadd.s32 $0xFFFFE000  }
0x62: {  	[spmem:s18] =	stream.linear.scatter [tilespmem:s25], [sflag:$0x7], $0x2000, $0x38;
	[tilespmem:$0x1C200] =	vst v63  }
0x63: {  	_ =	swait.ge [sflag:s26], $0x2000  }
0x64: {  	[sflag:s26] =	ssyncset.done $0x0  }
0x65: {  	s19 =	rddreg [dreg:$0x13];
	[sflag:s26] =	ssyncadd.s32 $0xFFFFE000  }
0x66: {  	[spmem:s19] =	stream.linear.scatter [tilespmem:s25], [sflag:$0x7], $0x2000, $0x38;
	[tilespmem:$0x1C200] =	vst v63  }
0x67: {  	_ =	swait.ge [sflag:s26], $0x2000  }
0x68: {  	[sflag:s26] =	ssyncset.done $0x0  }
0x69: {  	[sflag:s26] =	ssyncadd.s32 $0xFFFFE000  }
0x6a: {  	[bflag:$0x0] =	sbarrier.arrive $0xFFFF  }
0x6b: {  	s21 =	simm.s32 $0x0;
	s20 =	rddreg [dreg:$0x6]  }
0x6c: {  	[tilespmem:s21], [sflag:$0x4] =	stream.linear.gather [hbm4b:s20+s21], $0x40, $0x38;
	[tilespmem:$0x1C200] =	vst v63  }
0x6d: {  	s22 =	rddreg [dreg:$0x7]  }
0x6e: {  	[tilespmem:s28], [sflag:$0x4] =	stream.linear.gather [hbm4b:s22+s21], $0x40, $0x38;
	[tilespmem:$0x1C200] =	vst v63  }
0x6f: {  	_ =	swait.ge [sflag:s29], $0x40  }
0x70: {  	[sflag:s29] =	ssyncset.done $0x0  }
0x71: {  	[sflag:s29] =	ssyncadd.s32 $0xFFFFFFC0  }
0x72: {  	_ =	swait.ge [sflag:s29], $0x40  }
0x73: {  	[sflag:s29] =	ssyncset.done $0x0  }
0x74: {  	s23 =	simm.s32 $0x200;
	[sflag:s29] =	ssyncadd.s32 $0xFFFFFFC0  }
0x75: {  	[tilespmem:s23], [sflag:$0x1] =	stream.indirect.gather [hbm4b:s6+s30], $0x80, s21, s30, $0xb8;
	[tilespmem:$0x1C200] =	vst v63  }
.Ltmp3:
0x76: {  	_ = 	snop;
	(pc) =	sbr.rel .LBB2_4-.Ltmp3, $4  }
0x77: {  	s24 =	simm.s32 $0x2200  }
0x78: {  	[tilespmem:s24], [sflag:$0x2] =	stream.indirect.gather [hbm4b:s6+s30], $0x80, s28, s30, $0xb8;
	[tilespmem:$0x1C200] =	vst v63  }
0x79: {  	s1 =	simm.s32 $0x4200;
	s31 =	rddreg [dreg:$0x8]  }
0x7a: {  	[tilespmem:s1], [sflag:$0x3] =	stream.linear.gather [hbm4b:s31+s21], $0x800, $0x38;
	[tilespmem:$0x1C200] =	vst v63  }
.LBB2_11:
0x7b: {  	s21 =	sadd.s32 $0x1, s21  }
0x7c: {  	p0 =	sne.s32 s21, $0x4F  }
.Ltmp4:
0x7d: {  	_ = 	snop;
	(pc) =	sbr.rel @!p0 .LBB2_12-.Ltmp4, $1  }
0x7e: {  	_ =	sdelay $0x3  }
.LBB2_4:
0x7f: {  	s0 =	sshll.u32 s21, $0x6  }
0x80: {  	s22 =	sor.u32 s9, s0  }
0x81: {  	p0 =	sgt.u32 s22, $0x1387  }
.Ltmp5:
0x82: {  	_ = 	snop;
	(pc) =	sbr.rel @p0 .LBB2_11-.Ltmp5, $1  }
0x83: {  	_ =	sdelay $0x3  }
0x84: {  	_ =	swait.ge [sflag:s4], $0x2000  }
0x85: {  	[sflag:s4] =	ssyncset.done $0x0  }
0x86: {  	[sflag:s4] =	ssyncadd.s32 $0xFFFFE000  }
0x87: {  	_ =	swait.ge [sflag:s11], $0x2000  }
0x88: {  	[sflag:s11] =	ssyncset.done $0x0  }
0x89: {  	[sflag:s11] =	ssyncadd.s32 $0xFFFFE000  }
0x8a: {  	_ =	swait.ge [sflag:s12], $0x800  }
0x8b: {  	p0 =	seq.s32 s21, $0x0;
	[sflag:s12] =	ssyncset.done $0x0  }
0x8c: {  	s0 =	simm.s32 @!p0 $0x6;
	[sflag:s12] =	ssyncadd.s32 $0xFFFFF800  }
0x8d: {  	_ =	swait.ge @!p0 [sflag:s0], $0x2000  }
0x8e: {  	[sflag:s0] =	ssyncset.done @!p0 $0x0  }
0x8f: {  	s20 =	simm.s32 $0x400;
	[sflag:s0] =	ssyncadd.s32 @!p0 $0xFFFFE000  }
0x90: {  	s10 =	simm.s32 $0x2420;
	v1 =	vld [tilespmem:s20+$0x180]  }
0x91: {  	v2 =	vld [tilespmem:s10+$0x180]  }
0x92: {  	s19 =	simm.s32 $0x4600;
	v3 =	vld [tilespmem:s20+$0xFFFFFE00]  }
0x93: {  	v4 =	vld [tilespmem:s19+$0x60]  }
0x94: {  	v5 =	vld [tilespmem:s10+$0xFFFFFE00]  }
0x95: {  	v6 =	vld [tilespmem:s20+$0xFFFFFE80]  }
0x96: {  	v7 =	vld [tilespmem:s10+$0xFFFFFE80]  }
0x97: {  	v8 =	vld [tilespmem:s10+$0xFFFFFF00]  }
0x98: {  	v9 =	vld [tilespmem:s10+$0xFFFFFF80]  }
0x99: {  	v10 =	vld [tilespmem:s20+$0x0]  }
0x9a: {  	v11 =	vld [tilespmem:s10+$0x0]  }
0x9b: {  	v13 =	vld [tilespmem:s20+$0x80]  }
0x9c: {  	v15 =	vld [tilespmem:s19+$0xFFFFFC20]  }
0x9d: {  	v16 =	vld [tilespmem:s10+$0x80]  }
0x9e: {  	v17 =	vld [tilespmem:s19+$0xFFFFFC40]  }
0x9f: {  	v18 =	vld [tilespmem:s19+$0xFFFFFC60]  }
0xa0: {  	v60 =	vld [tilespmem:s19+$0x20];
	v1 =	vadd.f32 v2, v1  }
0xa1: {  	v2 =	vld [tilespmem:s20+$0xFFFFFF00]  }
0xa2: {  	v6 =	vadd.f32 v7, v6;
	v7 =	vld [tilespmem:s20+$0x100];
	v1 =	vadd.f32 v1, v4  }
0xa3: {  	v3 =	vadd.f32 v5, v3;
	v5 =	vld [tilespmem:s19+$0x40]  }
0xa4: {  	s23 =	simm.s32 $0x5600;
	v4 =	vld [tilespmem:s20+$0xFFFFFF80];
	v1 =	vmax.f32 v1, $0.0e+00  }
0xa5: {  	s24 =	simm.s32 $0x6400;
	v6 =	vadd.f32 v6, v15;
	v15 =	vld [tilespmem:s19+$0xFFFFFC00];
	[tilespmem:s23+$0x60] =	vst v1  }
0xa6: {  	v2 =	vadd.f32 v8, v2;
	v8 =	vld [tilespmem:s10+$0x100];
	[tilespmem:s24+$0x180] =	vst v1  }
0xa7: {  	v1 =	vld [tilespmem:s20+$0x190]  }
0xa8: {  	v6 =	vmax.f32 v6, $0.0e+00;
	v12 =	vld [tilespmem:s10+$0x190];
	v2 =	vadd.f32 v2, v17  }
0xa9: {  	[tilespmem:s23+$0xFFFFFC20] =	vst v6;
	v4 =	vadd.f32 v9, v4;
	v9 =	vld [tilespmem:s19+$0x0]  }
0xaa: {  	[tilespmem:s24+$0xFFFFFE80] =	vst v6;
	v14 =	vld [tilespmem:s19+$0x70];
	v3 =	vadd.f32 v3, v15;
	v2 =	vmax.f32 v2, $0.0e+00  }
0xab: {  	v10 =	vadd.f32 v11, v10;
	v6 =	vld [tilespmem:s20+$0xFFFFFE90];
	[tilespmem:s23+$0xFFFFFC40] =	vst v2  }
0xac: {  	v13 =	vadd.f32 v16, v13;
	v11 =	vld [tilespmem:s10+$0xFFFFFE90];
	v4 =	vadd.f32 v4, v18;
	v3 =	vmax.f32 v3, $0.0e+00;
	[tilespmem:s24+$0xFFFFFF00] =	vst v2  }
0xad: {  	[tilespmem:s23+$0xFFFFFC00] =	vst v3;
	v7 =	vadd.f32 v8, v7;
	v2 =	vld [tilespmem:s20+$0xFFFFFF10]  }
0xae: {  	v8 =	vadd.f32 v13, v60;
	v4 =	vmax.f32 v4, $0.0e+00;
	[tilespmem:s24+$0xFFFFFE00] =	vst v3;
	v9 =	vadd.f32 v10, v9;
	v10 =	vld [tilespmem:s10+$0xFFFFFF10]  }
0xaf: {  	[tilespmem:s23+$0xFFFFFC60] =	vst v4;
	v15 =	vld [tilespmem:s20+$0xFFFFFE10]  }
0xb0: {  	v3 =	vadd.f32 v7, v5;
	v5 =	vmax.f32 v8, $0.0e+00;
	v61 =	vld [tilespmem:s10+$0xFFFFFE10];
	[tilespmem:s24+$0xFFFFFF80] =	vst v4  }
0xb1: {  	[tilespmem:s23+$0x20] =	vst v5;
	v4 =	vld [tilespmem:s20+$0xFFFFFF90]  }
0xb2: {  	v9 =	vmax.f32 v9, $0.0e+00;
	v13 =	vld [tilespmem:s10+$0xFFFFFF90];
	[tilespmem:s24+$0x80] =	vst v5  }
0xb3: {  	[tilespmem:s23+$0x0] =	vst v9;
	v19 =	vld [tilespmem:s20+$0x90]  }
0xb4: {  	v3 =	vmax.f32 v3, $0.0e+00;
	v20 =	vld [tilespmem:s10+$0x90];
	[tilespmem:s24+$0x0] =	vst v9  }
0xb5: {  	[tilespmem:s23+$0x40] =	vst v3;
	v62 =	vld [tilespmem:s20+$0x10]  }
0xb6: {  	v1 =	vadd.f32 v12, v1;
	[tilespmem:s24+$0x100] =	vst v3;
	v63 =	vld [tilespmem:s10+$0x10]  }
0xb7: {  	v3 =	vld [tilespmem:s20+$0x110]  }
0xb8: {  	v1 =	vadd.f32 v1, v14;
	v7 =	vld [tilespmem:s10+$0x110]  }
0xb9: {  	v8 =	vld [tilespmem:s19+$0xFFFFFC10]  }
0xba: {  	v12 =	vld [tilespmem:s19+$0xFFFFFC30];
	v5 =	vadd.f32 v11, v6;
	v1 =	vmax.f32 v1, $0.0e+00;
	v6 =	vadd.f32 v10, v2  }
0xbb: {  	s18 =	simm.s32 $0x5600;
	s16 =	simm.s32 $0x6400;
	v11 =	vld [tilespmem:s19+$0xFFFFFC50];
	[tilespmem:s23+$0x70] =	vst v1;
	v9 =	vadd.f32 v61, v15;
	v4 =	vadd.f32 v13, v4  }
0xbc: {  	s31 =	simm.s32 $0x4600;
	s0 =	simm.s32 $0x0;
	s20 =	simm.s32 $0x800;
	v10 =	vld [tilespmem:s19+$0xFFFFFC70];
	[tilespmem:s24+$0x190] =	vst v1;
	v1 =	vadd.f32 v20, v19;
	v2 =	vadd.f32 v63, v62  }
.LBB2_6:
0xbd: {  	v13 =	vld [tilespmem:s20+$0x180];
	v3 =	vadd.f32 v7, v3;
	s10 =	sadd.s32 $0x400, s10  }
0xbe: {  	v7 =	vld [tilespmem:s10+$0x180];
	v8 =	vadd.f32 v9, v8  }
0xbf: {  	s19 =	sadd.s32 $0x80, s19;
	v9 =	vld [tilespmem:s20+$0xFFFFFE00];
	v5 =	vadd.f32 v5, v12  }
0xc0: {  	v12 =	vld [tilespmem:s19+$0x60];
	v8 =	vmax.f32 v8, $0.0e+00;
	v6 =	vadd.f32 v6, v11  }
0xc1: {  	s0 =	sadd.s32 $0x8, s0;
	v11 =	vld [tilespmem:s10+$0xFFFFFE00];
	[tilespmem:s23+$0xFFFFFC10] =	vst v8;
	v5 =	vmax.f32 v5, $0.0e+00;
	v4 =	vadd.f32 v4, v10  }
0xc2: {  	p1 =	slt.u32 s0, $0x38;
	v10 =	vld [tilespmem:s20+$0xFFFFFE80];
	[tilespmem:s24+$0xFFFFFE10] =	vst v8;
	v6 =	vmax.f32 v6, $0.0e+00  }
0xc3: {  	v8 =	vld [tilespmem:s10+$0xFFFFFE80];
	v7 =	vadd.f32 v7, v13;
	[tilespmem:s23+$0xFFFFFC30] =	vst v5;
	v4 =	vmax.f32 v4, $0.0e+00  }
0xc4: {  	v13 =	vld [tilespmem:s20+$0xFFFFFF00];
	[tilespmem:s24+$0xFFFFFE90] =	vst v5  }
0xc5: {  	v5 =	vld [tilespmem:s10+$0xFFFFFF00];
	v7 =	vadd.f32 v7, v12;
	[tilespmem:s23+$0xFFFFFC50] =	vst v6  }
0xc6: {  	v9 =	vadd.f32 v11, v9;
	v11 =	vld [tilespmem:s20+$0xFFFFFF80];
	[tilespmem:s24+$0xFFFFFF10] =	vst v6  }
0xc7: {  	s23 =	sadd.s32 $0x80, s23;
	v6 =	vld [tilespmem:s10+$0xFFFFFF80];
	v7 =	vmax.f32 v7, $0.0e+00;
	[tilespmem:s18+$0xFFFFFC70] =	vst v4  }
0xc8: {  	s24 =	sadd.s32 $0x400, s24;
	v8 =	vadd.f32 v8, v10;
	v10 =	vld [tilespmem:s20+$0x0];
	[tilespmem:s23+$0x60] =	vst v7  }
0xc9: {  	v12 =	vld [tilespmem:s10+$0x0];
	[tilespmem:s24+$0x180] =	vst v7  }
0xca: {  	v5 =	vadd.f32 v5, v13;
	v7 =	vld [tilespmem:s20+$0x190];
	[tilespmem:s16+$0xFFFFFF90] =	vst v4  }
0xcb: {  	v4 =	vld [tilespmem:s10+$0x190]  }
0xcc: {  	v6 =	vadd.f32 v6, v11;
	v11 =	vld [tilespmem:s20+$0x80]  }
0xcd: {  	v13 =	vld [tilespmem:s19+$0x70]  }
0xce: {  	v10 =	vadd.f32 v12, v10;
	v12 =	vld [tilespmem:s10+$0x80]  }
0xcf: {  	v14 =	vld [tilespmem:s20+$0x100]  }
0xd0: {  	v15 =	vld [tilespmem:s10+$0x100];
	v4 =	vadd.f32 v4, v7  }
0xd1: {  	v7 =	vld [tilespmem:s19+$0xFFFFFC20]  }
0xd2: {  	v16 =	vld [tilespmem:s19+$0xFFFFFC40];
	v4 =	vadd.f32 v4, v13  }
0xd3: {  	v13 =	vld [tilespmem:s19+$0xFFFFFC60];
	v11 =	vadd.f32 v12, v11  }
0xd4: {  	v12 =	vld [tilespmem:s19+$0x0];
	v4 =	vmax.f32 v4, $0.0e+00  }
0xd5: {  	v17 =	vld [tilespmem:s19+$0x20];
	v14 =	vadd.f32 v15, v14;
	[tilespmem:s23+$0x70] =	vst v4  }
0xd6: {  	v7 =	vadd.f32 v8, v7;
	v8 =	vld [tilespmem:s19+$0x40];
	[tilespmem:s24+$0x190] =	vst v4  }
0xd7: {  	v4 =	vld [tilespmem:s19+$0xFFFFFC00];
	v5 =	vadd.f32 v5, v16  }
0xd8: {  	v7 =	vmax.f32 v7, $0.0e+00;
	v6 =	vadd.f32 v6, v13;
	v13 =	vld [tilespmem:s31+$0x10]  }
0xd9: {  	[tilespmem:s23+$0xFFFFFC20] =	vst v7;
	v5 =	vmax.f32 v5, $0.0e+00;
	v10 =	vadd.f32 v10, v12;
	v12 =	vld [tilespmem:s31+$0x30]  }
0xda: {  	[tilespmem:s24+$0xFFFFFE80] =	vst v7;
	v6 =	vmax.f32 v6, $0.0e+00;
	v7 =	vadd.f32 v11, v17;
	v11 =	vld [tilespmem:s31+$0x50];
	s31 =	smov.u32 s19  }
0xdb: {  	v15 =	vld [tilespmem:s20+$0xFFFFFE90];
	[tilespmem:s23+$0xFFFFFC40] =	vst v5;
	v10 =	vmax.f32 v10, $0.0e+00;
	v8 =	vadd.f32 v14, v8  }
0xdc: {  	v4 =	vadd.f32 v9, v4;
	v9 =	vld [tilespmem:s10+$0xFFFFFE90];
	[tilespmem:s24+$0xFFFFFF00] =	vst v5;
	v7 =	vmax.f32 v7, $0.0e+00  }
0xdd: {  	v14 =	vld [tilespmem:s20+$0xFFFFFF10];
	[tilespmem:s23+$0xFFFFFC60] =	vst v6;
	v8 =	vmax.f32 v8, $0.0e+00;
	v2 =	vadd.f32 v2, v13  }
0xde: {  	v4 =	vmax.f32 v4, $0.0e+00;
	v13 =	vld [tilespmem:s10+$0xFFFFFF10];
	[tilespmem:s24+$0xFFFFFF80] =	vst v6;
	v1 =	vadd.f32 v1, v12  }
0xdf: {  	[tilespmem:s23+$0xFFFFFC00] =	vst v4;
	v12 =	vld [tilespmem:s20+$0xFFFFFF90];
	v2 =	vmax.f32 v2, $0.0e+00;
	v3 =	vadd.f32 v3, v11  }
0xe0: {  	[tilespmem:s24+$0xFFFFFE00] =	vst v4;
	v4 =	vld [tilespmem:s10+$0xFFFFFF90];
	v1 =	vmax.f32 v1, $0.0e+00  }
0xe1: {  	v11 =	vld [tilespmem:s20+$0xFFFFFE10];
	v5 =	vadd.f32 v9, v15;
	[tilespmem:s23+$0x0] =	vst v10;
	v15 =	vmax.f32 v3, $0.0e+00  }
0xe2: {  	v3 =	vld [tilespmem:s10+$0xFFFFFE10];
	[tilespmem:s24+$0x0] =	vst v10  }
0xe3: {  	v6 =	vadd.f32 v13, v14;
	v10 =	vld [tilespmem:s20+$0x10];
	[tilespmem:s23+$0x20] =	vst v7  }
0xe4: {  	v13 =	vld [tilespmem:s10+$0x10];
	[tilespmem:s24+$0x80] =	vst v7  }
0xe5: {  	v4 =	vadd.f32 v4, v12;
	v14 =	vld [tilespmem:s20+$0x90];
	[tilespmem:s23+$0x40] =	vst v8  }
0xe6: {  	v16 =	vld [tilespmem:s10+$0x90];
	[tilespmem:s24+$0x100] =	vst v8  }
0xe7: {  	v9 =	vadd.f32 v3, v11;
	v3 =	vld [tilespmem:s20+$0x110];
	[tilespmem:s18+$0x10] =	vst v2  }
.Ltmp6:
0xe8: {  	v7 =	vld [tilespmem:s10+$0x110];
	[tilespmem:s16+$0x10] =	vst v2;
	(pc) =	sbr.rel @p1 .LBB2_6-.Ltmp6, $4  }
0xe9: {  	v8 =	vld [tilespmem:s19+$0xFFFFFC10];
	v2 =	vadd.f32 v13, v10;
	[tilespmem:s18+$0x30] =	vst v1  }
0xea: {  	v12 =	vld [tilespmem:s19+$0xFFFFFC30];
	[tilespmem:s16+$0x90] =	vst v1  }
0xeb: {  	v11 =	vld [tilespmem:s19+$0xFFFFFC50];
	v1 =	vadd.f32 v16, v14;
	[tilespmem:s18+$0x50] =	vst v15;
	s18 =	smov.u32 s23  }
0xec: {  	s20 =	sadd.s32 $0x400, s20;
	v10 =	vld [tilespmem:s19+$0xFFFFFC70];
	[tilespmem:s16+$0x110] =	vst v15;
	s16 =	smov.u32 s24  }
0xed: {  	_ = 	snop  }
0xee: {  	v8 =	vadd.f32 v9, v8;
	_ =	sdelay $0x1  }
0xef: {  	v5 =	vadd.f32 v5, v12;
	v8 =	vmax.f32 v8, $0.0e+00  }
0xf0: {  	v61 =	vld [tilespmem:s31+$0x10];
	[tilespmem:s23+$0xFFFFFC10] =	vst v8  }
0xf1: {  	v62 =	vld [tilespmem:s31+$0x30];
	v6 =	vadd.f32 v6, v11;
	v5 =	vmax.f32 v5, $0.0e+00;
	[tilespmem:s24+$0xFFFFFE10] =	vst v8  }
0xf2: {  	[tilespmem:s23+$0xFFFFFC30] =	vst v5  }
0xf3: {  	v4 =	vadd.f32 v4, v10;
	v6 =	vmax.f32 v6, $0.0e+00;
	[tilespmem:s24+$0xFFFFFE90] =	vst v5  }
0xf4: {  	v63 =	vld [tilespmem:s31+$0x50];
	[tilespmem:s23+$0xFFFFFC50] =	vst v6  }
0xf5: {  	v2 =	vadd.f32 v2, v61;
	v4 =	vmax.f32 v4, $0.0e+00;
	[tilespmem:s24+$0xFFFFFF10] =	vst v6  }
0xf6: {  	v1 =	vadd.f32 v1, v62;
	[tilespmem:s18+$0xFFFFFC70] =	vst v4  }
0xf7: {  	v3 =	vadd.f32 v7, v3;
	v2 =	vmax.f32 v2, $0.0e+00;
	[tilespmem:s16+$0xFFFFFF90] =	vst v4  }
0xf8: {  	v1 =	vmax.f32 v1, $0.0e+00;
	[tilespmem:s18+$0x10] =	vst v2  }
0xf9: {  	v3 =	vadd.f32 v3, v63;
	[tilespmem:s18+$0x30] =	vst v1  }
0xfa: {  	[tilespmem:s16+$0x10] =	vst v2  }
0xfb: {  	v2 =	vmax.f32 v3, $0.0e+00;
	[tilespmem:s16+$0x90] =	vst v1  }
0xfc: {  	s0 =	sshll.u32 s22, $0x8;
	[tilespmem:s18+$0x50] =	vst v2  }
0xfd: {  	s0 =	sadd.s32 s8, s0;
	[tilespmem:s16+$0x110] =	vst v2  }
0xfe: {  	[hbm4b:s0+s5] =	stream.linear.scatter [tilespmem:s13], [sflag:$0x5], $0x800, $0x38;
	[tilespmem:$0x1C200] =	vst v63  }
0xff: {  	s0 =	sor.u32 $0x20, s22  }
0x100: {  	p1 =	sgt.u32 s0, $0x1387  }
.Ltmp7:
0x101: {  	_ = 	snop;
	(pc) =	sbr.rel @p1 .LBB2_11-.Ltmp7, $2  }
0x102: {  	_ =	sdelay $0x2  }
0x103: {  	[spmem:s3] =	stream.indirect.scatter.add.f32 [tilespmem:s25], [sflag:$0x6], $0x80, s28, s30, $0xb8;
	[tilespmem:$0x1C200] =	vst v63  }
0x104: {  	s1 =	simm.s32 @!p0 $0x5  }
0x105: {  	_ =	swait.ge @!p0 [sflag:s1], $0x800  }
0x106: {  	[sflag:s1] =	ssyncset.done @!p0 $0x0  }
0x107: {  	[sflag:s1] =	ssyncadd.s32 @!p0 $0xFFFFF800  }
0x108: {  	s10 =	sshll.u32 s0, $0x3;
	s1 =	rddreg [dreg:$0x1]  }
0x109: {  	s1 =	sadd.s32 s1, s10  }
0x10a: {  	[tilespmem:s14], [sflag:$0x4] =	stream.linear.gather [hbm4b:s1+s5], $0x40, $0x38;
	[tilespmem:$0x1C200] =	vst v63  }
0x10b: {  	s10 =	sadd.s32 s2, s10  }
0x10c: {  	[tilespmem:s15], [sflag:$0x4] =	stream.linear.gather [hbm4b:s10+s5], $0x40, $0x38;
	[tilespmem:$0x1C200] =	vst v63  }
0x10d: {  	_ =	swait.ge [sflag:s29], $0x40  }
0x10e: {  	[sflag:s29] =	ssyncset.done $0x0  }
0x10f: {  	[sflag:s29] =	ssyncadd.s32 $0xFFFFFFC0  }
0x110: {  	_ =	swait.ge [sflag:s29], $0x40  }
0x111: {  	[sflag:s29] =	ssyncset.done $0x0  }
0x112: {  	s16 =	simm.s32 $0x200;
	[sflag:s29] =	ssyncadd.s32 $0xFFFFFFC0  }
0x113: {  	[tilespmem:s16], [sflag:$0x1] =	stream.indirect.gather [hbm4b:s6+s30], $0x80, s14, s30, $0xb8;
	[tilespmem:$0x1C200] =	vst v63  }
0x114: {  	s18 =	simm.s32 $0x2200;
	s23 =	sshll.u32 s0, $0x8  }
0x115: {  	[tilespmem:s18], [sflag:$0x2] =	stream.indirect.gather [hbm4b:s6+s30], $0x80, s15, s30, $0xb8;
	[tilespmem:$0x1C200] =	vst v63  }
0x116: {  	s19 =	simm.s32 $0x4A00;
	s0 =	sadd.s32 s7, s23  }
0x117: {  	[tilespmem:s19], [sflag:$0x3] =	stream.linear.gather [hbm4b:s0+s5], $0x800, $0x38;
	[tilespmem:$0x1C200] =	vst v63  }
0x118: {  	_ =	swait.ge [sflag:s4], $0x2000  }
0x119: {  	[sflag:s4] =	ssyncset.done $0x0  }
0x11a: {  	[sflag:s4] =	ssyncadd.s32 $0xFFFFE000  }
0x11b: {  	_ =	swait.ge [sflag:s11], $0x2000  }
0x11c: {  	[sflag:s11] =	ssyncset.done $0x0  }
0x11d: {  	[sflag:s11] =	ssyncadd.s32 $0xFFFFE000  }
0x11e: {  	_ =	swait.ge [sflag:s12], $0x800  }
0x11f: {  	[sflag:s12] =	ssyncset.done $0x0  }
0x120: {  	[sflag:s12] =	ssyncadd.s32 $0xFFFFF800  }
0x121: {  	_ =	swait.ge [sflag:s17], $0x2000  }
0x122: {  	[sflag:s17] =	ssyncset.done $0x0  }
0x123: {  	s20 =	simm.s32 $0x400;
	[sflag:s17] =	ssyncadd.s32 $0xFFFFE000  }
0x124: {  	s19 =	simm.s32 $0x2420;
	v1 =	vld [tilespmem:s20+$0x180]  }
0x125: {  	v2 =	vld [tilespmem:s19+$0x180]  }
0x126: {  	s16 =	simm.s32 $0x4E00;
	v3 =	vld [tilespmem:s20+$0xFFFFFE00]  }
0x127: {  	v4 =	vld [tilespmem:s16+$0x60]  }
0x128: {  	v5 =	vld [tilespmem:s19+$0xFFFFFE00]  }
0x129: {  	v6 =	vld [tilespmem:s20+$0xFFFFFE80]  }
0x12a: {  	v7 =	vld [tilespmem:s19+$0xFFFFFE80]  }
0x12b: {  	v8 =	vld [tilespmem:s19+$0xFFFFFF00]  }
0x12c: {  	v9 =	vld [tilespmem:s19+$0xFFFFFF80]  }
0x12d: {  	v10 =	vld [tilespmem:s20+$0x0]  }
0x12e: {  	v11 =	vld [tilespmem:s19+$0x0]  }
0x12f: {  	v13 =	vld [tilespmem:s20+$0x80]  }
0x130: {  	v15 =	vld [tilespmem:s16+$0xFFFFFC20]  }
0x131: {  	v16 =	vld [tilespmem:s19+$0x80]  }
0x132: {  	v17 =	vld [tilespmem:s16+$0xFFFFFC40]  }
0x133: {  	v18 =	vld [tilespmem:s16+$0xFFFFFC60]  }
0x134: {  	v60 =	vld [tilespmem:s16+$0x20];
	v1 =	vadd.f32 v2, v1  }
0x135: {  	v2 =	vld [tilespmem:s20+$0xFFFFFF00]  }
0x136: {  	v6 =	vadd.f32 v7, v6;
	v7 =	vld [tilespmem:s20+$0x100];
	v1 =	vadd.f32 v1, v4  }
0x137: {  	v3 =	vadd.f32 v5, v3;
	v5 =	vld [tilespmem:s16+$0x40]  }
0x138: {  	s24 =	simm.s32 $0x5E00;
	v4 =	vld [tilespmem:s20+$0xFFFFFF80];
	v1 =	vmax.f32 v1, $0.0e+00  }
0x139: {  	s10 =	simm.s32 $0x6400;
	v6 =	vadd.f32 v6, v15;
	v15 =	vld [tilespmem:s16+$0xFFFFFC00];
	[tilespmem:s24+$0x60] =	vst v1  }
0x13a: {  	v2 =	vadd.f32 v8, v2;
	v8 =	vld [tilespmem:s19+$0x100];
	[tilespmem:s10+$0x180] =	vst v1  }
0x13b: {  	v1 =	vld [tilespmem:s20+$0x190]  }
0x13c: {  	v6 =	vmax.f32 v6, $0.0e+00;
	v12 =	vld [tilespmem:s19+$0x190];
	v2 =	vadd.f32 v2, v17  }
0x13d: {  	[tilespmem:s24+$0xFFFFFC20] =	vst v6;
	v4 =	vadd.f32 v9, v4;
	v9 =	vld [tilespmem:s16+$0x0]  }
0x13e: {  	[tilespmem:s10+$0xFFFFFE80] =	vst v6;
	v14 =	vld [tilespmem:s16+$0x70];
	v3 =	vadd.f32 v3, v15;
	v2 =	vmax.f32 v2, $0.0e+00  }
0x13f: {  	v10 =	vadd.f32 v11, v10;
	v6 =	vld [tilespmem:s20+$0xFFFFFE90];
	[tilespmem:s24+$0xFFFFFC40] =	vst v2  }
0x140: {  	v13 =	vadd.f32 v16, v13;
	v11 =	vld [tilespmem:s19+$0xFFFFFE90];
	v4 =	vadd.f32 v4, v18;
	v3 =	vmax.f32 v3, $0.0e+00;
	[tilespmem:s10+$0xFFFFFF00] =	vst v2  }
0x141: {  	[tilespmem:s24+$0xFFFFFC00] =	vst v3;
	v7 =	vadd.f32 v8, v7;
	v2 =	vld [tilespmem:s20+$0xFFFFFF10]  }
0x142: {  	v8 =	vadd.f32 v13, v60;
	v4 =	vmax.f32 v4, $0.0e+00;
	[tilespmem:s10+$0xFFFFFE00] =	vst v3;
	v9 =	vadd.f32 v10, v9;
	v10 =	vld [tilespmem:s19+$0xFFFFFF10]  }
0x143: {  	[tilespmem:s24+$0xFFFFFC60] =	vst v4;
	v15 =	vld [tilespmem:s20+$0xFFFFFE10]  }
0x144: {  	v3 =	vadd.f32 v7, v5;
	v5 =	vmax.f32 v8, $0.0e+00;
	v61 =	vld [tilespmem:s19+$0xFFFFFE10];
	[tilespmem:s10+$0xFFFFFF80] =	vst v4  }
0x145: {  	[tilespmem:s24+$0x20] =	vst v5;
	v4 =	vld [tilespmem:s20+$0xFFFFFF90]  }
0x146: {  	v9 =	vmax.f32 v9, $0.0e+00;
	v13 =	vld [tilespmem:s19+$0xFFFFFF90];
	[tilespmem:s10+$0x80] =	vst v5  }
0x147: {  	[tilespmem:s24+$0x0] =	vst v9;
	v19 =	vld [tilespmem:s20+$0x90]  }
0x148: {  	v3 =	vmax.f32 v3, $0.0e+00;
	v20 =	vld [tilespmem:s19+$0x90];
	[tilespmem:s10+$0x0] =	vst v9  }
0x149: {  	[tilespmem:s24+$0x40] =	vst v3;
	v62 =	vld [tilespmem:s20+$0x10]  }
0x14a: {  	v1 =	vadd.f32 v12, v1;
	[tilespmem:s10+$0x100] =	vst v3;
	v63 =	vld [tilespmem:s19+$0x10]  }
0x14b: {  	v3 =	vld [tilespmem:s20+$0x110]  }
0x14c: {  	v1 =	vadd.f32 v1, v14;
	v7 =	vld [tilespmem:s19+$0x110]  }
0x14d: {  	v8 =	vld [tilespmem:s16+$0xFFFFFC10]  }
0x14e: {  	v12 =	vld [tilespmem:s16+$0xFFFFFC30];
	v5 =	vadd.f32 v11, v6;
	v1 =	vmax.f32 v1, $0.0e+00;
	v6 =	vadd.f32 v10, v2  }
0x14f: {  	s31 =	simm.s32 $0x6400;
	s1 =	simm.s32 $0x800;
	v11 =	vld [tilespmem:s16+$0xFFFFFC50];
	[tilespmem:s24+$0x70] =	vst v1;
	v9 =	vadd.f32 v61, v15;
	v4 =	vadd.f32 v13, v4  }
0x150: {  	s18 =	simm.s32 $0x5E00;
	s0 =	simm.s32 $0x4E00;
	s20 =	simm.s32 $0x0;
	v10 =	vld [tilespmem:s16+$0xFFFFFC70];
	[tilespmem:s10+$0x190] =	vst v1;
	v1 =	vadd.f32 v20, v19;
	v2 =	vadd.f32 v63, v62  }
.LBB2_9:
0x151: {  	v13 =	vld [tilespmem:s1+$0x180];
	v3 =	vadd.f32 v7, v3;
	s19 =	sadd.s32 $0x400, s19  }
0x152: {  	v7 =	vld [tilespmem:s19+$0x180];
	v8 =	vadd.f32 v9, v8  }
0x153: {  	s16 =	sadd.s32 $0x80, s16;
	v9 =	vld [tilespmem:s1+$0xFFFFFE00];
	v5 =	vadd.f32 v5, v12  }
0x154: {  	v12 =	vld [tilespmem:s16+$0x60];
	v8 =	vmax.f32 v8, $0.0e+00;
	v6 =	vadd.f32 v6, v11  }
0x155: {  	s20 =	sadd.s32 $0x8, s20;
	v11 =	vld [tilespmem:s19+$0xFFFFFE00];
	[tilespmem:s24+$0xFFFFFC10] =	vst v8;
	v5 =	vmax.f32 v5, $0.0e+00;
	v4 =	vadd.f32 v4, v10  }
0x156: {  	p0 =	slt.u32 s20, $0x38;
	v10 =	vld [tilespmem:s1+$0xFFFFFE80];
	[tilespmem:s10+$0xFFFFFE10] =	vst v8;
	v6 =	vmax.f32 v6, $0.0e+00  }
0x157: {  	v8 =	vld [tilespmem:s19+$0xFFFFFE80];
	v7 =	vadd.f32 v7, v13;
	[tilespmem:s24+$0xFFFFFC30] =	vst v5;
	v4 =	vmax.f32 v4, $0.0e+00  }
0x158: {  	v13 =	vld [tilespmem:s1+$0xFFFFFF00];
	[tilespmem:s10+$0xFFFFFE90] =	vst v5  }
0x159: {  	v5 =	vld [tilespmem:s19+$0xFFFFFF00];
	v7 =	vadd.f32 v7, v12;
	[tilespmem:s24+$0xFFFFFC50] =	vst v6  }
0x15a: {  	v9 =	vadd.f32 v11, v9;
	v11 =	vld [tilespmem:s1+$0xFFFFFF80];
	[tilespmem:s10+$0xFFFFFF10] =	vst v6  }
0x15b: {  	s24 =	sadd.s32 $0x80, s24;
	v6 =	vld [tilespmem:s19+$0xFFFFFF80];
	v7 =	vmax.f32 v7, $0.0e+00;
	[tilespmem:s18+$0xFFFFFC70] =	vst v4  }
0x15c: {  	s10 =	sadd.s32 $0x400, s10;
	v8 =	vadd.f32 v8, v10;
	v10 =	vld [tilespmem:s1+$0x0];
	[tilespmem:s24+$0x60] =	vst v7  }
0x15d: {  	v12 =	vld [tilespmem:s19+$0x0];
	[tilespmem:s10+$0x180] =	vst v7  }
0x15e: {  	v5 =	vadd.f32 v5, v13;
	v7 =	vld [tilespmem:s1+$0x190];
	[tilespmem:s31+$0xFFFFFF90] =	vst v4  }
0x15f: {  	v4 =	vld [tilespmem:s19+$0x190]  }
0x160: {  	v6 =	vadd.f32 v6, v11;
	v11 =	vld [tilespmem:s1+$0x80]  }
0x161: {  	v13 =	vld [tilespmem:s16+$0x70]  }
0x162: {  	v10 =	vadd.f32 v12, v10;
	v12 =	vld [tilespmem:s19+$0x80]  }
0x163: {  	v14 =	vld [tilespmem:s1+$0x100]  }
0x164: {  	v15 =	vld [tilespmem:s19+$0x100];
	v4 =	vadd.f32 v4, v7  }
0x165: {  	v7 =	vld [tilespmem:s16+$0xFFFFFC20]  }
0x166: {  	v16 =	vld [tilespmem:s16+$0xFFFFFC40];
	v4 =	vadd.f32 v4, v13  }
0x167: {  	v13 =	vld [tilespmem:s16+$0xFFFFFC60];
	v11 =	vadd.f32 v12, v11  }
0x168: {  	v12 =	vld [tilespmem:s16+$0x0];
	v4 =	vmax.f32 v4, $0.0e+00  }
0x169: {  	v17 =	vld [tilespmem:s16+$0x20];
	v14 =	vadd.f32 v15, v14;
	[tilespmem:s24+$0x70] =	vst v4  }
0x16a: {  	v7 =	vadd.f32 v8, v7;
	v8 =	vld [tilespmem:s16+$0x40];
	[tilespmem:s10+$0x190] =	vst v4  }
0x16b: {  	v4 =	vld [tilespmem:s16+$0xFFFFFC00];
	v5 =	vadd.f32 v5, v16  }
0x16c: {  	v7 =	vmax.f32 v7, $0.0e+00;
	v6 =	vadd.f32 v6, v13;
	v13 =	vld [tilespmem:s0+$0x10]  }
0x16d: {  	[tilespmem:s24+$0xFFFFFC20] =	vst v7;
	v5 =	vmax.f32 v5, $0.0e+00;
	v10 =	vadd.f32 v10, v12;
	v12 =	vld [tilespmem:s0+$0x30]  }
0x16e: {  	[tilespmem:s10+$0xFFFFFE80] =	vst v7;
	v6 =	vmax.f32 v6, $0.0e+00;
	v7 =	vadd.f32 v11, v17;
	v11 =	vld [tilespmem:s0+$0x50];
	s0 =	smov.u32 s16  }
0x16f: {  	v15 =	vld [tilespmem:s1+$0xFFFFFE90];
	[tilespmem:s24+$0xFFFFFC40] =	vst v5;
	v10 =	vmax.f32 v10, $0.0e+00;
	v8 =	vadd.f32 v14, v8  }
0x170: {  	v4 =	vadd.f32 v9, v4;
	v9 =	vld [tilespmem:s19+$0xFFFFFE90];
	[tilespmem:s10+$0xFFFFFF00] =	vst v5;
	v7 =	vmax.f32 v7, $0.0e+00  }
0x171: {  	v14 =	vld [tilespmem:s1+$0xFFFFFF10];
	[tilespmem:s24+$0xFFFFFC60] =	vst v6;
	v8 =	vmax.f32 v8, $0.0e+00;
	v2 =	vadd.f32 v2, v13  }
0x172: {  	v4 =	vmax.f32 v4, $0.0e+00;
	v13 =	vld [tilespmem:s19+$0xFFFFFF10];
	[tilespmem:s10+$0xFFFFFF80] =	vst v6;
	v1 =	vadd.f32 v1, v12  }
0x173: {  	[tilespmem:s24+$0xFFFFFC00] =	vst v4;
	v12 =	vld [tilespmem:s1+$0xFFFFFF90];
	v2 =	vmax.f32 v2, $0.0e+00;
	v3 =	vadd.f32 v3, v11  }
0x174: {  	[tilespmem:s10+$0xFFFFFE00] =	vst v4;
	v4 =	vld [tilespmem:s19+$0xFFFFFF90];
	v1 =	vmax.f32 v1, $0.0e+00  }
0x175: {  	v11 =	vld [tilespmem:s1+$0xFFFFFE10];
	v5 =	vadd.f32 v9, v15;
	[tilespmem:s24+$0x0] =	vst v10;
	v15 =	vmax.f32 v3, $0.0e+00  }
0x176: {  	v3 =	vld [tilespmem:s19+$0xFFFFFE10];
	[tilespmem:s10+$0x0] =	vst v10  }
0x177: {  	v6 =	vadd.f32 v13, v14;
	v10 =	vld [tilespmem:s1+$0x10];
	[tilespmem:s24+$0x20] =	vst v7  }
0x178: {  	v13 =	vld [tilespmem:s19+$0x10];
	[tilespmem:s10+$0x80] =	vst v7  }
0x179: {  	v4 =	vadd.f32 v4, v12;
	v14 =	vld [tilespmem:s1+$0x90];
	[tilespmem:s24+$0x40] =	vst v8  }
0x17a: {  	v16 =	vld [tilespmem:s19+$0x90];
	[tilespmem:s10+$0x100] =	vst v8  }
0x17b: {  	v9 =	vadd.f32 v3, v11;
	v3 =	vld [tilespmem:s1+$0x110];
	[tilespmem:s18+$0x10] =	vst v2  }
.Ltmp8:
0x17c: {  	v7 =	vld [tilespmem:s19+$0x110];
	[tilespmem:s31+$0x10] =	vst v2;
	(pc) =	sbr.rel @p0 .LBB2_9-.Ltmp8, $4  }
0x17d: {  	v8 =	vld [tilespmem:s16+$0xFFFFFC10];
	v2 =	vadd.f32 v13, v10;
	[tilespmem:s18+$0x30] =	vst v1  }
0x17e: {  	v12 =	vld [tilespmem:s16+$0xFFFFFC30];
	[tilespmem:s31+$0x90] =	vst v1  }
0x17f: {  	v11 =	vld [tilespmem:s16+$0xFFFFFC50];
	v1 =	vadd.f32 v16, v14;
	[tilespmem:s18+$0x50] =	vst v15;
	s18 =	smov.u32 s24  }
0x180: {  	s1 =	sadd.s32 $0x400, s1;
	v10 =	vld [tilespmem:s16+$0xFFFFFC70];
	[tilespmem:s31+$0x110] =	vst v15;
	s31 =	smov.u32 s10  }
0x181: {  	_ = 	snop  }
0x182: {  	v8 =	vadd.f32 v9, v8;
	_ =	sdelay $0x1  }
0x183: {  	v5 =	vadd.f32 v5, v12;
	v8 =	vmax.f32 v8, $0.0e+00  }
0x184: {  	v61 =	vld [tilespmem:s0+$0x10];
	[tilespmem:s24+$0xFFFFFC10] =	vst v8  }
0x185: {  	v62 =	vld [tilespmem:s0+$0x30];
	v6 =	vadd.f32 v6, v11;
	v5 =	vmax.f32 v5, $0.0e+00;
	[tilespmem:s10+$0xFFFFFE10] =	vst v8  }
0x186: {  	[tilespmem:s24+$0xFFFFFC30] =	vst v5  }
0x187: {  	v4 =	vadd.f32 v4, v10;
	v6 =	vmax.f32 v6, $0.0e+00;
	[tilespmem:s10+$0xFFFFFE90] =	vst v5  }
0x188: {  	v63 =	vld [tilespmem:s0+$0x50];
	[tilespmem:s24+$0xFFFFFC50] =	vst v6  }
0x189: {  	v2 =	vadd.f32 v2, v61;
	v4 =	vmax.f32 v4, $0.0e+00;
	[tilespmem:s10+$0xFFFFFF10] =	vst v6  }
0x18a: {  	v1 =	vadd.f32 v1, v62;
	[tilespmem:s18+$0xFFFFFC70] =	vst v4  }
0x18b: {  	v3 =	vadd.f32 v7, v3;
	v2 =	vmax.f32 v2, $0.0e+00;
	[tilespmem:s31+$0xFFFFFF90] =	vst v4  }
0x18c: {  	v1 =	vmax.f32 v1, $0.0e+00;
	[tilespmem:s18+$0x10] =	vst v2  }
0x18d: {  	v3 =	vadd.f32 v3, v63;
	[tilespmem:s18+$0x30] =	vst v1  }
0x18e: {  	[tilespmem:s31+$0x10] =	vst v2  }
0x18f: {  	v2 =	vmax.f32 v3, $0.0e+00;
	[tilespmem:s31+$0x90] =	vst v1  }
0x190: {  	[tilespmem:s18+$0x50] =	vst v2  }
0x191: {  	s1 =	simm.s32 $0x5A00;
	p0 =	sgt.u32 s22, $0x1347;
	[tilespmem:s31+$0x110] =	vst v2;
	s31 =	sadd.s32 s8, s23  }
0x192: {  	[hbm4b:s31+s5] =	stream.linear.scatter [tilespmem:s1], [sflag:$0x5], $0x800, $0x38;
	[tilespmem:$0x1C200] =	vst v63  }
0x193: {  	s0 =	simm.s32 @!p0 $0x5  }
0x194: {  	[spmem:s3] =	stream.indirect.scatter.add.f32 [tilespmem:s25], [sflag:$0x6], $0x80, s15, s30, $0xb8;
	[tilespmem:$0x1C200] =	vst v63  }
0x195: {  	_ =	swait.ge @!p0 [sflag:s0], $0x800  }
0x196: {  	[sflag:s0] =	ssyncset.done @!p0 $0x0  }
0x197: {  	s1 =	sadd.s32 @!p0 $0x40, s22;
	[sflag:s0] =	ssyncadd.s32 @!p0 $0xFFFFF800  }
0x198: {  	s10 =	sshll.u32 @!p0 s1, $0x3;
	s0 =	rddreg [dreg:$0x1]  }
0x199: {  	s16 =	simm.s32 @!p0 $0x0;
	s0 =	sadd.s32 @!p0 s0, s10  }
0x19a: {  	[tilespmem:s16], [sflag:$0x4] =	stream.linear.gather @!p0 [hbm4b:s0+s16], $0x40, $0x38;
	[tilespmem:$0x1C200] =	vst v63  }
0x19b: {  	s0 =	sadd.s32 @!p0 s2, s10;
	s10 =	simm.s32 @!p0 $0x100  }
0x19c: {  	[tilespmem:s10], [sflag:$0x4] =	stream.linear.gather @!p0 [hbm4b:s0+s16], $0x40, $0x38;
	[tilespmem:$0x1C200] =	vst v63  }
0x19d: {  	s0 =	simm.s32 @!p0 $0x4  }
0x19e: {  	_ =	swait.ge @!p0 [sflag:s0], $0x40  }
0x19f: {  	[sflag:s0] =	ssyncset.done @!p0 $0x0  }
0x1a0: {  	[sflag:s0] =	ssyncadd.s32 @!p0 $0xFFFFFFC0  }
0x1a1: {  	_ =	swait.ge @!p0 [sflag:s0], $0x40  }
0x1a2: {  	[sflag:s0] =	ssyncset.done @!p0 $0x0  }
0x1a3: {  	s18 =	simm.s32 @!p0 $0x200;
	[sflag:s0] =	ssyncadd.s32 @!p0 $0xFFFFFFC0;
	s0 =	simm.s32 @!p0 $0x40  }
0x1a4: {  	[tilespmem:s18], [sflag:$0x1] =	stream.indirect.gather @!p0 [hbm4b:s6+s0], $0x80, s16, s0, $0xb8;
	[tilespmem:$0x1C200] =	vst v63  }
.Ltmp9:
0x1a5: {  	s18 =	simm.s32 @!p0 $0x2200;
	(pc) =	sbr.rel .LBB2_11-.Ltmp9, $4  }
0x1a6: {  	[tilespmem:s18], [sflag:$0x2] =	stream.indirect.gather @!p0 [hbm4b:s6+s0], $0x80, s10, s0, $0xb8;
	[tilespmem:$0x1C200] =	vst v63  }
0x1a7: {  	s0 =	sshll.u32 @!p0 s1, $0x8  }
0x1a8: {  	s1 =	simm.s32 @!p0 $0x4200;
	s0 =	sadd.s32 @!p0 s7, s0  }
0x1a9: {  	[tilespmem:s1], [sflag:$0x3] =	stream.linear.gather @!p0 [hbm4b:s0+s16], $0x800, $0x38;
	[tilespmem:$0x1C200] =	vst v63  }
.LBB2_13:
0x1aa: {  	_ =	sfence.sel $0x180000  }
0x1ab: {  	[bflag:$0x0] =	sbarrier.arrive $0xFFFF  }
0x1ac: {  	_ =	strace $0x9000004A  }
0x1ad: {  	s0 =	stileid.u32;
	[bflag:$0x2] =	sbarrier.arrive $0xFFFF  }
0x1ae: {  	p0 =	sne.s32 s0, $0x0;
	s0 =	rddreg [dreg:$0x4]  }
0x1af: {  	s0 =	sadd.s32 @!p0 $0x100000, s0  }
0x1b0: {  	[sflag:s0] =	ssyncadd.tile.s32 @!p0 $0x1;
	_ =	shalt  }
.Lfunc_end2:
_tile_overlayer_lowered:
.L_overlay_start_2:
0x1b1: {  	(tag) =	ssettag $0x2  }
0x1b2: {  	s0 =	rddreg [dreg:$0x0];
	s2 =	stileid.u32  }
0x1b3: {  	s1 =	rddreg [dreg:$0x1];
	p0 =	sne.s32 s2, $0x0  }
0x1b4: {  	s3 =	rddreg [dreg:$0x2];
	[bflag:$0x3] =	sbarrier.arrive $0xFFFF;
	s2 =	simm.s32 @!p0 $0x1C07  }
0x1b5: {  	[timem:s3], [sflag:s2] =	dma.local @!p0 [hbm:s0], s1  }
0x1b6: {  	s0 =	simm.s32 @!p0 $0x7  }
0x1b7: {  	_ =	swait.ge @!p0 [sflag:s0], s1  }
0x1b8: {  	s1 =	ssub.s32 @!p0 $0x0, s1;
	[sflag:s0] =	ssyncset.done @!p0 $0x0  }
0x1b9: {  	[sflag:s0] =	ssyncadd.s32 @!p0 s1  }
0x1ba: {  	[bflag:$0x3] =	sbarrier.arrive $0xFFFF  }
0x1bb: {  	_ =	shalt  }

</sc_bundles>
